<compile_context>
chip_gen: v7x
topology: tpu7x:2x2x1
jax: 0.10.2.dev20260603
libtpu: 0.0.44.dev20260713+nightly
codegen_flags: <defaults>
</compile_context>

<pallas_src>
import functools

import jax
import jax.numpy as jnp
from jax import lax
from jax.experimental import pallas as pl
from jax.experimental.pallas import tpu as pltpu
from jax.experimental.pallas import tpu_sc as plsc

_EPS = 1e-12
_H = 128
_G = _H // 16
_C = 128
_NB = 5


def _rsqrt(a):
    i = lax.bitcast_convert_type(a, jnp.int32)
    i = jnp.int32(0x5F3759DF) - (i >> 1)
    y = lax.bitcast_convert_type(i, jnp.float32)
    for _ in range(3):
        y = y * (1.5 - 0.5 * a * y * y)
    return y


def _make_sc_kernel(N, S, n_workers):
    toks_per_w = N // n_workers
    n_chunks = toks_per_w // _C
    assert n_chunks % _NB == 0
    mesh = plsc.VectorSubcoreMesh(core_axis_name="c", subcore_axis_name="s")

    @functools.partial(
        pl.kernel,
        out_type=jax.ShapeDtypeStruct((N, _H), jnp.float32),
        mesh=mesh,
        compiler_params=pltpu.CompilerParams(needs_layout_passes=False),
        scratch_types=[
            [pltpu.VMEM((_C,), jnp.int32) for _ in range(_NB)],
            [pltpu.VMEM((_C, _H), jnp.float32) for _ in range(_NB)],
            [pltpu.VMEM((_C + 16,), jnp.float32) for _ in range(_NB)],
            pltpu.VMEM((S, _H), jnp.float32),
            pltpu.VMEM((_H,), jnp.float32),
            pltpu.VMEM((_H,), jnp.float32),
            pltpu.VMEM((_H,), jnp.float32),
            pltpu.VMEM((_H,), jnp.float32),
            [pltpu.SemaphoreType.DMA for _ in range(_NB)],
            [pltpu.SemaphoreType.DMA for _ in range(_NB)],
            [pltpu.SemaphoreType.DMA for _ in range(_NB)],
            [pltpu.SemaphoreType.DMA for _ in range(_NB)],
        ],
    )
    def k(ids_hbm, vals_hbm, gene_hbm, pos_hbm, w_hbm, b_hbm, g_hbm,
          beta_hbm, out_hbm, ids_b, rows_b, vals_b, pos_v,
          w_v, b_v, g_v, beta_v, gsem_b, ssem_b, isem_b, vsem_b):
        nc = plsc.get_sparse_core_info().num_cores
        wid = lax.axis_index("s") * nc + lax.axis_index("c")
        w_base = wid * toks_per_w

        pltpu.sync_copy(pos_hbm.at[pl.ds(0, S)], pos_v)
        pltpu.sync_copy(w_hbm, w_v)
        pltpu.sync_copy(b_hbm, b_v)
        pltpu.sync_copy(g_hbm, g_v)
        pltpu.sync_copy(beta_hbm, beta_v)

        w_r = [w_v[pl.ds(16 * g, 16)] for g in range(_G)]
        b_r = [b_v[pl.ds(16 * g, 16)] for g in range(_G)]
        gm_r = [g_v[pl.ds(16 * g, 16)] for g in range(_G)]
        bt_r = [beta_v[pl.ds(16 * g, 16)] for g in range(_G)]

        @plsc.parallel_loop(0, S, step=1, unroll=4)
        def _fold_b(s):
            for g in range(_G):
                pos_v[s, pl.ds(16 * g, 16)] = (
                    pos_v[s, pl.ds(16 * g, 16)] + b_r[g])

        def stage_io(chunk, bi):
            base = w_base + chunk * _C
            pltpu.async_copy(ids_hbm.at[pl.ds(base, _C)], ids_b[bi],
                             isem_b[bi])
            pltpu.async_copy(vals_hbm.at[pl.ds(base, _C)],
                             vals_b[bi].at[pl.ds(0, _C)], vsem_b[bi])

        def fire_gather(chunk, bi):
            base = w_base + chunk * _C
            pltpu.make_async_copy(ids_hbm.at[pl.ds(base, _C)], ids_b[bi],
                                  isem_b[bi]).wait()

            @pl.when(chunk >= _NB)
            def _():
                prev = w_base + (chunk - _NB) * _C
                pltpu.make_async_copy(
                    rows_b[bi], out_hbm.at[pl.ds(prev, _C)],
                    ssem_b[bi]).wait()

            pltpu.async_copy(gene_hbm.at[ids_b[bi]], rows_b[bi],
                             gsem_b[bi])

        def compute(chunk, bi):
            rows_v = rows_b[bi]
            vals_v = vals_b[bi]
            base = w_base + chunk * _C
            pltpu.make_async_copy(
                vals_hbm.at[pl.ds(base, _C)],
                vals_v.at[pl.ds(0, _C)], vsem_b[bi]).wait()
            pltpu.make_async_copy(
                gene_hbm.at[ids_b[bi]], rows_v, gsem_b[bi]).wait()
            @plsc.parallel_loop(0, _C, step=1, unroll=8)
            def tok_body(t):
                s = (base + t) % S
                v_t = jnp.full((16,), vals_v[pl.ds(t, 16)][0], jnp.float32)
                xs = []
                acc = None
                acc2 = None
                for g in range(_G):
                    x = (rows_v[t, pl.ds(16 * g, 16)]
                         + pos_v[s, pl.ds(16 * g, 16)]
                         + v_t * w_r[g])
                    xs.append(x)
                    acc = x if acc is None else acc + x
                    acc2 = x * x if acc2 is None else acc2 + x * x
                mean = jnp.sum(acc, axis=0) * (1.0 / _H)
                var = jnp.sum(acc2, axis=0) * (1.0 / _H) - mean * mean
                rstd = _rsqrt(var + _EPS)
                mean_v = jnp.full((16,), mean, jnp.float32)
                rstd_v = jnp.full((16,), rstd, jnp.float32)
                for g in range(_G):
                    y = (xs[g] - mean_v) * rstd_v * gm_r[g] + bt_r[g]
                    rows_v[t, pl.ds(16 * g, 16)] = y

            pltpu.async_copy(rows_v, out_hbm.at[pl.ds(base, _C)],
                             ssem_b[bi])

        stage_io(0, 0)
        fire_gather(0, 0)
        stage_io(1, 1)

        def outer(cg, _):
            for j in range(_NB):
                chunk = cg * _NB + j

                @pl.when(chunk + 2 < n_chunks)
                def _():
                    stage_io(chunk + 2, (j + 2) % _NB)

                @pl.when(chunk + 1 < n_chunks)
                def _():
                    fire_gather(chunk + 1, (j + 1) % _NB)

                compute(chunk, j)
            return ()

        lax.fori_loop(0, n_chunks // _NB, outer, (), unroll=False)

        for last in range(n_chunks - _NB, n_chunks):
            basel = w_base + last * _C
            pltpu.make_async_copy(
                rows_b[last % _NB], out_hbm.at[pl.ds(basel, _C)],
                ssem_b[last % _NB]).wait()

    return k


def kernel(input_ids, values, gene_table, pos_table, expr_w, expr_b,
           ln_gamma, ln_beta):
    B, S = input_ids.shape
    N = B * S
    ids = input_ids.reshape(N).astype(jnp.int32)
    vals = values.reshape(N)
    k = _make_sc_kernel(N, S, 32)
    out = k(ids, vals, gene_table, pos_table, expr_w, expr_b, ln_gamma,
            ln_beta)
    return out.reshape(B, S, _H)

# --- scband reference (transcript-rebuilt; emitter-appended) ---
"""Pipeline reference for scband-gene-expression-embedding-58420145160316 (READ-ONLY COPY).

The authoritative reference and input builder live on the scoring server;
editing this copy changes nothing except your own understanding.
"""

import jax, jax.numpy as jnp
import numpy as np

PAD_TOKEN_ID = 0
VOCAB = 100000
H = 128
MAX_SEQ = 2048
B, S = 1024, 200
EPS = 1e-12


def setup_inputs(seed: int = 0) -> dict:
    key = jax.random.key(seed)
    k = jax.random.split(key, 8)
    input_ids = jax.random.randint(k[0], (B, S), 0, VOCAB, dtype=jnp.int64 if jax.config.jax_enable_x64 else jnp.int32)
    values = jax.random.uniform(k[1], (B, S), dtype=jnp.float32)
    gene_table = jax.random.normal(k[2], (VOCAB, H), dtype=jnp.float32) * 0.02
    gene_table = gene_table.at[PAD_TOKEN_ID].set(0.0)  # padding_idx row zeroed
    pos_table = jax.random.normal(k[3], (MAX_SEQ, H), dtype=jnp.float32) * 0.02
    expr_w = jax.random.normal(k[4], (H,), dtype=jnp.float32) * 0.02  # nn.Linear(1, H) weight, squeezed
    expr_b = jnp.zeros((H,), dtype=jnp.float32)
    ln_gamma = jnp.ones((H,), dtype=jnp.float32)
    ln_beta = jnp.zeros((H,), dtype=jnp.float32)
    return {"input_ids": input_ids, "values": values, "gene_table": gene_table,
            "pos_table": pos_table, "expr_w": expr_w, "expr_b": expr_b,
            "ln_gamma": ln_gamma, "ln_beta": ln_beta}


def reference(input_ids, values, gene_table, pos_table, expr_w, expr_b, ln_gamma, ln_beta):
    seq_len = input_ids.shape[1]
    position_ids = jnp.arange(seq_len)[None, :]  # (1, S)
    emb = jnp.take(gene_table, input_ids, axis=0) + jnp.take(pos_table, position_ids, axis=0)
    # expression_proj: Linear(1, H) applied to values[..., None]
    expr_emb = values[..., None] * expr_w + expr_b
    emb = emb + expr_emb
    # LayerNorm over last dim
    mean = jnp.mean(emb, axis=-1, keepdims=True)
    var = jnp.mean((emb - mean) ** 2, axis=-1, keepdims=True)
    out = (emb - mean) / jnp.sqrt(var + EPS) * ln_gamma + ln_beta
    # dropout p=0.0 (eval) -> identity
    return out

if __name__ == "__main__":
    import jax
    _d = setup_inputs()
    print(jax.jit(kernel)(*tuple(_d.values())))

</pallas_src>

<mosaic_0001>
#map = affine_map<(d0, d1) -> (0)>
#map1 = affine_map<(d0, d1) -> (0, 0)>
module attributes {stable_mosaic.version = 14 : i64} {
  func.func @k(%arg0: i32, %arg1: i32, %arg2: memref<204800xi32, #tpu.memory_space<hbm>>, %arg3: memref<204800xf32, #tpu.memory_space<hbm>>, %arg4: memref<100000x128xf32, #tpu.memory_space<hbm>>, %arg5: memref<2048x128xf32, #tpu.memory_space<hbm>>, %arg6: memref<128xf32, #tpu.memory_space<hbm>>, %arg7: memref<128xf32, #tpu.memory_space<hbm>>, %arg8: memref<128xf32, #tpu.memory_space<hbm>>, %arg9: memref<128xf32, #tpu.memory_space<hbm>>, %arg10: memref<204800x128xf32, #tpu.memory_space<hbm>>, %arg11: memref<128xi32, #tpu.memory_space<vmem>>, %arg12: memref<128xi32, #tpu.memory_space<vmem>>, %arg13: memref<128xi32, #tpu.memory_space<vmem>>, %arg14: memref<128xi32, #tpu.memory_space<vmem>>, %arg15: memref<128xi32, #tpu.memory_space<vmem>>, %arg16: memref<128x128xf32, #tpu.memory_space<vmem>>, %arg17: memref<128x128xf32, #tpu.memory_space<vmem>>, %arg18: memref<128x128xf32, #tpu.memory_space<vmem>>, %arg19: memref<128x128xf32, #tpu.memory_space<vmem>>, %arg20: memref<128x128xf32, #tpu.memory_space<vmem>>, %arg21: memref<144xf32, #tpu.memory_space<vmem>>, %arg22: memref<144xf32, #tpu.memory_space<vmem>>, %arg23: memref<144xf32, #tpu.memory_space<vmem>>, %arg24: memref<144xf32, #tpu.memory_space<vmem>>, %arg25: memref<144xf32, #tpu.memory_space<vmem>>, %arg26: memref<200x128xf32, #tpu.memory_space<vmem>>, %arg27: memref<128xf32, #tpu.memory_space<vmem>>, %arg28: memref<128xf32, #tpu.memory_space<vmem>>, %arg29: memref<128xf32, #tpu.memory_space<vmem>>, %arg30: memref<128xf32, #tpu.memory_space<vmem>>, %arg31: memref<!tpu.dma_semaphore, #tpu.memory_space<semaphore_mem>>, %arg32: memref<!tpu.dma_semaphore, #tpu.memory_space<semaphore_mem>>, %arg33: memref<!tpu.dma_semaphore, #tpu.memory_space<semaphore_mem>>, %arg34: memref<!tpu.dma_semaphore, #tpu.memory_space<semaphore_mem>>, %arg35: memref<!tpu.dma_semaphore, #tpu.memory_space<semaphore_mem>>, %arg36: memref<!tpu.dma_semaphore, #tpu.memory_space<semaphore_mem>>, %arg37: memref<!tpu.dma_semaphore, #tpu.memory_space<semaphore_mem>>, %arg38: memref<!tpu.dma_semaphore, #tpu.memory_space<semaphore_mem>>, %arg39: memref<!tpu.dma_semaphore, #tpu.memory_space<semaphore_mem>>, %arg40: memref<!tpu.dma_semaphore, #tpu.memory_space<semaphore_mem>>, %arg41: memref<!tpu.dma_semaphore, #tpu.memory_space<semaphore_mem>>, %arg42: memref<!tpu.dma_semaphore, #tpu.memory_space<semaphore_mem>>, %arg43: memref<!tpu.dma_semaphore, #tpu.memory_space<semaphore_mem>>, %arg44: memref<!tpu.dma_semaphore, #tpu.memory_space<semaphore_mem>>, %arg45: memref<!tpu.dma_semaphore, #tpu.memory_space<semaphore_mem>>, %arg46: memref<!tpu.dma_semaphore, #tpu.memory_space<semaphore_mem>>, %arg47: memref<!tpu.dma_semaphore, #tpu.memory_space<semaphore_mem>>, %arg48: memref<!tpu.dma_semaphore, #tpu.memory_space<semaphore_mem>>, %arg49: memref<!tpu.dma_semaphore, #tpu.memory_space<semaphore_mem>>, %arg50: memref<!tpu.dma_semaphore, #tpu.memory_space<semaphore_mem>>) attributes {dimension_semantics = [#tpu.dimension_semantics<core_parallel>, #tpu.dimension_semantics<subcore_parallel>], iteration_bounds = array<i64: 2, 16>, scalar_prefetch = 0 : i64, scratch_operands = 40 : i64, tpu.core_type = #tpu.core_type<sc_vector_subcore>, window_params = [{transform_indices = #map}, {transform_indices = #map}, {transform_indices = #map1}, {transform_indices = #map1}, {transform_indices = #map}, {transform_indices = #map}, {transform_indices = #map}, {transform_indices = #map}, {transform_indices = #map1}]} {
    %mul3A = arith.constant 2 : i32
    %mul3A_0 = arith.muli %arg1, %mul3A : i32
    %add3A = arith.addi %mul3A_0, %arg0 : i32
    %mul3A_1 = arith.constant 6400 : i32
    %mul3A_2 = arith.muli %add3A, %mul3A_1 : i32
    "tpu.region"() ({
      %run_scoped3A = tpu.sem_alloc : memref<!tpu.dma_semaphore, #tpu.memory_space<semaphore_mem>>
      %dma_start3A_127 = arith.constant 0 : i32
      %dma_start3A_128 = arith.constant 0 : i32
      %dma_start3A_129 = tpu.memref_slice %arg5[%dma_start3A_127, %dma_start3A_128] : memref<2048x128xf32, #tpu.memory_space<hbm>> -> memref<200x128xf32, #tpu.memory_space<hbm>>
      %dma_start3A_130 = arith.constant 0 : i32
      %dma_start3A_131 = arith.constant 0 : i32
      %dma_start3A_132 = tpu.memref_slice %arg5[%dma_start3A_130, %dma_start3A_131] : memref<2048x128xf32, #tpu.memory_space<hbm>> -> memref<200x128xf32, #tpu.memory_space<hbm>>
      tpu.enqueue_dma source(%dma_start3A_132 : memref<200x128xf32, #tpu.memory_space<hbm>>) target(%arg26 : memref<200x128xf32, #tpu.memory_space<vmem>>) target_semaphore(%run_scoped3A : memref<!tpu.dma_semaphore, #tpu.memory_space<semaphore_mem>>)
      %dma_wait3A_133 = arith.constant 0 : i32
      %dma_wait3A_134 = arith.constant 0 : i32
      %dma_wait3A_135 = tpu.memref_slice %arg5[%dma_wait3A_133, %dma_wait3A_134] : memref<2048x128xf32, #tpu.memory_space<hbm>> -> memref<200x128xf32, #tpu.memory_space<hbm>>
      %dma_wait3A_136 = arith.constant 0 : i32
      %dma_wait3A_137 = arith.constant 0 : i32
      %dma_wait3A_138 = tpu.memref_slice %arg5[%dma_wait3A_136, %dma_wait3A_137] : memref<2048x128xf32, #tpu.memory_space<hbm>> -> memref<200x128xf32, #tpu.memory_space<hbm>>
      tpu.wait_dma2 semaphore(%run_scoped3A : memref<!tpu.dma_semaphore, #tpu.memory_space<semaphore_mem>>) src(%dma_wait3A_138 : memref<200x128xf32, #tpu.memory_space<hbm>>) dst(%arg26 : memref<200x128xf32, #tpu.memory_space<vmem>>)
      tpu.yield
    }) : () -> ()
    "tpu.region"() ({
      %run_scoped3A = tpu.sem_alloc : memref<!tpu.dma_semaphore, #tpu.memory_space<semaphore_mem>>
      tpu.enqueue_dma source(%arg6 : memref<128xf32, #tpu.memory_space<hbm>>) target(%arg27 : memref<128xf32, #tpu.memory_space<vmem>>) target_semaphore(%run_scoped3A : memref<!tpu.dma_semaphore, #tpu.memory_space<semaphore_mem>>)
      tpu.wait_dma2 semaphore(%run_scoped3A : memref<!tpu.dma_semaphore, #tpu.memory_space<semaphore_mem>>) src(%arg6 : memref<128xf32, #tpu.memory_space<hbm>>) dst(%arg27 : memref<128xf32, #tpu.memory_space<vmem>>)
      tpu.yield
    }) : () -> ()
    "tpu.region"() ({
      %run_scoped3A = tpu.sem_alloc : memref<!tpu.dma_semaphore, #tpu.memory_space<semaphore_mem>>
      tpu.enqueue_dma source(%arg7 : memref<128xf32, #tpu.memory_space<hbm>>) target(%arg28 : memref<128xf32, #tpu.memory_space<vmem>>) target_semaphore(%run_scoped3A : memref<!tpu.dma_semaphore, #tpu.memory_space<semaphore_mem>>)
      tpu.wait_dma2 semaphore(%run_scoped3A : memref<!tpu.dma_semaphore, #tpu.memory_space<semaphore_mem>>) src(%arg7 : memref<128xf32, #tpu.memory_space<hbm>>) dst(%arg28 : memref<128xf32, #tpu.memory_space<vmem>>)
      tpu.yield
    }) : () -> ()
    "tpu.region"() ({
      %run_scoped3A = tpu.sem_alloc : memref<!tpu.dma_semaphore, #tpu.memory_space<semaphore_mem>>
      tpu.enqueue_dma source(%arg8 : memref<128xf32, #tpu.memory_space<hbm>>) target(%arg29 : memref<128xf32, #tpu.memory_space<vmem>>) target_semaphore(%run_scoped3A : memref<!tpu.dma_semaphore, #tpu.memory_space<semaphore_mem>>)
      tpu.wait_dma2 semaphore(%run_scoped3A : memref<!tpu.dma_semaphore, #tpu.memory_space<semaphore_mem>>) src(%arg8 : memref<128xf32, #tpu.memory_space<hbm>>) dst(%arg29 : memref<128xf32, #tpu.memory_space<vmem>>)
      tpu.yield
    }) : () -> ()
    "tpu.region"() ({
      %run_scoped3A = tpu.sem_alloc : memref<!tpu.dma_semaphore, #tpu.memory_space<semaphore_mem>>
      tpu.enqueue_dma source(%arg9 : memref<128xf32, #tpu.memory_space<hbm>>) target(%arg30 : memref<128xf32, #tpu.memory_space<vmem>>) target_semaphore(%run_scoped3A : memref<!tpu.dma_semaphore, #tpu.memory_space<semaphore_mem>>)
      tpu.wait_dma2 semaphore(%run_scoped3A : memref<!tpu.dma_semaphore, #tpu.memory_space<semaphore_mem>>) src(%arg9 : memref<128xf32, #tpu.memory_space<hbm>>) dst(%arg30 : memref<128xf32, #tpu.memory_space<vmem>>)
      tpu.yield
    }) : () -> ()
    %get3A = arith.constant 0 : index
    %get3A_3 = tpu.vector_load %arg27[%get3A] {strides = array<i32>} : memref<128xf32, #tpu.memory_space<vmem>>, vector<16xf32>,
    %get3A_4 = arith.constant 16 : index
    %get3A_5 = tpu.vector_load %arg27[%get3A_4] {strides = array<i32>} : memref<128xf32, #tpu.memory_space<vmem>>, vector<16xf32>,
    %get3A_6 = arith.constant 32 : index
    %get3A_7 = tpu.vector_load %arg27[%get3A_6] {strides = array<i32>} : memref<128xf32, #tpu.memory_space<vmem>>, vector<16xf32>,
    %get3A_8 = arith.constant 48 : index
    %get3A_9 = tpu.vector_load %arg27[%get3A_8] {strides = array<i32>} : memref<128xf32, #tpu.memory_space<vmem>>, vector<16xf32>,
    %get3A_10 = arith.constant 64 : index
    %get3A_11 = tpu.vector_load %arg27[%get3A_10] {strides = array<i32>} : memref<128xf32, #tpu.memory_space<vmem>>, vector<16xf32>,
    %get3A_12 = arith.constant 80 : index
    %get3A_13 = tpu.vector_load %arg27[%get3A_12] {strides = array<i32>} : memref<128xf32, #tpu.memory_space<vmem>>, vector<16xf32>,
    %get3A_14 = arith.constant 96 : index
    %get3A_15 = tpu.vector_load %arg27[%get3A_14] {strides = array<i32>} : memref<128xf32, #tpu.memory_space<vmem>>, vector<16xf32>,
    %get3A_16 = arith.constant 112 : index
    %get3A_17 = tpu.vector_load %arg27[%get3A_16] {strides = array<i32>} : memref<128xf32, #tpu.memory_space<vmem>>, vector<16xf32>,
    %get3A_18 = arith.constant 0 : index
    %get3A_19 = tpu.vector_load %arg28[%get3A_18] {strides = array<i32>} : memref<128xf32, #tpu.memory_space<vmem>>, vector<16xf32>,
    %get3A_20 = arith.constant 16 : index
    %get3A_21 = tpu.vector_load %arg28[%get3A_20] {strides = array<i32>} : memref<128xf32, #tpu.memory_space<vmem>>, vector<16xf32>,
    %get3A_22 = arith.constant 32 : index
    %get3A_23 = tpu.vector_load %arg28[%get3A_22] {strides = array<i32>} : memref<128xf32, #tpu.memory_space<vmem>>, vector<16xf32>,
    %get3A_24 = arith.constant 48 : index
    %get3A_25 = tpu.vector_load %arg28[%get3A_24] {strides = array<i32>} : memref<128xf32, #tpu.memory_space<vmem>>, vector<16xf32>,
    %get3A_26 = arith.constant 64 : index
    %get3A_27 = tpu.vector_load %arg28[%get3A_26] {strides = array<i32>} : memref<128xf32, #tpu.memory_space<vmem>>, vector<16xf32>,
    %get3A_28 = arith.constant 80 : index
    %get3A_29 = tpu.vector_load %arg28[%get3A_28] {strides = array<i32>} : memref<128xf32, #tpu.memory_space<vmem>>, vector<16xf32>,
    %get3A_30 = arith.constant 96 : index
    %get3A_31 = tpu.vector_load %arg28[%get3A_30] {strides = array<i32>} : memref<128xf32, #tpu.memory_space<vmem>>, vector<16xf32>,
    %get3A_32 = arith.constant 112 : index
    %get3A_33 = tpu.vector_load %arg28[%get3A_32] {strides = array<i32>} : memref<128xf32, #tpu.memory_space<vmem>>, vector<16xf32>,
    %get3A_34 = arith.constant 0 : index
    %get3A_35 = tpu.vector_load %arg29[%get3A_34] {strides = array<i32>} : memref<128xf32, #tpu.memory_space<vmem>>, vector<16xf32>,
    %get3A_36 = arith.constant 16 : index
    %get3A_37 = tpu.vector_load %arg29[%get3A_36] {strides = array<i32>} : memref<128xf32, #tpu.memory_space<vmem>>, vector<16xf32>,
    %get3A_38 = arith.constant 32 : index
    %get3A_39 = tpu.vector_load %arg29[%get3A_38] {strides = array<i32>} : memref<128xf32, #tpu.memory_space<vmem>>, vector<16xf32>,
    %get3A_40 = arith.constant 48 : index
    %get3A_41 = tpu.vector_load %arg29[%get3A_40] {strides = array<i32>} : memref<128xf32, #tpu.memory_space<vmem>>, vector<16xf32>,
    %get3A_42 = arith.constant 64 : index
    %get3A_43 = tpu.vector_load %arg29[%get3A_42] {strides = array<i32>} : memref<128xf32, #tpu.memory_space<vmem>>, vector<16xf32>,
    %get3A_44 = arith.constant 80 : index
    %get3A_45 = tpu.vector_load %arg29[%get3A_44] {strides = array<i32>} : memref<128xf32, #tpu.memory_space<vmem>>, vector<16xf32>,
    %get3A_46 = arith.constant 96 : index
    %get3A_47 = tpu.vector_load %arg29[%get3A_46] {strides = array<i32>} : memref<128xf32, #tpu.memory_space<vmem>>, vector<16xf32>,
    %get3A_48 = arith.constant 112 : index
    %get3A_49 = tpu.vector_load %arg29[%get3A_48] {strides = array<i32>} : memref<128xf32, #tpu.memory_space<vmem>>, vector<16xf32>,
    %get3A_50 = arith.constant 0 : index
    %get3A_51 = tpu.vector_load %arg30[%get3A_50] {strides = array<i32>} : memref<128xf32, #tpu.memory_space<vmem>>, vector<16xf32>,
    %get3A_52 = arith.constant 16 : index
    %get3A_53 = tpu.vector_load %arg30[%get3A_52] {strides = array<i32>} : memref<128xf32, #tpu.memory_space<vmem>>, vector<16xf32>,
    %get3A_54 = arith.constant 32 : index
    %get3A_55 = tpu.vector_load %arg30[%get3A_54] {strides = array<i32>} : memref<128xf32, #tpu.memory_space<vmem>>, vector<16xf32>,
    %get3A_56 = arith.constant 48 : index
    %get3A_57 = tpu.vector_load %arg30[%get3A_56] {strides = array<i32>} : memref<128xf32, #tpu.memory_space<vmem>>, vector<16xf32>,
    %get3A_58 = arith.constant 64 : index
    %get3A_59 = tpu.vector_load %arg30[%get3A_58] {strides = array<i32>} : memref<128xf32, #tpu.memory_space<vmem>>, vector<16xf32>,
    %get3A_60 = arith.constant 80 : index
    %get3A_61 = tpu.vector_load %arg30[%get3A_60] {strides = array<i32>} : memref<128xf32, #tpu.memory_space<vmem>>, vector<16xf32>,
    %get3A_62 = arith.constant 96 : index
    %get3A_63 = tpu.vector_load %arg30[%get3A_62] {strides = array<i32>} : memref<128xf32, #tpu.memory_space<vmem>>, vector<16xf32>,
    %get3A_64 = arith.constant 112 : index
    %get3A_65 = tpu.vector_load %arg30[%get3A_64] {strides = array<i32>} : memref<128xf32, #tpu.memory_space<vmem>>, vector<16xf32>,
    %parallel_loop3A = arith.constant 0 : i32
    %parallel_loop3A_66 = arith.constant 200 : i32
    %parallel_loop3A_67 = arith.constant 1 : i32
    scf.for %parallel_loop3A_127 = %parallel_loop3A to %parallel_loop3A_66 step %parallel_loop3A_67  : i32 {
      %parallel_loop3A_128 = arith.index_cast %parallel_loop3A_127 : i32 to index
      %parallel_loop3A_129 = arith.constant 0 : index
      %parallel_loop3A_130 = tpu.vector_load %arg26[%parallel_loop3A_128, %parallel_loop3A_129] {strides = array<i32>} : memref<200x128xf32, #tpu.memory_space<vmem>>, vector<16xf32>,
      %parallel_loop3A_131 = arith.addf %parallel_loop3A_130, %get3A_19 : vector<16xf32>
      %parallel_loop3A_132 = arith.index_cast %parallel_loop3A_127 : i32 to index
      %parallel_loop3A_133 = arith.constant 0 : index
      %parallel_loop3A_134 = tpu.vector_load %arg26[%parallel_loop3A_132, %parallel_loop3A_133] {strides = array<i32>} : memref<200x128xf32, #tpu.memory_space<vmem>>, vector<16xf32>,
      tpu.vector_store %arg26[%parallel_loop3A_132, %parallel_loop3A_133], %parallel_loop3A_131 {strides = array<i32>} : memref<200x128xf32, #tpu.memory_space<vmem>>, vector<16xf32>,
      %parallel_loop3A_135 = arith.index_cast %parallel_loop3A_127 : i32 to index
      %parallel_loop3A_136 = arith.constant 16 : index
      %parallel_loop3A_137 = tpu.vector_load %arg26[%parallel_loop3A_135, %parallel_loop3A_136] {strides = array<i32>} : memref<200x128xf32, #tpu.memory_space<vmem>>, vector<16xf32>,
      %parallel_loop3A_138 = arith.addf %parallel_loop3A_137, %get3A_21 : vector<16xf32>
      %parallel_loop3A_139 = arith.index_cast %parallel_loop3A_127 : i32 to index
      %parallel_loop3A_140 = arith.constant 16 : index
      %parallel_loop3A_141 = tpu.vector_load %arg26[%parallel_loop3A_139, %parallel_loop3A_140] {strides = array<i32>} : memref<200x128xf32, #tpu.memory_space<vmem>>, vector<16xf32>,
      tpu.vector_store %arg26[%parallel_loop3A_139, %parallel_loop3A_140], %parallel_loop3A_138 {strides = array<i32>} : memref<200x128xf32, #tpu.memory_space<vmem>>, vector<16xf32>,
      %parallel_loop3A_142 = arith.index_cast %parallel_loop3A_127 : i32 to index
      %parallel_loop3A_143 = arith.constant 32 : index
      %parallel_loop3A_144 = tpu.vector_load %arg26[%parallel_loop3A_142, %parallel_loop3A_143] {strides = array<i32>} : memref<200x128xf32, #tpu.memory_space<vmem>>, vector<16xf32>,
      %parallel_loop3A_145 = arith.addf %parallel_loop3A_144, %get3A_23 : vector<16xf32>
      %parallel_loop3A_146 = arith.index_cast %parallel_loop3A_127 : i32 to index
      %parallel_loop3A_147 = arith.constant 32 : index
      %parallel_loop3A_148 = tpu.vector_load %arg26[%parallel_loop3A_146, %parallel_loop3A_147] {strides = array<i32>} : memref<200x128xf32, #tpu.memory_space<vmem>>, vector<16xf32>,
      tpu.vector_store %arg26[%parallel_loop3A_146, %parallel_loop3A_147], %parallel_loop3A_145 {strides = array<i32>} : memref<200x128xf32, #tpu.memory_space<vmem>>, vector<16xf32>,
      %parallel_loop3A_149 = arith.index_cast %parallel_loop3A_127 : i32 to index
      %parallel_loop3A_150 = arith.constant 48 : index
      %parallel_loop3A_151 = tpu.vector_load %arg26[%parallel_loop3A_149, %parallel_loop3A_150] {strides = array<i32>} : memref<200x128xf32, #tpu.memory_space<vmem>>, vector<16xf32>,
      %parallel_loop3A_152 = arith.addf %parallel_loop3A_151, %get3A_25 : vector<16xf32>
      %parallel_loop3A_153 = arith.index_cast %parallel_loop3A_127 : i32 to index
      %parallel_loop3A_154 = arith.constant 48 : index
      %parallel_loop3A_155 = tpu.vector_load %arg26[%parallel_loop3A_153, %parallel_loop3A_154] {strides = array<i32>} : memref<200x128xf32, #tpu.memory_space<vmem>>, vector<16xf32>,
      tpu.vector_store %arg26[%parallel_loop3A_153, %parallel_loop3A_154], %parallel_loop3A_152 {strides = array<i32>} : memref<200x128xf32, #tpu.memory_space<vmem>>, vector<16xf32>,
      %parallel_loop3A_156 = arith.index_cast %parallel_loop3A_127 : i32 to index
      %parallel_loop3A_157 = arith.constant 64 : index
      %parallel_loop3A_158 = tpu.vector_load %arg26[%parallel_loop3A_156, %parallel_loop3A_157] {strides = array<i32>} : memref<200x128xf32, #tpu.memory_space<vmem>>, vector<16xf32>,
      %parallel_loop3A_159 = arith.addf %parallel_loop3A_158, %get3A_27 : vector<16xf32>
      %parallel_loop3A_160 = arith.index_cast %parallel_loop3A_127 : i32 to index
      %parallel_loop3A_161 = arith.constant 64 : index
      %parallel_loop3A_162 = tpu.vector_load %arg26[%parallel_loop3A_160, %parallel_loop3A_161] {strides = array<i32>} : memref<200x128xf32, #tpu.memory_space<vmem>>, vector<16xf32>,
      tpu.vector_store %arg26[%parallel_loop3A_160, %parallel_loop3A_161], %parallel_loop3A_159 {strides = array<i32>} : memref<200x128xf32, #tpu.memory_space<vmem>>, vector<16xf32>,
      %parallel_loop3A_163 = arith.index_cast %parallel_loop3A_127 : i32 to index
      %parallel_loop3A_164 = arith.constant 80 : index
      %parallel_loop3A_165 = tpu.vector_load %arg26[%parallel_loop3A_163, %parallel_loop3A_164] {strides = array<i32>} : memref<200x128xf32, #tpu.memory_space<vmem>>, vector<16xf32>,
      %parallel_loop3A_166 = arith.addf %parallel_loop3A_165, %get3A_29 : vector<16xf32>
      %parallel_loop3A_167 = arith.index_cast %parallel_loop3A_127 : i32 to index
      %parallel_loop3A_168 = arith.constant 80 : index
      %parallel_loop3A_169 = tpu.vector_load %arg26[%parallel_loop3A_167, %parallel_loop3A_168] {strides = array<i32>} : memref<200x128xf32, #tpu.memory_space<vmem>>, vector<16xf32>,
      tpu.vector_store %arg26[%parallel_loop3A_167, %parallel_loop3A_168], %parallel_loop3A_166 {strides = array<i32>} : memref<200x128xf32, #tpu.memory_space<vmem>>, vector<16xf32>,
      %parallel_loop3A_170 = arith.index_cast %parallel_loop3A_127 : i32 to index
      %parallel_loop3A_171 = arith.constant 96 : index
      %parallel_loop3A_172 = tpu.vector_load %arg26[%parallel_loop3A_170, %parallel_loop3A_171] {strides = array<i32>} : memref<200x128xf32, #tpu.memory_space<vmem>>, vector<16xf32>,
      %parallel_loop3A_173 = arith.addf %parallel_loop3A_172, %get3A_31 : vector<16xf32>
      %parallel_loop3A_174 = arith.index_cast %parallel_loop3A_127 : i32 to index
      %parallel_loop3A_175 = arith.constant 96 : index
      %parallel_loop3A_176 = tpu.vector_load %arg26[%parallel_loop3A_174, %parallel_loop3A_175] {strides = array<i32>} : memref<200x128xf32, #tpu.memory_space<vmem>>, vector<16xf32>,
      tpu.vector_store %arg26[%parallel_loop3A_174, %parallel_loop3A_175], %parallel_loop3A_173 {strides = array<i32>} : memref<200x128xf32, #tpu.memory_space<vmem>>, vector<16xf32>,
      %parallel_loop3A_177 = arith.index_cast %parallel_loop3A_127 : i32 to index
      %parallel_loop3A_178 = arith.constant 112 : index
      %parallel_loop3A_179 = tpu.vector_load %arg26[%parallel_loop3A_177, %parallel_loop3A_178] {strides = array<i32>} : memref<200x128xf32, #tpu.memory_space<vmem>>, vector<16xf32>,
      %parallel_loop3A_180 = arith.addf %parallel_loop3A_179, %get3A_33 : vector<16xf32>
      %parallel_loop3A_181 = arith.index_cast %parallel_loop3A_127 : i32 to index
      %parallel_loop3A_182 = arith.constant 112 : index
      %parallel_loop3A_183 = tpu.vector_load %arg26[%parallel_loop3A_181, %parallel_loop3A_182] {strides = array<i32>} : memref<200x128xf32, #tpu.memory_space<vmem>>, vector<16xf32>,
      tpu.vector_store %arg26[%parallel_loop3A_181, %parallel_loop3A_182], %parallel_loop3A_180 {strides = array<i32>} : memref<200x128xf32, #tpu.memory_space<vmem>>, vector<16xf32>,
    } {sc.loop_unroll_factor = 4 : i64, sc.parallel_access}
    %add3A_68 = arith.constant 0 : i32
    %add3A_69 = arith.addi %mul3A_2, %add3A_68 : i32
    %dma_start3A = tpu.memref_slice %arg2[%add3A_69] : memref<204800xi32, #tpu.memory_space<hbm>> -> memref<128xi32, #tpu.memory_space<hbm>>
    %dma_start3A_70 = tpu.memref_slice %arg2[%add3A_69] : memref<204800xi32, #tpu.memory_space<hbm>> -> memref<128xi32, #tpu.memory_space<hbm>>
    tpu.enqueue_dma source(%dma_start3A_70 : memref<128xi32, #tpu.memory_space<hbm>>) target(%arg11 : memref<128xi32, #tpu.memory_space<vmem>>) target_semaphore(%arg41 : memref<!tpu.dma_semaphore, #tpu.memory_space<semaphore_mem>>)
    %dma_start3A_71 = arith.constant 0 : i32
    %dma_start3A_72 = tpu.memref_slice %arg21[%dma_start3A_71] : memref<144xf32, #tpu.memory_space<vmem>> -> memref<128xf32, #tpu.memory_space<vmem>>
    %dma_start3A_73 = tpu.memref_slice %arg3[%add3A_69] : memref<204800xf32, #tpu.memory_space<hbm>> -> memref<128xf32, #tpu.memory_space<hbm>>
    %dma_start3A_74 = arith.constant 0 : i32
    %dma_start3A_75 = tpu.memref_slice %arg21[%dma_start3A_74] : memref<144xf32, #tpu.memory_space<vmem>> -> memref<128xf32, #tpu.memory_space<vmem>>
    %dma_start3A_76 = tpu.memref_slice %arg3[%add3A_69] : memref<204800xf32, #tpu.memory_space<hbm>> -> memref<128xf32, #tpu.memory_space<hbm>>
    tpu.enqueue_dma source(%dma_start3A_76 : memref<128xf32, #tpu.memory_space<hbm>>) target(%dma_start3A_75 : memref<128xf32, #tpu.memory_space<vmem>>) target_semaphore(%arg46 : memref<!tpu.dma_semaphore, #tpu.memory_space<semaphore_mem>>)
    %add3A_77 = arith.constant 0 : i32
    %add3A_78 = arith.addi %mul3A_2, %add3A_77 : i32
    %dma_wait3A = tpu.memref_slice %arg2[%add3A_78] : memref<204800xi32, #tpu.memory_space<hbm>> -> memref<128xi32, #tpu.memory_space<hbm>>
    %dma_wait3A_79 = tpu.memref_slice %arg2[%add3A_78] : memref<204800xi32, #tpu.memory_space<hbm>> -> memref<128xi32, #tpu.memory_space<hbm>>
    tpu.wait_dma2 semaphore(%arg41 : memref<!tpu.dma_semaphore, #tpu.memory_space<semaphore_mem>>) src(%dma_wait3A_79 : memref<128xi32, #tpu.memory_space<hbm>>) dst(%arg11 : memref<128xi32, #tpu.memory_space<vmem>>)
    %dma_start3A_80 = arith.constant 0 : i32
    %dma_start3A_81 = arith.constant 0 : i32
    %dma_start3A_82 = tpu.memref_slice %arg4[%dma_start3A_80, %dma_start3A_81] : memref<100000x128xf32, #tpu.memory_space<hbm>> -> memref<100000x128xf32, #tpu.memory_space<hbm>>
    tpu.enqueue_indirect_dma source(%dma_start3A_82 : memref<100000x128xf32, #tpu.memory_space<hbm>>) target(%arg16 : memref<128x128xf32, #tpu.memory_space<vmem>>) offsets(%arg11 : memref<128xi32, #tpu.memory_space<vmem>>) semaphore(%arg31 : memref<!tpu.dma_semaphore, #tpu.memory_space<semaphore_mem>>)
    %add3A_83 = arith.constant 128 : i32
    %add3A_84 = arith.addi %mul3A_2, %add3A_83 : i32
    %dma_start3A_85 = tpu.memref_slice %arg2[%add3A_84] : memref<204800xi32, #tpu.memory_space<hbm>> -> memref<128xi32, #tpu.memory_space<hbm>>
    %dma_start3A_86 = tpu.memref_slice %arg2[%add3A_84] : memref<204800xi32, #tpu.memory_space<hbm>> -> memref<128xi32, #tpu.memory_space<hbm>>
    tpu.enqueue_dma source(%dma_start3A_86 : memref<128xi32, #tpu.memory_space<hbm>>) target(%arg12 : memref<128xi32, #tpu.memory_space<vmem>>) target_semaphore(%arg42 : memref<!tpu.dma_semaphore, #tpu.memory_space<semaphore_mem>>)
    %dma_start3A_87 = arith.constant 0 : i32
    %dma_start3A_88 = tpu.memref_slice %arg22[%dma_start3A_87] : memref<144xf32, #tpu.memory_space<vmem>> -> memref<128xf32, #tpu.memory_space<vmem>>
    %dma_start3A_89 = tpu.memref_slice %arg3[%add3A_84] : memref<204800xf32, #tpu.memory_space<hbm>> -> memref<128xf32, #tpu.memory_space<hbm>>
    %dma_start3A_90 = arith.constant 0 : i32
    %dma_start3A_91 = tpu.memref_slice %arg22[%dma_start3A_90] : memref<144xf32, #tpu.memory_space<vmem>> -> memref<128xf32, #tpu.memory_space<vmem>>
    %dma_start3A_92 = tpu.memref_slice %arg3[%add3A_84] : memref<204800xf32, #tpu.memory_space<hbm>> -> memref<128xf32, #tpu.memory_space<hbm>>
    tpu.enqueue_dma source(%dma_start3A_92 : memref<128xf32, #tpu.memory_space<hbm>>) target(%dma_start3A_91 : memref<128xf32, #tpu.memory_space<vmem>>) target_semaphore(%arg47 : memref<!tpu.dma_semaphore, #tpu.memory_space<semaphore_mem>>)
    %scan3A = arith.constant 0 : i32
    %scan3A_93 = arith.constant 10 : i32
    %scan3A_94 = arith.addi %scan3A, %scan3A_93 : i32
    %scan3A_95 = arith.constant 1 : i32
    scf.for %scan3A_127 = %scan3A to %scan3A_94 step %scan3A_95  : i32 {
      %mul3A_128 = arith.constant 5 : i32
      %mul3A_129 = arith.muli %scan3A_127, %mul3A_128 : i32
      %add3A_130 = arith.constant 0 : i32
      %add3A_131 = arith.addi %mul3A_129, %add3A_130 : i32
      %add3A_132 = arith.constant 2 : i32
      %add3A_133 = arith.addi %add3A_131, %add3A_132 : i32
      %lt3A = arith.constant 50 : i32
      %lt3A_134 = arith.cmpi slt, %add3A_133, %lt3A : i32
      %convert_element_type3A = arith.extui %lt3A_134 : i1 to i32
      %cond3A = arith.constant 0 : i32
      %cond3A_135 = arith.cmpi ne, %convert_element_type3A, %cond3A : i32
      scf.if %cond3A_135 {
        %add3A_310 = arith.constant 2 : i32
        %add3A_311 = arith.addi %add3A_131, %add3A_310 : i32
        %mul3A_312 = arith.constant 128 : i32
        %mul3A_313 = arith.muli %add3A_311, %mul3A_312 : i32
        %add3A_314 = arith.addi %mul3A_2, %mul3A_313 : i32
        %dma_start3A_315 = tpu.memref_slice %arg2[%add3A_314] : memref<204800xi32, #tpu.memory_space<hbm>> -> memref<128xi32, #tpu.memory_space<hbm>>
        %dma_start3A_316 = tpu.memref_slice %arg2[%add3A_314] : memref<204800xi32, #tpu.memory_space<hbm>> -> memref<128xi32, #tpu.memory_space<hbm>>
        tpu.enqueue_dma source(%dma_start3A_316 : memref<128xi32, #tpu.memory_space<hbm>>) target(%arg13 : memref<128xi32, #tpu.memory_space<vmem>>) target_semaphore(%arg43 : memref<!tpu.dma_semaphore, #tpu.memory_space<semaphore_mem>>)
        %dma_start3A_317 = arith.constant 0 : i32
        %dma_start3A_318 = tpu.memref_slice %arg23[%dma_start3A_317] : memref<144xf32, #tpu.memory_space<vmem>> -> memref<128xf32, #tpu.memory_space<vmem>>
        %dma_start3A_319 = tpu.memref_slice %arg3[%add3A_314] : memref<204800xf32, #tpu.memory_space<hbm>> -> memref<128xf32, #tpu.memory_space<hbm>>
        %dma_start3A_320 = arith.constant 0 : i32
        %dma_start3A_321 = tpu.memref_slice %arg23[%dma_start3A_320] : memref<144xf32, #tpu.memory_space<vmem>> -> memref<128xf32, #tpu.memory_space<vmem>>
        %dma_start3A_322 = tpu.memref_slice %arg3[%add3A_314] : memref<204800xf32, #tpu.memory_space<hbm>> -> memref<128xf32, #tpu.memory_space<hbm>>
        tpu.enqueue_dma source(%dma_start3A_322 : memref<128xf32, #tpu.memory_space<hbm>>) target(%dma_start3A_321 : memref<128xf32, #tpu.memory_space<vmem>>) target_semaphore(%arg48 : memref<!tpu.dma_semaphore, #tpu.memory_space<semaphore_mem>>)
      } else {
      }
      %add3A_136 = arith.constant 1 : i32
      %add3A_137 = arith.addi %add3A_131, %add3A_136 : i32
      %lt3A_138 = arith.constant 50 : i32
      %lt3A_139 = arith.cmpi slt, %add3A_137, %lt3A_138 : i32
      %convert_element_type3A_140 = arith.extui %lt3A_139 : i1 to i32
      %cond3A_141 = arith.constant 0 : i32
      %cond3A_142 = arith.cmpi ne, %convert_element_type3A_140, %cond3A_141 : i32
      scf.if %cond3A_142 {
        %add3A_310 = arith.constant 1 : i32
        %add3A_311 = arith.addi %add3A_131, %add3A_310 : i32
        %mul3A_312 = arith.constant 128 : i32
        %mul3A_313 = arith.muli %add3A_311, %mul3A_312 : i32
        %add3A_314 = arith.addi %mul3A_2, %mul3A_313 : i32
        %dma_wait3A_315 = tpu.memref_slice %arg2[%add3A_314] : memref<204800xi32, #tpu.memory_space<hbm>> -> memref<128xi32, #tpu.memory_space<hbm>>
        %dma_wait3A_316 = tpu.memref_slice %arg2[%add3A_314] : memref<204800xi32, #tpu.memory_space<hbm>> -> memref<128xi32, #tpu.memory_space<hbm>>
        tpu.wait_dma2 semaphore(%arg42 : memref<!tpu.dma_semaphore, #tpu.memory_space<semaphore_mem>>) src(%dma_wait3A_316 : memref<128xi32, #tpu.memory_space<hbm>>) dst(%arg12 : memref<128xi32, #tpu.memory_space<vmem>>)
        %ge3A = arith.constant 5 : i32
        %ge3A_317 = arith.cmpi sge, %add3A_311, %ge3A : i32
        %convert_element_type3A_318 = arith.extui %ge3A_317 : i1 to i32
        %cond3A_319 = arith.constant 0 : i32
        %cond3A_320 = arith.cmpi ne, %convert_element_type3A_318, %cond3A_319 : i32
        scf.if %cond3A_320 {
          %sub3A = arith.constant 5 : i32
          %sub3A_324 = arith.subi %add3A_311, %sub3A : i32
          %mul3A_325 = arith.constant 128 : i32
          %mul3A_326 = arith.muli %sub3A_324, %mul3A_325 : i32
          %add3A_327 = arith.addi %mul3A_2, %mul3A_326 : i32
          %dma_wait3A_328 = arith.constant 0 : i32
          %dma_wait3A_329 = tpu.memref_slice %arg10[%add3A_327, %dma_wait3A_328] : memref<204800x128xf32, #tpu.memory_space<hbm>> -> memref<128x128xf32, #tpu.memory_space<hbm>>
          %dma_wait3A_330 = arith.constant 0 : i32
          %dma_wait3A_331 = tpu.memref_slice %arg10[%add3A_327, %dma_wait3A_330] : memref<204800x128xf32, #tpu.memory_space<hbm>> -> memref<128x128xf32, #tpu.memory_space<hbm>>
          tpu.wait_dma2 semaphore(%arg37 : memref<!tpu.dma_semaphore, #tpu.memory_space<semaphore_mem>>) src(%arg17 : memref<128x128xf32, #tpu.memory_space<vmem>>) dst(%dma_wait3A_331 : memref<128x128xf32, #tpu.memory_space<hbm>>)
        } else {
        }
        %dma_start3A_321 = arith.constant 0 : i32
        %dma_start3A_322 = arith.constant 0 : i32
        %dma_start3A_323 = tpu.memref_slice %arg4[%dma_start3A_321, %dma_start3A_322] : memref<100000x128xf32, #tpu.memory_space<hbm>> -> memref<100000x128xf32, #tpu.memory_space<hbm>>
        tpu.enqueue_indirect_dma source(%dma_start3A_323 : memref<100000x128xf32, #tpu.memory_space<hbm>>) target(%arg17 : memref<128x128xf32, #tpu.memory_space<vmem>>) offsets(%arg12 : memref<128xi32, #tpu.memory_space<vmem>>) semaphore(%arg32 : memref<!tpu.dma_semaphore, #tpu.memory_space<semaphore_mem>>)
      } else {
      }
      %mul3A_143 = arith.constant 128 : i32
      %mul3A_144 = arith.muli %add3A_131, %mul3A_143 : i32
      %add3A_145 = arith.addi %mul3A_2, %mul3A_144 : i32
      %dma_wait3A_146 = arith.constant 0 : i32
      %dma_wait3A_147 = tpu.memref_slice %arg21[%dma_wait3A_146] : memref<144xf32, #tpu.memory_space<vmem>> -> memref<128xf32, #tpu.memory_space<vmem>>
      %dma_wait3A_148 = tpu.memref_slice %arg3[%add3A_145] : memref<204800xf32, #tpu.memory_space<hbm>> -> memref<128xf32, #tpu.memory_space<hbm>>
      %dma_wait3A_149 = arith.constant 0 : i32
      %dma_wait3A_150 = tpu.memref_slice %arg21[%dma_wait3A_149] : memref<144xf32, #tpu.memory_space<vmem>> -> memref<128xf32, #tpu.memory_space<vmem>>
      %dma_wait3A_151 = tpu.memref_slice %arg3[%add3A_145] : memref<204800xf32, #tpu.memory_space<hbm>> -> memref<128xf32, #tpu.memory_space<hbm>>
      tpu.wait_dma2 semaphore(%arg46 : memref<!tpu.dma_semaphore, #tpu.memory_space<semaphore_mem>>) src(%dma_wait3A_151 : memref<128xf32, #tpu.memory_space<hbm>>) dst(%dma_wait3A_150 : memref<128xf32, #tpu.memory_space<vmem>>)
      %dma_wait3A_152 = arith.constant 0 : i32
      %dma_wait3A_153 = arith.constant 0 : i32
      %dma_wait3A_154 = tpu.memref_slice %arg4[%dma_wait3A_152, %dma_wait3A_153] : memref<100000x128xf32, #tpu.memory_space<hbm>> -> memref<100000x128xf32, #tpu.memory_space<hbm>>
      tpu.wait_indirect_dma semaphore(%arg31 : memref<!tpu.dma_semaphore, #tpu.memory_space<semaphore_mem>>) src(%dma_wait3A_154 : memref<100000x128xf32, #tpu.memory_space<hbm>>) dst(%arg16 : memref<128x128xf32, #tpu.memory_space<vmem>>)
      %parallel_loop3A_155 = arith.constant 0 : i32
      %parallel_loop3A_156 = arith.constant 128 : i32
      %parallel_loop3A_157 = arith.constant 1 : i32
      scf.for %parallel_loop3A_310 = %parallel_loop3A_155 to %parallel_loop3A_156 step %parallel_loop3A_157  : i32 {
        %parallel_loop3A_311 = arith.addi %add3A_145, %parallel_loop3A_310 : i32
        %parallel_loop3A_312 = arith.constant 200 : i32
        %parallel_loop3A_313 = arith.constant 0 : i32
        %parallel_loop3A_314 = arith.cmpi eq, %parallel_loop3A_312, %parallel_loop3A_313 : i32
        %parallel_loop3A_315 = arith.constant 1 : i32
        %parallel_loop3A_316 = arith.select %parallel_loop3A_314, %parallel_loop3A_315, %parallel_loop3A_312 : i32
        %parallel_loop3A_317 = arith.remsi %parallel_loop3A_311, %parallel_loop3A_316 : i32
        %parallel_loop3A_318 = arith.constant 0 : i32
        %parallel_loop3A_319 = arith.cmpi ne, %parallel_loop3A_317, %parallel_loop3A_318 : i32
        %parallel_loop3A_320 = arith.constant 0 : i32
        %parallel_loop3A_321 = arith.cmpi slt, %parallel_loop3A_317, %parallel_loop3A_320 : i32
        %parallel_loop3A_322 = arith.constant 0 : i32
        %parallel_loop3A_323 = arith.cmpi slt, %parallel_loop3A_316, %parallel_loop3A_322 : i32
        %parallel_loop3A_324 = arith.xori %parallel_loop3A_321, %parallel_loop3A_323 : i1
        %parallel_loop3A_325 = arith.andi %parallel_loop3A_324, %parallel_loop3A_319 : i1
        %parallel_loop3A_326 = arith.addi %parallel_loop3A_317, %parallel_loop3A_316 : i32
        %parallel_loop3A_327 = arith.select %parallel_loop3A_325, %parallel_loop3A_326, %parallel_loop3A_317 : i32
        %parallel_loop3A_328 = arith.index_cast %parallel_loop3A_310 : i32 to index
        %parallel_loop3A_329 = tpu.vector_load %arg21[%parallel_loop3A_328] {strides = array<i32>} : memref<144xf32, #tpu.memory_space<vmem>>, vector<16xf32>,
        %parallel_loop3A_330 = vector.extract_strided_slice %parallel_loop3A_329 {offsets = [0], sizes = [1], strides = [1]} : vector<16xf32> to vector<1xf32>
        %parallel_loop3A_331 = vector.extract %parallel_loop3A_330[0] : f32 from vector<1xf32>
        %parallel_loop3A_332 = vector.broadcast %parallel_loop3A_331 : f32 to vector<16xf32>
        %parallel_loop3A_333 = arith.index_cast %parallel_loop3A_310 : i32 to index
        %parallel_loop3A_334 = arith.constant 0 : index
        %parallel_loop3A_335 = tpu.vector_load %arg16[%parallel_loop3A_333, %parallel_loop3A_334] {strides = array<i32>} : memref<128x128xf32, #tpu.memory_space<vmem>>, vector<16xf32>,
        %parallel_loop3A_336 = arith.index_cast %parallel_loop3A_327 : i32 to index
        %parallel_loop3A_337 = arith.constant 0 : index
        %parallel_loop3A_338 = tpu.vector_load %arg26[%parallel_loop3A_336, %parallel_loop3A_337] {strides = array<i32>} : memref<200x128xf32, #tpu.memory_space<vmem>>, vector<16xf32>,
        %parallel_loop3A_339 = arith.addf %parallel_loop3A_335, %parallel_loop3A_338 : vector<16xf32>
        %parallel_loop3A_340 = arith.mulf %parallel_loop3A_332, %get3A_3 : vector<16xf32>
        %parallel_loop3A_341 = arith.addf %parallel_loop3A_339, %parallel_loop3A_340 : vector<16xf32>
        %parallel_loop3A_342 = arith.mulf %parallel_loop3A_341, %parallel_loop3A_341 : vector<16xf32>
        %parallel_loop3A_343 = arith.index_cast %parallel_loop3A_310 : i32 to index
        %parallel_loop3A_344 = arith.constant 16 : index
        %parallel_loop3A_345 = tpu.vector_load %arg16[%parallel_loop3A_343, %parallel_loop3A_344] {strides = array<i32>} : memref<128x128xf32, #tpu.memory_space<vmem>>, vector<16xf32>,
        %parallel_loop3A_346 = arith.index_cast %parallel_loop3A_327 : i32 to index
        %parallel_loop3A_347 = arith.constant 16 : index
        %parallel_loop3A_348 = tpu.vector_load %arg26[%parallel_loop3A_346, %parallel_loop3A_347] {strides = array<i32>} : memref<200x128xf32, #tpu.memory_space<vmem>>, vector<16xf32>,
        %parallel_loop3A_349 = arith.addf %parallel_loop3A_345, %parallel_loop3A_348 : vector<16xf32>
        %parallel_loop3A_350 = arith.mulf %parallel_loop3A_332, %get3A_5 : vector<16xf32>
        %parallel_loop3A_351 = arith.addf %parallel_loop3A_349, %parallel_loop3A_350 : vector<16xf32>
        %parallel_loop3A_352 = arith.addf %parallel_loop3A_341, %parallel_loop3A_351 : vector<16xf32>
        %parallel_loop3A_353 = arith.mulf %parallel_loop3A_351, %parallel_loop3A_351 : vector<16xf32>
        %parallel_loop3A_354 = arith.addf %parallel_loop3A_342, %parallel_loop3A_353 : vector<16xf32>
        %parallel_loop3A_355 = arith.index_cast %parallel_loop3A_310 : i32 to index
        %parallel_loop3A_356 = arith.constant 32 : index
        %parallel_loop3A_357 = tpu.vector_load %arg16[%parallel_loop3A_355, %parallel_loop3A_356] {strides = array<i32>} : memref<128x128xf32, #tpu.memory_space<vmem>>, vector<16xf32>,
        %parallel_loop3A_358 = arith.index_cast %parallel_loop3A_327 : i32 to index
        %parallel_loop3A_359 = arith.constant 32 : index
        %parallel_loop3A_360 = tpu.vector_load %arg26[%parallel_loop3A_358, %parallel_loop3A_359] {strides = array<i32>} : memref<200x128xf32, #tpu.memory_space<vmem>>, vector<16xf32>,
        %parallel_loop3A_361 = arith.addf %parallel_loop3A_357, %parallel_loop3A_360 : vector<16xf32>
        %parallel_loop3A_362 = arith.mulf %parallel_loop3A_332, %get3A_7 : vector<16xf32>
        %parallel_loop3A_363 = arith.addf %parallel_loop3A_361, %parallel_loop3A_362 : vector<16xf32>
        %parallel_loop3A_364 = arith.addf %parallel_loop3A_352, %parallel_loop3A_363 : vector<16xf32>
        %parallel_loop3A_365 = arith.mulf %parallel_loop3A_363, %parallel_loop3A_363 : vector<16xf32>
        %parallel_loop3A_366 = arith.addf %parallel_loop3A_354, %parallel_loop3A_365 : vector<16xf32>
        %parallel_loop3A_367 = arith.index_cast %parallel_loop3A_310 : i32 to index
        %parallel_loop3A_368 = arith.constant 48 : index
        %parallel_loop3A_369 = tpu.vector_load %arg16[%parallel_loop3A_367, %parallel_loop3A_368] {strides = array<i32>} : memref<128x128xf32, #tpu.memory_space<vmem>>, vector<16xf32>,
        %parallel_loop3A_370 = arith.index_cast %parallel_loop3A_327 : i32 to index
        %parallel_loop3A_371 = arith.constant 48 : index
        %parallel_loop3A_372 = tpu.vector_load %arg26[%parallel_loop3A_370, %parallel_loop3A_371] {strides = array<i32>} : memref<200x128xf32, #tpu.memory_space<vmem>>, vector<16xf32>,
        %parallel_loop3A_373 = arith.addf %parallel_loop3A_369, %parallel_loop3A_372 : vector<16xf32>
        %parallel_loop3A_374 = arith.mulf %parallel_loop3A_332, %get3A_9 : vector<16xf32>
        %parallel_loop3A_375 = arith.addf %parallel_loop3A_373, %parallel_loop3A_374 : vector<16xf32>
        %parallel_loop3A_376 = arith.addf %parallel_loop3A_364, %parallel_loop3A_375 : vector<16xf32>
        %parallel_loop3A_377 = arith.mulf %parallel_loop3A_375, %parallel_loop3A_375 : vector<16xf32>
        %parallel_loop3A_378 = arith.addf %parallel_loop3A_366, %parallel_loop3A_377 : vector<16xf32>
        %parallel_loop3A_379 = arith.index_cast %parallel_loop3A_310 : i32 to index
        %parallel_loop3A_380 = arith.constant 64 : index
        %parallel_loop3A_381 = tpu.vector_load %arg16[%parallel_loop3A_379, %parallel_loop3A_380] {strides = array<i32>} : memref<128x128xf32, #tpu.memory_space<vmem>>, vector<16xf32>,
        %parallel_loop3A_382 = arith.index_cast %parallel_loop3A_327 : i32 to index
        %parallel_loop3A_383 = arith.constant 64 : index
        %parallel_loop3A_384 = tpu.vector_load %arg26[%parallel_loop3A_382, %parallel_loop3A_383] {strides = array<i32>} : memref<200x128xf32, #tpu.memory_space<vmem>>, vector<16xf32>,
        %parallel_loop3A_385 = arith.addf %parallel_loop3A_381, %parallel_loop3A_384 : vector<16xf32>
        %parallel_loop3A_386 = arith.mulf %parallel_loop3A_332, %get3A_11 : vector<16xf32>
        %parallel_loop3A_387 = arith.addf %parallel_loop3A_385, %parallel_loop3A_386 : vector<16xf32>
        %parallel_loop3A_388 = arith.addf %parallel_loop3A_376, %parallel_loop3A_387 : vector<16xf32>
        %parallel_loop3A_389 = arith.mulf %parallel_loop3A_387, %parallel_loop3A_387 : vector<16xf32>
        %parallel_loop3A_390 = arith.addf %parallel_loop3A_378, %parallel_loop3A_389 : vector<16xf32>
        %parallel_loop3A_391 = arith.index_cast %parallel_loop3A_310 : i32 to index
        %parallel_loop3A_392 = arith.constant 80 : index
        %parallel_loop3A_393 = tpu.vector_load %arg16[%parallel_loop3A_391, %parallel_loop3A_392] {strides = array<i32>} : memref<128x128xf32, #tpu.memory_space<vmem>>, vector<16xf32>,
        %parallel_loop3A_394 = arith.index_cast %parallel_loop3A_327 : i32 to index
        %parallel_loop3A_395 = arith.constant 80 : index
        %parallel_loop3A_396 = tpu.vector_load %arg26[%parallel_loop3A_394, %parallel_loop3A_395] {strides = array<i32>} : memref<200x128xf32, #tpu.memory_space<vmem>>, vector<16xf32>,
        %parallel_loop3A_397 = arith.addf %parallel_loop3A_393, %parallel_loop3A_396 : vector<16xf32>
        %parallel_loop3A_398 = arith.mulf %parallel_loop3A_332, %get3A_13 : vector<16xf32>
        %parallel_loop3A_399 = arith.addf %parallel_loop3A_397, %parallel_loop3A_398 : vector<16xf32>
        %parallel_loop3A_400 = arith.addf %parallel_loop3A_388, %parallel_loop3A_399 : vector<16xf32>
        %parallel_loop3A_401 = arith.mulf %parallel_loop3A_399, %parallel_loop3A_399 : vector<16xf32>
        %parallel_loop3A_402 = arith.addf %parallel_loop3A_390, %parallel_loop3A_401 : vector<16xf32>
        %parallel_loop3A_403 = arith.index_cast %parallel_loop3A_310 : i32 to index
        %parallel_loop3A_404 = arith.constant 96 : index
        %parallel_loop3A_405 = tpu.vector_load %arg16[%parallel_loop3A_403, %parallel_loop3A_404] {strides = array<i32>} : memref<128x128xf32, #tpu.memory_space<vmem>>, vector<16xf32>,
        %parallel_loop3A_406 = arith.index_cast %parallel_loop3A_327 : i32 to index
        %parallel_loop3A_407 = arith.constant 96 : index
        %parallel_loop3A_408 = tpu.vector_load %arg26[%parallel_loop3A_406, %parallel_loop3A_407] {strides = array<i32>} : memref<200x128xf32, #tpu.memory_space<vmem>>, vector<16xf32>,
        %parallel_loop3A_409 = arith.addf %parallel_loop3A_405, %parallel_loop3A_408 : vector<16xf32>
        %parallel_loop3A_410 = arith.mulf %parallel_loop3A_332, %get3A_15 : vector<16xf32>
        %parallel_loop3A_411 = arith.addf %parallel_loop3A_409, %parallel_loop3A_410 : vector<16xf32>
        %parallel_loop3A_412 = arith.addf %parallel_loop3A_400, %parallel_loop3A_411 : vector<16xf32>
        %parallel_loop3A_413 = arith.mulf %parallel_loop3A_411, %parallel_loop3A_411 : vector<16xf32>
        %parallel_loop3A_414 = arith.addf %parallel_loop3A_402, %parallel_loop3A_413 : vector<16xf32>
        %parallel_loop3A_415 = arith.index_cast %parallel_loop3A_310 : i32 to index
        %parallel_loop3A_416 = arith.constant 112 : index
        %parallel_loop3A_417 = tpu.vector_load %arg16[%parallel_loop3A_415, %parallel_loop3A_416] {strides = array<i32>} : memref<128x128xf32, #tpu.memory_space<vmem>>, vector<16xf32>,
        %parallel_loop3A_418 = arith.index_cast %parallel_loop3A_327 : i32 to index
        %parallel_loop3A_419 = arith.constant 112 : index
        %parallel_loop3A_420 = tpu.vector_load %arg26[%parallel_loop3A_418, %parallel_loop3A_419] {strides = array<i32>} : memref<200x128xf32, #tpu.memory_space<vmem>>, vector<16xf32>,
        %parallel_loop3A_421 = arith.addf %parallel_loop3A_417, %parallel_loop3A_420 : vector<16xf32>
        %parallel_loop3A_422 = arith.mulf %parallel_loop3A_332, %get3A_17 : vector<16xf32>
        %parallel_loop3A_423 = arith.addf %parallel_loop3A_421, %parallel_loop3A_422 : vector<16xf32>
        %parallel_loop3A_424 = arith.addf %parallel_loop3A_412, %parallel_loop3A_423 : vector<16xf32>
        %parallel_loop3A_425 = arith.mulf %parallel_loop3A_423, %parallel_loop3A_423 : vector<16xf32>
        %parallel_loop3A_426 = arith.addf %parallel_loop3A_414, %parallel_loop3A_425 : vector<16xf32>
        %parallel_loop3A_427 = arith.constant true
        %parallel_loop3A_428 = vector.broadcast %parallel_loop3A_427 : i1 to vector<16xi1>
        %parallel_loop3A_429 = tpu.scan <sum>, %parallel_loop3A_424 masked %parallel_loop3A_428 : vector<16xf32>, vector<16xi1> -> vector<16xf32>
        %parallel_loop3A_430 = vector.extract %parallel_loop3A_429[15] : f32 from vector<16xf32>
        %parallel_loop3A_431 = arith.constant 7.812500e-03 : f32
        %parallel_loop3A_432 = arith.mulf %parallel_loop3A_430, %parallel_loop3A_431 : f32
        %parallel_loop3A_433 = arith.constant true
        %parallel_loop3A_434 = vector.broadcast %parallel_loop3A_433 : i1 to vector<16xi1>
        %parallel_loop3A_435 = tpu.scan <sum>, %parallel_loop3A_426 masked %parallel_loop3A_434 : vector<16xf32>, vector<16xi1> -> vector<16xf32>
        %parallel_loop3A_436 = vector.extract %parallel_loop3A_435[15] : f32 from vector<16xf32>
        %parallel_loop3A_437 = arith.constant 7.812500e-03 : f32
        %parallel_loop3A_438 = arith.mulf %parallel_loop3A_436, %parallel_loop3A_437 : f32
        %parallel_loop3A_439 = arith.mulf %parallel_loop3A_432, %parallel_loop3A_432 : f32
        %parallel_loop3A_440 = arith.subf %parallel_loop3A_438, %parallel_loop3A_439 : f32
        %parallel_loop3A_441 = arith.constant 9.99999996E-13 : f32
        %parallel_loop3A_442 = arith.addf %parallel_loop3A_440, %parallel_loop3A_441 : f32
        %parallel_loop3A_443 = arith.bitcast %parallel_loop3A_442 : f32 to i32
        %parallel_loop3A_444 = arith.constant 1 : i32
        %parallel_loop3A_445 = arith.shrsi %parallel_loop3A_443, %parallel_loop3A_444 : i32
        %parallel_loop3A_446 = arith.constant 1597463007 : i32
        %parallel_loop3A_447 = arith.subi %parallel_loop3A_446, %parallel_loop3A_445 : i32
        %parallel_loop3A_448 = arith.bitcast %parallel_loop3A_447 : i32 to f32
        %parallel_loop3A_449 = arith.constant 5.000000e-01 : f32
        %parallel_loop3A_450 = arith.mulf %parallel_loop3A_449, %parallel_loop3A_442 : f32
        %parallel_loop3A_451 = arith.mulf %parallel_loop3A_450, %parallel_loop3A_448 : f32
        %parallel_loop3A_452 = arith.mulf %parallel_loop3A_451, %parallel_loop3A_448 : f32
        %parallel_loop3A_453 = arith.constant 1.500000e+00 : f32
        %parallel_loop3A_454 = arith.subf %parallel_loop3A_453, %parallel_loop3A_452 : f32
        %parallel_loop3A_455 = arith.mulf %parallel_loop3A_448, %parallel_loop3A_454 : f32
        %parallel_loop3A_456 = arith.constant 5.000000e-01 : f32
        %parallel_loop3A_457 = arith.mulf %parallel_loop3A_456, %parallel_loop3A_442 : f32
        %parallel_loop3A_458 = arith.mulf %parallel_loop3A_457, %parallel_loop3A_455 : f32
        %parallel_loop3A_459 = arith.mulf %parallel_loop3A_458, %parallel_loop3A_455 : f32
        %parallel_loop3A_460 = arith.constant 1.500000e+00 : f32
        %parallel_loop3A_461 = arith.subf %parallel_loop3A_460, %parallel_loop3A_459 : f32
        %parallel_loop3A_462 = arith.mulf %parallel_loop3A_455, %parallel_loop3A_461 : f32
        %parallel_loop3A_463 = arith.constant 5.000000e-01 : f32
        %parallel_loop3A_464 = arith.mulf %parallel_loop3A_463, %parallel_loop3A_442 : f32
        %parallel_loop3A_465 = arith.mulf %parallel_loop3A_464, %parallel_loop3A_462 : f32
        %parallel_loop3A_466 = arith.mulf %parallel_loop3A_465, %parallel_loop3A_462 : f32
        %parallel_loop3A_467 = arith.constant 1.500000e+00 : f32
        %parallel_loop3A_468 = arith.subf %parallel_loop3A_467, %parallel_loop3A_466 : f32
        %parallel_loop3A_469 = arith.mulf %parallel_loop3A_462, %parallel_loop3A_468 : f32
        %parallel_loop3A_470 = vector.broadcast %parallel_loop3A_432 : f32 to vector<16xf32>
        %parallel_loop3A_471 = vector.broadcast %parallel_loop3A_469 : f32 to vector<16xf32>
        %parallel_loop3A_472 = arith.subf %parallel_loop3A_341, %parallel_loop3A_470 : vector<16xf32>
        %parallel_loop3A_473 = arith.mulf %parallel_loop3A_472, %parallel_loop3A_471 : vector<16xf32>
        %parallel_loop3A_474 = arith.mulf %parallel_loop3A_473, %get3A_35 : vector<16xf32>
        %parallel_loop3A_475 = arith.addf %parallel_loop3A_474, %get3A_51 : vector<16xf32>
        %parallel_loop3A_476 = arith.index_cast %parallel_loop3A_310 : i32 to index
        %parallel_loop3A_477 = arith.constant 0 : index
        %parallel_loop3A_478 = tpu.vector_load %arg16[%parallel_loop3A_476, %parallel_loop3A_477] {strides = array<i32>} : memref<128x128xf32, #tpu.memory_space<vmem>>, vector<16xf32>,
        tpu.vector_store %arg16[%parallel_loop3A_476, %parallel_loop3A_477], %parallel_loop3A_475 {strides = array<i32>} : memref<128x128xf32, #tpu.memory_space<vmem>>, vector<16xf32>,
        %parallel_loop3A_479 = arith.subf %parallel_loop3A_351, %parallel_loop3A_470 : vector<16xf32>
        %parallel_loop3A_480 = arith.mulf %parallel_loop3A_479, %parallel_loop3A_471 : vector<16xf32>
        %parallel_loop3A_481 = arith.mulf %parallel_loop3A_480, %get3A_37 : vector<16xf32>
        %parallel_loop3A_482 = arith.addf %parallel_loop3A_481, %get3A_53 : vector<16xf32>
        %parallel_loop3A_483 = arith.index_cast %parallel_loop3A_310 : i32 to index
        %parallel_loop3A_484 = arith.constant 16 : index
        %parallel_loop3A_485 = tpu.vector_load %arg16[%parallel_loop3A_483, %parallel_loop3A_484] {strides = array<i32>} : memref<128x128xf32, #tpu.memory_space<vmem>>, vector<16xf32>,
        tpu.vector_store %arg16[%parallel_loop3A_483, %parallel_loop3A_484], %parallel_loop3A_482 {strides = array<i32>} : memref<128x128xf32, #tpu.memory_space<vmem>>, vector<16xf32>,
        %parallel_loop3A_486 = arith.subf %parallel_loop3A_363, %parallel_loop3A_470 : vector<16xf32>
        %parallel_loop3A_487 = arith.mulf %parallel_loop3A_486, %parallel_loop3A_471 : vector<16xf32>
        %parallel_loop3A_488 = arith.mulf %parallel_loop3A_487, %get3A_39 : vector<16xf32>
        %parallel_loop3A_489 = arith.addf %parallel_loop3A_488, %get3A_55 : vector<16xf32>
        %parallel_loop3A_490 = arith.index_cast %parallel_loop3A_310 : i32 to index
        %parallel_loop3A_491 = arith.constant 32 : index
        %parallel_loop3A_492 = tpu.vector_load %arg16[%parallel_loop3A_490, %parallel_loop3A_491] {strides = array<i32>} : memref<128x128xf32, #tpu.memory_space<vmem>>, vector<16xf32>,
        tpu.vector_store %arg16[%parallel_loop3A_490, %parallel_loop3A_491], %parallel_loop3A_489 {strides = array<i32>} : memref<128x128xf32, #tpu.memory_space<vmem>>, vector<16xf32>,
        %parallel_loop3A_493 = arith.subf %parallel_loop3A_375, %parallel_loop3A_470 : vector<16xf32>
        %parallel_loop3A_494 = arith.mulf %parallel_loop3A_493, %parallel_loop3A_471 : vector<16xf32>
        %parallel_loop3A_495 = arith.mulf %parallel_loop3A_494, %get3A_41 : vector<16xf32>
        %parallel_loop3A_496 = arith.addf %parallel_loop3A_495, %get3A_57 : vector<16xf32>
        %parallel_loop3A_497 = arith.index_cast %parallel_loop3A_310 : i32 to index
        %parallel_loop3A_498 = arith.constant 48 : index
        %parallel_loop3A_499 = tpu.vector_load %arg16[%parallel_loop3A_497, %parallel_loop3A_498] {strides = array<i32>} : memref<128x128xf32, #tpu.memory_space<vmem>>, vector<16xf32>,
        tpu.vector_store %arg16[%parallel_loop3A_497, %parallel_loop3A_498], %parallel_loop3A_496 {strides = array<i32>} : memref<128x128xf32, #tpu.memory_space<vmem>>, vector<16xf32>,
        %parallel_loop3A_500 = arith.subf %parallel_loop3A_387, %parallel_loop3A_470 : vector<16xf32>
        %parallel_loop3A_501 = arith.mulf %parallel_loop3A_500, %parallel_loop3A_471 : vector<16xf32>
        %parallel_loop3A_502 = arith.mulf %parallel_loop3A_501, %get3A_43 : vector<16xf32>
        %parallel_loop3A_503 = arith.addf %parallel_loop3A_502, %get3A_59 : vector<16xf32>
        %parallel_loop3A_504 = arith.index_cast %parallel_loop3A_310 : i32 to index
        %parallel_loop3A_505 = arith.constant 64 : index
        %parallel_loop3A_506 = tpu.vector_load %arg16[%parallel_loop3A_504, %parallel_loop3A_505] {strides = array<i32>} : memref<128x128xf32, #tpu.memory_space<vmem>>, vector<16xf32>,
        tpu.vector_store %arg16[%parallel_loop3A_504, %parallel_loop3A_505], %parallel_loop3A_503 {strides = array<i32>} : memref<128x128xf32, #tpu.memory_space<vmem>>, vector<16xf32>,
        %parallel_loop3A_507 = arith.subf %parallel_loop3A_399, %parallel_loop3A_470 : vector<16xf32>
        %parallel_loop3A_508 = arith.mulf %parallel_loop3A_507, %parallel_loop3A_471 : vector<16xf32>
        %parallel_loop3A_509 = arith.mulf %parallel_loop3A_508, %get3A_45 : vector<16xf32>
        %parallel_loop3A_510 = arith.addf %parallel_loop3A_509, %get3A_61 : vector<16xf32>
        %parallel_loop3A_511 = arith.index_cast %parallel_loop3A_310 : i32 to index
        %parallel_loop3A_512 = arith.constant 80 : index
        %parallel_loop3A_513 = tpu.vector_load %arg16[%parallel_loop3A_511, %parallel_loop3A_512] {strides = array<i32>} : memref<128x128xf32, #tpu.memory_space<vmem>>, vector<16xf32>,
        tpu.vector_store %arg16[%parallel_loop3A_511, %parallel_loop3A_512], %parallel_loop3A_510 {strides = array<i32>} : memref<128x128xf32, #tpu.memory_space<vmem>>, vector<16xf32>,
        %parallel_loop3A_514 = arith.subf %parallel_loop3A_411, %parallel_loop3A_470 : vector<16xf32>
        %parallel_loop3A_515 = arith.mulf %parallel_loop3A_514, %parallel_loop3A_471 : vector<16xf32>
        %parallel_loop3A_516 = arith.mulf %parallel_loop3A_515, %get3A_47 : vector<16xf32>
        %parallel_loop3A_517 = arith.addf %parallel_loop3A_516, %get3A_63 : vector<16xf32>
        %parallel_loop3A_518 = arith.index_cast %parallel_loop3A_310 : i32 to index
        %parallel_loop3A_519 = arith.constant 96 : index
        %parallel_loop3A_520 = tpu.vector_load %arg16[%parallel_loop3A_518, %parallel_loop3A_519] {strides = array<i32>} : memref<128x128xf32, #tpu.memory_space<vmem>>, vector<16xf32>,
        tpu.vector_store %arg16[%parallel_loop3A_518, %parallel_loop3A_519], %parallel_loop3A_517 {strides = array<i32>} : memref<128x128xf32, #tpu.memory_space<vmem>>, vector<16xf32>,
        %parallel_loop3A_521 = arith.subf %parallel_loop3A_423, %parallel_loop3A_470 : vector<16xf32>
        %parallel_loop3A_522 = arith.mulf %parallel_loop3A_521, %parallel_loop3A_471 : vector<16xf32>
        %parallel_loop3A_523 = arith.mulf %parallel_loop3A_522, %get3A_49 : vector<16xf32>
        %parallel_loop3A_524 = arith.addf %parallel_loop3A_523, %get3A_65 : vector<16xf32>
        %parallel_loop3A_525 = arith.index_cast %parallel_loop3A_310 : i32 to index
        %parallel_loop3A_526 = arith.constant 112 : index
        %parallel_loop3A_527 = tpu.vector_load %arg16[%parallel_loop3A_525, %parallel_loop3A_526] {strides = array<i32>} : memref<128x128xf32, #tpu.memory_space<vmem>>, vector<16xf32>,
        tpu.vector_store %arg16[%parallel_loop3A_525, %parallel_loop3A_526], %parallel_loop3A_524 {strides = array<i32>} : memref<128x128xf32, #tpu.memory_space<vmem>>, vector<16xf32>,
      } {sc.loop_unroll_factor = 8 : i64, sc.parallel_access}
      %dma_start3A_158 = arith.constant 0 : i32
      %dma_start3A_159 = tpu.memref_slice %arg10[%add3A_145, %dma_start3A_158] : memref<204800x128xf32, #tpu.memory_space<hbm>> -> memref<128x128xf32, #tpu.memory_space<hbm>>
      %dma_start3A_160 = arith.constant 0 : i32
      %dma_start3A_161 = tpu.memref_slice %arg10[%add3A_145, %dma_start3A_160] : memref<204800x128xf32, #tpu.memory_space<hbm>> -> memref<128x128xf32, #tpu.memory_space<hbm>>
      tpu.enqueue_dma source(%arg16 : memref<128x128xf32, #tpu.memory_space<vmem>>) target(%dma_start3A_161 : memref<128x128xf32, #tpu.memory_space<hbm>>) target_semaphore(%arg36 : memref<!tpu.dma_semaphore, #tpu.memory_space<semaphore_mem>>)
      %mul3A_162 = arith.constant 5 : i32
      %mul3A_163 = arith.muli %scan3A_127, %mul3A_162 : i32
      %add3A_164 = arith.constant 1 : i32
      %add3A_165 = arith.addi %mul3A_163, %add3A_164 : i32
      %add3A_166 = arith.constant 2 : i32
      %add3A_167 = arith.addi %add3A_165, %add3A_166 : i32
      %lt3A_168 = arith.constant 50 : i32
      %lt3A_169 = arith.cmpi slt, %add3A_167, %lt3A_168 : i32
      %convert_element_type3A_170 = arith.extui %lt3A_169 : i1 to i32
      %cond3A_171 = arith.constant 0 : i32
      %cond3A_172 = arith.cmpi ne, %convert_element_type3A_170, %cond3A_171 : i32
      scf.if %cond3A_172 {
        %add3A_310 = arith.constant 2 : i32
        %add3A_311 = arith.addi %add3A_165, %add3A_310 : i32
        %mul3A_312 = arith.constant 128 : i32
        %mul3A_313 = arith.muli %add3A_311, %mul3A_312 : i32
        %add3A_314 = arith.addi %mul3A_2, %mul3A_313 : i32
        %dma_start3A_315 = tpu.memref_slice %arg2[%add3A_314] : memref<204800xi32, #tpu.memory_space<hbm>> -> memref<128xi32, #tpu.memory_space<hbm>>
        %dma_start3A_316 = tpu.memref_slice %arg2[%add3A_314] : memref<204800xi32, #tpu.memory_space<hbm>> -> memref<128xi32, #tpu.memory_space<hbm>>
        tpu.enqueue_dma source(%dma_start3A_316 : memref<128xi32, #tpu.memory_space<hbm>>) target(%arg14 : memref<128xi32, #tpu.memory_space<vmem>>) target_semaphore(%arg44 : memref<!tpu.dma_semaphore, #tpu.memory_space<semaphore_mem>>)
        %dma_start3A_317 = arith.constant 0 : i32
        %dma_start3A_318 = tpu.memref_slice %arg24[%dma_start3A_317] : memref<144xf32, #tpu.memory_space<vmem>> -> memref<128xf32, #tpu.memory_space<vmem>>
        %dma_start3A_319 = tpu.memref_slice %arg3[%add3A_314] : memref<204800xf32, #tpu.memory_space<hbm>> -> memref<128xf32, #tpu.memory_space<hbm>>
        %dma_start3A_320 = arith.constant 0 : i32
        %dma_start3A_321 = tpu.memref_slice %arg24[%dma_start3A_320] : memref<144xf32, #tpu.memory_space<vmem>> -> memref<128xf32, #tpu.memory_space<vmem>>
        %dma_start3A_322 = tpu.memref_slice %arg3[%add3A_314] : memref<204800xf32, #tpu.memory_space<hbm>> -> memref<128xf32, #tpu.memory_space<hbm>>
        tpu.enqueue_dma source(%dma_start3A_322 : memref<128xf32, #tpu.memory_space<hbm>>) target(%dma_start3A_321 : memref<128xf32, #tpu.memory_space<vmem>>) target_semaphore(%arg49 : memref<!tpu.dma_semaphore, #tpu.memory_space<semaphore_mem>>)
      } else {
      }
      %add3A_173 = arith.constant 1 : i32
      %add3A_174 = arith.addi %add3A_165, %add3A_173 : i32
      %lt3A_175 = arith.constant 50 : i32
      %lt3A_176 = arith.cmpi slt, %add3A_174, %lt3A_175 : i32
      %convert_element_type3A_177 = arith.extui %lt3A_176 : i1 to i32
      %cond3A_178 = arith.constant 0 : i32
      %cond3A_179 = arith.cmpi ne, %convert_element_type3A_177, %cond3A_178 : i32
      scf.if %cond3A_179 {
        %add3A_310 = arith.constant 1 : i32
        %add3A_311 = arith.addi %add3A_165, %add3A_310 : i32
        %mul3A_312 = arith.constant 128 : i32
        %mul3A_313 = arith.muli %add3A_311, %mul3A_312 : i32
        %add3A_314 = arith.addi %mul3A_2, %mul3A_313 : i32
        %dma_wait3A_315 = tpu.memref_slice %arg2[%add3A_314] : memref<204800xi32, #tpu.memory_space<hbm>> -> memref<128xi32, #tpu.memory_space<hbm>>
        %dma_wait3A_316 = tpu.memref_slice %arg2[%add3A_314] : memref<204800xi32, #tpu.memory_space<hbm>> -> memref<128xi32, #tpu.memory_space<hbm>>
        tpu.wait_dma2 semaphore(%arg43 : memref<!tpu.dma_semaphore, #tpu.memory_space<semaphore_mem>>) src(%dma_wait3A_316 : memref<128xi32, #tpu.memory_space<hbm>>) dst(%arg13 : memref<128xi32, #tpu.memory_space<vmem>>)
        %ge3A = arith.constant 5 : i32
        %ge3A_317 = arith.cmpi sge, %add3A_311, %ge3A : i32
        %convert_element_type3A_318 = arith.extui %ge3A_317 : i1 to i32
        %cond3A_319 = arith.constant 0 : i32
        %cond3A_320 = arith.cmpi ne, %convert_element_type3A_318, %cond3A_319 : i32
        scf.if %cond3A_320 {
          %sub3A = arith.constant 5 : i32
          %sub3A_324 = arith.subi %add3A_311, %sub3A : i32
          %mul3A_325 = arith.constant 128 : i32
          %mul3A_326 = arith.muli %sub3A_324, %mul3A_325 : i32
          %add3A_327 = arith.addi %mul3A_2, %mul3A_326 : i32
          %dma_wait3A_328 = arith.constant 0 : i32
          %dma_wait3A_329 = tpu.memref_slice %arg10[%add3A_327, %dma_wait3A_328] : memref<204800x128xf32, #tpu.memory_space<hbm>> -> memref<128x128xf32, #tpu.memory_space<hbm>>
          %dma_wait3A_330 = arith.constant 0 : i32
          %dma_wait3A_331 = tpu.memref_slice %arg10[%add3A_327, %dma_wait3A_330] : memref<204800x128xf32, #tpu.memory_space<hbm>> -> memref<128x128xf32, #tpu.memory_space<hbm>>
          tpu.wait_dma2 semaphore(%arg38 : memref<!tpu.dma_semaphore, #tpu.memory_space<semaphore_mem>>) src(%arg18 : memref<128x128xf32, #tpu.memory_space<vmem>>) dst(%dma_wait3A_331 : memref<128x128xf32, #tpu.memory_space<hbm>>)
        } else {
        }
        %dma_start3A_321 = arith.constant 0 : i32
        %dma_start3A_322 = arith.constant 0 : i32
        %dma_start3A_323 = tpu.memref_slice %arg4[%dma_start3A_321, %dma_start3A_322] : memref<100000x128xf32, #tpu.memory_space<hbm>> -> memref<100000x128xf32, #tpu.memory_space<hbm>>
        tpu.enqueue_indirect_dma source(%dma_start3A_323 : memref<100000x128xf32, #tpu.memory_space<hbm>>) target(%arg18 : memref<128x128xf32, #tpu.memory_space<vmem>>) offsets(%arg13 : memref<128xi32, #tpu.memory_space<vmem>>) semaphore(%arg33 : memref<!tpu.dma_semaphore, #tpu.memory_space<semaphore_mem>>)
      } else {
      }
      %mul3A_180 = arith.constant 128 : i32
      %mul3A_181 = arith.muli %add3A_165, %mul3A_180 : i32
      %add3A_182 = arith.addi %mul3A_2, %mul3A_181 : i32
      %dma_wait3A_183 = arith.constant 0 : i32
      %dma_wait3A_184 = tpu.memref_slice %arg22[%dma_wait3A_183] : memref<144xf32, #tpu.memory_space<vmem>> -> memref<128xf32, #tpu.memory_space<vmem>>
      %dma_wait3A_185 = tpu.memref_slice %arg3[%add3A_182] : memref<204800xf32, #tpu.memory_space<hbm>> -> memref<128xf32, #tpu.memory_space<hbm>>
      %dma_wait3A_186 = arith.constant 0 : i32
      %dma_wait3A_187 = tpu.memref_slice %arg22[%dma_wait3A_186] : memref<144xf32, #tpu.memory_space<vmem>> -> memref<128xf32, #tpu.memory_space<vmem>>
      %dma_wait3A_188 = tpu.memref_slice %arg3[%add3A_182] : memref<204800xf32, #tpu.memory_space<hbm>> -> memref<128xf32, #tpu.memory_space<hbm>>
      tpu.wait_dma2 semaphore(%arg47 : memref<!tpu.dma_semaphore, #tpu.memory_space<semaphore_mem>>) src(%dma_wait3A_188 : memref<128xf32, #tpu.memory_space<hbm>>) dst(%dma_wait3A_187 : memref<128xf32, #tpu.memory_space<vmem>>)
      %dma_wait3A_189 = arith.constant 0 : i32
      %dma_wait3A_190 = arith.constant 0 : i32
      %dma_wait3A_191 = tpu.memref_slice %arg4[%dma_wait3A_189, %dma_wait3A_190] : memref<100000x128xf32, #tpu.memory_space<hbm>> -> memref<100000x128xf32, #tpu.memory_space<hbm>>
      tpu.wait_indirect_dma semaphore(%arg32 : memref<!tpu.dma_semaphore, #tpu.memory_space<semaphore_mem>>) src(%dma_wait3A_191 : memref<100000x128xf32, #tpu.memory_space<hbm>>) dst(%arg17 : memref<128x128xf32, #tpu.memory_space<vmem>>)
      %parallel_loop3A_192 = arith.constant 0 : i32
      %parallel_loop3A_193 = arith.constant 128 : i32
      %parallel_loop3A_194 = arith.constant 1 : i32
      scf.for %parallel_loop3A_310 = %parallel_loop3A_192 to %parallel_loop3A_193 step %parallel_loop3A_194  : i32 {
        %parallel_loop3A_311 = arith.addi %add3A_182, %parallel_loop3A_310 : i32
        %parallel_loop3A_312 = arith.constant 200 : i32
        %parallel_loop3A_313 = arith.constant 0 : i32
        %parallel_loop3A_314 = arith.cmpi eq, %parallel_loop3A_312, %parallel_loop3A_313 : i32
        %parallel_loop3A_315 = arith.constant 1 : i32
        %parallel_loop3A_316 = arith.select %parallel_loop3A_314, %parallel_loop3A_315, %parallel_loop3A_312 : i32
        %parallel_loop3A_317 = arith.remsi %parallel_loop3A_311, %parallel_loop3A_316 : i32
        %parallel_loop3A_318 = arith.constant 0 : i32
        %parallel_loop3A_319 = arith.cmpi ne, %parallel_loop3A_317, %parallel_loop3A_318 : i32
        %parallel_loop3A_320 = arith.constant 0 : i32
        %parallel_loop3A_321 = arith.cmpi slt, %parallel_loop3A_317, %parallel_loop3A_320 : i32
        %parallel_loop3A_322 = arith.constant 0 : i32
        %parallel_loop3A_323 = arith.cmpi slt, %parallel_loop3A_316, %parallel_loop3A_322 : i32
        %parallel_loop3A_324 = arith.xori %parallel_loop3A_321, %parallel_loop3A_323 : i1
        %parallel_loop3A_325 = arith.andi %parallel_loop3A_324, %parallel_loop3A_319 : i1
        %parallel_loop3A_326 = arith.addi %parallel_loop3A_317, %parallel_loop3A_316 : i32
        %parallel_loop3A_327 = arith.select %parallel_loop3A_325, %parallel_loop3A_326, %parallel_loop3A_317 : i32
        %parallel_loop3A_328 = arith.index_cast %parallel_loop3A_310 : i32 to index
        %parallel_loop3A_329 = tpu.vector_load %arg22[%parallel_loop3A_328] {strides = array<i32>} : memref<144xf32, #tpu.memory_space<vmem>>, vector<16xf32>,
        %parallel_loop3A_330 = vector.extract_strided_slice %parallel_loop3A_329 {offsets = [0], sizes = [1], strides = [1]} : vector<16xf32> to vector<1xf32>
        %parallel_loop3A_331 = vector.extract %parallel_loop3A_330[0] : f32 from vector<1xf32>
        %parallel_loop3A_332 = vector.broadcast %parallel_loop3A_331 : f32 to vector<16xf32>
        %parallel_loop3A_333 = arith.index_cast %parallel_loop3A_310 : i32 to index
        %parallel_loop3A_334 = arith.constant 0 : index
        %parallel_loop3A_335 = tpu.vector_load %arg17[%parallel_loop3A_333, %parallel_loop3A_334] {strides = array<i32>} : memref<128x128xf32, #tpu.memory_space<vmem>>, vector<16xf32>,
        %parallel_loop3A_336 = arith.index_cast %parallel_loop3A_327 : i32 to index
        %parallel_loop3A_337 = arith.constant 0 : index
        %parallel_loop3A_338 = tpu.vector_load %arg26[%parallel_loop3A_336, %parallel_loop3A_337] {strides = array<i32>} : memref<200x128xf32, #tpu.memory_space<vmem>>, vector<16xf32>,
        %parallel_loop3A_339 = arith.addf %parallel_loop3A_335, %parallel_loop3A_338 : vector<16xf32>
        %parallel_loop3A_340 = arith.mulf %parallel_loop3A_332, %get3A_3 : vector<16xf32>
        %parallel_loop3A_341 = arith.addf %parallel_loop3A_339, %parallel_loop3A_340 : vector<16xf32>
        %parallel_loop3A_342 = arith.mulf %parallel_loop3A_341, %parallel_loop3A_341 : vector<16xf32>
        %parallel_loop3A_343 = arith.index_cast %parallel_loop3A_310 : i32 to index
        %parallel_loop3A_344 = arith.constant 16 : index
        %parallel_loop3A_345 = tpu.vector_load %arg17[%parallel_loop3A_343, %parallel_loop3A_344] {strides = array<i32>} : memref<128x128xf32, #tpu.memory_space<vmem>>, vector<16xf32>,
        %parallel_loop3A_346 = arith.index_cast %parallel_loop3A_327 : i32 to index
        %parallel_loop3A_347 = arith.constant 16 : index
        %parallel_loop3A_348 = tpu.vector_load %arg26[%parallel_loop3A_346, %parallel_loop3A_347] {strides = array<i32>} : memref<200x128xf32, #tpu.memory_space<vmem>>, vector<16xf32>,
        %parallel_loop3A_349 = arith.addf %parallel_loop3A_345, %parallel_loop3A_348 : vector<16xf32>
        %parallel_loop3A_350 = arith.mulf %parallel_loop3A_332, %get3A_5 : vector<16xf32>
        %parallel_loop3A_351 = arith.addf %parallel_loop3A_349, %parallel_loop3A_350 : vector<16xf32>
        %parallel_loop3A_352 = arith.addf %parallel_loop3A_341, %parallel_loop3A_351 : vector<16xf32>
        %parallel_loop3A_353 = arith.mulf %parallel_loop3A_351, %parallel_loop3A_351 : vector<16xf32>
        %parallel_loop3A_354 = arith.addf %parallel_loop3A_342, %parallel_loop3A_353 : vector<16xf32>
        %parallel_loop3A_355 = arith.index_cast %parallel_loop3A_310 : i32 to index
        %parallel_loop3A_356 = arith.constant 32 : index
        %parallel_loop3A_357 = tpu.vector_load %arg17[%parallel_loop3A_355, %parallel_loop3A_356] {strides = array<i32>} : memref<128x128xf32, #tpu.memory_space<vmem>>, vector<16xf32>,
        %parallel_loop3A_358 = arith.index_cast %parallel_loop3A_327 : i32 to index
        %parallel_loop3A_359 = arith.constant 32 : index
        %parallel_loop3A_360 = tpu.vector_load %arg26[%parallel_loop3A_358, %parallel_loop3A_359] {strides = array<i32>} : memref<200x128xf32, #tpu.memory_space<vmem>>, vector<16xf32>,
        %parallel_loop3A_361 = arith.addf %parallel_loop3A_357, %parallel_loop3A_360 : vector<16xf32>
        %parallel_loop3A_362 = arith.mulf %parallel_loop3A_332, %get3A_7 : vector<16xf32>
        %parallel_loop3A_363 = arith.addf %parallel_loop3A_361, %parallel_loop3A_362 : vector<16xf32>
        %parallel_loop3A_364 = arith.addf %parallel_loop3A_352, %parallel_loop3A_363 : vector<16xf32>
        %parallel_loop3A_365 = arith.mulf %parallel_loop3A_363, %parallel_loop3A_363 : vector<16xf32>
        %parallel_loop3A_366 = arith.addf %parallel_loop3A_354, %parallel_loop3A_365 : vector<16xf32>
        %parallel_loop3A_367 = arith.index_cast %parallel_loop3A_310 : i32 to index
        %parallel_loop3A_368 = arith.constant 48 : index
        %parallel_loop3A_369 = tpu.vector_load %arg17[%parallel_loop3A_367, %parallel_loop3A_368] {strides = array<i32>} : memref<128x128xf32, #tpu.memory_space<vmem>>, vector<16xf32>,
        %parallel_loop3A_370 = arith.index_cast %parallel_loop3A_327 : i32 to index
        %parallel_loop3A_371 = arith.constant 48 : index
        %parallel_loop3A_372 = tpu.vector_load %arg26[%parallel_loop3A_370, %parallel_loop3A_371] {strides = array<i32>} : memref<200x128xf32, #tpu.memory_space<vmem>>, vector<16xf32>,
        %parallel_loop3A_373 = arith.addf %parallel_loop3A_369, %parallel_loop3A_372 : vector<16xf32>
        %parallel_loop3A_374 = arith.mulf %parallel_loop3A_332, %get3A_9 : vector<16xf32>
        %parallel_loop3A_375 = arith.addf %parallel_loop3A_373, %parallel_loop3A_374 : vector<16xf32>
        %parallel_loop3A_376 = arith.addf %parallel_loop3A_364, %parallel_loop3A_375 : vector<16xf32>
        %parallel_loop3A_377 = arith.mulf %parallel_loop3A_375, %parallel_loop3A_375 : vector<16xf32>
        %parallel_loop3A_378 = arith.addf %parallel_loop3A_366, %parallel_loop3A_377 : vector<16xf32>
        %parallel_loop3A_379 = arith.index_cast %parallel_loop3A_310 : i32 to index
        %parallel_loop3A_380 = arith.constant 64 : index
        %parallel_loop3A_381 = tpu.vector_load %arg17[%parallel_loop3A_379, %parallel_loop3A_380] {strides = array<i32>} : memref<128x128xf32, #tpu.memory_space<vmem>>, vector<16xf32>,
        %parallel_loop3A_382 = arith.index_cast %parallel_loop3A_327 : i32 to index
        %parallel_loop3A_383 = arith.constant 64 : index
        %parallel_loop3A_384 = tpu.vector_load %arg26[%parallel_loop3A_382, %parallel_loop3A_383] {strides = array<i32>} : memref<200x128xf32, #tpu.memory_space<vmem>>, vector<16xf32>,
        %parallel_loop3A_385 = arith.addf %parallel_loop3A_381, %parallel_loop3A_384 : vector<16xf32>
        %parallel_loop3A_386 = arith.mulf %parallel_loop3A_332, %get3A_11 : vector<16xf32>
        %parallel_loop3A_387 = arith.addf %parallel_loop3A_385, %parallel_loop3A_386 : vector<16xf32>
        %parallel_loop3A_388 = arith.addf %parallel_loop3A_376, %parallel_loop3A_387 : vector<16xf32>
        %parallel_loop3A_389 = arith.mulf %parallel_loop3A_387, %parallel_loop3A_387 : vector<16xf32>
        %parallel_loop3A_390 = arith.addf %parallel_loop3A_378, %parallel_loop3A_389 : vector<16xf32>
        %parallel_loop3A_391 = arith.index_cast %parallel_loop3A_310 : i32 to index
        %parallel_loop3A_392 = arith.constant 80 : index
        %parallel_loop3A_393 = tpu.vector_load %arg17[%parallel_loop3A_391, %parallel_loop3A_392] {strides = array<i32>} : memref<128x128xf32, #tpu.memory_space<vmem>>, vector<16xf32>,
        %parallel_loop3A_394 = arith.index_cast %parallel_loop3A_327 : i32 to index
        %parallel_loop3A_395 = arith.constant 80 : index
        %parallel_loop3A_396 = tpu.vector_load %arg26[%parallel_loop3A_394, %parallel_loop3A_395] {strides = array<i32>} : memref<200x128xf32, #tpu.memory_space<vmem>>, vector<16xf32>,
        %parallel_loop3A_397 = arith.addf %parallel_loop3A_393, %parallel_loop3A_396 : vector<16xf32>
        %parallel_loop3A_398 = arith.mulf %parallel_loop3A_332, %get3A_13 : vector<16xf32>
        %parallel_loop3A_399 = arith.addf %parallel_loop3A_397, %parallel_loop3A_398 : vector<16xf32>
        %parallel_loop3A_400 = arith.addf %parallel_loop3A_388, %parallel_loop3A_399 : vector<16xf32>
        %parallel_loop3A_401 = arith.mulf %parallel_loop3A_399, %parallel_loop3A_399 : vector<16xf32>
        %parallel_loop3A_402 = arith.addf %parallel_loop3A_390, %parallel_loop3A_401 : vector<16xf32>
        %parallel_loop3A_403 = arith.index_cast %parallel_loop3A_310 : i32 to index
        %parallel_loop3A_404 = arith.constant 96 : index
        %parallel_loop3A_405 = tpu.vector_load %arg17[%parallel_loop3A_403, %parallel_loop3A_404] {strides = array<i32>} : memref<128x128xf32, #tpu.memory_space<vmem>>, vector<16xf32>,
        %parallel_loop3A_406 = arith.index_cast %parallel_loop3A_327 : i32 to index
        %parallel_loop3A_407 = arith.constant 96 : index
        %parallel_loop3A_408 = tpu.vector_load %arg26[%parallel_loop3A_406, %parallel_loop3A_407] {strides = array<i32>} : memref<200x128xf32, #tpu.memory_space<vmem>>, vector<16xf32>,
        %parallel_loop3A_409 = arith.addf %parallel_loop3A_405, %parallel_loop3A_408 : vector<16xf32>
        %parallel_loop3A_410 = arith.mulf %parallel_loop3A_332, %get3A_15 : vector<16xf32>
        %parallel_loop3A_411 = arith.addf %parallel_loop3A_409, %parallel_loop3A_410 : vector<16xf32>
        %parallel_loop3A_412 = arith.addf %parallel_loop3A_400, %parallel_loop3A_411 : vector<16xf32>
        %parallel_loop3A_413 = arith.mulf %parallel_loop3A_411, %parallel_loop3A_411 : vector<16xf32>
        %parallel_loop3A_414 = arith.addf %parallel_loop3A_402, %parallel_loop3A_413 : vector<16xf32>
        %parallel_loop3A_415 = arith.index_cast %parallel_loop3A_310 : i32 to index
        %parallel_loop3A_416 = arith.constant 112 : index
        %parallel_loop3A_417 = tpu.vector_load %arg17[%parallel_loop3A_415, %parallel_loop3A_416] {strides = array<i32>} : memref<128x128xf32, #tpu.memory_space<vmem>>, vector<16xf32>,
        %parallel_loop3A_418 = arith.index_cast %parallel_loop3A_327 : i32 to index
        %parallel_loop3A_419 = arith.constant 112 : index
        %parallel_loop3A_420 = tpu.vector_load %arg26[%parallel_loop3A_418, %parallel_loop3A_419] {strides = array<i32>} : memref<200x128xf32, #tpu.memory_space<vmem>>, vector<16xf32>,
        %parallel_loop3A_421 = arith.addf %parallel_loop3A_417, %parallel_loop3A_420 : vector<16xf32>
        %parallel_loop3A_422 = arith.mulf %parallel_loop3A_332, %get3A_17 : vector<16xf32>
        %parallel_loop3A_423 = arith.addf %parallel_loop3A_421, %parallel_loop3A_422 : vector<16xf32>
        %parallel_loop3A_424 = arith.addf %parallel_loop3A_412, %parallel_loop3A_423 : vector<16xf32>
        %parallel_loop3A_425 = arith.mulf %parallel_loop3A_423, %parallel_loop3A_423 : vector<16xf32>
        %parallel_loop3A_426 = arith.addf %parallel_loop3A_414, %parallel_loop3A_425 : vector<16xf32>
        %parallel_loop3A_427 = arith.constant true
        %parallel_loop3A_428 = vector.broadcast %parallel_loop3A_427 : i1 to vector<16xi1>
        %parallel_loop3A_429 = tpu.scan <sum>, %parallel_loop3A_424 masked %parallel_loop3A_428 : vector<16xf32>, vector<16xi1> -> vector<16xf32>
        %parallel_loop3A_430 = vector.extract %parallel_loop3A_429[15] : f32 from vector<16xf32>
        %parallel_loop3A_431 = arith.constant 7.812500e-03 : f32
        %parallel_loop3A_432 = arith.mulf %parallel_loop3A_430, %parallel_loop3A_431 : f32
        %parallel_loop3A_433 = arith.constant true
        %parallel_loop3A_434 = vector.broadcast %parallel_loop3A_433 : i1 to vector<16xi1>
        %parallel_loop3A_435 = tpu.scan <sum>, %parallel_loop3A_426 masked %parallel_loop3A_434 : vector<16xf32>, vector<16xi1> -> vector<16xf32>
        %parallel_loop3A_436 = vector.extract %parallel_loop3A_435[15] : f32 from vector<16xf32>
        %parallel_loop3A_437 = arith.constant 7.812500e-03 : f32
        %parallel_loop3A_438 = arith.mulf %parallel_loop3A_436, %parallel_loop3A_437 : f32
        %parallel_loop3A_439 = arith.mulf %parallel_loop3A_432, %parallel_loop3A_432 : f32
        %parallel_loop3A_440 = arith.subf %parallel_loop3A_438, %parallel_loop3A_439 : f32
        %parallel_loop3A_441 = arith.constant 9.99999996E-13 : f32
        %parallel_loop3A_442 = arith.addf %parallel_loop3A_440, %parallel_loop3A_441 : f32
        %parallel_loop3A_443 = arith.bitcast %parallel_loop3A_442 : f32 to i32
        %parallel_loop3A_444 = arith.constant 1 : i32
        %parallel_loop3A_445 = arith.shrsi %parallel_loop3A_443, %parallel_loop3A_444 : i32
        %parallel_loop3A_446 = arith.constant 1597463007 : i32
        %parallel_loop3A_447 = arith.subi %parallel_loop3A_446, %parallel_loop3A_445 : i32
        %parallel_loop3A_448 = arith.bitcast %parallel_loop3A_447 : i32 to f32
        %parallel_loop3A_449 = arith.constant 5.000000e-01 : f32
        %parallel_loop3A_450 = arith.mulf %parallel_loop3A_449, %parallel_loop3A_442 : f32
        %parallel_loop3A_451 = arith.mulf %parallel_loop3A_450, %parallel_loop3A_448 : f32
        %parallel_loop3A_452 = arith.mulf %parallel_loop3A_451, %parallel_loop3A_448 : f32
        %parallel_loop3A_453 = arith.constant 1.500000e+00 : f32
        %parallel_loop3A_454 = arith.subf %parallel_loop3A_453, %parallel_loop3A_452 : f32
        %parallel_loop3A_455 = arith.mulf %parallel_loop3A_448, %parallel_loop3A_454 : f32
        %parallel_loop3A_456 = arith.constant 5.000000e-01 : f32
        %parallel_loop3A_457 = arith.mulf %parallel_loop3A_456, %parallel_loop3A_442 : f32
        %parallel_loop3A_458 = arith.mulf %parallel_loop3A_457, %parallel_loop3A_455 : f32
        %parallel_loop3A_459 = arith.mulf %parallel_loop3A_458, %parallel_loop3A_455 : f32
        %parallel_loop3A_460 = arith.constant 1.500000e+00 : f32
        %parallel_loop3A_461 = arith.subf %parallel_loop3A_460, %parallel_loop3A_459 : f32
        %parallel_loop3A_462 = arith.mulf %parallel_loop3A_455, %parallel_loop3A_461 : f32
        %parallel_loop3A_463 = arith.constant 5.000000e-01 : f32
        %parallel_loop3A_464 = arith.mulf %parallel_loop3A_463, %parallel_loop3A_442 : f32
        %parallel_loop3A_465 = arith.mulf %parallel_loop3A_464, %parallel_loop3A_462 : f32
        %parallel_loop3A_466 = arith.mulf %parallel_loop3A_465, %parallel_loop3A_462 : f32
        %parallel_loop3A_467 = arith.constant 1.500000e+00 : f32
        %parallel_loop3A_468 = arith.subf %parallel_loop3A_467, %parallel_loop3A_466 : f32
        %parallel_loop3A_469 = arith.mulf %parallel_loop3A_462, %parallel_loop3A_468 : f32
        %parallel_loop3A_470 = vector.broadcast %parallel_loop3A_432 : f32 to vector<16xf32>
        %parallel_loop3A_471 = vector.broadcast %parallel_loop3A_469 : f32 to vector<16xf32>
        %parallel_loop3A_472 = arith.subf %parallel_loop3A_341, %parallel_loop3A_470 : vector<16xf32>
        %parallel_loop3A_473 = arith.mulf %parallel_loop3A_472, %parallel_loop3A_471 : vector<16xf32>
        %parallel_loop3A_474 = arith.mulf %parallel_loop3A_473, %get3A_35 : vector<16xf32>
        %parallel_loop3A_475 = arith.addf %parallel_loop3A_474, %get3A_51 : vector<16xf32>
        %parallel_loop3A_476 = arith.index_cast %parallel_loop3A_310 : i32 to index
        %parallel_loop3A_477 = arith.constant 0 : index
        %parallel_loop3A_478 = tpu.vector_load %arg17[%parallel_loop3A_476, %parallel_loop3A_477] {strides = array<i32>} : memref<128x128xf32, #tpu.memory_space<vmem>>, vector<16xf32>,
        tpu.vector_store %arg17[%parallel_loop3A_476, %parallel_loop3A_477], %parallel_loop3A_475 {strides = array<i32>} : memref<128x128xf32, #tpu.memory_space<vmem>>, vector<16xf32>,
        %parallel_loop3A_479 = arith.subf %parallel_loop3A_351, %parallel_loop3A_470 : vector<16xf32>
        %parallel_loop3A_480 = arith.mulf %parallel_loop3A_479, %parallel_loop3A_471 : vector<16xf32>
        %parallel_loop3A_481 = arith.mulf %parallel_loop3A_480, %get3A_37 : vector<16xf32>
        %parallel_loop3A_482 = arith.addf %parallel_loop3A_481, %get3A_53 : vector<16xf32>
        %parallel_loop3A_483 = arith.index_cast %parallel_loop3A_310 : i32 to index
        %parallel_loop3A_484 = arith.constant 16 : index
        %parallel_loop3A_485 = tpu.vector_load %arg17[%parallel_loop3A_483, %parallel_loop3A_484] {strides = array<i32>} : memref<128x128xf32, #tpu.memory_space<vmem>>, vector<16xf32>,
        tpu.vector_store %arg17[%parallel_loop3A_483, %parallel_loop3A_484], %parallel_loop3A_482 {strides = array<i32>} : memref<128x128xf32, #tpu.memory_space<vmem>>, vector<16xf32>,
        %parallel_loop3A_486 = arith.subf %parallel_loop3A_363, %parallel_loop3A_470 : vector<16xf32>
        %parallel_loop3A_487 = arith.mulf %parallel_loop3A_486, %parallel_loop3A_471 : vector<16xf32>
        %parallel_loop3A_488 = arith.mulf %parallel_loop3A_487, %get3A_39 : vector<16xf32>
        %parallel_loop3A_489 = arith.addf %parallel_loop3A_488, %get3A_55 : vector<16xf32>
        %parallel_loop3A_490 = arith.index_cast %parallel_loop3A_310 : i32 to index
        %parallel_loop3A_491 = arith.constant 32 : index
        %parallel_loop3A_492 = tpu.vector_load %arg17[%parallel_loop3A_490, %parallel_loop3A_491] {strides = array<i32>} : memref<128x128xf32, #tpu.memory_space<vmem>>, vector<16xf32>,
        tpu.vector_store %arg17[%parallel_loop3A_490, %parallel_loop3A_491], %parallel_loop3A_489 {strides = array<i32>} : memref<128x128xf32, #tpu.memory_space<vmem>>, vector<16xf32>,
        %parallel_loop3A_493 = arith.subf %parallel_loop3A_375, %parallel_loop3A_470 : vector<16xf32>
        %parallel_loop3A_494 = arith.mulf %parallel_loop3A_493, %parallel_loop3A_471 : vector<16xf32>
        %parallel_loop3A_495 = arith.mulf %parallel_loop3A_494, %get3A_41 : vector<16xf32>
        %parallel_loop3A_496 = arith.addf %parallel_loop3A_495, %get3A_57 : vector<16xf32>
        %parallel_loop3A_497 = arith.index_cast %parallel_loop3A_310 : i32 to index
        %parallel_loop3A_498 = arith.constant 48 : index
        %parallel_loop3A_499 = tpu.vector_load %arg17[%parallel_loop3A_497, %parallel_loop3A_498] {strides = array<i32>} : memref<128x128xf32, #tpu.memory_space<vmem>>, vector<16xf32>,
        tpu.vector_store %arg17[%parallel_loop3A_497, %parallel_loop3A_498], %parallel_loop3A_496 {strides = array<i32>} : memref<128x128xf32, #tpu.memory_space<vmem>>, vector<16xf32>,
        %parallel_loop3A_500 = arith.subf %parallel_loop3A_387, %parallel_loop3A_470 : vector<16xf32>
        %parallel_loop3A_501 = arith.mulf %parallel_loop3A_500, %parallel_loop3A_471 : vector<16xf32>
        %parallel_loop3A_502 = arith.mulf %parallel_loop3A_501, %get3A_43 : vector<16xf32>
        %parallel_loop3A_503 = arith.addf %parallel_loop3A_502, %get3A_59 : vector<16xf32>
        %parallel_loop3A_504 = arith.index_cast %parallel_loop3A_310 : i32 to index
        %parallel_loop3A_505 = arith.constant 64 : index
        %parallel_loop3A_506 = tpu.vector_load %arg17[%parallel_loop3A_504, %parallel_loop3A_505] {strides = array<i32>} : memref<128x128xf32, #tpu.memory_space<vmem>>, vector<16xf32>,
        tpu.vector_store %arg17[%parallel_loop3A_504, %parallel_loop3A_505], %parallel_loop3A_503 {strides = array<i32>} : memref<128x128xf32, #tpu.memory_space<vmem>>, vector<16xf32>,
        %parallel_loop3A_507 = arith.subf %parallel_loop3A_399, %parallel_loop3A_470 : vector<16xf32>
        %parallel_loop3A_508 = arith.mulf %parallel_loop3A_507, %parallel_loop3A_471 : vector<16xf32>
        %parallel_loop3A_509 = arith.mulf %parallel_loop3A_508, %get3A_45 : vector<16xf32>
        %parallel_loop3A_510 = arith.addf %parallel_loop3A_509, %get3A_61 : vector<16xf32>
        %parallel_loop3A_511 = arith.index_cast %parallel_loop3A_310 : i32 to index
        %parallel_loop3A_512 = arith.constant 80 : index
        %parallel_loop3A_513 = tpu.vector_load %arg17[%parallel_loop3A_511, %parallel_loop3A_512] {strides = array<i32>} : memref<128x128xf32, #tpu.memory_space<vmem>>, vector<16xf32>,
        tpu.vector_store %arg17[%parallel_loop3A_511, %parallel_loop3A_512], %parallel_loop3A_510 {strides = array<i32>} : memref<128x128xf32, #tpu.memory_space<vmem>>, vector<16xf32>,
        %parallel_loop3A_514 = arith.subf %parallel_loop3A_411, %parallel_loop3A_470 : vector<16xf32>
        %parallel_loop3A_515 = arith.mulf %parallel_loop3A_514, %parallel_loop3A_471 : vector<16xf32>
        %parallel_loop3A_516 = arith.mulf %parallel_loop3A_515, %get3A_47 : vector<16xf32>
        %parallel_loop3A_517 = arith.addf %parallel_loop3A_516, %get3A_63 : vector<16xf32>
        %parallel_loop3A_518 = arith.index_cast %parallel_loop3A_310 : i32 to index
        %parallel_loop3A_519 = arith.constant 96 : index
        %parallel_loop3A_520 = tpu.vector_load %arg17[%parallel_loop3A_518, %parallel_loop3A_519] {strides = array<i32>} : memref<128x128xf32, #tpu.memory_space<vmem>>, vector<16xf32>,
        tpu.vector_store %arg17[%parallel_loop3A_518, %parallel_loop3A_519], %parallel_loop3A_517 {strides = array<i32>} : memref<128x128xf32, #tpu.memory_space<vmem>>, vector<16xf32>,
        %parallel_loop3A_521 = arith.subf %parallel_loop3A_423, %parallel_loop3A_470 : vector<16xf32>
        %parallel_loop3A_522 = arith.mulf %parallel_loop3A_521, %parallel_loop3A_471 : vector<16xf32>
        %parallel_loop3A_523 = arith.mulf %parallel_loop3A_522, %get3A_49 : vector<16xf32>
        %parallel_loop3A_524 = arith.addf %parallel_loop3A_523, %get3A_65 : vector<16xf32>
        %parallel_loop3A_525 = arith.index_cast %parallel_loop3A_310 : i32 to index
        %parallel_loop3A_526 = arith.constant 112 : index
        %parallel_loop3A_527 = tpu.vector_load %arg17[%parallel_loop3A_525, %parallel_loop3A_526] {strides = array<i32>} : memref<128x128xf32, #tpu.memory_space<vmem>>, vector<16xf32>,
        tpu.vector_store %arg17[%parallel_loop3A_525, %parallel_loop3A_526], %parallel_loop3A_524 {strides = array<i32>} : memref<128x128xf32, #tpu.memory_space<vmem>>, vector<16xf32>,
      } {sc.loop_unroll_factor = 8 : i64, sc.parallel_access}
      %dma_start3A_195 = arith.constant 0 : i32
      %dma_start3A_196 = tpu.memref_slice %arg10[%add3A_182, %dma_start3A_195] : memref<204800x128xf32, #tpu.memory_space<hbm>> -> memref<128x128xf32, #tpu.memory_space<hbm>>
      %dma_start3A_197 = arith.constant 0 : i32
      %dma_start3A_198 = tpu.memref_slice %arg10[%add3A_182, %dma_start3A_197] : memref<204800x128xf32, #tpu.memory_space<hbm>> -> memref<128x128xf32, #tpu.memory_space<hbm>>
      tpu.enqueue_dma source(%arg17 : memref<128x128xf32, #tpu.memory_space<vmem>>) target(%dma_start3A_198 : memref<128x128xf32, #tpu.memory_space<hbm>>) target_semaphore(%arg37 : memref<!tpu.dma_semaphore, #tpu.memory_space<semaphore_mem>>)
      %mul3A_199 = arith.constant 5 : i32
      %mul3A_200 = arith.muli %scan3A_127, %mul3A_199 : i32
      %add3A_201 = arith.constant 2 : i32
      %add3A_202 = arith.addi %mul3A_200, %add3A_201 : i32
      %add3A_203 = arith.constant 2 : i32
      %add3A_204 = arith.addi %add3A_202, %add3A_203 : i32
      %lt3A_205 = arith.constant 50 : i32
      %lt3A_206 = arith.cmpi slt, %add3A_204, %lt3A_205 : i32
      %convert_element_type3A_207 = arith.extui %lt3A_206 : i1 to i32
      %cond3A_208 = arith.constant 0 : i32
      %cond3A_209 = arith.cmpi ne, %convert_element_type3A_207, %cond3A_208 : i32
      scf.if %cond3A_209 {
        %add3A_310 = arith.constant 2 : i32
        %add3A_311 = arith.addi %add3A_202, %add3A_310 : i32
        %mul3A_312 = arith.constant 128 : i32
        %mul3A_313 = arith.muli %add3A_311, %mul3A_312 : i32
        %add3A_314 = arith.addi %mul3A_2, %mul3A_313 : i32
        %dma_start3A_315 = tpu.memref_slice %arg2[%add3A_314] : memref<204800xi32, #tpu.memory_space<hbm>> -> memref<128xi32, #tpu.memory_space<hbm>>
        %dma_start3A_316 = tpu.memref_slice %arg2[%add3A_314] : memref<204800xi32, #tpu.memory_space<hbm>> -> memref<128xi32, #tpu.memory_space<hbm>>
        tpu.enqueue_dma source(%dma_start3A_316 : memref<128xi32, #tpu.memory_space<hbm>>) target(%arg15 : memref<128xi32, #tpu.memory_space<vmem>>) target_semaphore(%arg45 : memref<!tpu.dma_semaphore, #tpu.memory_space<semaphore_mem>>)
        %dma_start3A_317 = arith.constant 0 : i32
        %dma_start3A_318 = tpu.memref_slice %arg25[%dma_start3A_317] : memref<144xf32, #tpu.memory_space<vmem>> -> memref<128xf32, #tpu.memory_space<vmem>>
        %dma_start3A_319 = tpu.memref_slice %arg3[%add3A_314] : memref<204800xf32, #tpu.memory_space<hbm>> -> memref<128xf32, #tpu.memory_space<hbm>>
        %dma_start3A_320 = arith.constant 0 : i32
        %dma_start3A_321 = tpu.memref_slice %arg25[%dma_start3A_320] : memref<144xf32, #tpu.memory_space<vmem>> -> memref<128xf32, #tpu.memory_space<vmem>>
        %dma_start3A_322 = tpu.memref_slice %arg3[%add3A_314] : memref<204800xf32, #tpu.memory_space<hbm>> -> memref<128xf32, #tpu.memory_space<hbm>>
        tpu.enqueue_dma source(%dma_start3A_322 : memref<128xf32, #tpu.memory_space<hbm>>) target(%dma_start3A_321 : memref<128xf32, #tpu.memory_space<vmem>>) target_semaphore(%arg50 : memref<!tpu.dma_semaphore, #tpu.memory_space<semaphore_mem>>)
      } else {
      }
      %add3A_210 = arith.constant 1 : i32
      %add3A_211 = arith.addi %add3A_202, %add3A_210 : i32
      %lt3A_212 = arith.constant 50 : i32
      %lt3A_213 = arith.cmpi slt, %add3A_211, %lt3A_212 : i32
      %convert_element_type3A_214 = arith.extui %lt3A_213 : i1 to i32
      %cond3A_215 = arith.constant 0 : i32
      %cond3A_216 = arith.cmpi ne, %convert_element_type3A_214, %cond3A_215 : i32
      scf.if %cond3A_216 {
        %add3A_310 = arith.constant 1 : i32
        %add3A_311 = arith.addi %add3A_202, %add3A_310 : i32
        %mul3A_312 = arith.constant 128 : i32
        %mul3A_313 = arith.muli %add3A_311, %mul3A_312 : i32
        %add3A_314 = arith.addi %mul3A_2, %mul3A_313 : i32
        %dma_wait3A_315 = tpu.memref_slice %arg2[%add3A_314] : memref<204800xi32, #tpu.memory_space<hbm>> -> memref<128xi32, #tpu.memory_space<hbm>>
        %dma_wait3A_316 = tpu.memref_slice %arg2[%add3A_314] : memref<204800xi32, #tpu.memory_space<hbm>> -> memref<128xi32, #tpu.memory_space<hbm>>
        tpu.wait_dma2 semaphore(%arg44 : memref<!tpu.dma_semaphore, #tpu.memory_space<semaphore_mem>>) src(%dma_wait3A_316 : memref<128xi32, #tpu.memory_space<hbm>>) dst(%arg14 : memref<128xi32, #tpu.memory_space<vmem>>)
        %ge3A = arith.constant 5 : i32
        %ge3A_317 = arith.cmpi sge, %add3A_311, %ge3A : i32
        %convert_element_type3A_318 = arith.extui %ge3A_317 : i1 to i32
        %cond3A_319 = arith.constant 0 : i32
        %cond3A_320 = arith.cmpi ne, %convert_element_type3A_318, %cond3A_319 : i32
        scf.if %cond3A_320 {
          %sub3A = arith.constant 5 : i32
          %sub3A_324 = arith.subi %add3A_311, %sub3A : i32
          %mul3A_325 = arith.constant 128 : i32
          %mul3A_326 = arith.muli %sub3A_324, %mul3A_325 : i32
          %add3A_327 = arith.addi %mul3A_2, %mul3A_326 : i32
          %dma_wait3A_328 = arith.constant 0 : i32
          %dma_wait3A_329 = tpu.memref_slice %arg10[%add3A_327, %dma_wait3A_328] : memref<204800x128xf32, #tpu.memory_space<hbm>> -> memref<128x128xf32, #tpu.memory_space<hbm>>
          %dma_wait3A_330 = arith.constant 0 : i32
          %dma_wait3A_331 = tpu.memref_slice %arg10[%add3A_327, %dma_wait3A_330] : memref<204800x128xf32, #tpu.memory_space<hbm>> -> memref<128x128xf32, #tpu.memory_space<hbm>>
          tpu.wait_dma2 semaphore(%arg39 : memref<!tpu.dma_semaphore, #tpu.memory_space<semaphore_mem>>) src(%arg19 : memref<128x128xf32, #tpu.memory_space<vmem>>) dst(%dma_wait3A_331 : memref<128x128xf32, #tpu.memory_space<hbm>>)
        } else {
        }
        %dma_start3A_321 = arith.constant 0 : i32
        %dma_start3A_322 = arith.constant 0 : i32
        %dma_start3A_323 = tpu.memref_slice %arg4[%dma_start3A_321, %dma_start3A_322] : memref<100000x128xf32, #tpu.memory_space<hbm>> -> memref<100000x128xf32, #tpu.memory_space<hbm>>
        tpu.enqueue_indirect_dma source(%dma_start3A_323 : memref<100000x128xf32, #tpu.memory_space<hbm>>) target(%arg19 : memref<128x128xf32, #tpu.memory_space<vmem>>) offsets(%arg14 : memref<128xi32, #tpu.memory_space<vmem>>) semaphore(%arg34 : memref<!tpu.dma_semaphore, #tpu.memory_space<semaphore_mem>>)
      } else {
      }
      %mul3A_217 = arith.constant 128 : i32
      %mul3A_218 = arith.muli %add3A_202, %mul3A_217 : i32
      %add3A_219 = arith.addi %mul3A_2, %mul3A_218 : i32
      %dma_wait3A_220 = arith.constant 0 : i32
      %dma_wait3A_221 = tpu.memref_slice %arg23[%dma_wait3A_220] : memref<144xf32, #tpu.memory_space<vmem>> -> memref<128xf32, #tpu.memory_space<vmem>>
      %dma_wait3A_222 = tpu.memref_slice %arg3[%add3A_219] : memref<204800xf32, #tpu.memory_space<hbm>> -> memref<128xf32, #tpu.memory_space<hbm>>
      %dma_wait3A_223 = arith.constant 0 : i32
      %dma_wait3A_224 = tpu.memref_slice %arg23[%dma_wait3A_223] : memref<144xf32, #tpu.memory_space<vmem>> -> memref<128xf32, #tpu.memory_space<vmem>>
      %dma_wait3A_225 = tpu.memref_slice %arg3[%add3A_219] : memref<204800xf32, #tpu.memory_space<hbm>> -> memref<128xf32, #tpu.memory_space<hbm>>
      tpu.wait_dma2 semaphore(%arg48 : memref<!tpu.dma_semaphore, #tpu.memory_space<semaphore_mem>>) src(%dma_wait3A_225 : memref<128xf32, #tpu.memory_space<hbm>>) dst(%dma_wait3A_224 : memref<128xf32, #tpu.memory_space<vmem>>)
      %dma_wait3A_226 = arith.constant 0 : i32
      %dma_wait3A_227 = arith.constant 0 : i32
      %dma_wait3A_228 = tpu.memref_slice %arg4[%dma_wait3A_226, %dma_wait3A_227] : memref<100000x128xf32, #tpu.memory_space<hbm>> -> memref<100000x128xf32, #tpu.memory_space<hbm>>
      tpu.wait_indirect_dma semaphore(%arg33 : memref<!tpu.dma_semaphore, #tpu.memory_space<semaphore_mem>>) src(%dma_wait3A_228 : memref<100000x128xf32, #tpu.memory_space<hbm>>) dst(%arg18 : memref<128x128xf32, #tpu.memory_space<vmem>>)
      %parallel_loop3A_229 = arith.constant 0 : i32
      %parallel_loop3A_230 = arith.constant 128 : i32
      %parallel_loop3A_231 = arith.constant 1 : i32
      scf.for %parallel_loop3A_310 = %parallel_loop3A_229 to %parallel_loop3A_230 step %parallel_loop3A_231  : i32 {
        %parallel_loop3A_311 = arith.addi %add3A_219, %parallel_loop3A_310 : i32
        %parallel_loop3A_312 = arith.constant 200 : i32
        %parallel_loop3A_313 = arith.constant 0 : i32
        %parallel_loop3A_314 = arith.cmpi eq, %parallel_loop3A_312, %parallel_loop3A_313 : i32
        %parallel_loop3A_315 = arith.constant 1 : i32
        %parallel_loop3A_316 = arith.select %parallel_loop3A_314, %parallel_loop3A_315, %parallel_loop3A_312 : i32
        %parallel_loop3A_317 = arith.remsi %parallel_loop3A_311, %parallel_loop3A_316 : i32
        %parallel_loop3A_318 = arith.constant 0 : i32
        %parallel_loop3A_319 = arith.cmpi ne, %parallel_loop3A_317, %parallel_loop3A_318 : i32
        %parallel_loop3A_320 = arith.constant 0 : i32
        %parallel_loop3A_321 = arith.cmpi slt, %parallel_loop3A_317, %parallel_loop3A_320 : i32
        %parallel_loop3A_322 = arith.constant 0 : i32
        %parallel_loop3A_323 = arith.cmpi slt, %parallel_loop3A_316, %parallel_loop3A_322 : i32
        %parallel_loop3A_324 = arith.xori %parallel_loop3A_321, %parallel_loop3A_323 : i1
        %parallel_loop3A_325 = arith.andi %parallel_loop3A_324, %parallel_loop3A_319 : i1
        %parallel_loop3A_326 = arith.addi %parallel_loop3A_317, %parallel_loop3A_316 : i32
        %parallel_loop3A_327 = arith.select %parallel_loop3A_325, %parallel_loop3A_326, %parallel_loop3A_317 : i32
        %parallel_loop3A_328 = arith.index_cast %parallel_loop3A_310 : i32 to index
        %parallel_loop3A_329 = tpu.vector_load %arg23[%parallel_loop3A_328] {strides = array<i32>} : memref<144xf32, #tpu.memory_space<vmem>>, vector<16xf32>,
        %parallel_loop3A_330 = vector.extract_strided_slice %parallel_loop3A_329 {offsets = [0], sizes = [1], strides = [1]} : vector<16xf32> to vector<1xf32>
        %parallel_loop3A_331 = vector.extract %parallel_loop3A_330[0] : f32 from vector<1xf32>
        %parallel_loop3A_332 = vector.broadcast %parallel_loop3A_331 : f32 to vector<16xf32>
        %parallel_loop3A_333 = arith.index_cast %parallel_loop3A_310 : i32 to index
        %parallel_loop3A_334 = arith.constant 0 : index
        %parallel_loop3A_335 = tpu.vector_load %arg18[%parallel_loop3A_333, %parallel_loop3A_334] {strides = array<i32>} : memref<128x128xf32, #tpu.memory_space<vmem>>, vector<16xf32>,
        %parallel_loop3A_336 = arith.index_cast %parallel_loop3A_327 : i32 to index
        %parallel_loop3A_337 = arith.constant 0 : index
        %parallel_loop3A_338 = tpu.vector_load %arg26[%parallel_loop3A_336, %parallel_loop3A_337] {strides = array<i32>} : memref<200x128xf32, #tpu.memory_space<vmem>>, vector<16xf32>,
        %parallel_loop3A_339 = arith.addf %parallel_loop3A_335, %parallel_loop3A_338 : vector<16xf32>
        %parallel_loop3A_340 = arith.mulf %parallel_loop3A_332, %get3A_3 : vector<16xf32>
        %parallel_loop3A_341 = arith.addf %parallel_loop3A_339, %parallel_loop3A_340 : vector<16xf32>
        %parallel_loop3A_342 = arith.mulf %parallel_loop3A_341, %parallel_loop3A_341 : vector<16xf32>
        %parallel_loop3A_343 = arith.index_cast %parallel_loop3A_310 : i32 to index
        %parallel_loop3A_344 = arith.constant 16 : index
        %parallel_loop3A_345 = tpu.vector_load %arg18[%parallel_loop3A_343, %parallel_loop3A_344] {strides = array<i32>} : memref<128x128xf32, #tpu.memory_space<vmem>>, vector<16xf32>,
        %parallel_loop3A_346 = arith.index_cast %parallel_loop3A_327 : i32 to index
        %parallel_loop3A_347 = arith.constant 16 : index
        %parallel_loop3A_348 = tpu.vector_load %arg26[%parallel_loop3A_346, %parallel_loop3A_347] {strides = array<i32>} : memref<200x128xf32, #tpu.memory_space<vmem>>, vector<16xf32>,
        %parallel_loop3A_349 = arith.addf %parallel_loop3A_345, %parallel_loop3A_348 : vector<16xf32>
        %parallel_loop3A_350 = arith.mulf %parallel_loop3A_332, %get3A_5 : vector<16xf32>
        %parallel_loop3A_351 = arith.addf %parallel_loop3A_349, %parallel_loop3A_350 : vector<16xf32>
        %parallel_loop3A_352 = arith.addf %parallel_loop3A_341, %parallel_loop3A_351 : vector<16xf32>
        %parallel_loop3A_353 = arith.mulf %parallel_loop3A_351, %parallel_loop3A_351 : vector<16xf32>
        %parallel_loop3A_354 = arith.addf %parallel_loop3A_342, %parallel_loop3A_353 : vector<16xf32>
        %parallel_loop3A_355 = arith.index_cast %parallel_loop3A_310 : i32 to index
        %parallel_loop3A_356 = arith.constant 32 : index
        %parallel_loop3A_357 = tpu.vector_load %arg18[%parallel_loop3A_355, %parallel_loop3A_356] {strides = array<i32>} : memref<128x128xf32, #tpu.memory_space<vmem>>, vector<16xf32>,
        %parallel_loop3A_358 = arith.index_cast %parallel_loop3A_327 : i32 to index
        %parallel_loop3A_359 = arith.constant 32 : index
        %parallel_loop3A_360 = tpu.vector_load %arg26[%parallel_loop3A_358, %parallel_loop3A_359] {strides = array<i32>} : memref<200x128xf32, #tpu.memory_space<vmem>>, vector<16xf32>,
        %parallel_loop3A_361 = arith.addf %parallel_loop3A_357, %parallel_loop3A_360 : vector<16xf32>
        %parallel_loop3A_362 = arith.mulf %parallel_loop3A_332, %get3A_7 : vector<16xf32>
        %parallel_loop3A_363 = arith.addf %parallel_loop3A_361, %parallel_loop3A_362 : vector<16xf32>
        %parallel_loop3A_364 = arith.addf %parallel_loop3A_352, %parallel_loop3A_363 : vector<16xf32>
        %parallel_loop3A_365 = arith.mulf %parallel_loop3A_363, %parallel_loop3A_363 : vector<16xf32>
        %parallel_loop3A_366 = arith.addf %parallel_loop3A_354, %parallel_loop3A_365 : vector<16xf32>
        %parallel_loop3A_367 = arith.index_cast %parallel_loop3A_310 : i32 to index
        %parallel_loop3A_368 = arith.constant 48 : index
        %parallel_loop3A_369 = tpu.vector_load %arg18[%parallel_loop3A_367, %parallel_loop3A_368] {strides = array<i32>} : memref<128x128xf32, #tpu.memory_space<vmem>>, vector<16xf32>,
        %parallel_loop3A_370 = arith.index_cast %parallel_loop3A_327 : i32 to index
        %parallel_loop3A_371 = arith.constant 48 : index
        %parallel_loop3A_372 = tpu.vector_load %arg26[%parallel_loop3A_370, %parallel_loop3A_371] {strides = array<i32>} : memref<200x128xf32, #tpu.memory_space<vmem>>, vector<16xf32>,
        %parallel_loop3A_373 = arith.addf %parallel_loop3A_369, %parallel_loop3A_372 : vector<16xf32>
        %parallel_loop3A_374 = arith.mulf %parallel_loop3A_332, %get3A_9 : vector<16xf32>
        %parallel_loop3A_375 = arith.addf %parallel_loop3A_373, %parallel_loop3A_374 : vector<16xf32>
        %parallel_loop3A_376 = arith.addf %parallel_loop3A_364, %parallel_loop3A_375 : vector<16xf32>
        %parallel_loop3A_377 = arith.mulf %parallel_loop3A_375, %parallel_loop3A_375 : vector<16xf32>
        %parallel_loop3A_378 = arith.addf %parallel_loop3A_366, %parallel_loop3A_377 : vector<16xf32>
        %parallel_loop3A_379 = arith.index_cast %parallel_loop3A_310 : i32 to index
        %parallel_loop3A_380 = arith.constant 64 : index
        %parallel_loop3A_381 = tpu.vector_load %arg18[%parallel_loop3A_379, %parallel_loop3A_380] {strides = array<i32>} : memref<128x128xf32, #tpu.memory_space<vmem>>, vector<16xf32>,
        %parallel_loop3A_382 = arith.index_cast %parallel_loop3A_327 : i32 to index
        %parallel_loop3A_383 = arith.constant 64 : index
        %parallel_loop3A_384 = tpu.vector_load %arg26[%parallel_loop3A_382, %parallel_loop3A_383] {strides = array<i32>} : memref<200x128xf32, #tpu.memory_space<vmem>>, vector<16xf32>,
        %parallel_loop3A_385 = arith.addf %parallel_loop3A_381, %parallel_loop3A_384 : vector<16xf32>
        %parallel_loop3A_386 = arith.mulf %parallel_loop3A_332, %get3A_11 : vector<16xf32>
        %parallel_loop3A_387 = arith.addf %parallel_loop3A_385, %parallel_loop3A_386 : vector<16xf32>
        %parallel_loop3A_388 = arith.addf %parallel_loop3A_376, %parallel_loop3A_387 : vector<16xf32>
        %parallel_loop3A_389 = arith.mulf %parallel_loop3A_387, %parallel_loop3A_387 : vector<16xf32>
        %parallel_loop3A_390 = arith.addf %parallel_loop3A_378, %parallel_loop3A_389 : vector<16xf32>
        %parallel_loop3A_391 = arith.index_cast %parallel_loop3A_310 : i32 to index
        %parallel_loop3A_392 = arith.constant 80 : index
        %parallel_loop3A_393 = tpu.vector_load %arg18[%parallel_loop3A_391, %parallel_loop3A_392] {strides = array<i32>} : memref<128x128xf32, #tpu.memory_space<vmem>>, vector<16xf32>,
        %parallel_loop3A_394 = arith.index_cast %parallel_loop3A_327 : i32 to index
        %parallel_loop3A_395 = arith.constant 80 : index
        %parallel_loop3A_396 = tpu.vector_load %arg26[%parallel_loop3A_394, %parallel_loop3A_395] {strides = array<i32>} : memref<200x128xf32, #tpu.memory_space<vmem>>, vector<16xf32>,
        %parallel_loop3A_397 = arith.addf %parallel_loop3A_393, %parallel_loop3A_396 : vector<16xf32>
        %parallel_loop3A_398 = arith.mulf %parallel_loop3A_332, %get3A_13 : vector<16xf32>
        %parallel_loop3A_399 = arith.addf %parallel_loop3A_397, %parallel_loop3A_398 : vector<16xf32>
        %parallel_loop3A_400 = arith.addf %parallel_loop3A_388, %parallel_loop3A_399 : vector<16xf32>
        %parallel_loop3A_401 = arith.mulf %parallel_loop3A_399, %parallel_loop3A_399 : vector<16xf32>
        %parallel_loop3A_402 = arith.addf %parallel_loop3A_390, %parallel_loop3A_401 : vector<16xf32>
        %parallel_loop3A_403 = arith.index_cast %parallel_loop3A_310 : i32 to index
        %parallel_loop3A_404 = arith.constant 96 : index
        %parallel_loop3A_405 = tpu.vector_load %arg18[%parallel_loop3A_403, %parallel_loop3A_404] {strides = array<i32>} : memref<128x128xf32, #tpu.memory_space<vmem>>, vector<16xf32>,
        %parallel_loop3A_406 = arith.index_cast %parallel_loop3A_327 : i32 to index
        %parallel_loop3A_407 = arith.constant 96 : index
        %parallel_loop3A_408 = tpu.vector_load %arg26[%parallel_loop3A_406, %parallel_loop3A_407] {strides = array<i32>} : memref<200x128xf32, #tpu.memory_space<vmem>>, vector<16xf32>,
        %parallel_loop3A_409 = arith.addf %parallel_loop3A_405, %parallel_loop3A_408 : vector<16xf32>
        %parallel_loop3A_410 = arith.mulf %parallel_loop3A_332, %get3A_15 : vector<16xf32>
        %parallel_loop3A_411 = arith.addf %parallel_loop3A_409, %parallel_loop3A_410 : vector<16xf32>
        %parallel_loop3A_412 = arith.addf %parallel_loop3A_400, %parallel_loop3A_411 : vector<16xf32>
        %parallel_loop3A_413 = arith.mulf %parallel_loop3A_411, %parallel_loop3A_411 : vector<16xf32>
        %parallel_loop3A_414 = arith.addf %parallel_loop3A_402, %parallel_loop3A_413 : vector<16xf32>
        %parallel_loop3A_415 = arith.index_cast %parallel_loop3A_310 : i32 to index
        %parallel_loop3A_416 = arith.constant 112 : index
        %parallel_loop3A_417 = tpu.vector_load %arg18[%parallel_loop3A_415, %parallel_loop3A_416] {strides = array<i32>} : memref<128x128xf32, #tpu.memory_space<vmem>>, vector<16xf32>,
        %parallel_loop3A_418 = arith.index_cast %parallel_loop3A_327 : i32 to index
        %parallel_loop3A_419 = arith.constant 112 : index
        %parallel_loop3A_420 = tpu.vector_load %arg26[%parallel_loop3A_418, %parallel_loop3A_419] {strides = array<i32>} : memref<200x128xf32, #tpu.memory_space<vmem>>, vector<16xf32>,
        %parallel_loop3A_421 = arith.addf %parallel_loop3A_417, %parallel_loop3A_420 : vector<16xf32>
        %parallel_loop3A_422 = arith.mulf %parallel_loop3A_332, %get3A_17 : vector<16xf32>
        %parallel_loop3A_423 = arith.addf %parallel_loop3A_421, %parallel_loop3A_422 : vector<16xf32>
        %parallel_loop3A_424 = arith.addf %parallel_loop3A_412, %parallel_loop3A_423 : vector<16xf32>
        %parallel_loop3A_425 = arith.mulf %parallel_loop3A_423, %parallel_loop3A_423 : vector<16xf32>
        %parallel_loop3A_426 = arith.addf %parallel_loop3A_414, %parallel_loop3A_425 : vector<16xf32>
        %parallel_loop3A_427 = arith.constant true
        %parallel_loop3A_428 = vector.broadcast %parallel_loop3A_427 : i1 to vector<16xi1>
        %parallel_loop3A_429 = tpu.scan <sum>, %parallel_loop3A_424 masked %parallel_loop3A_428 : vector<16xf32>, vector<16xi1> -> vector<16xf32>
        %parallel_loop3A_430 = vector.extract %parallel_loop3A_429[15] : f32 from vector<16xf32>
        %parallel_loop3A_431 = arith.constant 7.812500e-03 : f32
        %parallel_loop3A_432 = arith.mulf %parallel_loop3A_430, %parallel_loop3A_431 : f32
        %parallel_loop3A_433 = arith.constant true
        %parallel_loop3A_434 = vector.broadcast %parallel_loop3A_433 : i1 to vector<16xi1>
        %parallel_loop3A_435 = tpu.scan <sum>, %parallel_loop3A_426 masked %parallel_loop3A_434 : vector<16xf32>, vector<16xi1> -> vector<16xf32>
        %parallel_loop3A_436 = vector.extract %parallel_loop3A_435[15] : f32 from vector<16xf32>
        %parallel_loop3A_437 = arith.constant 7.812500e-03 : f32
        %parallel_loop3A_438 = arith.mulf %parallel_loop3A_436, %parallel_loop3A_437 : f32
        %parallel_loop3A_439 = arith.mulf %parallel_loop3A_432, %parallel_loop3A_432 : f32
        %parallel_loop3A_440 = arith.subf %parallel_loop3A_438, %parallel_loop3A_439 : f32
        %parallel_loop3A_441 = arith.constant 9.99999996E-13 : f32
        %parallel_loop3A_442 = arith.addf %parallel_loop3A_440, %parallel_loop3A_441 : f32
        %parallel_loop3A_443 = arith.bitcast %parallel_loop3A_442 : f32 to i32
        %parallel_loop3A_444 = arith.constant 1 : i32
        %parallel_loop3A_445 = arith.shrsi %parallel_loop3A_443, %parallel_loop3A_444 : i32
        %parallel_loop3A_446 = arith.constant 1597463007 : i32
        %parallel_loop3A_447 = arith.subi %parallel_loop3A_446, %parallel_loop3A_445 : i32
        %parallel_loop3A_448 = arith.bitcast %parallel_loop3A_447 : i32 to f32
        %parallel_loop3A_449 = arith.constant 5.000000e-01 : f32
        %parallel_loop3A_450 = arith.mulf %parallel_loop3A_449, %parallel_loop3A_442 : f32
        %parallel_loop3A_451 = arith.mulf %parallel_loop3A_450, %parallel_loop3A_448 : f32
        %parallel_loop3A_452 = arith.mulf %parallel_loop3A_451, %parallel_loop3A_448 : f32
        %parallel_loop3A_453 = arith.constant 1.500000e+00 : f32
        %parallel_loop3A_454 = arith.subf %parallel_loop3A_453, %parallel_loop3A_452 : f32
        %parallel_loop3A_455 = arith.mulf %parallel_loop3A_448, %parallel_loop3A_454 : f32
        %parallel_loop3A_456 = arith.constant 5.000000e-01 : f32
        %parallel_loop3A_457 = arith.mulf %parallel_loop3A_456, %parallel_loop3A_442 : f32
        %parallel_loop3A_458 = arith.mulf %parallel_loop3A_457, %parallel_loop3A_455 : f32
        %parallel_loop3A_459 = arith.mulf %parallel_loop3A_458, %parallel_loop3A_455 : f32
        %parallel_loop3A_460 = arith.constant 1.500000e+00 : f32
        %parallel_loop3A_461 = arith.subf %parallel_loop3A_460, %parallel_loop3A_459 : f32
        %parallel_loop3A_462 = arith.mulf %parallel_loop3A_455, %parallel_loop3A_461 : f32
        %parallel_loop3A_463 = arith.constant 5.000000e-01 : f32
        %parallel_loop3A_464 = arith.mulf %parallel_loop3A_463, %parallel_loop3A_442 : f32
        %parallel_loop3A_465 = arith.mulf %parallel_loop3A_464, %parallel_loop3A_462 : f32
        %parallel_loop3A_466 = arith.mulf %parallel_loop3A_465, %parallel_loop3A_462 : f32
        %parallel_loop3A_467 = arith.constant 1.500000e+00 : f32
        %parallel_loop3A_468 = arith.subf %parallel_loop3A_467, %parallel_loop3A_466 : f32
        %parallel_loop3A_469 = arith.mulf %parallel_loop3A_462, %parallel_loop3A_468 : f32
        %parallel_loop3A_470 = vector.broadcast %parallel_loop3A_432 : f32 to vector<16xf32>
        %parallel_loop3A_471 = vector.broadcast %parallel_loop3A_469 : f32 to vector<16xf32>
        %parallel_loop3A_472 = arith.subf %parallel_loop3A_341, %parallel_loop3A_470 : vector<16xf32>
        %parallel_loop3A_473 = arith.mulf %parallel_loop3A_472, %parallel_loop3A_471 : vector<16xf32>
        %parallel_loop3A_474 = arith.mulf %parallel_loop3A_473, %get3A_35 : vector<16xf32>
        %parallel_loop3A_475 = arith.addf %parallel_loop3A_474, %get3A_51 : vector<16xf32>
        %parallel_loop3A_476 = arith.index_cast %parallel_loop3A_310 : i32 to index
        %parallel_loop3A_477 = arith.constant 0 : index
        %parallel_loop3A_478 = tpu.vector_load %arg18[%parallel_loop3A_476, %parallel_loop3A_477] {strides = array<i32>} : memref<128x128xf32, #tpu.memory_space<vmem>>, vector<16xf32>,
        tpu.vector_store %arg18[%parallel_loop3A_476, %parallel_loop3A_477], %parallel_loop3A_475 {strides = array<i32>} : memref<128x128xf32, #tpu.memory_space<vmem>>, vector<16xf32>,
        %parallel_loop3A_479 = arith.subf %parallel_loop3A_351, %parallel_loop3A_470 : vector<16xf32>
        %parallel_loop3A_480 = arith.mulf %parallel_loop3A_479, %parallel_loop3A_471 : vector<16xf32>
        %parallel_loop3A_481 = arith.mulf %parallel_loop3A_480, %get3A_37 : vector<16xf32>
        %parallel_loop3A_482 = arith.addf %parallel_loop3A_481, %get3A_53 : vector<16xf32>
        %parallel_loop3A_483 = arith.index_cast %parallel_loop3A_310 : i32 to index
        %parallel_loop3A_484 = arith.constant 16 : index
        %parallel_loop3A_485 = tpu.vector_load %arg18[%parallel_loop3A_483, %parallel_loop3A_484] {strides = array<i32>} : memref<128x128xf32, #tpu.memory_space<vmem>>, vector<16xf32>,
        tpu.vector_store %arg18[%parallel_loop3A_483, %parallel_loop3A_484], %parallel_loop3A_482 {strides = array<i32>} : memref<128x128xf32, #tpu.memory_space<vmem>>, vector<16xf32>,
        %parallel_loop3A_486 = arith.subf %parallel_loop3A_363, %parallel_loop3A_470 : vector<16xf32>
        %parallel_loop3A_487 = arith.mulf %parallel_loop3A_486, %parallel_loop3A_471 : vector<16xf32>
        %parallel_loop3A_488 = arith.mulf %parallel_loop3A_487, %get3A_39 : vector<16xf32>
        %parallel_loop3A_489 = arith.addf %parallel_loop3A_488, %get3A_55 : vector<16xf32>
        %parallel_loop3A_490 = arith.index_cast %parallel_loop3A_310 : i32 to index
        %parallel_loop3A_491 = arith.constant 32 : index
        %parallel_loop3A_492 = tpu.vector_load %arg18[%parallel_loop3A_490, %parallel_loop3A_491] {strides = array<i32>} : memref<128x128xf32, #tpu.memory_space<vmem>>, vector<16xf32>,
        tpu.vector_store %arg18[%parallel_loop3A_490, %parallel_loop3A_491], %parallel_loop3A_489 {strides = array<i32>} : memref<128x128xf32, #tpu.memory_space<vmem>>, vector<16xf32>,
        %parallel_loop3A_493 = arith.subf %parallel_loop3A_375, %parallel_loop3A_470 : vector<16xf32>
        %parallel_loop3A_494 = arith.mulf %parallel_loop3A_493, %parallel_loop3A_471 : vector<16xf32>
        %parallel_loop3A_495 = arith.mulf %parallel_loop3A_494, %get3A_41 : vector<16xf32>
        %parallel_loop3A_496 = arith.addf %parallel_loop3A_495, %get3A_57 : vector<16xf32>
        %parallel_loop3A_497 = arith.index_cast %parallel_loop3A_310 : i32 to index
        %parallel_loop3A_498 = arith.constant 48 : index
        %parallel_loop3A_499 = tpu.vector_load %arg18[%parallel_loop3A_497, %parallel_loop3A_498] {strides = array<i32>} : memref<128x128xf32, #tpu.memory_space<vmem>>, vector<16xf32>,
        tpu.vector_store %arg18[%parallel_loop3A_497, %parallel_loop3A_498], %parallel_loop3A_496 {strides = array<i32>} : memref<128x128xf32, #tpu.memory_space<vmem>>, vector<16xf32>,
        %parallel_loop3A_500 = arith.subf %parallel_loop3A_387, %parallel_loop3A_470 : vector<16xf32>
        %parallel_loop3A_501 = arith.mulf %parallel_loop3A_500, %parallel_loop3A_471 : vector<16xf32>
        %parallel_loop3A_502 = arith.mulf %parallel_loop3A_501, %get3A_43 : vector<16xf32>
        %parallel_loop3A_503 = arith.addf %parallel_loop3A_502, %get3A_59 : vector<16xf32>
        %parallel_loop3A_504 = arith.index_cast %parallel_loop3A_310 : i32 to index
        %parallel_loop3A_505 = arith.constant 64 : index
        %parallel_loop3A_506 = tpu.vector_load %arg18[%parallel_loop3A_504, %parallel_loop3A_505] {strides = array<i32>} : memref<128x128xf32, #tpu.memory_space<vmem>>, vector<16xf32>,
        tpu.vector_store %arg18[%parallel_loop3A_504, %parallel_loop3A_505], %parallel_loop3A_503 {strides = array<i32>} : memref<128x128xf32, #tpu.memory_space<vmem>>, vector<16xf32>,
        %parallel_loop3A_507 = arith.subf %parallel_loop3A_399, %parallel_loop3A_470 : vector<16xf32>
        %parallel_loop3A_508 = arith.mulf %parallel_loop3A_507, %parallel_loop3A_471 : vector<16xf32>
        %parallel_loop3A_509 = arith.mulf %parallel_loop3A_508, %get3A_45 : vector<16xf32>
        %parallel_loop3A_510 = arith.addf %parallel_loop3A_509, %get3A_61 : vector<16xf32>
        %parallel_loop3A_511 = arith.index_cast %parallel_loop3A_310 : i32 to index
        %parallel_loop3A_512 = arith.constant 80 : index
        %parallel_loop3A_513 = tpu.vector_load %arg18[%parallel_loop3A_511, %parallel_loop3A_512] {strides = array<i32>} : memref<128x128xf32, #tpu.memory_space<vmem>>, vector<16xf32>,
        tpu.vector_store %arg18[%parallel_loop3A_511, %parallel_loop3A_512], %parallel_loop3A_510 {strides = array<i32>} : memref<128x128xf32, #tpu.memory_space<vmem>>, vector<16xf32>,
        %parallel_loop3A_514 = arith.subf %parallel_loop3A_411, %parallel_loop3A_470 : vector<16xf32>
        %parallel_loop3A_515 = arith.mulf %parallel_loop3A_514, %parallel_loop3A_471 : vector<16xf32>
        %parallel_loop3A_516 = arith.mulf %parallel_loop3A_515, %get3A_47 : vector<16xf32>
        %parallel_loop3A_517 = arith.addf %parallel_loop3A_516, %get3A_63 : vector<16xf32>
        %parallel_loop3A_518 = arith.index_cast %parallel_loop3A_310 : i32 to index
        %parallel_loop3A_519 = arith.constant 96 : index
        %parallel_loop3A_520 = tpu.vector_load %arg18[%parallel_loop3A_518, %parallel_loop3A_519] {strides = array<i32>} : memref<128x128xf32, #tpu.memory_space<vmem>>, vector<16xf32>,
        tpu.vector_store %arg18[%parallel_loop3A_518, %parallel_loop3A_519], %parallel_loop3A_517 {strides = array<i32>} : memref<128x128xf32, #tpu.memory_space<vmem>>, vector<16xf32>,
        %parallel_loop3A_521 = arith.subf %parallel_loop3A_423, %parallel_loop3A_470 : vector<16xf32>
        %parallel_loop3A_522 = arith.mulf %parallel_loop3A_521, %parallel_loop3A_471 : vector<16xf32>
        %parallel_loop3A_523 = arith.mulf %parallel_loop3A_522, %get3A_49 : vector<16xf32>
        %parallel_loop3A_524 = arith.addf %parallel_loop3A_523, %get3A_65 : vector<16xf32>
        %parallel_loop3A_525 = arith.index_cast %parallel_loop3A_310 : i32 to index
        %parallel_loop3A_526 = arith.constant 112 : index
        %parallel_loop3A_527 = tpu.vector_load %arg18[%parallel_loop3A_525, %parallel_loop3A_526] {strides = array<i32>} : memref<128x128xf32, #tpu.memory_space<vmem>>, vector<16xf32>,
        tpu.vector_store %arg18[%parallel_loop3A_525, %parallel_loop3A_526], %parallel_loop3A_524 {strides = array<i32>} : memref<128x128xf32, #tpu.memory_space<vmem>>, vector<16xf32>,
      } {sc.loop_unroll_factor = 8 : i64, sc.parallel_access}
      %dma_start3A_232 = arith.constant 0 : i32
      %dma_start3A_233 = tpu.memref_slice %arg10[%add3A_219, %dma_start3A_232] : memref<204800x128xf32, #tpu.memory_space<hbm>> -> memref<128x128xf32, #tpu.memory_space<hbm>>
      %dma_start3A_234 = arith.constant 0 : i32
      %dma_start3A_235 = tpu.memref_slice %arg10[%add3A_219, %dma_start3A_234] : memref<204800x128xf32, #tpu.memory_space<hbm>> -> memref<128x128xf32, #tpu.memory_space<hbm>>
      tpu.enqueue_dma source(%arg18 : memref<128x128xf32, #tpu.memory_space<vmem>>) target(%dma_start3A_235 : memref<128x128xf32, #tpu.memory_space<hbm>>) target_semaphore(%arg38 : memref<!tpu.dma_semaphore, #tpu.memory_space<semaphore_mem>>)
      %mul3A_236 = arith.constant 5 : i32
      %mul3A_237 = arith.muli %scan3A_127, %mul3A_236 : i32
      %add3A_238 = arith.constant 3 : i32
      %add3A_239 = arith.addi %mul3A_237, %add3A_238 : i32
      %add3A_240 = arith.constant 2 : i32
      %add3A_241 = arith.addi %add3A_239, %add3A_240 : i32
      %lt3A_242 = arith.constant 50 : i32
      %lt3A_243 = arith.cmpi slt, %add3A_241, %lt3A_242 : i32
      %convert_element_type3A_244 = arith.extui %lt3A_243 : i1 to i32
      %cond3A_245 = arith.constant 0 : i32
      %cond3A_246 = arith.cmpi ne, %convert_element_type3A_244, %cond3A_245 : i32
      scf.if %cond3A_246 {
        %add3A_310 = arith.constant 2 : i32
        %add3A_311 = arith.addi %add3A_239, %add3A_310 : i32
        %mul3A_312 = arith.constant 128 : i32
        %mul3A_313 = arith.muli %add3A_311, %mul3A_312 : i32
        %add3A_314 = arith.addi %mul3A_2, %mul3A_313 : i32
        %dma_start3A_315 = tpu.memref_slice %arg2[%add3A_314] : memref<204800xi32, #tpu.memory_space<hbm>> -> memref<128xi32, #tpu.memory_space<hbm>>
        %dma_start3A_316 = tpu.memref_slice %arg2[%add3A_314] : memref<204800xi32, #tpu.memory_space<hbm>> -> memref<128xi32, #tpu.memory_space<hbm>>
        tpu.enqueue_dma source(%dma_start3A_316 : memref<128xi32, #tpu.memory_space<hbm>>) target(%arg11 : memref<128xi32, #tpu.memory_space<vmem>>) target_semaphore(%arg41 : memref<!tpu.dma_semaphore, #tpu.memory_space<semaphore_mem>>)
        %dma_start3A_317 = arith.constant 0 : i32
        %dma_start3A_318 = tpu.memref_slice %arg21[%dma_start3A_317] : memref<144xf32, #tpu.memory_space<vmem>> -> memref<128xf32, #tpu.memory_space<vmem>>
        %dma_start3A_319 = tpu.memref_slice %arg3[%add3A_314] : memref<204800xf32, #tpu.memory_space<hbm>> -> memref<128xf32, #tpu.memory_space<hbm>>
        %dma_start3A_320 = arith.constant 0 : i32
        %dma_start3A_321 = tpu.memref_slice %arg21[%dma_start3A_320] : memref<144xf32, #tpu.memory_space<vmem>> -> memref<128xf32, #tpu.memory_space<vmem>>
        %dma_start3A_322 = tpu.memref_slice %arg3[%add3A_314] : memref<204800xf32, #tpu.memory_space<hbm>> -> memref<128xf32, #tpu.memory_space<hbm>>
        tpu.enqueue_dma source(%dma_start3A_322 : memref<128xf32, #tpu.memory_space<hbm>>) target(%dma_start3A_321 : memref<128xf32, #tpu.memory_space<vmem>>) target_semaphore(%arg46 : memref<!tpu.dma_semaphore, #tpu.memory_space<semaphore_mem>>)
      } else {
      }
      %add3A_247 = arith.constant 1 : i32
      %add3A_248 = arith.addi %add3A_239, %add3A_247 : i32
      %lt3A_249 = arith.constant 50 : i32
      %lt3A_250 = arith.cmpi slt, %add3A_248, %lt3A_249 : i32
      %convert_element_type3A_251 = arith.extui %lt3A_250 : i1 to i32
      %cond3A_252 = arith.constant 0 : i32
      %cond3A_253 = arith.cmpi ne, %convert_element_type3A_251, %cond3A_252 : i32
      scf.if %cond3A_253 {
        %add3A_310 = arith.constant 1 : i32
        %add3A_311 = arith.addi %add3A_239, %add3A_310 : i32
        %mul3A_312 = arith.constant 128 : i32
        %mul3A_313 = arith.muli %add3A_311, %mul3A_312 : i32
        %add3A_314 = arith.addi %mul3A_2, %mul3A_313 : i32
        %dma_wait3A_315 = tpu.memref_slice %arg2[%add3A_314] : memref<204800xi32, #tpu.memory_space<hbm>> -> memref<128xi32, #tpu.memory_space<hbm>>
        %dma_wait3A_316 = tpu.memref_slice %arg2[%add3A_314] : memref<204800xi32, #tpu.memory_space<hbm>> -> memref<128xi32, #tpu.memory_space<hbm>>
        tpu.wait_dma2 semaphore(%arg45 : memref<!tpu.dma_semaphore, #tpu.memory_space<semaphore_mem>>) src(%dma_wait3A_316 : memref<128xi32, #tpu.memory_space<hbm>>) dst(%arg15 : memref<128xi32, #tpu.memory_space<vmem>>)
        %ge3A = arith.constant 5 : i32
        %ge3A_317 = arith.cmpi sge, %add3A_311, %ge3A : i32
        %convert_element_type3A_318 = arith.extui %ge3A_317 : i1 to i32
        %cond3A_319 = arith.constant 0 : i32
        %cond3A_320 = arith.cmpi ne, %convert_element_type3A_318, %cond3A_319 : i32
        scf.if %cond3A_320 {
          %sub3A = arith.constant 5 : i32
          %sub3A_324 = arith.subi %add3A_311, %sub3A : i32
          %mul3A_325 = arith.constant 128 : i32
          %mul3A_326 = arith.muli %sub3A_324, %mul3A_325 : i32
          %add3A_327 = arith.addi %mul3A_2, %mul3A_326 : i32
          %dma_wait3A_328 = arith.constant 0 : i32
          %dma_wait3A_329 = tpu.memref_slice %arg10[%add3A_327, %dma_wait3A_328] : memref<204800x128xf32, #tpu.memory_space<hbm>> -> memref<128x128xf32, #tpu.memory_space<hbm>>
          %dma_wait3A_330 = arith.constant 0 : i32
          %dma_wait3A_331 = tpu.memref_slice %arg10[%add3A_327, %dma_wait3A_330] : memref<204800x128xf32, #tpu.memory_space<hbm>> -> memref<128x128xf32, #tpu.memory_space<hbm>>
          tpu.wait_dma2 semaphore(%arg40 : memref<!tpu.dma_semaphore, #tpu.memory_space<semaphore_mem>>) src(%arg20 : memref<128x128xf32, #tpu.memory_space<vmem>>) dst(%dma_wait3A_331 : memref<128x128xf32, #tpu.memory_space<hbm>>)
        } else {
        }
        %dma_start3A_321 = arith.constant 0 : i32
        %dma_start3A_322 = arith.constant 0 : i32
        %dma_start3A_323 = tpu.memref_slice %arg4[%dma_start3A_321, %dma_start3A_322] : memref<100000x128xf32, #tpu.memory_space<hbm>> -> memref<100000x128xf32, #tpu.memory_space<hbm>>
        tpu.enqueue_indirect_dma source(%dma_start3A_323 : memref<100000x128xf32, #tpu.memory_space<hbm>>) target(%arg20 : memref<128x128xf32, #tpu.memory_space<vmem>>) offsets(%arg15 : memref<128xi32, #tpu.memory_space<vmem>>) semaphore(%arg35 : memref<!tpu.dma_semaphore, #tpu.memory_space<semaphore_mem>>)
      } else {
      }
      %mul3A_254 = arith.constant 128 : i32
      %mul3A_255 = arith.muli %add3A_239, %mul3A_254 : i32
      %add3A_256 = arith.addi %mul3A_2, %mul3A_255 : i32
      %dma_wait3A_257 = arith.constant 0 : i32
      %dma_wait3A_258 = tpu.memref_slice %arg24[%dma_wait3A_257] : memref<144xf32, #tpu.memory_space<vmem>> -> memref<128xf32, #tpu.memory_space<vmem>>
      %dma_wait3A_259 = tpu.memref_slice %arg3[%add3A_256] : memref<204800xf32, #tpu.memory_space<hbm>> -> memref<128xf32, #tpu.memory_space<hbm>>
      %dma_wait3A_260 = arith.constant 0 : i32
      %dma_wait3A_261 = tpu.memref_slice %arg24[%dma_wait3A_260] : memref<144xf32, #tpu.memory_space<vmem>> -> memref<128xf32, #tpu.memory_space<vmem>>
      %dma_wait3A_262 = tpu.memref_slice %arg3[%add3A_256] : memref<204800xf32, #tpu.memory_space<hbm>> -> memref<128xf32, #tpu.memory_space<hbm>>
      tpu.wait_dma2 semaphore(%arg49 : memref<!tpu.dma_semaphore, #tpu.memory_space<semaphore_mem>>) src(%dma_wait3A_262 : memref<128xf32, #tpu.memory_space<hbm>>) dst(%dma_wait3A_261 : memref<128xf32, #tpu.memory_space<vmem>>)
      %dma_wait3A_263 = arith.constant 0 : i32
      %dma_wait3A_264 = arith.constant 0 : i32
      %dma_wait3A_265 = tpu.memref_slice %arg4[%dma_wait3A_263, %dma_wait3A_264] : memref<100000x128xf32, #tpu.memory_space<hbm>> -> memref<100000x128xf32, #tpu.memory_space<hbm>>
      tpu.wait_indirect_dma semaphore(%arg34 : memref<!tpu.dma_semaphore, #tpu.memory_space<semaphore_mem>>) src(%dma_wait3A_265 : memref<100000x128xf32, #tpu.memory_space<hbm>>) dst(%arg19 : memref<128x128xf32, #tpu.memory_space<vmem>>)
      %parallel_loop3A_266 = arith.constant 0 : i32
      %parallel_loop3A_267 = arith.constant 128 : i32
      %parallel_loop3A_268 = arith.constant 1 : i32
      scf.for %parallel_loop3A_310 = %parallel_loop3A_266 to %parallel_loop3A_267 step %parallel_loop3A_268  : i32 {
        %parallel_loop3A_311 = arith.addi %add3A_256, %parallel_loop3A_310 : i32
        %parallel_loop3A_312 = arith.constant 200 : i32
        %parallel_loop3A_313 = arith.constant 0 : i32
        %parallel_loop3A_314 = arith.cmpi eq, %parallel_loop3A_312, %parallel_loop3A_313 : i32
        %parallel_loop3A_315 = arith.constant 1 : i32
        %parallel_loop3A_316 = arith.select %parallel_loop3A_314, %parallel_loop3A_315, %parallel_loop3A_312 : i32
        %parallel_loop3A_317 = arith.remsi %parallel_loop3A_311, %parallel_loop3A_316 : i32
        %parallel_loop3A_318 = arith.constant 0 : i32
        %parallel_loop3A_319 = arith.cmpi ne, %parallel_loop3A_317, %parallel_loop3A_318 : i32
        %parallel_loop3A_320 = arith.constant 0 : i32
        %parallel_loop3A_321 = arith.cmpi slt, %parallel_loop3A_317, %parallel_loop3A_320 : i32
        %parallel_loop3A_322 = arith.constant 0 : i32
        %parallel_loop3A_323 = arith.cmpi slt, %parallel_loop3A_316, %parallel_loop3A_322 : i32
        %parallel_loop3A_324 = arith.xori %parallel_loop3A_321, %parallel_loop3A_323 : i1
        %parallel_loop3A_325 = arith.andi %parallel_loop3A_324, %parallel_loop3A_319 : i1
        %parallel_loop3A_326 = arith.addi %parallel_loop3A_317, %parallel_loop3A_316 : i32
        %parallel_loop3A_327 = arith.select %parallel_loop3A_325, %parallel_loop3A_326, %parallel_loop3A_317 : i32
        %parallel_loop3A_328 = arith.index_cast %parallel_loop3A_310 : i32 to index
        %parallel_loop3A_329 = tpu.vector_load %arg24[%parallel_loop3A_328] {strides = array<i32>} : memref<144xf32, #tpu.memory_space<vmem>>, vector<16xf32>,
        %parallel_loop3A_330 = vector.extract_strided_slice %parallel_loop3A_329 {offsets = [0], sizes = [1], strides = [1]} : vector<16xf32> to vector<1xf32>
        %parallel_loop3A_331 = vector.extract %parallel_loop3A_330[0] : f32 from vector<1xf32>
        %parallel_loop3A_332 = vector.broadcast %parallel_loop3A_331 : f32 to vector<16xf32>
        %parallel_loop3A_333 = arith.index_cast %parallel_loop3A_310 : i32 to index
        %parallel_loop3A_334 = arith.constant 0 : index
        %parallel_loop3A_335 = tpu.vector_load %arg19[%parallel_loop3A_333, %parallel_loop3A_334] {strides = array<i32>} : memref<128x128xf32, #tpu.memory_space<vmem>>, vector<16xf32>,
        %parallel_loop3A_336 = arith.index_cast %parallel_loop3A_327 : i32 to index
        %parallel_loop3A_337 = arith.constant 0 : index
        %parallel_loop3A_338 = tpu.vector_load %arg26[%parallel_loop3A_336, %parallel_loop3A_337] {strides = array<i32>} : memref<200x128xf32, #tpu.memory_space<vmem>>, vector<16xf32>,
        %parallel_loop3A_339 = arith.addf %parallel_loop3A_335, %parallel_loop3A_338 : vector<16xf32>
        %parallel_loop3A_340 = arith.mulf %parallel_loop3A_332, %get3A_3 : vector<16xf32>
        %parallel_loop3A_341 = arith.addf %parallel_loop3A_339, %parallel_loop3A_340 : vector<16xf32>
        %parallel_loop3A_342 = arith.mulf %parallel_loop3A_341, %parallel_loop3A_341 : vector<16xf32>
        %parallel_loop3A_343 = arith.index_cast %parallel_loop3A_310 : i32 to index
        %parallel_loop3A_344 = arith.constant 16 : index
        %parallel_loop3A_345 = tpu.vector_load %arg19[%parallel_loop3A_343, %parallel_loop3A_344] {strides = array<i32>} : memref<128x128xf32, #tpu.memory_space<vmem>>, vector<16xf32>,
        %parallel_loop3A_346 = arith.index_cast %parallel_loop3A_327 : i32 to index
        %parallel_loop3A_347 = arith.constant 16 : index
        %parallel_loop3A_348 = tpu.vector_load %arg26[%parallel_loop3A_346, %parallel_loop3A_347] {strides = array<i32>} : memref<200x128xf32, #tpu.memory_space<vmem>>, vector<16xf32>,
        %parallel_loop3A_349 = arith.addf %parallel_loop3A_345, %parallel_loop3A_348 : vector<16xf32>
        %parallel_loop3A_350 = arith.mulf %parallel_loop3A_332, %get3A_5 : vector<16xf32>
        %parallel_loop3A_351 = arith.addf %parallel_loop3A_349, %parallel_loop3A_350 : vector<16xf32>
        %parallel_loop3A_352 = arith.addf %parallel_loop3A_341, %parallel_loop3A_351 : vector<16xf32>
        %parallel_loop3A_353 = arith.mulf %parallel_loop3A_351, %parallel_loop3A_351 : vector<16xf32>
        %parallel_loop3A_354 = arith.addf %parallel_loop3A_342, %parallel_loop3A_353 : vector<16xf32>
        %parallel_loop3A_355 = arith.index_cast %parallel_loop3A_310 : i32 to index
        %parallel_loop3A_356 = arith.constant 32 : index
        %parallel_loop3A_357 = tpu.vector_load %arg19[%parallel_loop3A_355, %parallel_loop3A_356] {strides = array<i32>} : memref<128x128xf32, #tpu.memory_space<vmem>>, vector<16xf32>,
        %parallel_loop3A_358 = arith.index_cast %parallel_loop3A_327 : i32 to index
        %parallel_loop3A_359 = arith.constant 32 : index
        %parallel_loop3A_360 = tpu.vector_load %arg26[%parallel_loop3A_358, %parallel_loop3A_359] {strides = array<i32>} : memref<200x128xf32, #tpu.memory_space<vmem>>, vector<16xf32>,
        %parallel_loop3A_361 = arith.addf %parallel_loop3A_357, %parallel_loop3A_360 : vector<16xf32>
        %parallel_loop3A_362 = arith.mulf %parallel_loop3A_332, %get3A_7 : vector<16xf32>
        %parallel_loop3A_363 = arith.addf %parallel_loop3A_361, %parallel_loop3A_362 : vector<16xf32>
        %parallel_loop3A_364 = arith.addf %parallel_loop3A_352, %parallel_loop3A_363 : vector<16xf32>
        %parallel_loop3A_365 = arith.mulf %parallel_loop3A_363, %parallel_loop3A_363 : vector<16xf32>
        %parallel_loop3A_366 = arith.addf %parallel_loop3A_354, %parallel_loop3A_365 : vector<16xf32>
        %parallel_loop3A_367 = arith.index_cast %parallel_loop3A_310 : i32 to index
        %parallel_loop3A_368 = arith.constant 48 : index
        %parallel_loop3A_369 = tpu.vector_load %arg19[%parallel_loop3A_367, %parallel_loop3A_368] {strides = array<i32>} : memref<128x128xf32, #tpu.memory_space<vmem>>, vector<16xf32>,
        %parallel_loop3A_370 = arith.index_cast %parallel_loop3A_327 : i32 to index
        %parallel_loop3A_371 = arith.constant 48 : index
        %parallel_loop3A_372 = tpu.vector_load %arg26[%parallel_loop3A_370, %parallel_loop3A_371] {strides = array<i32>} : memref<200x128xf32, #tpu.memory_space<vmem>>, vector<16xf32>,
        %parallel_loop3A_373 = arith.addf %parallel_loop3A_369, %parallel_loop3A_372 : vector<16xf32>
        %parallel_loop3A_374 = arith.mulf %parallel_loop3A_332, %get3A_9 : vector<16xf32>
        %parallel_loop3A_375 = arith.addf %parallel_loop3A_373, %parallel_loop3A_374 : vector<16xf32>
        %parallel_loop3A_376 = arith.addf %parallel_loop3A_364, %parallel_loop3A_375 : vector<16xf32>
        %parallel_loop3A_377 = arith.mulf %parallel_loop3A_375, %parallel_loop3A_375 : vector<16xf32>
        %parallel_loop3A_378 = arith.addf %parallel_loop3A_366, %parallel_loop3A_377 : vector<16xf32>
        %parallel_loop3A_379 = arith.index_cast %parallel_loop3A_310 : i32 to index
        %parallel_loop3A_380 = arith.constant 64 : index
        %parallel_loop3A_381 = tpu.vector_load %arg19[%parallel_loop3A_379, %parallel_loop3A_380] {strides = array<i32>} : memref<128x128xf32, #tpu.memory_space<vmem>>, vector<16xf32>,
        %parallel_loop3A_382 = arith.index_cast %parallel_loop3A_327 : i32 to index
        %parallel_loop3A_383 = arith.constant 64 : index
        %parallel_loop3A_384 = tpu.vector_load %arg26[%parallel_loop3A_382, %parallel_loop3A_383] {strides = array<i32>} : memref<200x128xf32, #tpu.memory_space<vmem>>, vector<16xf32>,
        %parallel_loop3A_385 = arith.addf %parallel_loop3A_381, %parallel_loop3A_384 : vector<16xf32>
        %parallel_loop3A_386 = arith.mulf %parallel_loop3A_332, %get3A_11 : vector<16xf32>
        %parallel_loop3A_387 = arith.addf %parallel_loop3A_385, %parallel_loop3A_386 : vector<16xf32>
        %parallel_loop3A_388 = arith.addf %parallel_loop3A_376, %parallel_loop3A_387 : vector<16xf32>
        %parallel_loop3A_389 = arith.mulf %parallel_loop3A_387, %parallel_loop3A_387 : vector<16xf32>
        %parallel_loop3A_390 = arith.addf %parallel_loop3A_378, %parallel_loop3A_389 : vector<16xf32>
        %parallel_loop3A_391 = arith.index_cast %parallel_loop3A_310 : i32 to index
        %parallel_loop3A_392 = arith.constant 80 : index
        %parallel_loop3A_393 = tpu.vector_load %arg19[%parallel_loop3A_391, %parallel_loop3A_392] {strides = array<i32>} : memref<128x128xf32, #tpu.memory_space<vmem>>, vector<16xf32>,
        %parallel_loop3A_394 = arith.index_cast %parallel_loop3A_327 : i32 to index
        %parallel_loop3A_395 = arith.constant 80 : index
        %parallel_loop3A_396 = tpu.vector_load %arg26[%parallel_loop3A_394, %parallel_loop3A_395] {strides = array<i32>} : memref<200x128xf32, #tpu.memory_space<vmem>>, vector<16xf32>,
        %parallel_loop3A_397 = arith.addf %parallel_loop3A_393, %parallel_loop3A_396 : vector<16xf32>
        %parallel_loop3A_398 = arith.mulf %parallel_loop3A_332, %get3A_13 : vector<16xf32>
        %parallel_loop3A_399 = arith.addf %parallel_loop3A_397, %parallel_loop3A_398 : vector<16xf32>
        %parallel_loop3A_400 = arith.addf %parallel_loop3A_388, %parallel_loop3A_399 : vector<16xf32>
        %parallel_loop3A_401 = arith.mulf %parallel_loop3A_399, %parallel_loop3A_399 : vector<16xf32>
        %parallel_loop3A_402 = arith.addf %parallel_loop3A_390, %parallel_loop3A_401 : vector<16xf32>
        %parallel_loop3A_403 = arith.index_cast %parallel_loop3A_310 : i32 to index
        %parallel_loop3A_404 = arith.constant 96 : index
        %parallel_loop3A_405 = tpu.vector_load %arg19[%parallel_loop3A_403, %parallel_loop3A_404] {strides = array<i32>} : memref<128x128xf32, #tpu.memory_space<vmem>>, vector<16xf32>,
        %parallel_loop3A_406 = arith.index_cast %parallel_loop3A_327 : i32 to index
        %parallel_loop3A_407 = arith.constant 96 : index
        %parallel_loop3A_408 = tpu.vector_load %arg26[%parallel_loop3A_406, %parallel_loop3A_407] {strides = array<i32>} : memref<200x128xf32, #tpu.memory_space<vmem>>, vector<16xf32>,
        %parallel_loop3A_409 = arith.addf %parallel_loop3A_405, %parallel_loop3A_408 : vector<16xf32>
        %parallel_loop3A_410 = arith.mulf %parallel_loop3A_332, %get3A_15 : vector<16xf32>
        %parallel_loop3A_411 = arith.addf %parallel_loop3A_409, %parallel_loop3A_410 : vector<16xf32>
        %parallel_loop3A_412 = arith.addf %parallel_loop3A_400, %parallel_loop3A_411 : vector<16xf32>
        %parallel_loop3A_413 = arith.mulf %parallel_loop3A_411, %parallel_loop3A_411 : vector<16xf32>
        %parallel_loop3A_414 = arith.addf %parallel_loop3A_402, %parallel_loop3A_413 : vector<16xf32>
        %parallel_loop3A_415 = arith.index_cast %parallel_loop3A_310 : i32 to index
        %parallel_loop3A_416 = arith.constant 112 : index
        %parallel_loop3A_417 = tpu.vector_load %arg19[%parallel_loop3A_415, %parallel_loop3A_416] {strides = array<i32>} : memref<128x128xf32, #tpu.memory_space<vmem>>, vector<16xf32>,
        %parallel_loop3A_418 = arith.index_cast %parallel_loop3A_327 : i32 to index
        %parallel_loop3A_419 = arith.constant 112 : index
        %parallel_loop3A_420 = tpu.vector_load %arg26[%parallel_loop3A_418, %parallel_loop3A_419] {strides = array<i32>} : memref<200x128xf32, #tpu.memory_space<vmem>>, vector<16xf32>,
        %parallel_loop3A_421 = arith.addf %parallel_loop3A_417, %parallel_loop3A_420 : vector<16xf32>
        %parallel_loop3A_422 = arith.mulf %parallel_loop3A_332, %get3A_17 : vector<16xf32>
        %parallel_loop3A_423 = arith.addf %parallel_loop3A_421, %parallel_loop3A_422 : vector<16xf32>
        %parallel_loop3A_424 = arith.addf %parallel_loop3A_412, %parallel_loop3A_423 : vector<16xf32>
        %parallel_loop3A_425 = arith.mulf %parallel_loop3A_423, %parallel_loop3A_423 : vector<16xf32>
        %parallel_loop3A_426 = arith.addf %parallel_loop3A_414, %parallel_loop3A_425 : vector<16xf32>
        %parallel_loop3A_427 = arith.constant true
        %parallel_loop3A_428 = vector.broadcast %parallel_loop3A_427 : i1 to vector<16xi1>
        %parallel_loop3A_429 = tpu.scan <sum>, %parallel_loop3A_424 masked %parallel_loop3A_428 : vector<16xf32>, vector<16xi1> -> vector<16xf32>
        %parallel_loop3A_430 = vector.extract %parallel_loop3A_429[15] : f32 from vector<16xf32>
        %parallel_loop3A_431 = arith.constant 7.812500e-03 : f32
        %parallel_loop3A_432 = arith.mulf %parallel_loop3A_430, %parallel_loop3A_431 : f32
        %parallel_loop3A_433 = arith.constant true
        %parallel_loop3A_434 = vector.broadcast %parallel_loop3A_433 : i1 to vector<16xi1>
        %parallel_loop3A_435 = tpu.scan <sum>, %parallel_loop3A_426 masked %parallel_loop3A_434 : vector<16xf32>, vector<16xi1> -> vector<16xf32>
        %parallel_loop3A_436 = vector.extract %parallel_loop3A_435[15] : f32 from vector<16xf32>
        %parallel_loop3A_437 = arith.constant 7.812500e-03 : f32
        %parallel_loop3A_438 = arith.mulf %parallel_loop3A_436, %parallel_loop3A_437 : f32
        %parallel_loop3A_439 = arith.mulf %parallel_loop3A_432, %parallel_loop3A_432 : f32
        %parallel_loop3A_440 = arith.subf %parallel_loop3A_438, %parallel_loop3A_439 : f32
        %parallel_loop3A_441 = arith.constant 9.99999996E-13 : f32
        %parallel_loop3A_442 = arith.addf %parallel_loop3A_440, %parallel_loop3A_441 : f32
        %parallel_loop3A_443 = arith.bitcast %parallel_loop3A_442 : f32 to i32
        %parallel_loop3A_444 = arith.constant 1 : i32
        %parallel_loop3A_445 = arith.shrsi %parallel_loop3A_443, %parallel_loop3A_444 : i32
        %parallel_loop3A_446 = arith.constant 1597463007 : i32
        %parallel_loop3A_447 = arith.subi %parallel_loop3A_446, %parallel_loop3A_445 : i32
        %parallel_loop3A_448 = arith.bitcast %parallel_loop3A_447 : i32 to f32
        %parallel_loop3A_449 = arith.constant 5.000000e-01 : f32
        %parallel_loop3A_450 = arith.mulf %parallel_loop3A_449, %parallel_loop3A_442 : f32
        %parallel_loop3A_451 = arith.mulf %parallel_loop3A_450, %parallel_loop3A_448 : f32
        %parallel_loop3A_452 = arith.mulf %parallel_loop3A_451, %parallel_loop3A_448 : f32
        %parallel_loop3A_453 = arith.constant 1.500000e+00 : f32
        %parallel_loop3A_454 = arith.subf %parallel_loop3A_453, %parallel_loop3A_452 : f32
        %parallel_loop3A_455 = arith.mulf %parallel_loop3A_448, %parallel_loop3A_454 : f32
        %parallel_loop3A_456 = arith.constant 5.000000e-01 : f32
        %parallel_loop3A_457 = arith.mulf %parallel_loop3A_456, %parallel_loop3A_442 : f32
        %parallel_loop3A_458 = arith.mulf %parallel_loop3A_457, %parallel_loop3A_455 : f32
        %parallel_loop3A_459 = arith.mulf %parallel_loop3A_458, %parallel_loop3A_455 : f32
        %parallel_loop3A_460 = arith.constant 1.500000e+00 : f32
        %parallel_loop3A_461 = arith.subf %parallel_loop3A_460, %parallel_loop3A_459 : f32
        %parallel_loop3A_462 = arith.mulf %parallel_loop3A_455, %parallel_loop3A_461 : f32
        %parallel_loop3A_463 = arith.constant 5.000000e-01 : f32
        %parallel_loop3A_464 = arith.mulf %parallel_loop3A_463, %parallel_loop3A_442 : f32
        %parallel_loop3A_465 = arith.mulf %parallel_loop3A_464, %parallel_loop3A_462 : f32
        %parallel_loop3A_466 = arith.mulf %parallel_loop3A_465, %parallel_loop3A_462 : f32
        %parallel_loop3A_467 = arith.constant 1.500000e+00 : f32
        %parallel_loop3A_468 = arith.subf %parallel_loop3A_467, %parallel_loop3A_466 : f32
        %parallel_loop3A_469 = arith.mulf %parallel_loop3A_462, %parallel_loop3A_468 : f32
        %parallel_loop3A_470 = vector.broadcast %parallel_loop3A_432 : f32 to vector<16xf32>
        %parallel_loop3A_471 = vector.broadcast %parallel_loop3A_469 : f32 to vector<16xf32>
        %parallel_loop3A_472 = arith.subf %parallel_loop3A_341, %parallel_loop3A_470 : vector<16xf32>
        %parallel_loop3A_473 = arith.mulf %parallel_loop3A_472, %parallel_loop3A_471 : vector<16xf32>
        %parallel_loop3A_474 = arith.mulf %parallel_loop3A_473, %get3A_35 : vector<16xf32>
        %parallel_loop3A_475 = arith.addf %parallel_loop3A_474, %get3A_51 : vector<16xf32>
        %parallel_loop3A_476 = arith.index_cast %parallel_loop3A_310 : i32 to index
        %parallel_loop3A_477 = arith.constant 0 : index
        %parallel_loop3A_478 = tpu.vector_load %arg19[%parallel_loop3A_476, %parallel_loop3A_477] {strides = array<i32>} : memref<128x128xf32, #tpu.memory_space<vmem>>, vector<16xf32>,
        tpu.vector_store %arg19[%parallel_loop3A_476, %parallel_loop3A_477], %parallel_loop3A_475 {strides = array<i32>} : memref<128x128xf32, #tpu.memory_space<vmem>>, vector<16xf32>,
        %parallel_loop3A_479 = arith.subf %parallel_loop3A_351, %parallel_loop3A_470 : vector<16xf32>
        %parallel_loop3A_480 = arith.mulf %parallel_loop3A_479, %parallel_loop3A_471 : vector<16xf32>
        %parallel_loop3A_481 = arith.mulf %parallel_loop3A_480, %get3A_37 : vector<16xf32>
        %parallel_loop3A_482 = arith.addf %parallel_loop3A_481, %get3A_53 : vector<16xf32>
        %parallel_loop3A_483 = arith.index_cast %parallel_loop3A_310 : i32 to index
        %parallel_loop3A_484 = arith.constant 16 : index
        %parallel_loop3A_485 = tpu.vector_load %arg19[%parallel_loop3A_483, %parallel_loop3A_484] {strides = array<i32>} : memref<128x128xf32, #tpu.memory_space<vmem>>, vector<16xf32>,
        tpu.vector_store %arg19[%parallel_loop3A_483, %parallel_loop3A_484], %parallel_loop3A_482 {strides = array<i32>} : memref<128x128xf32, #tpu.memory_space<vmem>>, vector<16xf32>,
        %parallel_loop3A_486 = arith.subf %parallel_loop3A_363, %parallel_loop3A_470 : vector<16xf32>
        %parallel_loop3A_487 = arith.mulf %parallel_loop3A_486, %parallel_loop3A_471 : vector<16xf32>
        %parallel_loop3A_488 = arith.mulf %parallel_loop3A_487, %get3A_39 : vector<16xf32>
        %parallel_loop3A_489 = arith.addf %parallel_loop3A_488, %get3A_55 : vector<16xf32>
        %parallel_loop3A_490 = arith.index_cast %parallel_loop3A_310 : i32 to index
        %parallel_loop3A_491 = arith.constant 32 : index
        %parallel_loop3A_492 = tpu.vector_load %arg19[%parallel_loop3A_490, %parallel_loop3A_491] {strides = array<i32>} : memref<128x128xf32, #tpu.memory_space<vmem>>, vector<16xf32>,
        tpu.vector_store %arg19[%parallel_loop3A_490, %parallel_loop3A_491], %parallel_loop3A_489 {strides = array<i32>} : memref<128x128xf32, #tpu.memory_space<vmem>>, vector<16xf32>,
        %parallel_loop3A_493 = arith.subf %parallel_loop3A_375, %parallel_loop3A_470 : vector<16xf32>
        %parallel_loop3A_494 = arith.mulf %parallel_loop3A_493, %parallel_loop3A_471 : vector<16xf32>
        %parallel_loop3A_495 = arith.mulf %parallel_loop3A_494, %get3A_41 : vector<16xf32>
        %parallel_loop3A_496 = arith.addf %parallel_loop3A_495, %get3A_57 : vector<16xf32>
        %parallel_loop3A_497 = arith.index_cast %parallel_loop3A_310 : i32 to index
        %parallel_loop3A_498 = arith.constant 48 : index
        %parallel_loop3A_499 = tpu.vector_load %arg19[%parallel_loop3A_497, %parallel_loop3A_498] {strides = array<i32>} : memref<128x128xf32, #tpu.memory_space<vmem>>, vector<16xf32>,
        tpu.vector_store %arg19[%parallel_loop3A_497, %parallel_loop3A_498], %parallel_loop3A_496 {strides = array<i32>} : memref<128x128xf32, #tpu.memory_space<vmem>>, vector<16xf32>,
        %parallel_loop3A_500 = arith.subf %parallel_loop3A_387, %parallel_loop3A_470 : vector<16xf32>
        %parallel_loop3A_501 = arith.mulf %parallel_loop3A_500, %parallel_loop3A_471 : vector<16xf32>
        %parallel_loop3A_502 = arith.mulf %parallel_loop3A_501, %get3A_43 : vector<16xf32>
        %parallel_loop3A_503 = arith.addf %parallel_loop3A_502, %get3A_59 : vector<16xf32>
        %parallel_loop3A_504 = arith.index_cast %parallel_loop3A_310 : i32 to index
        %parallel_loop3A_505 = arith.constant 64 : index
        %parallel_loop3A_506 = tpu.vector_load %arg19[%parallel_loop3A_504, %parallel_loop3A_505] {strides = array<i32>} : memref<128x128xf32, #tpu.memory_space<vmem>>, vector<16xf32>,
        tpu.vector_store %arg19[%parallel_loop3A_504, %parallel_loop3A_505], %parallel_loop3A_503 {strides = array<i32>} : memref<128x128xf32, #tpu.memory_space<vmem>>, vector<16xf32>,
        %parallel_loop3A_507 = arith.subf %parallel_loop3A_399, %parallel_loop3A_470 : vector<16xf32>
        %parallel_loop3A_508 = arith.mulf %parallel_loop3A_507, %parallel_loop3A_471 : vector<16xf32>
        %parallel_loop3A_509 = arith.mulf %parallel_loop3A_508, %get3A_45 : vector<16xf32>
        %parallel_loop3A_510 = arith.addf %parallel_loop3A_509, %get3A_61 : vector<16xf32>
        %parallel_loop3A_511 = arith.index_cast %parallel_loop3A_310 : i32 to index
        %parallel_loop3A_512 = arith.constant 80 : index
        %parallel_loop3A_513 = tpu.vector_load %arg19[%parallel_loop3A_511, %parallel_loop3A_512] {strides = array<i32>} : memref<128x128xf32, #tpu.memory_space<vmem>>, vector<16xf32>,
        tpu.vector_store %arg19[%parallel_loop3A_511, %parallel_loop3A_512], %parallel_loop3A_510 {strides = array<i32>} : memref<128x128xf32, #tpu.memory_space<vmem>>, vector<16xf32>,
        %parallel_loop3A_514 = arith.subf %parallel_loop3A_411, %parallel_loop3A_470 : vector<16xf32>
        %parallel_loop3A_515 = arith.mulf %parallel_loop3A_514, %parallel_loop3A_471 : vector<16xf32>
        %parallel_loop3A_516 = arith.mulf %parallel_loop3A_515, %get3A_47 : vector<16xf32>
        %parallel_loop3A_517 = arith.addf %parallel_loop3A_516, %get3A_63 : vector<16xf32>
        %parallel_loop3A_518 = arith.index_cast %parallel_loop3A_310 : i32 to index
        %parallel_loop3A_519 = arith.constant 96 : index
        %parallel_loop3A_520 = tpu.vector_load %arg19[%parallel_loop3A_518, %parallel_loop3A_519] {strides = array<i32>} : memref<128x128xf32, #tpu.memory_space<vmem>>, vector<16xf32>,
        tpu.vector_store %arg19[%parallel_loop3A_518, %parallel_loop3A_519], %parallel_loop3A_517 {strides = array<i32>} : memref<128x128xf32, #tpu.memory_space<vmem>>, vector<16xf32>,
        %parallel_loop3A_521 = arith.subf %parallel_loop3A_423, %parallel_loop3A_470 : vector<16xf32>
        %parallel_loop3A_522 = arith.mulf %parallel_loop3A_521, %parallel_loop3A_471 : vector<16xf32>
        %parallel_loop3A_523 = arith.mulf %parallel_loop3A_522, %get3A_49 : vector<16xf32>
        %parallel_loop3A_524 = arith.addf %parallel_loop3A_523, %get3A_65 : vector<16xf32>
        %parallel_loop3A_525 = arith.index_cast %parallel_loop3A_310 : i32 to index
        %parallel_loop3A_526 = arith.constant 112 : index
        %parallel_loop3A_527 = tpu.vector_load %arg19[%parallel_loop3A_525, %parallel_loop3A_526] {strides = array<i32>} : memref<128x128xf32, #tpu.memory_space<vmem>>, vector<16xf32>,
        tpu.vector_store %arg19[%parallel_loop3A_525, %parallel_loop3A_526], %parallel_loop3A_524 {strides = array<i32>} : memref<128x128xf32, #tpu.memory_space<vmem>>, vector<16xf32>,
      } {sc.loop_unroll_factor = 8 : i64, sc.parallel_access}
      %dma_start3A_269 = arith.constant 0 : i32
      %dma_start3A_270 = tpu.memref_slice %arg10[%add3A_256, %dma_start3A_269] : memref<204800x128xf32, #tpu.memory_space<hbm>> -> memref<128x128xf32, #tpu.memory_space<hbm>>
      %dma_start3A_271 = arith.constant 0 : i32
      %dma_start3A_272 = tpu.memref_slice %arg10[%add3A_256, %dma_start3A_271] : memref<204800x128xf32, #tpu.memory_space<hbm>> -> memref<128x128xf32, #tpu.memory_space<hbm>>
      tpu.enqueue_dma source(%arg19 : memref<128x128xf32, #tpu.memory_space<vmem>>) target(%dma_start3A_272 : memref<128x128xf32, #tpu.memory_space<hbm>>) target_semaphore(%arg39 : memref<!tpu.dma_semaphore, #tpu.memory_space<semaphore_mem>>)
      %mul3A_273 = arith.constant 5 : i32
      %mul3A_274 = arith.muli %scan3A_127, %mul3A_273 : i32
      %add3A_275 = arith.constant 4 : i32
      %add3A_276 = arith.addi %mul3A_274, %add3A_275 : i32
      %add3A_277 = arith.constant 2 : i32
      %add3A_278 = arith.addi %add3A_276, %add3A_277 : i32
      %lt3A_279 = arith.constant 50 : i32
      %lt3A_280 = arith.cmpi slt, %add3A_278, %lt3A_279 : i32
      %convert_element_type3A_281 = arith.extui %lt3A_280 : i1 to i32
      %cond3A_282 = arith.constant 0 : i32
      %cond3A_283 = arith.cmpi ne, %convert_element_type3A_281, %cond3A_282 : i32
      scf.if %cond3A_283 {
        %add3A_310 = arith.constant 2 : i32
        %add3A_311 = arith.addi %add3A_276, %add3A_310 : i32
        %mul3A_312 = arith.constant 128 : i32
        %mul3A_313 = arith.muli %add3A_311, %mul3A_312 : i32
        %add3A_314 = arith.addi %mul3A_2, %mul3A_313 : i32
        %dma_start3A_315 = tpu.memref_slice %arg2[%add3A_314] : memref<204800xi32, #tpu.memory_space<hbm>> -> memref<128xi32, #tpu.memory_space<hbm>>
        %dma_start3A_316 = tpu.memref_slice %arg2[%add3A_314] : memref<204800xi32, #tpu.memory_space<hbm>> -> memref<128xi32, #tpu.memory_space<hbm>>
        tpu.enqueue_dma source(%dma_start3A_316 : memref<128xi32, #tpu.memory_space<hbm>>) target(%arg12 : memref<128xi32, #tpu.memory_space<vmem>>) target_semaphore(%arg42 : memref<!tpu.dma_semaphore, #tpu.memory_space<semaphore_mem>>)
        %dma_start3A_317 = arith.constant 0 : i32
        %dma_start3A_318 = tpu.memref_slice %arg22[%dma_start3A_317] : memref<144xf32, #tpu.memory_space<vmem>> -> memref<128xf32, #tpu.memory_space<vmem>>
        %dma_start3A_319 = tpu.memref_slice %arg3[%add3A_314] : memref<204800xf32, #tpu.memory_space<hbm>> -> memref<128xf32, #tpu.memory_space<hbm>>
        %dma_start3A_320 = arith.constant 0 : i32
        %dma_start3A_321 = tpu.memref_slice %arg22[%dma_start3A_320] : memref<144xf32, #tpu.memory_space<vmem>> -> memref<128xf32, #tpu.memory_space<vmem>>
        %dma_start3A_322 = tpu.memref_slice %arg3[%add3A_314] : memref<204800xf32, #tpu.memory_space<hbm>> -> memref<128xf32, #tpu.memory_space<hbm>>
        tpu.enqueue_dma source(%dma_start3A_322 : memref<128xf32, #tpu.memory_space<hbm>>) target(%dma_start3A_321 : memref<128xf32, #tpu.memory_space<vmem>>) target_semaphore(%arg47 : memref<!tpu.dma_semaphore, #tpu.memory_space<semaphore_mem>>)
      } else {
      }
      %add3A_284 = arith.constant 1 : i32
      %add3A_285 = arith.addi %add3A_276, %add3A_284 : i32
      %lt3A_286 = arith.constant 50 : i32
      %lt3A_287 = arith.cmpi slt, %add3A_285, %lt3A_286 : i32
      %convert_element_type3A_288 = arith.extui %lt3A_287 : i1 to i32
      %cond3A_289 = arith.constant 0 : i32
      %cond3A_290 = arith.cmpi ne, %convert_element_type3A_288, %cond3A_289 : i32
      scf.if %cond3A_290 {
        %add3A_310 = arith.constant 1 : i32
        %add3A_311 = arith.addi %add3A_276, %add3A_310 : i32
        %mul3A_312 = arith.constant 128 : i32
        %mul3A_313 = arith.muli %add3A_311, %mul3A_312 : i32
        %add3A_314 = arith.addi %mul3A_2, %mul3A_313 : i32
        %dma_wait3A_315 = tpu.memref_slice %arg2[%add3A_314] : memref<204800xi32, #tpu.memory_space<hbm>> -> memref<128xi32, #tpu.memory_space<hbm>>
        %dma_wait3A_316 = tpu.memref_slice %arg2[%add3A_314] : memref<204800xi32, #tpu.memory_space<hbm>> -> memref<128xi32, #tpu.memory_space<hbm>>
        tpu.wait_dma2 semaphore(%arg41 : memref<!tpu.dma_semaphore, #tpu.memory_space<semaphore_mem>>) src(%dma_wait3A_316 : memref<128xi32, #tpu.memory_space<hbm>>) dst(%arg11 : memref<128xi32, #tpu.memory_space<vmem>>)
        %ge3A = arith.constant 5 : i32
        %ge3A_317 = arith.cmpi sge, %add3A_311, %ge3A : i32
        %convert_element_type3A_318 = arith.extui %ge3A_317 : i1 to i32
        %cond3A_319 = arith.constant 0 : i32
        %cond3A_320 = arith.cmpi ne, %convert_element_type3A_318, %cond3A_319 : i32
        scf.if %cond3A_320 {
          %sub3A = arith.constant 5 : i32
          %sub3A_324 = arith.subi %add3A_311, %sub3A : i32
          %mul3A_325 = arith.constant 128 : i32
          %mul3A_326 = arith.muli %sub3A_324, %mul3A_325 : i32
          %add3A_327 = arith.addi %mul3A_2, %mul3A_326 : i32
          %dma_wait3A_328 = arith.constant 0 : i32
          %dma_wait3A_329 = tpu.memref_slice %arg10[%add3A_327, %dma_wait3A_328] : memref<204800x128xf32, #tpu.memory_space<hbm>> -> memref<128x128xf32, #tpu.memory_space<hbm>>
          %dma_wait3A_330 = arith.constant 0 : i32
          %dma_wait3A_331 = tpu.memref_slice %arg10[%add3A_327, %dma_wait3A_330] : memref<204800x128xf32, #tpu.memory_space<hbm>> -> memref<128x128xf32, #tpu.memory_space<hbm>>
          tpu.wait_dma2 semaphore(%arg36 : memref<!tpu.dma_semaphore, #tpu.memory_space<semaphore_mem>>) src(%arg16 : memref<128x128xf32, #tpu.memory_space<vmem>>) dst(%dma_wait3A_331 : memref<128x128xf32, #tpu.memory_space<hbm>>)
        } else {
        }
        %dma_start3A_321 = arith.constant 0 : i32
        %dma_start3A_322 = arith.constant 0 : i32
        %dma_start3A_323 = tpu.memref_slice %arg4[%dma_start3A_321, %dma_start3A_322] : memref<100000x128xf32, #tpu.memory_space<hbm>> -> memref<100000x128xf32, #tpu.memory_space<hbm>>
        tpu.enqueue_indirect_dma source(%dma_start3A_323 : memref<100000x128xf32, #tpu.memory_space<hbm>>) target(%arg16 : memref<128x128xf32, #tpu.memory_space<vmem>>) offsets(%arg11 : memref<128xi32, #tpu.memory_space<vmem>>) semaphore(%arg31 : memref<!tpu.dma_semaphore, #tpu.memory_space<semaphore_mem>>)
      } else {
      }
      %mul3A_291 = arith.constant 128 : i32
      %mul3A_292 = arith.muli %add3A_276, %mul3A_291 : i32
      %add3A_293 = arith.addi %mul3A_2, %mul3A_292 : i32
      %dma_wait3A_294 = arith.constant 0 : i32
      %dma_wait3A_295 = tpu.memref_slice %arg25[%dma_wait3A_294] : memref<144xf32, #tpu.memory_space<vmem>> -> memref<128xf32, #tpu.memory_space<vmem>>
      %dma_wait3A_296 = tpu.memref_slice %arg3[%add3A_293] : memref<204800xf32, #tpu.memory_space<hbm>> -> memref<128xf32, #tpu.memory_space<hbm>>
      %dma_wait3A_297 = arith.constant 0 : i32
      %dma_wait3A_298 = tpu.memref_slice %arg25[%dma_wait3A_297] : memref<144xf32, #tpu.memory_space<vmem>> -> memref<128xf32, #tpu.memory_space<vmem>>
      %dma_wait3A_299 = tpu.memref_slice %arg3[%add3A_293] : memref<204800xf32, #tpu.memory_space<hbm>> -> memref<128xf32, #tpu.memory_space<hbm>>
      tpu.wait_dma2 semaphore(%arg50 : memref<!tpu.dma_semaphore, #tpu.memory_space<semaphore_mem>>) src(%dma_wait3A_299 : memref<128xf32, #tpu.memory_space<hbm>>) dst(%dma_wait3A_298 : memref<128xf32, #tpu.memory_space<vmem>>)
      %dma_wait3A_300 = arith.constant 0 : i32
      %dma_wait3A_301 = arith.constant 0 : i32
      %dma_wait3A_302 = tpu.memref_slice %arg4[%dma_wait3A_300, %dma_wait3A_301] : memref<100000x128xf32, #tpu.memory_space<hbm>> -> memref<100000x128xf32, #tpu.memory_space<hbm>>
      tpu.wait_indirect_dma semaphore(%arg35 : memref<!tpu.dma_semaphore, #tpu.memory_space<semaphore_mem>>) src(%dma_wait3A_302 : memref<100000x128xf32, #tpu.memory_space<hbm>>) dst(%arg20 : memref<128x128xf32, #tpu.memory_space<vmem>>)
      %parallel_loop3A_303 = arith.constant 0 : i32
      %parallel_loop3A_304 = arith.constant 128 : i32
      %parallel_loop3A_305 = arith.constant 1 : i32
      scf.for %parallel_loop3A_310 = %parallel_loop3A_303 to %parallel_loop3A_304 step %parallel_loop3A_305  : i32 {
        %parallel_loop3A_311 = arith.addi %add3A_293, %parallel_loop3A_310 : i32
        %parallel_loop3A_312 = arith.constant 200 : i32
        %parallel_loop3A_313 = arith.constant 0 : i32
        %parallel_loop3A_314 = arith.cmpi eq, %parallel_loop3A_312, %parallel_loop3A_313 : i32
        %parallel_loop3A_315 = arith.constant 1 : i32
        %parallel_loop3A_316 = arith.select %parallel_loop3A_314, %parallel_loop3A_315, %parallel_loop3A_312 : i32
        %parallel_loop3A_317 = arith.remsi %parallel_loop3A_311, %parallel_loop3A_316 : i32
        %parallel_loop3A_318 = arith.constant 0 : i32
        %parallel_loop3A_319 = arith.cmpi ne, %parallel_loop3A_317, %parallel_loop3A_318 : i32
        %parallel_loop3A_320 = arith.constant 0 : i32
        %parallel_loop3A_321 = arith.cmpi slt, %parallel_loop3A_317, %parallel_loop3A_320 : i32
        %parallel_loop3A_322 = arith.constant 0 : i32
        %parallel_loop3A_323 = arith.cmpi slt, %parallel_loop3A_316, %parallel_loop3A_322 : i32
        %parallel_loop3A_324 = arith.xori %parallel_loop3A_321, %parallel_loop3A_323 : i1
        %parallel_loop3A_325 = arith.andi %parallel_loop3A_324, %parallel_loop3A_319 : i1
        %parallel_loop3A_326 = arith.addi %parallel_loop3A_317, %parallel_loop3A_316 : i32
        %parallel_loop3A_327 = arith.select %parallel_loop3A_325, %parallel_loop3A_326, %parallel_loop3A_317 : i32
        %parallel_loop3A_328 = arith.index_cast %parallel_loop3A_310 : i32 to index
        %parallel_loop3A_329 = tpu.vector_load %arg25[%parallel_loop3A_328] {strides = array<i32>} : memref<144xf32, #tpu.memory_space<vmem>>, vector<16xf32>,
        %parallel_loop3A_330 = vector.extract_strided_slice %parallel_loop3A_329 {offsets = [0], sizes = [1], strides = [1]} : vector<16xf32> to vector<1xf32>
        %parallel_loop3A_331 = vector.extract %parallel_loop3A_330[0] : f32 from vector<1xf32>
        %parallel_loop3A_332 = vector.broadcast %parallel_loop3A_331 : f32 to vector<16xf32>
        %parallel_loop3A_333 = arith.index_cast %parallel_loop3A_310 : i32 to index
        %parallel_loop3A_334 = arith.constant 0 : index
        %parallel_loop3A_335 = tpu.vector_load %arg20[%parallel_loop3A_333, %parallel_loop3A_334] {strides = array<i32>} : memref<128x128xf32, #tpu.memory_space<vmem>>, vector<16xf32>,
        %parallel_loop3A_336 = arith.index_cast %parallel_loop3A_327 : i32 to index
        %parallel_loop3A_337 = arith.constant 0 : index
        %parallel_loop3A_338 = tpu.vector_load %arg26[%parallel_loop3A_336, %parallel_loop3A_337] {strides = array<i32>} : memref<200x128xf32, #tpu.memory_space<vmem>>, vector<16xf32>,
        %parallel_loop3A_339 = arith.addf %parallel_loop3A_335, %parallel_loop3A_338 : vector<16xf32>
        %parallel_loop3A_340 = arith.mulf %parallel_loop3A_332, %get3A_3 : vector<16xf32>
        %parallel_loop3A_341 = arith.addf %parallel_loop3A_339, %parallel_loop3A_340 : vector<16xf32>
        %parallel_loop3A_342 = arith.mulf %parallel_loop3A_341, %parallel_loop3A_341 : vector<16xf32>
        %parallel_loop3A_343 = arith.index_cast %parallel_loop3A_310 : i32 to index
        %parallel_loop3A_344 = arith.constant 16 : index
        %parallel_loop3A_345 = tpu.vector_load %arg20[%parallel_loop3A_343, %parallel_loop3A_344] {strides = array<i32>} : memref<128x128xf32, #tpu.memory_space<vmem>>, vector<16xf32>,
        %parallel_loop3A_346 = arith.index_cast %parallel_loop3A_327 : i32 to index
        %parallel_loop3A_347 = arith.constant 16 : index
        %parallel_loop3A_348 = tpu.vector_load %arg26[%parallel_loop3A_346, %parallel_loop3A_347] {strides = array<i32>} : memref<200x128xf32, #tpu.memory_space<vmem>>, vector<16xf32>,
        %parallel_loop3A_349 = arith.addf %parallel_loop3A_345, %parallel_loop3A_348 : vector<16xf32>
        %parallel_loop3A_350 = arith.mulf %parallel_loop3A_332, %get3A_5 : vector<16xf32>
        %parallel_loop3A_351 = arith.addf %parallel_loop3A_349, %parallel_loop3A_350 : vector<16xf32>
        %parallel_loop3A_352 = arith.addf %parallel_loop3A_341, %parallel_loop3A_351 : vector<16xf32>
        %parallel_loop3A_353 = arith.mulf %parallel_loop3A_351, %parallel_loop3A_351 : vector<16xf32>
        %parallel_loop3A_354 = arith.addf %parallel_loop3A_342, %parallel_loop3A_353 : vector<16xf32>
        %parallel_loop3A_355 = arith.index_cast %parallel_loop3A_310 : i32 to index
        %parallel_loop3A_356 = arith.constant 32 : index
        %parallel_loop3A_357 = tpu.vector_load %arg20[%parallel_loop3A_355, %parallel_loop3A_356] {strides = array<i32>} : memref<128x128xf32, #tpu.memory_space<vmem>>, vector<16xf32>,
        %parallel_loop3A_358 = arith.index_cast %parallel_loop3A_327 : i32 to index
        %parallel_loop3A_359 = arith.constant 32 : index
        %parallel_loop3A_360 = tpu.vector_load %arg26[%parallel_loop3A_358, %parallel_loop3A_359] {strides = array<i32>} : memref<200x128xf32, #tpu.memory_space<vmem>>, vector<16xf32>,
        %parallel_loop3A_361 = arith.addf %parallel_loop3A_357, %parallel_loop3A_360 : vector<16xf32>
        %parallel_loop3A_362 = arith.mulf %parallel_loop3A_332, %get3A_7 : vector<16xf32>
        %parallel_loop3A_363 = arith.addf %parallel_loop3A_361, %parallel_loop3A_362 : vector<16xf32>
        %parallel_loop3A_364 = arith.addf %parallel_loop3A_352, %parallel_loop3A_363 : vector<16xf32>
        %parallel_loop3A_365 = arith.mulf %parallel_loop3A_363, %parallel_loop3A_363 : vector<16xf32>
        %parallel_loop3A_366 = arith.addf %parallel_loop3A_354, %parallel_loop3A_365 : vector<16xf32>
        %parallel_loop3A_367 = arith.index_cast %parallel_loop3A_310 : i32 to index
        %parallel_loop3A_368 = arith.constant 48 : index
        %parallel_loop3A_369 = tpu.vector_load %arg20[%parallel_loop3A_367, %parallel_loop3A_368] {strides = array<i32>} : memref<128x128xf32, #tpu.memory_space<vmem>>, vector<16xf32>,
        %parallel_loop3A_370 = arith.index_cast %parallel_loop3A_327 : i32 to index
        %parallel_loop3A_371 = arith.constant 48 : index
        %parallel_loop3A_372 = tpu.vector_load %arg26[%parallel_loop3A_370, %parallel_loop3A_371] {strides = array<i32>} : memref<200x128xf32, #tpu.memory_space<vmem>>, vector<16xf32>,
        %parallel_loop3A_373 = arith.addf %parallel_loop3A_369, %parallel_loop3A_372 : vector<16xf32>
        %parallel_loop3A_374 = arith.mulf %parallel_loop3A_332, %get3A_9 : vector<16xf32>
        %parallel_loop3A_375 = arith.addf %parallel_loop3A_373, %parallel_loop3A_374 : vector<16xf32>
        %parallel_loop3A_376 = arith.addf %parallel_loop3A_364, %parallel_loop3A_375 : vector<16xf32>
        %parallel_loop3A_377 = arith.mulf %parallel_loop3A_375, %parallel_loop3A_375 : vector<16xf32>
        %parallel_loop3A_378 = arith.addf %parallel_loop3A_366, %parallel_loop3A_377 : vector<16xf32>
        %parallel_loop3A_379 = arith.index_cast %parallel_loop3A_310 : i32 to index
        %parallel_loop3A_380 = arith.constant 64 : index
        %parallel_loop3A_381 = tpu.vector_load %arg20[%parallel_loop3A_379, %parallel_loop3A_380] {strides = array<i32>} : memref<128x128xf32, #tpu.memory_space<vmem>>, vector<16xf32>,
        %parallel_loop3A_382 = arith.index_cast %parallel_loop3A_327 : i32 to index
        %parallel_loop3A_383 = arith.constant 64 : index
        %parallel_loop3A_384 = tpu.vector_load %arg26[%parallel_loop3A_382, %parallel_loop3A_383] {strides = array<i32>} : memref<200x128xf32, #tpu.memory_space<vmem>>, vector<16xf32>,
        %parallel_loop3A_385 = arith.addf %parallel_loop3A_381, %parallel_loop3A_384 : vector<16xf32>
        %parallel_loop3A_386 = arith.mulf %parallel_loop3A_332, %get3A_11 : vector<16xf32>
        %parallel_loop3A_387 = arith.addf %parallel_loop3A_385, %parallel_loop3A_386 : vector<16xf32>
        %parallel_loop3A_388 = arith.addf %parallel_loop3A_376, %parallel_loop3A_387 : vector<16xf32>
        %parallel_loop3A_389 = arith.mulf %parallel_loop3A_387, %parallel_loop3A_387 : vector<16xf32>
        %parallel_loop3A_390 = arith.addf %parallel_loop3A_378, %parallel_loop3A_389 : vector<16xf32>
        %parallel_loop3A_391 = arith.index_cast %parallel_loop3A_310 : i32 to index
        %parallel_loop3A_392 = arith.constant 80 : index
        %parallel_loop3A_393 = tpu.vector_load %arg20[%parallel_loop3A_391, %parallel_loop3A_392] {strides = array<i32>} : memref<128x128xf32, #tpu.memory_space<vmem>>, vector<16xf32>,
        %parallel_loop3A_394 = arith.index_cast %parallel_loop3A_327 : i32 to index
        %parallel_loop3A_395 = arith.constant 80 : index
        %parallel_loop3A_396 = tpu.vector_load %arg26[%parallel_loop3A_394, %parallel_loop3A_395] {strides = array<i32>} : memref<200x128xf32, #tpu.memory_space<vmem>>, vector<16xf32>,
        %parallel_loop3A_397 = arith.addf %parallel_loop3A_393, %parallel_loop3A_396 : vector<16xf32>
        %parallel_loop3A_398 = arith.mulf %parallel_loop3A_332, %get3A_13 : vector<16xf32>
        %parallel_loop3A_399 = arith.addf %parallel_loop3A_397, %parallel_loop3A_398 : vector<16xf32>
        %parallel_loop3A_400 = arith.addf %parallel_loop3A_388, %parallel_loop3A_399 : vector<16xf32>
        %parallel_loop3A_401 = arith.mulf %parallel_loop3A_399, %parallel_loop3A_399 : vector<16xf32>
        %parallel_loop3A_402 = arith.addf %parallel_loop3A_390, %parallel_loop3A_401 : vector<16xf32>
        %parallel_loop3A_403 = arith.index_cast %parallel_loop3A_310 : i32 to index
        %parallel_loop3A_404 = arith.constant 96 : index
        %parallel_loop3A_405 = tpu.vector_load %arg20[%parallel_loop3A_403, %parallel_loop3A_404] {strides = array<i32>} : memref<128x128xf32, #tpu.memory_space<vmem>>, vector<16xf32>,
        %parallel_loop3A_406 = arith.index_cast %parallel_loop3A_327 : i32 to index
        %parallel_loop3A_407 = arith.constant 96 : index
        %parallel_loop3A_408 = tpu.vector_load %arg26[%parallel_loop3A_406, %parallel_loop3A_407] {strides = array<i32>} : memref<200x128xf32, #tpu.memory_space<vmem>>, vector<16xf32>,
        %parallel_loop3A_409 = arith.addf %parallel_loop3A_405, %parallel_loop3A_408 : vector<16xf32>
        %parallel_loop3A_410 = arith.mulf %parallel_loop3A_332, %get3A_15 : vector<16xf32>
        %parallel_loop3A_411 = arith.addf %parallel_loop3A_409, %parallel_loop3A_410 : vector<16xf32>
        %parallel_loop3A_412 = arith.addf %parallel_loop3A_400, %parallel_loop3A_411 : vector<16xf32>
        %parallel_loop3A_413 = arith.mulf %parallel_loop3A_411, %parallel_loop3A_411 : vector<16xf32>
        %parallel_loop3A_414 = arith.addf %parallel_loop3A_402, %parallel_loop3A_413 : vector<16xf32>
        %parallel_loop3A_415 = arith.index_cast %parallel_loop3A_310 : i32 to index
        %parallel_loop3A_416 = arith.constant 112 : index
        %parallel_loop3A_417 = tpu.vector_load %arg20[%parallel_loop3A_415, %parallel_loop3A_416] {strides = array<i32>} : memref<128x128xf32, #tpu.memory_space<vmem>>, vector<16xf32>,
        %parallel_loop3A_418 = arith.index_cast %parallel_loop3A_327 : i32 to index
        %parallel_loop3A_419 = arith.constant 112 : index
        %parallel_loop3A_420 = tpu.vector_load %arg26[%parallel_loop3A_418, %parallel_loop3A_419] {strides = array<i32>} : memref<200x128xf32, #tpu.memory_space<vmem>>, vector<16xf32>,
        %parallel_loop3A_421 = arith.addf %parallel_loop3A_417, %parallel_loop3A_420 : vector<16xf32>
        %parallel_loop3A_422 = arith.mulf %parallel_loop3A_332, %get3A_17 : vector<16xf32>
        %parallel_loop3A_423 = arith.addf %parallel_loop3A_421, %parallel_loop3A_422 : vector<16xf32>
        %parallel_loop3A_424 = arith.addf %parallel_loop3A_412, %parallel_loop3A_423 : vector<16xf32>
        %parallel_loop3A_425 = arith.mulf %parallel_loop3A_423, %parallel_loop3A_423 : vector<16xf32>
        %parallel_loop3A_426 = arith.addf %parallel_loop3A_414, %parallel_loop3A_425 : vector<16xf32>
        %parallel_loop3A_427 = arith.constant true
        %parallel_loop3A_428 = vector.broadcast %parallel_loop3A_427 : i1 to vector<16xi1>
        %parallel_loop3A_429 = tpu.scan <sum>, %parallel_loop3A_424 masked %parallel_loop3A_428 : vector<16xf32>, vector<16xi1> -> vector<16xf32>
        %parallel_loop3A_430 = vector.extract %parallel_loop3A_429[15] : f32 from vector<16xf32>
        %parallel_loop3A_431 = arith.constant 7.812500e-03 : f32
        %parallel_loop3A_432 = arith.mulf %parallel_loop3A_430, %parallel_loop3A_431 : f32
        %parallel_loop3A_433 = arith.constant true
        %parallel_loop3A_434 = vector.broadcast %parallel_loop3A_433 : i1 to vector<16xi1>
        %parallel_loop3A_435 = tpu.scan <sum>, %parallel_loop3A_426 masked %parallel_loop3A_434 : vector<16xf32>, vector<16xi1> -> vector<16xf32>
        %parallel_loop3A_436 = vector.extract %parallel_loop3A_435[15] : f32 from vector<16xf32>
        %parallel_loop3A_437 = arith.constant 7.812500e-03 : f32
        %parallel_loop3A_438 = arith.mulf %parallel_loop3A_436, %parallel_loop3A_437 : f32
        %parallel_loop3A_439 = arith.mulf %parallel_loop3A_432, %parallel_loop3A_432 : f32
        %parallel_loop3A_440 = arith.subf %parallel_loop3A_438, %parallel_loop3A_439 : f32
        %parallel_loop3A_441 = arith.constant 9.99999996E-13 : f32
        %parallel_loop3A_442 = arith.addf %parallel_loop3A_440, %parallel_loop3A_441 : f32
        %parallel_loop3A_443 = arith.bitcast %parallel_loop3A_442 : f32 to i32
        %parallel_loop3A_444 = arith.constant 1 : i32
        %parallel_loop3A_445 = arith.shrsi %parallel_loop3A_443, %parallel_loop3A_444 : i32
        %parallel_loop3A_446 = arith.constant 1597463007 : i32
        %parallel_loop3A_447 = arith.subi %parallel_loop3A_446, %parallel_loop3A_445 : i32
        %parallel_loop3A_448 = arith.bitcast %parallel_loop3A_447 : i32 to f32
        %parallel_loop3A_449 = arith.constant 5.000000e-01 : f32
        %parallel_loop3A_450 = arith.mulf %parallel_loop3A_449, %parallel_loop3A_442 : f32
        %parallel_loop3A_451 = arith.mulf %parallel_loop3A_450, %parallel_loop3A_448 : f32
        %parallel_loop3A_452 = arith.mulf %parallel_loop3A_451, %parallel_loop3A_448 : f32
        %parallel_loop3A_453 = arith.constant 1.500000e+00 : f32
        %parallel_loop3A_454 = arith.subf %parallel_loop3A_453, %parallel_loop3A_452 : f32
        %parallel_loop3A_455 = arith.mulf %parallel_loop3A_448, %parallel_loop3A_454 : f32
        %parallel_loop3A_456 = arith.constant 5.000000e-01 : f32
        %parallel_loop3A_457 = arith.mulf %parallel_loop3A_456, %parallel_loop3A_442 : f32
        %parallel_loop3A_458 = arith.mulf %parallel_loop3A_457, %parallel_loop3A_455 : f32
        %parallel_loop3A_459 = arith.mulf %parallel_loop3A_458, %parallel_loop3A_455 : f32
        %parallel_loop3A_460 = arith.constant 1.500000e+00 : f32
        %parallel_loop3A_461 = arith.subf %parallel_loop3A_460, %parallel_loop3A_459 : f32
        %parallel_loop3A_462 = arith.mulf %parallel_loop3A_455, %parallel_loop3A_461 : f32
        %parallel_loop3A_463 = arith.constant 5.000000e-01 : f32
        %parallel_loop3A_464 = arith.mulf %parallel_loop3A_463, %parallel_loop3A_442 : f32
        %parallel_loop3A_465 = arith.mulf %parallel_loop3A_464, %parallel_loop3A_462 : f32
        %parallel_loop3A_466 = arith.mulf %parallel_loop3A_465, %parallel_loop3A_462 : f32
        %parallel_loop3A_467 = arith.constant 1.500000e+00 : f32
        %parallel_loop3A_468 = arith.subf %parallel_loop3A_467, %parallel_loop3A_466 : f32
        %parallel_loop3A_469 = arith.mulf %parallel_loop3A_462, %parallel_loop3A_468 : f32
        %parallel_loop3A_470 = vector.broadcast %parallel_loop3A_432 : f32 to vector<16xf32>
        %parallel_loop3A_471 = vector.broadcast %parallel_loop3A_469 : f32 to vector<16xf32>
        %parallel_loop3A_472 = arith.subf %parallel_loop3A_341, %parallel_loop3A_470 : vector<16xf32>
        %parallel_loop3A_473 = arith.mulf %parallel_loop3A_472, %parallel_loop3A_471 : vector<16xf32>
        %parallel_loop3A_474 = arith.mulf %parallel_loop3A_473, %get3A_35 : vector<16xf32>
        %parallel_loop3A_475 = arith.addf %parallel_loop3A_474, %get3A_51 : vector<16xf32>
        %parallel_loop3A_476 = arith.index_cast %parallel_loop3A_310 : i32 to index
        %parallel_loop3A_477 = arith.constant 0 : index
        %parallel_loop3A_478 = tpu.vector_load %arg20[%parallel_loop3A_476, %parallel_loop3A_477] {strides = array<i32>} : memref<128x128xf32, #tpu.memory_space<vmem>>, vector<16xf32>,
        tpu.vector_store %arg20[%parallel_loop3A_476, %parallel_loop3A_477], %parallel_loop3A_475 {strides = array<i32>} : memref<128x128xf32, #tpu.memory_space<vmem>>, vector<16xf32>,
        %parallel_loop3A_479 = arith.subf %parallel_loop3A_351, %parallel_loop3A_470 : vector<16xf32>
        %parallel_loop3A_480 = arith.mulf %parallel_loop3A_479, %parallel_loop3A_471 : vector<16xf32>
        %parallel_loop3A_481 = arith.mulf %parallel_loop3A_480, %get3A_37 : vector<16xf32>
        %parallel_loop3A_482 = arith.addf %parallel_loop3A_481, %get3A_53 : vector<16xf32>
        %parallel_loop3A_483 = arith.index_cast %parallel_loop3A_310 : i32 to index
        %parallel_loop3A_484 = arith.constant 16 : index
        %parallel_loop3A_485 = tpu.vector_load %arg20[%parallel_loop3A_483, %parallel_loop3A_484] {strides = array<i32>} : memref<128x128xf32, #tpu.memory_space<vmem>>, vector<16xf32>,
        tpu.vector_store %arg20[%parallel_loop3A_483, %parallel_loop3A_484], %parallel_loop3A_482 {strides = array<i32>} : memref<128x128xf32, #tpu.memory_space<vmem>>, vector<16xf32>,
        %parallel_loop3A_486 = arith.subf %parallel_loop3A_363, %parallel_loop3A_470 : vector<16xf32>
        %parallel_loop3A_487 = arith.mulf %parallel_loop3A_486, %parallel_loop3A_471 : vector<16xf32>
        %parallel_loop3A_488 = arith.mulf %parallel_loop3A_487, %get3A_39 : vector<16xf32>
        %parallel_loop3A_489 = arith.addf %parallel_loop3A_488, %get3A_55 : vector<16xf32>
        %parallel_loop3A_490 = arith.index_cast %parallel_loop3A_310 : i32 to index
        %parallel_loop3A_491 = arith.constant 32 : index
        %parallel_loop3A_492 = tpu.vector_load %arg20[%parallel_loop3A_490, %parallel_loop3A_491] {strides = array<i32>} : memref<128x128xf32, #tpu.memory_space<vmem>>, vector<16xf32>,
        tpu.vector_store %arg20[%parallel_loop3A_490, %parallel_loop3A_491], %parallel_loop3A_489 {strides = array<i32>} : memref<128x128xf32, #tpu.memory_space<vmem>>, vector<16xf32>,
        %parallel_loop3A_493 = arith.subf %parallel_loop3A_375, %parallel_loop3A_470 : vector<16xf32>
        %parallel_loop3A_494 = arith.mulf %parallel_loop3A_493, %parallel_loop3A_471 : vector<16xf32>
        %parallel_loop3A_495 = arith.mulf %parallel_loop3A_494, %get3A_41 : vector<16xf32>
        %parallel_loop3A_496 = arith.addf %parallel_loop3A_495, %get3A_57 : vector<16xf32>
        %parallel_loop3A_497 = arith.index_cast %parallel_loop3A_310 : i32 to index
        %parallel_loop3A_498 = arith.constant 48 : index
        %parallel_loop3A_499 = tpu.vector_load %arg20[%parallel_loop3A_497, %parallel_loop3A_498] {strides = array<i32>} : memref<128x128xf32, #tpu.memory_space<vmem>>, vector<16xf32>,
        tpu.vector_store %arg20[%parallel_loop3A_497, %parallel_loop3A_498], %parallel_loop3A_496 {strides = array<i32>} : memref<128x128xf32, #tpu.memory_space<vmem>>, vector<16xf32>,
        %parallel_loop3A_500 = arith.subf %parallel_loop3A_387, %parallel_loop3A_470 : vector<16xf32>
        %parallel_loop3A_501 = arith.mulf %parallel_loop3A_500, %parallel_loop3A_471 : vector<16xf32>
        %parallel_loop3A_502 = arith.mulf %parallel_loop3A_501, %get3A_43 : vector<16xf32>
        %parallel_loop3A_503 = arith.addf %parallel_loop3A_502, %get3A_59 : vector<16xf32>
        %parallel_loop3A_504 = arith.index_cast %parallel_loop3A_310 : i32 to index
        %parallel_loop3A_505 = arith.constant 64 : index
        %parallel_loop3A_506 = tpu.vector_load %arg20[%parallel_loop3A_504, %parallel_loop3A_505] {strides = array<i32>} : memref<128x128xf32, #tpu.memory_space<vmem>>, vector<16xf32>,
        tpu.vector_store %arg20[%parallel_loop3A_504, %parallel_loop3A_505], %parallel_loop3A_503 {strides = array<i32>} : memref<128x128xf32, #tpu.memory_space<vmem>>, vector<16xf32>,
        %parallel_loop3A_507 = arith.subf %parallel_loop3A_399, %parallel_loop3A_470 : vector<16xf32>
        %parallel_loop3A_508 = arith.mulf %parallel_loop3A_507, %parallel_loop3A_471 : vector<16xf32>
        %parallel_loop3A_509 = arith.mulf %parallel_loop3A_508, %get3A_45 : vector<16xf32>
        %parallel_loop3A_510 = arith.addf %parallel_loop3A_509, %get3A_61 : vector<16xf32>
        %parallel_loop3A_511 = arith.index_cast %parallel_loop3A_310 : i32 to index
        %parallel_loop3A_512 = arith.constant 80 : index
        %parallel_loop3A_513 = tpu.vector_load %arg20[%parallel_loop3A_511, %parallel_loop3A_512] {strides = array<i32>} : memref<128x128xf32, #tpu.memory_space<vmem>>, vector<16xf32>,
        tpu.vector_store %arg20[%parallel_loop3A_511, %parallel_loop3A_512], %parallel_loop3A_510 {strides = array<i32>} : memref<128x128xf32, #tpu.memory_space<vmem>>, vector<16xf32>,
        %parallel_loop3A_514 = arith.subf %parallel_loop3A_411, %parallel_loop3A_470 : vector<16xf32>
        %parallel_loop3A_515 = arith.mulf %parallel_loop3A_514, %parallel_loop3A_471 : vector<16xf32>
        %parallel_loop3A_516 = arith.mulf %parallel_loop3A_515, %get3A_47 : vector<16xf32>
        %parallel_loop3A_517 = arith.addf %parallel_loop3A_516, %get3A_63 : vector<16xf32>
        %parallel_loop3A_518 = arith.index_cast %parallel_loop3A_310 : i32 to index
        %parallel_loop3A_519 = arith.constant 96 : index
        %parallel_loop3A_520 = tpu.vector_load %arg20[%parallel_loop3A_518, %parallel_loop3A_519] {strides = array<i32>} : memref<128x128xf32, #tpu.memory_space<vmem>>, vector<16xf32>,
        tpu.vector_store %arg20[%parallel_loop3A_518, %parallel_loop3A_519], %parallel_loop3A_517 {strides = array<i32>} : memref<128x128xf32, #tpu.memory_space<vmem>>, vector<16xf32>,
        %parallel_loop3A_521 = arith.subf %parallel_loop3A_423, %parallel_loop3A_470 : vector<16xf32>
        %parallel_loop3A_522 = arith.mulf %parallel_loop3A_521, %parallel_loop3A_471 : vector<16xf32>
        %parallel_loop3A_523 = arith.mulf %parallel_loop3A_522, %get3A_49 : vector<16xf32>
        %parallel_loop3A_524 = arith.addf %parallel_loop3A_523, %get3A_65 : vector<16xf32>
        %parallel_loop3A_525 = arith.index_cast %parallel_loop3A_310 : i32 to index
        %parallel_loop3A_526 = arith.constant 112 : index
        %parallel_loop3A_527 = tpu.vector_load %arg20[%parallel_loop3A_525, %parallel_loop3A_526] {strides = array<i32>} : memref<128x128xf32, #tpu.memory_space<vmem>>, vector<16xf32>,
        tpu.vector_store %arg20[%parallel_loop3A_525, %parallel_loop3A_526], %parallel_loop3A_524 {strides = array<i32>} : memref<128x128xf32, #tpu.memory_space<vmem>>, vector<16xf32>,
      } {sc.loop_unroll_factor = 8 : i64, sc.parallel_access}
      %dma_start3A_306 = arith.constant 0 : i32
      %dma_start3A_307 = tpu.memref_slice %arg10[%add3A_293, %dma_start3A_306] : memref<204800x128xf32, #tpu.memory_space<hbm>> -> memref<128x128xf32, #tpu.memory_space<hbm>>
      %dma_start3A_308 = arith.constant 0 : i32
      %dma_start3A_309 = tpu.memref_slice %arg10[%add3A_293, %dma_start3A_308] : memref<204800x128xf32, #tpu.memory_space<hbm>> -> memref<128x128xf32, #tpu.memory_space<hbm>>
      tpu.enqueue_dma source(%arg20 : memref<128x128xf32, #tpu.memory_space<vmem>>) target(%dma_start3A_309 : memref<128x128xf32, #tpu.memory_space<hbm>>) target_semaphore(%arg40 : memref<!tpu.dma_semaphore, #tpu.memory_space<semaphore_mem>>)
    }
    %scan3A_96 = arith.constant 10 : i32
    %add3A_97 = arith.constant 5760 : i32
    %add3A_98 = arith.addi %mul3A_2, %add3A_97 : i32
    %dma_wait3A_99 = arith.constant 0 : i32
    %dma_wait3A_100 = tpu.memref_slice %arg10[%add3A_98, %dma_wait3A_99] : memref<204800x128xf32, #tpu.memory_space<hbm>> -> memref<128x128xf32, #tpu.memory_space<hbm>>
    %dma_wait3A_101 = arith.constant 0 : i32
    %dma_wait3A_102 = tpu.memref_slice %arg10[%add3A_98, %dma_wait3A_101] : memref<204800x128xf32, #tpu.memory_space<hbm>> -> memref<128x128xf32, #tpu.memory_space<hbm>>
    tpu.wait_dma2 semaphore(%arg36 : memref<!tpu.dma_semaphore, #tpu.memory_space<semaphore_mem>>) src(%arg16 : memref<128x128xf32, #tpu.memory_space<vmem>>) dst(%dma_wait3A_102 : memref<128x128xf32, #tpu.memory_space<hbm>>)
    %add3A_103 = arith.constant 5888 : i32
    %add3A_104 = arith.addi %mul3A_2, %add3A_103 : i32
    %dma_wait3A_105 = arith.constant 0 : i32
    %dma_wait3A_106 = tpu.memref_slice %arg10[%add3A_104, %dma_wait3A_105] : memref<204800x128xf32, #tpu.memory_space<hbm>> -> memref<128x128xf32, #tpu.memory_space<hbm>>
    %dma_wait3A_107 = arith.constant 0 : i32
    %dma_wait3A_108 = tpu.memref_slice %arg10[%add3A_104, %dma_wait3A_107] : memref<204800x128xf32, #tpu.memory_space<hbm>> -> memref<128x128xf32, #tpu.memory_space<hbm>>
    tpu.wait_dma2 semaphore(%arg37 : memref<!tpu.dma_semaphore, #tpu.memory_space<semaphore_mem>>) src(%arg17 : memref<128x128xf32, #tpu.memory_space<vmem>>) dst(%dma_wait3A_108 : memref<128x128xf32, #tpu.memory_space<hbm>>)
    %add3A_109 = arith.constant 6016 : i32
    %add3A_110 = arith.addi %mul3A_2, %add3A_109 : i32
    %dma_wait3A_111 = arith.constant 0 : i32
    %dma_wait3A_112 = tpu.memref_slice %arg10[%add3A_110, %dma_wait3A_111] : memref<204800x128xf32, #tpu.memory_space<hbm>> -> memref<128x128xf32, #tpu.memory_space<hbm>>
    %dma_wait3A_113 = arith.constant 0 : i32
    %dma_wait3A_114 = tpu.memref_slice %arg10[%add3A_110, %dma_wait3A_113] : memref<204800x128xf32, #tpu.memory_space<hbm>> -> memref<128x128xf32, #tpu.memory_space<hbm>>
    tpu.wait_dma2 semaphore(%arg38 : memref<!tpu.dma_semaphore, #tpu.memory_space<semaphore_mem>>) src(%arg18 : memref<128x128xf32, #tpu.memory_space<vmem>>) dst(%dma_wait3A_114 : memref<128x128xf32, #tpu.memory_space<hbm>>)
    %add3A_115 = arith.constant 6144 : i32
    %add3A_116 = arith.addi %mul3A_2, %add3A_115 : i32
    %dma_wait3A_117 = arith.constant 0 : i32
    %dma_wait3A_118 = tpu.memref_slice %arg10[%add3A_116, %dma_wait3A_117] : memref<204800x128xf32, #tpu.memory_space<hbm>> -> memref<128x128xf32, #tpu.memory_space<hbm>>
    %dma_wait3A_119 = arith.constant 0 : i32
    %dma_wait3A_120 = tpu.memref_slice %arg10[%add3A_116, %dma_wait3A_119] : memref<204800x128xf32, #tpu.memory_space<hbm>> -> memref<128x128xf32, #tpu.memory_space<hbm>>
    tpu.wait_dma2 semaphore(%arg39 : memref<!tpu.dma_semaphore, #tpu.memory_space<semaphore_mem>>) src(%arg19 : memref<128x128xf32, #tpu.memory_space<vmem>>) dst(%dma_wait3A_120 : memref<128x128xf32, #tpu.memory_space<hbm>>)
    %add3A_121 = arith.constant 6272 : i32
    %add3A_122 = arith.addi %mul3A_2, %add3A_121 : i32
    %dma_wait3A_123 = arith.constant 0 : i32
    %dma_wait3A_124 = tpu.memref_slice %arg10[%add3A_122, %dma_wait3A_123] : memref<204800x128xf32, #tpu.memory_space<hbm>> -> memref<128x128xf32, #tpu.memory_space<hbm>>
    %dma_wait3A_125 = arith.constant 0 : i32
    %dma_wait3A_126 = tpu.memref_slice %arg10[%add3A_122, %dma_wait3A_125] : memref<204800x128xf32, #tpu.memory_space<hbm>> -> memref<128x128xf32, #tpu.memory_space<hbm>>
    tpu.wait_dma2 semaphore(%arg40 : memref<!tpu.dma_semaphore, #tpu.memory_space<semaphore_mem>>) src(%arg20 : memref<128x128xf32, #tpu.memory_space<vmem>>) dst(%dma_wait3A_126 : memref<128x128xf32, #tpu.memory_space<hbm>>)
    return
  }
}

</mosaic_0001>

<sc_bundles>
// kernel: kernel.3.cloned.1.call-start
scs
__scs_entry_jumppad:
0x0: {  	(pc) =	sbr.rel $0x88, $3  }
0x1: {  	(tag) =	ssettag $0x0;
	lr =	simm.s32 $0x1  }
0x2: {  	[smem:$0x3F99] =	sst lr;
	_ =	strace $0xD0000000  }
0x3: {  	_ = 	snop  }
0x4: {  	_ = 	snop  }
0x5: {  	_ = 	snop  }
0x6: {  	_ = 	snop  }
0x7: {  	_ = 	snop  }
__scs_overlays_trampoline_lowered:
0x8: {  	[smem:$0x3FA8] =	sst s0  }
0x9: {  	[smem:$0x3FA9] =	sst s1  }
0xa: {  	[smem:$0x3FAA] =	sst s2  }
0xb: {  	[smem:$0x3FAB] =	sst s3  }
0xc: {  	[smem:$0x3FAC] =	sst s4  }
0xd: {  	[smem:$0x3FAD] =	sst s5  }
0xe: {  	[smem:$0x3FAE] =	sst s6  }
0xf: {  	[smem:$0x3FAF] =	sst s7  }
0x10: {  	[smem:$0x3FB0] =	sst s8  }
0x11: {  	[smem:$0x3FB1] =	sst s9;
	s0 =	simm.s32 @!p0 $0x0  }
0x12: {  	s1 =	sld [smem:$0x3F97];
	s0 =	simm.s32 @p0 $0x1  }
0x13: {  	[smem:$0x3FB2] =	sst s0;
	s0 =	simm.s32 @!p1 $0x0  }
0x14: {  	s2 =	sld [smem:$0x3F96];
	s0 =	simm.s32 @p1 $0x1  }
0x15: {  	[smem:$0x3FB3] =	sst s0;
	s0 =	simm.s32 @!p2 $0x0  }
0x16: {  	s3 =	sld [smem:$0x3FDB];
	s0 =	simm.s32 @p2 $0x1  }
0x17: {  	s4 =	simm.s32 $0x1BF5;
	[smem:$0x3FB5] =	sst s0  }
0x18: {  	s0 =	sld [smem:$0x3F98];
	_ =	swait.ge [sflag:s4], $0x0  }
0x19: {  	s7 =	sld [smem:$0x3F99]  }
0x1a: {  	s8 =	sadd.s32 $0xFFFFE003, lr  }
0x1b: {  	s9 =	sadd.s32 $0xFFFFFEF7, lr;
	s5 =	simm.s32 $0xFFFFFFFF;
	p2 =	slt.u32 s8, $0xFFFFF086  }
0x1c: {  	p1 =	slt.u32 s9, $0xF7A;
	s5 =	simm.s32 @!p2 $0x0  }
0x1d: {  	s5 =	simm.s32 @p1 $0x1;
	p0 =	seq.s32 s7, s2  }
0x1e: {  	s7 =	smul.u32 @!p0 $0xF7A, s2;
	p2 =	seq.s32 @!p0 s5, $0x0  }
0x1f: {  	s9 =	smul.u32 $0xF7A, s1;
	s8 =	simm.s32 @!p0 $0x1BF5;
	p2 =	por !p2, p0  }
0x20: {  	[sflag:s8] =	ssyncset.s32 @!p0 $0xFFFFF086;
	s6 =	sadd.s32 @!p0 s3, s7;
	s7 =	simm.s32 @!p0 $0x108  }
0x21: {  	s3 =	sadd.s32 s3, s9;
	s6 =	sadd.s32 @!p0 $0x88, s6;
	s7 =	simm.s32 @p2 $0x1082  }
0x22: {  	[simem:s7], [sflag:s8] =	dma.local @!p0 [hbm:s6], $0xF7A  }
0x23: {  	s9 =	sor.u32 $0xD0000000, s2;
	s6 =	simm.s32 $0x108;
	_ =	swait.ge @!p0 [sflag:s8], $0x0  }
0x24: {  	s3 =	sadd.s32 $0x88, s3;
	s6 =	simm.s32 @!p1 $0x1082;
	[sflag:s4] =	ssyncset.s32 $0xFFFFF086  }
0x25: {  	[simem:s6], [sflag:s4] =	dma.local [hbm:s3], $0xF7A  }
0x26: {  	[smem:$0x3F99] =	sst s1;
	(tag) =	ssettag s2;
	_ =	strace s9  }
0x27: {  	s1 =	sld [smem:$0x3FA9]  }
0x28: {  	s2 =	sld [smem:$0x3FAA]  }
0x29: {  	s4 =	sld [smem:$0x3FAC]  }
0x2a: {  	p0 =	seq.s32 s5, $0x0;
	s5 =	sld [smem:$0x3FAD]  }
0x2b: {  	s6 =	sld [smem:$0x3FAE]  }
0x2c: {  	s7 =	sld [smem:$0x3FAF]  }
0x2d: {  	s3 =	simm.s32 $0x108;
	s8 =	sld [smem:$0x3FB0]  }
0x2e: {  	s3 =	simm.s32 @!p0 $0x1082;
	s9 =	sld [smem:$0x3FB1]  }
0x2f: {  	lr =	sadd.s32 s0, s3;
	s0 =	sld [smem:$0x3FA8]  }
0x30: {  	s3 =	sld [smem:$0x3FAB]  }
0x31: {  	[smem:$0x3FB4] =	sst s10  }
0x32: {  	s10 =	sld [smem:$0x3FB2];
	_ =	sdelay $0x3  }
0x33: {  	p0 =	seq.s32 s10, $0x1;
	s10 =	sld [smem:$0x3FB4];
	_ =	sdelay $0x3  }
0x34: {  	[smem:$0x3FB4] =	sst s10  }
0x35: {  	s10 =	sld [smem:$0x3FB3];
	_ =	sdelay $0x3  }
0x36: {  	p1 =	seq.s32 s10, $0x1;
	s10 =	sld [smem:$0x3FB4];
	_ =	sdelay $0x3  }
0x37: {  	[smem:$0x3FB4] =	sst s10  }
0x38: {  	s10 =	sld [smem:$0x3FB5]  }
0x39: {  	_ = 	snop;
	(pc) =	sbr.ind lr, $3  }
0x3a: {  	_ = 	snop  }
0x3b: {  	_ = 	snop  }
0x3c: {  	p2 =	seq.s32 s10, $0x1;
	s10 =	sld [smem:$0x3FB4]  }
0x3d: {  	_ =	shalt  }
0x3e: {  	_ =	shalt  }
0x3f: {  	_ =	shalt  }
0x40: {  	_ =	shalt  }
0x41: {  	_ =	shalt  }
0x42: {  	_ =	shalt  }
0x43: {  	_ =	shalt  }
0x44: {  	_ =	shalt  }
0x45: {  	_ =	shalt  }
0x46: {  	_ =	shalt  }
0x47: {  	_ =	shalt  }
0x48: {  	_ =	shalt  }
0x49: {  	_ =	shalt  }
0x4a: {  	_ =	shalt  }
0x4b: {  	_ =	shalt  }
0x4c: {  	_ =	shalt  }
0x4d: {  	_ =	shalt  }
0x4e: {  	_ =	shalt  }
0x4f: {  	_ =	shalt  }
0x50: {  	_ =	shalt  }
0x51: {  	_ =	shalt  }
0x52: {  	_ =	shalt  }
0x53: {  	_ =	shalt  }
0x54: {  	_ =	shalt  }
0x55: {  	_ =	shalt  }
0x56: {  	_ =	shalt  }
0x57: {  	_ =	shalt  }
0x58: {  	_ =	shalt  }
0x59: {  	_ =	shalt  }
0x5a: {  	_ =	shalt  }
0x5b: {  	_ =	shalt  }
0x5c: {  	_ =	shalt  }
0x5d: {  	_ =	shalt  }
0x5e: {  	_ =	shalt  }
0x5f: {  	_ =	shalt  }
0x60: {  	_ =	shalt  }
0x61: {  	_ =	shalt  }
0x62: {  	_ =	shalt  }
0x63: {  	_ =	shalt  }
0x64: {  	_ =	shalt  }
0x65: {  	_ =	shalt  }
0x66: {  	_ =	shalt  }
0x67: {  	_ =	shalt  }
0x68: {  	_ =	shalt  }
0x69: {  	_ =	shalt  }
0x6a: {  	_ =	shalt  }
0x6b: {  	_ =	shalt  }
0x6c: {  	_ =	shalt  }
0x6d: {  	_ =	shalt  }
0x6e: {  	_ =	shalt  }
0x6f: {  	_ =	shalt  }
0x70: {  	_ =	shalt  }
0x71: {  	_ =	shalt  }
0x72: {  	_ =	shalt  }
0x73: {  	_ =	shalt  }
0x74: {  	_ =	shalt  }
0x75: {  	_ =	shalt  }
0x76: {  	_ =	shalt  }
0x77: {  	_ =	shalt  }
0x78: {  	_ =	shalt  }
0x79: {  	_ =	shalt  }
0x7a: {  	_ =	shalt  }
0x7b: {  	_ =	shalt  }
0x7c: {  	_ =	shalt  }
0x7d: {  	_ =	shalt  }
0x7e: {  	_ =	shalt  }
0x7f: {  	_ =	shalt  }
0x80: {  	_ =	shalt  }
0x81: {  	_ =	shalt  }
0x82: {  	_ =	shalt  }
0x83: {  	_ =	shalt  }
0x84: {  	_ =	shalt  }
0x85: {  	_ =	shalt  }
0x86: {  	_ =	shalt  }
0x87: {  	_ =	shalt  }
.Lfunc_end0:
.L_simem_size_0:
called_computation_lowered:
.L_overlay_start_0:
0x88: {  	s2 =	sld [smem:$0x3FD9]  }
0x89: {  	s3 =	sld [smem:$0x3FFE];
	_ =	sdelay $0x1  }
0x8a: {  	s1 =	srdreg.scid  }
0x8b: {  	s0 =	sand.u32 $0x1, s1  }
0x8c: {  	s17 =	sshll.u32 s0, $0xA;
	s2 =	sadd.s32 s3, s2  }
0x8d: {  	s2 =	sadd.s32 s2, s17  }
0x8e: {  	[smem:$0x3FC0] =	sst s2  }
0x8f: {  	_ = 	snop  }
0x90: {  	s2 =	sld [smem:$0x3FC7]  }
0x91: {  	s18 =	sld [smem:$0x3FC6]  }
0x92: {  	s4 =	sld [smem:$0x3FC5]  }
0x93: {  	s5 =	sld [smem:$0x3FC4]  }
0x94: {  	s6 =	sld [smem:$0x3FC3]  }
0x95: {  	s7 =	sld [smem:$0x3FC2]  }
0x96: {  	s8 =	sld [smem:$0x3FD0];
	(tm) =	ssettm $0x1  }
0x97: {  	s9 =	sld [smem:$0x3FFB];
	_ =	sdelay $0x3  }
0x98: {  	_ =	strace s9  }
0x99: {  	s9 =	sld [smem:$0x3FFC];
	_ =	sdelay $0x3  }
0x9a: {  	_ =	strace s9  }
0x9b: {  	s9 =	sld [smem:$0x3FFD];
	_ =	sdelay $0x3  }
0x9c: {  	_ =	strace s9  }
0x9d: {  	_ =	strace $0x8FFFFFFF  }
0x9e: {  	s19 =	sld [smem:$0x3FDB];
	_ =	sdelay $0x1  }
0x9f: {  	s10 =	simm.s32 $_scs_section_size  }
0xa0: {  	s11 =	simm.s32 $_size__tile_overlayer_lowered;
	s12 =	simm.s32 $_tile_overlayer_lowered  }
0xa1: {  	s22 =	simm.s32 $0x1BFF;
	s21 =	sshll.u32 s12, $0x1;
	s9 =	sadd.s32 s10, s19  }
0xa2: {  	s13 =	simm.s32 $0x0;
	s20 =	sshll.u32 s11, $0x1;
	s11 =	sadd.s32 s21, s9  }
0xa3: {  	[timem:s13], [sflag:s22] =	dma.local [hbm:s11], s20  }
0xa4: {  	_ =	swait.ge [sflag:s22], s20  }
0xa5: {  	s10 =	ssub.s32 $0x0, s20;
	[sflag:s22] =	ssyncset.done $0x0  }
0xa6: {  	[sflag:s22] =	ssyncadd.s32 s10;
	_ =	sdelay $0x1  }
0xa7: {  	s23 =	simm.s32 $0x1B8B  }
0xa8: {  	_ =	swait.ge [sflag:s23], $0x1  }
0xa9: {  	[sflag:s23] =	ssyncset.done $0x0  }
0xaa: {  	s25 =	simm.s32 $0x1B8E;
	s24 =	sld [smem:$0x3FFE];
	[sflag:s23] =	ssyncadd.s32 $0xFFFFFFFF  }
0xab: {  	s26 =	simm.s32 $execute0_lowered;
	[smem:$0x3FD2] =	sst s25  }
0xac: {  	s11 =	sshll.u32 s26, $0x1;
	_ =	strace $0x80000046;
	[dreg:$0x1] =	wrdreg $0xFFFFFFFF  }
0xad: {  	s28 =	simm.s32 $_size_execute0_lowered;
	s9 =	sadd.s32 s9, s11;
	[dreg:$0x0] =	wrdreg $0x0  }
0xae: {  	s11 =	sshll.u32 s28, $0x1;
	[dreg:$0x2] =	wrdreg s9  }
0xaf: {  	[dreg:$0x3] =	wrdreg s11  }
0xb0: {  	[dreg:$0x4] =	wrdreg $0xC0  }
0xb1: {  	_ =	task [dreg:s13], $0x5FFFF  }
0xb2: {  	[dreg:$0x1] =	wrdreg $0xFFFFFFFF  }
0xb3: {  	[dreg:$0x0] =	wrdreg $0x60  }
0xb4: {  	[dreg:$0x2] =	wrdreg s24  }
0xb5: {  	[dreg:$0x3] =	wrdreg s2  }
0xb6: {  	[dreg:$0x4] =	wrdreg s18  }
0xb7: {  	[dreg:$0x5] =	wrdreg s4  }
0xb8: {  	[dreg:$0x6] =	wrdreg s5  }
0xb9: {  	[dreg:$0x7] =	wrdreg s6  }
0xba: {  	[dreg:$0x8] =	wrdreg s7  }
0xbb: {  	[dreg:$0x9] =	wrdreg s8  }
0xbc: {  	[dreg:$0xa] =	wrdreg $0x9  }
0xbd: {  	_ =	task.clear_ibuf [dreg:s13], $0xBFFFF;
	_ =	strace $0x90000046  }
0xbe: {  	s29 =	simm.s32 $0x9;
	_ =	strace $0x80000048  }
0xbf: {  	_ =	swait.ge [sflag:s29], $0x1  }
0xc0: {  	[sflag:s29] =	ssyncadd.s32 $0xFFFFFFFF  }
0xc1: {  	_ =	strace $0x90000048  }
0xc2: {  	_ =	sfence  }
0xc3: {  	s30 =	sld [smem:$0x0];
	_ =	sdelay $0x2  }
0xc4: {  	s31 =	sshll.u32 s1, $0xD;
	s1 =	sshrl.u32 s1, $0x2  }
0xc5: {  	s3 =	sand.u32 $0x4000, s31;
	s1 =	sadd.s32 s1, s30  }
0xc6: {  	s0 =	sor.u32 s3, s0;
	s1 =	sshll.u32 s1, $0x11  }
0xc7: {  	s0 =	sor.u32 s1, s0  }
0xc8: {  	s0 =	sadd.s32 $0x8F2B, s0  }
0xc9: {  	[sflag:s0] =	ssyncadd.remote.s32 $0x1  }
0xca: {  	_ =	sfence.sel $0xFFFF  }
0xcb: {  	[dreg:$0x0] =	wrdreg $0xFFFFFFFF;
	(pc) =	sbr.abs _section_cstart, $3  }
0xcc: {  	[dreg:$0x1] =	wrdreg $0xFFFFFFFF  }
0xcd: {  	_ =	task.clear_ibuf [dreg:s13], $0x2FFFF;
	_ =	strace $0x9FFFFFFF  }
0xce: {  	(tm) =	ssettm $0x7FFFFFFF  }
0xcf: {  	_ =	shalt  }
tec
execute0_lowered:
.L_overlay_start_1:
0x0: {  	(tag) =	ssettag $0x1  }
0x1: {  	s2 =	srdreg.scid;
	s0 =	stileid.u32  }
0x2: {  	s2 =	sand.u32 $0x1, s2;
	s3 =	sshll.u32 s0, $0x1  }
0x3: {  	s1 =	rddreg [dreg:$0x0];
	s9 =	simm.s32 $0x0;
	s3 =	sor.u32 s2, s3  }
0x4: {  	[smem:$0x7FF] =	sst s9;
	s4 =	sadd.s32 $0x400, s1;
	s20 =	smul.u32 $0x1900, s3  }
0x5: {  	_ =	strace $0x80000047;
	[dreg:$0xa] =	wrdreg s4  }
0x6: {  	s25 =	sadd.s32 $0x100, s20;
	[dreg:$0x9] =	wrdreg s20  }
0x7: {  	s26 =	sadd.s32 $0x180, s20;
	[dreg:$0xf] =	wrdreg s25  }
0x8: {  	s5 =	sadd.s32 $0x6800, s1;
	s28 =	sor.u32 $0x80, s20;
	[dreg:$0x10] =	wrdreg s26  }
0x9: {  	s2 =	ssub.s32 $0x2, s2;
	s29 =	sadd.s32 $0x200, s20;
	[dreg:$0x11] =	wrdreg s28  }
0xa: {  	s21 =	sshrl.u32 s2, $0x1;
	s30 =	sadd.s32 $0x280, s20;
	[dreg:$0x12] =	wrdreg s29  }
0xb: {  	s1 =	ssub.s32 s2, s21;
	s0 =	sadd.s32 $0x300, s20;
	[dreg:$0x13] =	wrdreg s30  }
0xc: {  	s3 =	sshrl.u32 s20, $0x3;
	s31 =	smax.u32 s1, $0x1;
	[dreg:$0x14] =	wrdreg s0  }
0xd: {  	s22 =	sadd.s32 s4, s3;
	[dreg:$0x15] =	wrdreg s31  }
0xe: {  	s23 =	sor.u32 $0x10, s3;
	s3 =	sadd.s32 s5, s3;
	[dreg:$0xb] =	wrdreg s22  }
0xf: {  	[dreg:$0xc] =	wrdreg s3;
	s24 =	sadd.s32 s4, s23  }
0x10: {  	s11 =	simm.s32 $0x100;
	s2 =	sadd.s32 s5, s23;
	[dreg:$0xd] =	wrdreg s24  }
0x11: {  	s12 =	smov.u32 s5;
	[dreg:$0xe] =	wrdreg s2;
	s2 =	simm.s32 $0x0  }
.LBB2_1:
0x12: {  	[dreg:$0x16] =	wrdreg s2  }
0x13: {  	s0 =	rddreg [dreg:$0x2];
	s1 =	simm.s32 $0x14780;
	s22 =	simm.s32 $0x15  }
0x14: {  	[tilespmem:s1], [sflag:$0x15] =	stream.linear.gather [hbm4b:s0+s9], $0x6400, $0x38;
	[tilespmem:$0x1AD80] =	vst v63  }
0x15: {  	_ =	swait.ge [sflag:s22], $0x6400  }
0x16: {  	[sflag:s22] =	ssyncset.done $0x0  }
0x17: {  	[sflag:s22] =	ssyncadd.s32 $0xFFFF9C00  }
0x18: {  	s24 =	simm.s32 $0x1AB80;
	s23 =	rddreg [dreg:$0x3]  }
0x19: {  	[tilespmem:s24], [sflag:$0x15] =	stream.linear.gather [hbm4b:s23+s9], $0x80, $0x38;
	[tilespmem:$0x1AD80] =	vst v63  }
0x1a: {  	_ =	swait.ge [sflag:s22], $0x80  }
0x1b: {  	[sflag:s22] =	ssyncset.done $0x0  }
0x1c: {  	[sflag:s22] =	ssyncadd.s32 $0xFFFFFF80  }
0x1d: {  	s26 =	simm.s32 $0x1AC00;
	s25 =	rddreg [dreg:$0x4]  }
0x1e: {  	[tilespmem:s26], [sflag:$0x15] =	stream.linear.gather [hbm4b:s25+s9], $0x80, $0x38;
	[tilespmem:$0x1AD80] =	vst v63  }
0x1f: {  	_ =	swait.ge [sflag:s22], $0x80  }
0x20: {  	[sflag:s22] =	ssyncset.done $0x0  }
0x21: {  	[sflag:s22] =	ssyncadd.s32 $0xFFFFFF80  }
0x22: {  	s29 =	simm.s32 $0x1AC80;
	s28 =	rddreg [dreg:$0x5]  }
0x23: {  	[tilespmem:s29], [sflag:$0x15] =	stream.linear.gather [hbm4b:s28+s9], $0x80, $0x38;
	[tilespmem:$0x1AD80] =	vst v63  }
0x24: {  	_ =	swait.ge [sflag:s22], $0x80  }
0x25: {  	[sflag:s22] =	ssyncset.done $0x0  }
0x26: {  	[sflag:s22] =	ssyncadd.s32 $0xFFFFFF80  }
0x27: {  	s31 =	simm.s32 $0x1AD00;
	s30 =	rddreg [dreg:$0x6]  }
0x28: {  	[tilespmem:s31], [sflag:$0x15] =	stream.linear.gather [hbm4b:s30+s9], $0x80, $0x38;
	[tilespmem:$0x1AD80] =	vst v63  }
0x29: {  	_ =	swait.ge [sflag:s22], $0x80  }
0x2a: {  	[sflag:s22] =	ssyncset.done $0x0  }
0x2b: {  	[sflag:s22] =	ssyncadd.s32 $0xFFFFFF80  }
0x2c: {  	v26 =	vld [tilespmem:$0x1AB80]  }
0x2d: {  	v23 =	vld [tilespmem:$0x1AB90]  }
0x2e: {  	v25 =	vld [tilespmem:$0x1ABA0]  }
0x2f: {  	v17 =	vld [tilespmem:$0x1ABB0]  }
0x30: {  	v18 =	vld [tilespmem:$0x1ABC0]  }
0x31: {  	v19 =	vld [tilespmem:$0x1ABD0]  }
0x32: {  	v20 =	vld [tilespmem:$0x1ABE0]  }
0x33: {  	v21 =	vld [tilespmem:$0x1ABF0]  }
0x34: {  	v0 =	vld [tilespmem:$0x1AC00]  }
0x35: {  	v5 =	vld [tilespmem:$0x1AC10]  }
0x36: {  	v6 =	vld [tilespmem:$0x1AC20]  }
0x37: {  	v4 =	vld [tilespmem:$0x1AC30]  }
0x38: {  	v3 =	vld [tilespmem:$0x1AC40]  }
0x39: {  	v2 =	vld [tilespmem:$0x1AC50]  }
0x3a: {  	v1 =	vld [tilespmem:$0x1AC60]  }
0x3b: {  	v7 =	vld [tilespmem:$0x1AC70]  }
0x3c: {  	v28 =	vld [tilespmem:$0x1AC80]  }
0x3d: {  	v46 =	vld [tilespmem:$0x1AC90]  }
0x3e: {  	v36 =	vld [tilespmem:$0x1ACA0]  }
0x3f: {  	v35 =	vld [tilespmem:$0x1ACB0]  }
0x40: {  	v39 =	vld [tilespmem:$0x1ACC0]  }
0x41: {  	v47 =	vld [tilespmem:$0x1ACD0]  }
0x42: {  	v22 =	vld [tilespmem:$0x1ACE0]  }
0x43: {  	v29 =	vld [tilespmem:$0x1ACF0]  }
0x44: {  	v24 =	vld [tilespmem:$0x1AD00]  }
0x45: {  	v27 =	vld [tilespmem:$0x1AD10]  }
0x46: {  	v8 =	vld [tilespmem:$0x1AD60]  }
0x47: {  	v31 =	vld [tilespmem:$0x1AD20]  }
0x48: {  	v50 =	vld [tilespmem:$0x1AD30]  }
0x49: {  	v45 =	vld [tilespmem:$0x1AD40]  }
0x4a: {  	v52 =	vld [tilespmem:$0x1AD50]  }
0x4b: {  	s2 =	simm.s32 $0x14880;
	v51 =	vld [tilespmem:$0x1AD70];
	[tilespmem:$0x1FFF0] =	vst v8  }
0x4c: {  	v8 =	vld [tilespmem:s2+$0xF0]  }
0x4d: {  	v9 =	vld [tilespmem:s2+$0xFFFFFF10]  }
0x4e: {  	v10 =	vld [tilespmem:s2+$0xFFFFFF20]  }
0x4f: {  	v11 =	vld [tilespmem:s2+$0xFFFFFF30]  }
0x50: {  	v14 =	vld [tilespmem:s2+$0xFFFFFF60]  }
0x51: {  	v12 =	vld [tilespmem:s2+$0xFFFFFF40]  }
0x52: {  	v13 =	vld [tilespmem:s2+$0xFFFFFF50];
	v8 =	vadd.f32 v8, v7  }
0x53: {  	v16 =	vld [tilespmem:s2+$0xFFFFFF80];
	v9 =	vadd.f32 v9, v5  }
0x54: {  	v15 =	vld [tilespmem:s2+$0xFFFFFF70];
	v10 =	vadd.f32 v10, v6;
	[tilespmem:s2+$0xF0] =	vst v8  }
0x55: {  	v14 =	vadd.f32 v14, v1;
	v8 =	vld [tilespmem:s2+$0xFFFFFF90];
	[tilespmem:s2+$0xFFFFFF10] =	vst v9  }
0x56: {  	v9 =	vadd.f32 v11, v4;
	v11 =	vld [tilespmem:s2+$0xFFFFFFA0];
	[tilespmem:s2+$0xFFFFFF20] =	vst v10;
	v10 =	vadd.f32 v12, v3  }
0x57: {  	[tilespmem:s2+$0xFFFFFF60] =	vst v14;
	v14 =	vld [tilespmem:s2+$0xFFFFFFF0]  }
0x58: {  	v12 =	vld [tilespmem:s2+$0xFFFFFFB0];
	[tilespmem:s2+$0xFFFFFF40] =	vst v10;
	v10 =	vadd.f32 v16, v0  }
0x59: {  	[tilespmem:s2+$0xFFFFFF30] =	vst v9;
	v9 =	vadd.f32 v13, v2;
	v13 =	vld [tilespmem:s2+$0xFFFFFFC0]  }
0x5a: {  	v16 =	vld [tilespmem:s2+$0xFFFFFFD0];
	[tilespmem:s2+$0xFFFFFF80] =	vst v10;
	v10 =	vadd.f32 v15, v7  }
0x5b: {  	[tilespmem:s2+$0xFFFFFF50] =	vst v9;
	v9 =	vld [tilespmem:s2+$0xFFFFFFE0];
	v8 =	vadd.f32 v8, v5  }
0x5c: {  	v15 =	vld [tilespmem:s2+$0x30];
	v14 =	vadd.f32 v14, v7;
	[tilespmem:s2+$0xFFFFFF70] =	vst v10  }
0x5d: {  	v10 =	vadd.f32 v11, v6;
	v11 =	vld [tilespmem:s2+$0x0];
	[tilespmem:s2+$0xFFFFFF90] =	vst v8  }
0x5e: {  	v8 =	vadd.f32 v12, v4;
	v12 =	vld [tilespmem:s2+$0x10];
	[tilespmem:s2+$0xFFFFFFF0] =	vst v14  }
0x5f: {  	[tilespmem:s2+$0xFFFFFFA0] =	vst v10;
	v10 =	vadd.f32 v13, v3;
	v13 =	vld [tilespmem:s2+$0x20]  }
0x60: {  	v14 =	vld [tilespmem:s2+$0x80];
	[tilespmem:s2+$0xFFFFFFB0] =	vst v8;
	v8 =	vadd.f32 v16, v2  }
0x61: {  	v9 =	vadd.f32 v9, v1;
	[tilespmem:s2+$0xFFFFFFC0] =	vst v10;
	v10 =	vld [tilespmem:s2+$0x40]  }
0x62: {  	[tilespmem:s2+$0xFFFFFFD0] =	vst v8;
	v8 =	vadd.f32 v11, v0  }
0x63: {  	v11 =	vld [tilespmem:s2+$0x50];
	[tilespmem:s2+$0xFFFFFFE0] =	vst v9;
	v12 =	vadd.f32 v12, v5  }
0x64: {  	v9 =	vld [tilespmem:s2+$0x60];
	[tilespmem:s2+$0x0] =	vst v8;
	v8 =	vadd.f32 v13, v6  }
0x65: {  	v14 =	vadd.f32 v14, v0;
	v13 =	vld [tilespmem:s2+$0x70];
	[tilespmem:s2+$0x10] =	vst v12  }
0x66: {  	v12 =	vadd.f32 v15, v4;
	v15 =	vld [tilespmem:s2+$0x90];
	[tilespmem:s2+$0x20] =	vst v8;
	v8 =	vadd.f32 v10, v3  }
0x67: {  	v16 =	vld [tilespmem:s2+$0xA0];
	[tilespmem:s2+$0x80] =	vst v14  }
0x68: {  	v10 =	vadd.f32 v11, v2;
	[tilespmem:s2+$0x40] =	vst v8;
	v8 =	vld [tilespmem:s2+$0xB0]  }
0x69: {  	[tilespmem:s2+$0x30] =	vst v12;
	v11 =	vadd.f32 v9, v1;
	v9 =	vld [tilespmem:s2+$0xC0]  }
0x6a: {  	[tilespmem:s2+$0x50] =	vst v10;
	v12 =	vadd.f32 v13, v7;
	v10 =	vld [tilespmem:s2+$0xD0]  }
0x6b: {  	[tilespmem:s2+$0x60] =	vst v11;
	v11 =	vld [tilespmem:s2+$0xE0];
	v13 =	vadd.f32 v15, v5  }
0x6c: {  	s4 =	simm.s32 $0x0;
	s6 =	simm.s32 $0x14A80;
	v14 =	vadd.f32 v16, v6;
	[tilespmem:s2+$0x70] =	vst v12;
	v12 =	vld [tilespmem:s2+$0xFFFFFF00]  }
.LBB2_2:
0x6d: {  	v15 =	vld [tilespmem:s6+$0xF0];
	s4 =	sadd.s32 $0x4, s4;
	[tilespmem:s2+$0x90] =	vst v13;
	v8 =	vadd.f32 v8, v4  }
0x6e: {  	v13 =	vld [tilespmem:s6+$0xFFFFFF10];
	p0 =	slt.u32 s4, $0xC4;
	[tilespmem:s2+$0xA0] =	vst v14;
	v9 =	vadd.f32 v9, v3  }
0x6f: {  	v14 =	vld [tilespmem:s6+$0xFFFFFF20];
	[tilespmem:s2+$0xB0] =	vst v8;
	v8 =	vadd.f32 v10, v2  }
0x70: {  	v10 =	vld [tilespmem:s6+$0xFFFFFF30];
	[tilespmem:s2+$0xC0] =	vst v9;
	v9 =	vadd.f32 v11, v1  }
0x71: {  	v11 =	vld [tilespmem:s6+$0xFFFFFF40];
	v12 =	vadd.f32 v12, v0;
	[tilespmem:s2+$0xD0] =	vst v8  }
0x72: {  	v8 =	vld [tilespmem:s6+$0xFFFFFF50];
	v15 =	vadd.f32 v15, v7;
	[tilespmem:s2+$0xE0] =	vst v9  }
0x73: {  	v9 =	vadd.f32 v13, v5;
	v13 =	vld [tilespmem:s6+$0xFFFFFF60];
	[tilespmem:s2+$0xFFFFFF00] =	vst v12;
	s2 =	smov.u32 s6  }
0x74: {  	v12 =	vadd.f32 v14, v6;
	v14 =	vld [tilespmem:s6+$0xFFFFFF70];
	[tilespmem:s6+$0xF0] =	vst v15  }
0x75: {  	[tilespmem:s6+$0xFFFFFF10] =	vst v9;
	v9 =	vadd.f32 v10, v4;
	v10 =	vld [tilespmem:s6+$0xFFFFFF80]  }
0x76: {  	[tilespmem:s6+$0xFFFFFF20] =	vst v12;
	v11 =	vadd.f32 v11, v3;
	v12 =	vld [tilespmem:s6+$0xFFFFFF90]  }
0x77: {  	[tilespmem:s6+$0xFFFFFF30] =	vst v9;
	v8 =	vadd.f32 v8, v2;
	v9 =	vld [tilespmem:s6+$0xFFFFFFA0]  }
0x78: {  	[tilespmem:s6+$0xFFFFFF40] =	vst v11;
	v11 =	vadd.f32 v13, v1;
	v13 =	vld [tilespmem:s6+$0xFFFFFFB0]  }
0x79: {  	[tilespmem:s6+$0xFFFFFF50] =	vst v8;
	v8 =	vadd.f32 v14, v7;
	v14 =	vld [tilespmem:s6+$0xFFFFFFC0]  }
0x7a: {  	[tilespmem:s6+$0xFFFFFF60] =	vst v11;
	v10 =	vadd.f32 v10, v0;
	v11 =	vld [tilespmem:s6+$0xFFFFFFD0]  }
0x7b: {  	[tilespmem:s6+$0xFFFFFF70] =	vst v8;
	v8 =	vadd.f32 v12, v5;
	v12 =	vld [tilespmem:s6+$0xFFFFFFE0]  }
0x7c: {  	[tilespmem:s6+$0xFFFFFF80] =	vst v10;
	v9 =	vadd.f32 v9, v6;
	v10 =	vld [tilespmem:s6+$0xFFFFFFF0]  }
0x7d: {  	[tilespmem:s6+$0xFFFFFF90] =	vst v8;
	v8 =	vadd.f32 v13, v4;
	v13 =	vld [tilespmem:s6+$0x0]  }
0x7e: {  	[tilespmem:s6+$0xFFFFFFA0] =	vst v9;
	v9 =	vadd.f32 v14, v3;
	v14 =	vld [tilespmem:s6+$0x10]  }
0x7f: {  	[tilespmem:s6+$0xFFFFFFB0] =	vst v8;
	v8 =	vadd.f32 v11, v2;
	v11 =	vld [tilespmem:s6+$0x20]  }
0x80: {  	[tilespmem:s6+$0xFFFFFFC0] =	vst v9;
	v9 =	vadd.f32 v12, v1;
	v12 =	vld [tilespmem:s6+$0x30]  }
0x81: {  	[tilespmem:s6+$0xFFFFFFD0] =	vst v8;
	v8 =	vadd.f32 v10, v7;
	v10 =	vld [tilespmem:s6+$0x40]  }
0x82: {  	[tilespmem:s6+$0xFFFFFFE0] =	vst v9;
	v9 =	vadd.f32 v13, v0;
	v13 =	vld [tilespmem:s6+$0x50]  }
0x83: {  	[tilespmem:s6+$0xFFFFFFF0] =	vst v8;
	v8 =	vadd.f32 v14, v5;
	v14 =	vld [tilespmem:s6+$0x60]  }
0x84: {  	[tilespmem:s6+$0x0] =	vst v9;
	v9 =	vadd.f32 v11, v6;
	v11 =	vld [tilespmem:s6+$0x70]  }
0x85: {  	[tilespmem:s6+$0x10] =	vst v8;
	v8 =	vadd.f32 v12, v4;
	v12 =	vld [tilespmem:s6+$0x80]  }
0x86: {  	[tilespmem:s6+$0x20] =	vst v9;
	v9 =	vadd.f32 v10, v3;
	v15 =	vld [tilespmem:s6+$0x90]  }
0x87: {  	[tilespmem:s6+$0x30] =	vst v8;
	v10 =	vadd.f32 v13, v2;
	v16 =	vld [tilespmem:s6+$0xA0]  }
.Ltmp0:
0x88: {  	[tilespmem:s6+$0x40] =	vst v9;
	v13 =	vadd.f32 v14, v1;
	v8 =	vld [tilespmem:s6+$0xB0];
	(pc) =	sbr.rel @p0 .LBB2_2-.Ltmp0, $4  }
0x89: {  	[tilespmem:s6+$0x50] =	vst v10;
	v11 =	vadd.f32 v11, v7;
	v9 =	vld [tilespmem:s6+$0xC0]  }
0x8a: {  	[tilespmem:s6+$0x60] =	vst v13;
	v14 =	vadd.f32 v12, v0;
	v10 =	vld [tilespmem:s6+$0xD0]  }
0x8b: {  	[tilespmem:s6+$0x70] =	vst v11;
	v13 =	vadd.f32 v15, v5;
	v11 =	vld [tilespmem:s6+$0xE0]  }
0x8c: {  	s6 =	sadd.s32 $0x200, s6;
	v12 =	vld [tilespmem:s2+$0xFFFFFF00];
	[tilespmem:s2+$0x80] =	vst v14;
	v14 =	vadd.f32 v16, v6  }
0x8d: {  	[tilespmem:s2+$0x90] =	vst v13;
	v4 =	vadd.f32 v8, v4  }
0x8e: {  	[tilespmem:s2+$0xA0] =	vst v14;
	v3 =	vadd.f32 v9, v3  }
0x8f: {  	[tilespmem:s2+$0xB0] =	vst v4;
	v2 =	vadd.f32 v10, v2  }
0x90: {  	[tilespmem:s2+$0xC0] =	vst v3;
	v1 =	vadd.f32 v11, v1  }
0x91: {  	v0 =	vadd.f32 v12, v0;
	[tilespmem:s2+$0xD0] =	vst v2  }
0x92: {  	[tilespmem:s2+$0xE0] =	vst v1  }
0x93: {  	[tilespmem:s2+$0xFFFFFF00] =	vst v0  }
0x94: {  	s20 =	simm.s32 $0x0;
	s0 =	rddreg [dreg:$0xb]  }
0x95: {  	[tilespmem:s20], [sflag:$0xB] =	stream.linear.gather [hbm4b:s0+s20], $0x80, $0x38;
	[tilespmem:$0x1AD80] =	vst v63  }
0x96: {  	s1 =	simm.s32 $0x14280;
	s25 =	simm.s32 $0xB;
	s24 =	rddreg [dreg:$0xc]  }
0x97: {  	[tilespmem:s1], [sflag:$0x10] =	stream.linear.gather [hbm4b:s24+s20], $0x80, $0x38;
	[tilespmem:$0x1AD80] =	vst v63  }
0x98: {  	_ =	swait.ge [sflag:s25], $0x80  }
0x99: {  	[tilespmem:$0x1FE90] =	vst v26  }
0x9a: {  	[tilespmem:$0x1FEA0] =	vst v23  }
0x9b: {  	[tilespmem:$0x1FEB0] =	vst v25  }
0x9c: {  	[tilespmem:$0x1FEC0] =	vst v20  }
0x9d: {  	[tilespmem:$0x1FED0] =	vst v18  }
0x9e: {  	[tilespmem:$0x1FEE0] =	vst v46  }
0x9f: {  	[tilespmem:$0x1FEF0] =	vst v36  }
0xa0: {  	[tilespmem:$0x1FF00] =	vst v35  }
0xa1: {  	[tilespmem:$0x1FF10] =	vst v39  }
0xa2: {  	[tilespmem:$0x1FF20] =	vst v47  }
0xa3: {  	[tilespmem:$0x1FF30] =	vst v21  }
0xa4: {  	[tilespmem:$0x1FF40] =	vst v27  }
0xa5: {  	[tilespmem:$0x1FF50] =	vst v50  }
0xa6: {  	[tilespmem:$0x1FF60] =	vst v45  }
0xa7: {  	[tilespmem:$0x1FF70] =	vst v52  }
0xa8: {  	[tilespmem:$0x1FF80] =	vst v51  }
0xa9: {  	[tilespmem:$0x1FF90] =	vst v19  }
0xaa: {  	[sflag:s25] =	ssyncset.done $0x0;
	[tilespmem:$0x1FFA0] =	vst v31  }
0xab: {  	[tilespmem:$0x1FFB0] =	vst v22;
	[sflag:s25] =	ssyncadd.s32 $0xFFFFFF80  }
0xac: {  	s26 =	simm.s32 $0x80;
	s28 =	simm.s32 $0x280;
	[tilespmem:$0x1FFC0] =	vst v29;
	s0 =	rddreg [dreg:$0x1]  }
0xad: {  	[tilespmem:s28], [sflag:$0x1] =	stream.indirect.gather [hbm4b:s0+s26], $0x80, s20, s26, $0xb8;
	[tilespmem:$0x1AD80] =	vst v63  }
0xae: {  	s29 =	rddreg [dreg:$0xd];
	[tilespmem:$0x1FFD0] =	vst v17  }
0xaf: {  	[tilespmem:s26], [sflag:$0xC] =	stream.linear.gather [hbm4b:s29+s20], $0x80, $0x38;
	[tilespmem:$0x1AD80] =	vst v63  }
0xb0: {  	s31 =	simm.s32 $0x14380;
	s30 =	rddreg [dreg:$0xe];
	[tilespmem:$0x1FFE0] =	vst v28  }
0xb1: {  	[tilespmem:s31], [sflag:$0x11] =	stream.linear.gather [hbm4b:s30+s20], $0x80, $0x38;
	[tilespmem:$0x1AD80] =	vst v63  }
.LBB2_4:
0xb2: {  	s22 =	smul.u32 $0x280, s20  }
0xb3: {  	s0 =	rddreg [dreg:$0xf]  }
0xb4: {  	s29 =	sadd.s32 s22, s0  }
0xb5: {  	s19 =	rddreg [dreg:$0xa];
	s1 =	sshrl.u32 s29, $0x3  }
0xb6: {  	s2 =	sadd.s32 s19, s1  }
0xb7: {  	[tilespmem:s11], [sflag:$0xD] =	stream.linear.gather [hbm4b:s2+s9], $0x80, $0x38;
	[tilespmem:$0x1AD80] =	vst v63  }
0xb8: {  	s21 =	simm.s32 $0x14480;
	s23 =	simm.s32 $0xC;
	s1 =	sadd.s32 s12, s1  }
0xb9: {  	[tilespmem:s21], [sflag:$0x12] =	stream.linear.gather [hbm4b:s1+s9], $0x80, $0x38;
	[tilespmem:$0x1AD80] =	vst v63  }
0xba: {  	_ =	swait.ge [sflag:s23], $0x80  }
0xbb: {  	p0 =	seq.s32 s20, $0x0;
	[sflag:s23] =	ssyncset.done $0x0  }
0xbc: {  	s1 =	simm.s32 @!p0 $0x7;
	[sflag:s23] =	ssyncadd.s32 $0xFFFFFF80  }
0xbd: {  	_ =	swait.ge @!p0 [sflag:s1], $0x4000  }
0xbe: {  	[sflag:s1] =	ssyncset.done @!p0 $0x0  }
0xbf: {  	s25 =	simm.s32 $0x80;
	[sflag:s1] =	ssyncadd.s32 @!p0 $0xFFFFC000  }
0xc0: {  	s26 =	simm.s32 $0x4280;
	s28 =	simm.s32 $0x10;
	s24 =	rddreg [dreg:$0x1]  }
0xc1: {  	[tilespmem:s26], [sflag:$0x2] =	stream.indirect.gather [hbm4b:s24+s25], $0x80, s25, s25, $0xb8;
	[tilespmem:$0x1AD80] =	vst v63  }
0xc2: {  	_ =	swait.ge [sflag:s28], $0x80  }
0xc3: {  	[sflag:s28] =	ssyncset.done $0x0  }
0xc4: {  	s30 =	simm.s32 $0x1;
	[sflag:s28] =	ssyncadd.s32 $0xFFFFFF80  }
0xc5: {  	_ =	swait.ge [sflag:s30], $0x4000  }
0xc6: {  	[sflag:s30] =	ssyncset.done $0x0;
	s31 =	rddreg [dreg:$0x9]  }
0xc7: {  	v55 =	vmov v50;
	v57 =	vmov v45;
	s24 =	simm.s32 $0x0;
	s4 =	sadd.s32 s31, s22;
	[sflag:s30] =	ssyncadd.s32 $0xFFFFC000  }
.LBB2_5:
0xc8: {  	s3 =	sshll.u32 s24, $0x7  }
0xc9: {  	v1 =	vld.msk [tilespmem:s24+$0x14280 ss:$0x0], $0xffff;
	s13 =	sand.u32 $0x3FFFFF80, s3  }
0xca: {  	s1 =	sor.u32 s4, s24;
	v0 =	vld [tilespmem:s13+$0x280]  }
0xcb: {  	s2 =	smulhi.u32 $0x51EB851F, s1;
	v3 =	vld [tilespmem:s13+$0x290]  }
0xcc: {  	v5 =	vld [tilespmem:s13+$0x2A0]  }
0xcd: {  	v47 =	vld [tilespmem:s13+$0x2B0];
	s2 =	sshrl.u32 s2, $0x6  }
0xce: {  	v9 =	vld [tilespmem:s13+$0x2C0];
	s2 =	smul.u32 $0xC8, s2  }
0xcf: {  	v59 =	vld [tilespmem:s13+$0x2D0]  }
0xd0: {  	v33 =	vld [tilespmem:s13+$0x2E0];
	s1 =	ssub.s32 s1, s2  }
0xd1: {  	v38 =	vld [tilespmem:s13+$0x2F0];
	s1 =	sshll.u32 s1, $0x7  }
0xd2: {  	v2 =	vld [tilespmem:s1+$0x14780]  }
0xd3: {  	v4 =	vld [tilespmem:s1+$0x14790]  }
0xd4: {  	s31 =	sor.u32 $0x1, s24;
	v6 =	vld [tilespmem:s1+$0x147A0]  }
0xd5: {  	s0 =	sor.u32 s4, s31;
	v8 =	vld [tilespmem:s1+$0x147B0]  }
0xd6: {  	s5 =	smulhi.u32 $0x51EB851F, s0;
	v53 =	vld [tilespmem:s1+$0x147C0]  }
0xd7: {  	v10 =	vld [tilespmem:s1+$0x147D0]  }
0xd8: {  	s5 =	sshrl.u32 s5, $0x6;
	s2 =	sshll.u32 s31, $0x7;
	v11 =	vld [tilespmem:s1+$0x147E0]  }
0xd9: {  	s5 =	smul.u32 $0xC8, s5;
	s16 =	sand.u32 $0x3FFFFF80, s2;
	v12 =	vld [tilespmem:s1+$0x147F0]  }
0xda: {  	v44 =	vld [tilespmem:s16+$0x280]  }
0xdb: {  	s8 =	sor.u32 $0x2, s24;
	s6 =	ssub.s32 s0, s5;
	v63 =	vld [tilespmem:s16+$0x290]  }
0xdc: {  	s10 =	sor.u32 s4, s8;
	s7 =	sshll.u32 s6, $0x7;
	v46 =	vld [tilespmem:s16+$0x2B0]  }
0xdd: {  	s19 =	sor.u32 $0x3, s24;
	s14 =	smulhi.u32 $0x51EB851F, s10;
	v49 =	vld [tilespmem:s7+$0x147B0]  }
0xde: {  	s21 =	sor.u32 s4, s19;
	v3 =	vadd.f32 v4, v3;
	v4 =	vadd.f32 v11, v33;
	v33 =	vld [tilespmem:s7+$0x14790]  }
0xdf: {  	s23 =	smulhi.u32 $0x51EB851F, s21;
	v7 =	vmul.f32 v1, v26;
	s5 =	sshrl.u32 s14, $0x6;
	v0 =	vadd.f32 v2, v0;
	v42 =	vadd.f32 v10, v59;
	v10 =	vld [tilespmem:s16+$0x2E0]  }
0xe0: {  	v56 =	vmul.f32 v1, v25;
	s5 =	smul.u32 $0xC8, s5;
	v54 =	vadd.f32 v6, v5;
	v11 =	vld [tilespmem:$0x1FED0]  }
0xe1: {  	v52 =	vmul.f32 v1, v23;
	v58 =	vadd.f32 v0, v7;
	v0 =	vld.msk [tilespmem:s24+$0x14281 ss:$0x0], $0xffff  }
0xe2: {  	s17 =	ssub.s32 s10, s5;
	s5 =	sshrl.u32 s23, $0x6;
	v61 =	vadd.f32 v54, v56;
	v56 =	vld [tilespmem:s7+$0x14780]  }
0xe3: {  	s5 =	smul.u32 $0xC8, s5;
	v51 =	vadd.f32 v3, v52;
	v52 =	vld [tilespmem:s16+$0x2C0]  }
0xe4: {  	v43 =	vmul.f32 v1, v19;
	v54 =	vld [tilespmem:s7+$0x147C0]  }
0xe5: {  	s18 =	sshll.u32 s17, $0x7;
	v2 =	vadd.f32 v8, v47;
	s26 =	ssub.s32 s21, s5;
	v7 =	vld [tilespmem:s7+$0x147F0];
	v13 =	vmul.f32 v58, v58;
	v14 =	vmul.f32 v51, v51  }
0xe6: {  	v32 =	vmul.f32 v1, v17;
	v39 =	vadd.f32 v53, v9;
	s28 =	sshll.u32 s26, $0x7;
	v62 =	vadd.f32 v42, v43;
	v43 =	vld [tilespmem:s18+$0x14780]  }
0xe7: {  	s15 =	sshll.u32 s8, $0x7;
	v40 =	vmul.f32 v1, v18;
	v9 =	vld [tilespmem:s28+$0x147F0];
	v34 =	vadd.f32 v51, v58;
	v6 =	vadd.f32 v14, v13  }
0xe8: {  	s10 =	sand.u32 $0x3FFFFF80, s15;
	v13 =	vadd.f32 v2, v32;
	v2 =	vadd.f32 v12, v38;
	v38 =	vld [tilespmem:s7+$0x147A0]  }
0xe9: {  	v37 =	vmul.f32 v61, v61;
	v14 =	vadd.f32 v39, v40;
	v39 =	vld [tilespmem:s10+$0x280]  }
0xea: {  	v8 =	vadd.f32 v61, v34;
	v32 =	vmul.f32 v1, v20;
	v56 =	vadd.f32 v56, v44;
	v44 =	vld [tilespmem:s10+$0x290]  }
0xeb: {  	v1 =	vmul.f32 v1, v21;
	v6 =	vadd.f32 v37, v6;
	v37 =	vld [tilespmem:s16+$0x2A0]  }
0xec: {  	v8 =	vadd.f32 v13, v8;
	v15 =	vadd.f32 v4, v32;
	v32 =	vld [tilespmem:s7+$0x147E0]  }
0xed: {  	v48 =	vadd.f32 v2, v1;
	v1 =	vadd.f32 v49, v46;
	v46 =	vmul.f32 v0, v18;
	v18 =	vld [tilespmem:s10+$0x2A0]  }
0xee: {  	[tilespmem:$0x1FD50] =	vst v13;
	v41 =	vmul.f32 v13, v13;
	v59 =	vmov v14;
	v13 =	vld [tilespmem:s28+$0x147E0]  }
0xef: {  	v8 =	vadd.f32 v59, v8;
	v59 =	vld [tilespmem:s7+$0x147D0]  }
0xf0: {  	v60 =	vmul.f32 v14, v14;
	v6 =	vadd.f32 v41, v6;
	v4 =	vadd.f32 v43, v39;
	v39 =	vld [tilespmem:s18+$0x147D0]  }
0xf1: {  	v3 =	vadd.f32 v33, v63;
	v63 =	vmul.f32 v0, v23;
	v43 =	vld [tilespmem:$0x1FEB0]  }
0xf2: {  	v34 =	vmul.f32 v62, v62;
	v6 =	vadd.f32 v60, v6;
	v45 =	vadd.f32 v62, v8;
	v60 =	vld [tilespmem:s18+$0x147B0]  }
0xf3: {  	[tilespmem:$0x1FD70] =	vst v62;
	v41 =	vadd.f32 v3, v63;
	v62 =	vmul.f32 v0, v26;
	v33 =	vadd.f32 v38, v37;
	v38 =	vld [tilespmem:$0x1FFD0]  }
0xf4: {  	[tilespmem:$0x1FD80] =	vst v15;
	v47 =	vmul.f32 v15, v15;
	v6 =	vadd.f32 v34, v6;
	v50 =	vadd.f32 v15, v45;
	v15 =	vld [tilespmem:s16+$0x2D0]  }
0xf5: {  	v53 =	vmul.f32 v48, v48;
	v42 =	vadd.f32 v56, v62;
	v45 =	vadd.f32 v54, v52;
	v52 =	vld [tilespmem:s18+$0x147A0]  }
0xf6: {  	v17 =	vmul.f32 v41, v41;
	v63 =	vadd.f32 v32, v10;
	v34 =	vmul.f32 v0, v25;
	v25 =	vld [tilespmem:s10+$0x2E0]  }
0xf7: {  	v6 =	vadd.f32 v47, v6;
	v2 =	vadd.f32 v48, v50;
	v37 =	vmul.f32 v42, v42;
	v47 =	vld [tilespmem:s18+$0x14790]  }
0xf8: {  	v32 =	vmul.f32 v0, v20;
	v16 =	vadd.f32 v41, v42;
	v28 =	vadd.f32 v33, v34;
	v33 =	vld [tilespmem:s10+$0x2C0]  }
0xf9: {  	v34 =	vld [tilespmem:s10+$0x2D0];
	v6 =	vadd.f32 v53, v6;
	v3 =	vmul.f32 v0, v38;
	v40 =	vadd.f32 v17, v37  }
0xfa: {  	(xrf2) =	vadd.scan.msk.f32 $0xffff, v2;
	v2 =	vld.msk [tilespmem:s24+$0x14282 ss:$0x0], $0xffff;
	v16 =	vadd.f32 v28, v16;
	v17 =	vmul.f32 v28, v28;
	v53 =	vadd.f32 v45, v46  }
0xfb: {  	v49 =	vmul.f32 v0, v19;
	[tilespmem:$0x1FD90] =	vst v48;
	v48 =	vadd.f32 v59, v15;
	v15 =	vld [tilespmem:s10+$0x2B0];
	v59 =	vadd.f32 v63, v32  }
0xfc: {  	(xrf2) =	vadd.scan.msk.f32 $0xffff, v6;
	v6 =	vld [tilespmem:s16+$0x2F0];
	v50 =	vadd.f32 v1, v3;
	v12 =	vadd.f32 v17, v40  }
0xfd: {  	s25 =	sshll.u32 s19, $0x7;
	v40 =	vadd.f32 v52, v18;
	v3 =	vld.msk [tilespmem:s24+$0x14283 ss:$0x0], $0xffff;
	v56 =	vadd.f32 v48, v49  }
0xfe: {  	s25 =	sand.u32 $0x3FFFFF80, s25;
	v1 =	vadd.f32 v47, v44;
	v47 =	vld [tilespmem:$0x1FFD0];
	v16 =	vadd.f32 v50, v16;
	v17 =	vmul.f32 v50, v50  }
0xff: {  	v52 =	vld [tilespmem:s25+$0x280];
	v34 =	vadd.f32 v39, v34;
	v37 =	vmul.f32 v2, v26;
	v38 =	vmul.f32 v2, v23  }
0x100: {  	v44 =	vmul.f32 v2, v43;
	v43 =	vld [tilespmem:s25+$0x2B0];
	v12 =	vadd.f32 v17, v12;
	v16 =	vadd.f32 v53, v16  }
0x101: {  	v46 =	vadd.f32 v60, v15;
	v60 =	vld [tilespmem:s28+$0x14780];
	v26 =	vadd.f32 v4, v37  }
0x102: {  	v0 =	vmul.f32 v0, v21;
	v22 =	vadd.f32 v1, v38;
	v4 =	vld [tilespmem:s18+$0x147E0];
	v8 =	vadd.f32 v40, v44  }
0x103: {  	v6 =	vadd.f32 v7, v6;
	v37 =	vmul.f32 v2, v19;
	v48 =	vmul.f32 v2, v47;
	v47 =	vld [tilespmem:$0x1FE90]  }
0x104: {  	v62 =	vmov v24;
	v38 =	vld [tilespmem:s25+$0x2A0];
	v16 =	vadd.f32 v56, v16;
	v18 =	vadd.f32 v22, v26  }
0x105: {  	[tilespmem:$0x1FDA0] =	vst v26;
	v45 =	vmul.f32 v26, v26;
	v26 =	vld [tilespmem:s18+$0x147F0];
	v27 =	vadd.f32 v6, v0;
	v40 =	vadd.f32 v34, v37;
	v24, _, _ =	vpop (xrf2)  }
0x106: {  	v34 =	vld [tilespmem:$0x1FFD0];
	v54 =	vadd.f32 v46, v48;
	(v2sf) =	vpush v24, $0xF;
	v24 =	vmul.f32 v53, v53;
	v17, _, _ =	vpop (xrf2)  }
0x107: {  	s30 =	sor.u32 $0x4, s24;
	v46 =	vadd.f32 v60, v52;
	v60 =	vld [tilespmem:s28+$0x147D0];
	(v2sf) =	vpush v17, $0xF  }
0x108: {  	s31 =	sor.u32 s4, s30;
	s2 =	sshll.u32 s30, $0x7;
	v12 =	vadd.f32 v24, v12;
	v17 =	vld [tilespmem:s18+$0x147C0];
	v24 =	vmul.f32 v56, v56;
	v48 =	vmul.f32 v3, v47  }
0x109: {  	s8 =	sor.u32 $0x5, s24;
	s0 =	smulhi.u32 $0x51EB851F, s31;
	s23 =	sand.u32 $0x3FFFFF80, s2;
	v16 =	vadd.f32 v59, v16;
	v4 =	vadd.f32 v4, v25;
	v25 =	vld [tilespmem:s25+$0x2C0]  }
0x10a: {  	s14 =	sor.u32 s4, s8;
	v12 =	vadd.f32 v24, v12;
	v24 =	vmul.f32 v59, v59;
	v30 =	vadd.f32 v46, v48;
	v46 =	vld [tilespmem:s23+$0x280]  }
0x10b: {  	s15 =	smulhi.u32 $0x51EB851F, s14;
	s5 =	sshrl.u32 s0, $0x6;
	[tilespmem:$0x1FD60] =	vst v14;
	v14 =	vadd.f32 v27, v16;
	v48 =	vld [tilespmem:s23+$0x290]  }
0x10c: {  	s5 =	smul.u32 $0xC8, s5;
	v16 =	vmul.f32 v27, v27;
	v10 =	vadd.f32 v24, v12;
	v12 =	vld [tilespmem:s10+$0x2F0];
	v24 =	vmul.f32 v22, v22  }
0x10d: {  	v32 =	vmul.f32 v2, v11;
	v15 =	vadd.f32 v8, v18;
	v63 =	vadd.f32 v17, v33;
	v33 =	vld [tilespmem:s25+$0x290]  }
0x10e: {  	s6 =	ssub.s32 s31, s5;
	s5 =	sshrl.u32 s15, $0x6;
	v18 =	vmul.f32 v8, v8;
	v49 =	vadd.f32 v24, v45;
	v5 =	vadd.f32 v16, v10;
	v16 =	vld [tilespmem:s28+$0x147B0]  }
0x10f: {  	s5 =	smul.u32 $0xC8, s5;
	v1 =	vadd.f32 v63, v32;
	v32 =	vld [tilespmem:$0x1FEB0]  }
0x110: {  	v17 =	vmul.f32 v54, v54;
	v7 =	vadd.f32 v18, v49;
	v18 =	vld [tilespmem:s28+$0x14790]  }
0x111: {  	s18 =	ssub.s32 s14, s5;
	v49 =	vld [tilespmem:s28+$0x147C0]  }
0x112: {  	v44 =	vmul.f32 v2, v20;
	v15 =	vadd.f32 v54, v15;
	s14 =	sshll.u32 s18, $0x7;
	v7 =	vadd.f32 v17, v7;
	v17 =	vld [tilespmem:s28+$0x147A0]  }
0x113: {  	v2 =	vmul.f32 v2, v21;
	(xrf2) =	vadd.scan.msk.f32 $0xffff, v14;
	v14 =	vld [tilespmem:s14+$0x147A0];
	v12 =	vadd.f32 v26, v12  }
0x114: {  	v45 =	vadd.f32 v4, v44;
	v44 =	vld [tilespmem:$0x1FED0];
	v15 =	vadd.f32 v1, v15;
	v24 =	vmul.f32 v1, v1  }
0x115: {  	s7 =	sshll.u32 s6, $0x7;
	[tilespmem:$0x1FDD0] =	vst v54;
	v54 =	vmul.f32 v3, v23;
	v52 =	vadd.f32 v12, v2;
	v11 =	vadd.f32 v18, v33;
	v18 =	vld [tilespmem:s25+$0x2D0]  }
0x116: {  	(xrf2) =	vadd.scan.msk.f32 $0xffff, v5;
	v5 =	vld [tilespmem:s7+$0x147F0];
	v0 =	vadd.f32 v16, v43;
	v7 =	vadd.f32 v24, v7;
	v24 =	vmul.f32 v40, v40  }
0x117: {  	v33 =	vmul.f32 v3, v32;
	v43 =	vadd.f32 v49, v25;
	v25 =	vld [tilespmem:s7+$0x14780];
	v6 =	vadd.f32 v17, v38  }
0x118: {  	v7 =	vadd.f32 v24, v7;
	v24 =	vmul.f32 v45, v45;
	v63 =	vadd.f32 v11, v54;
	v11 =	vld [tilespmem:s25+$0x2E0]  }
0x119: {  	[tilespmem:$0x1FDB0] =	vst v22;
	v37 =	vmul.f32 v3, v34;
	v15 =	vadd.f32 v40, v15;
	v22 =	vadd.f32 v6, v33;
	v6 =	vld [tilespmem:s25+$0x2F0]  }
0x11a: {  	v34 =	vmul.f32 v52, v52;
	v7 =	vadd.f32 v24, v7;
	v4 =	vadd.f32 v60, v18;
	v18 =	vld [tilespmem:s7+$0x14790]  }
0x11b: {  	[tilespmem:$0x1FDF0] =	vst v45;
	v15 =	vadd.f32 v45, v15;
	v45 =	vmul.f32 v3, v44;
	v38 =	vadd.f32 v63, v30;
	v60 =	vld [tilespmem:s7+$0x147A0]  }
0x11c: {  	v17 =	vmul.f32 v30, v30;
	v24 =	vmul.f32 v63, v63;
	v7 =	vadd.f32 v34, v7;
	v34 =	vld [tilespmem:$0x1FE90];
	v39 =	vmovc v22  }
0x11d: {  	s17 =	sshll.u32 s8, $0x7;
	v15 =	vadd.f32 v52, v15;
	v54 =	vmul.f32 v3, v19;
	v12 =	vadd.f32 v39, v38;
	v39 =	vld [tilespmem:s23+$0x2A0]  }
0x11e: {  	s30 =	sand.u32 $0x3FFFFF80, s17;
	v16 =	vadd.f32 v24, v17;
	[tilespmem:$0x1FE20] =	vst v22;
	v17 =	vmul.f32 v22, v22;
	v24 =	vld.msk [tilespmem:s24+$0x14284 ss:$0x0], $0xffff;
	v22 =	vadd.f32 v0, v37  }
0x11f: {  	v47 =	vadd.f32 v43, v45;
	(xrf2) =	vadd.scan.msk.f32 $0xffff, v15;
	v15 =	vld [tilespmem:s30+$0x280];
	v10 =	vadd.f32 v25, v46  }
0x120: {  	v25 =	vld [tilespmem:s7+$0x147B0];
	v32 =	vadd.f32 v4, v54;
	v16 =	vadd.f32 v17, v16;
	v17 =	vmul.f32 v22, v22  }
0x121: {  	v49 =	vadd.f32 v22, v12;
	v0 =	vadd.f32 v18, v48;
	v48 =	vld [tilespmem:$0x1FFD0]  }
0x122: {  	v16 =	vadd.f32 v17, v16;
	v17 =	vmul.f32 v47, v47;
	v4 =	vadd.f32 v60, v39;
	v39 =	vld [tilespmem:$0x1FEB0]  }
0x123: {  	v11 =	vadd.f32 v13, v11;
	v37 =	vmul.f32 v24, v34;
	v18 =	vmul.f32 v24, v23;
	v34 =	vld [tilespmem:s23+$0x2C0]  }
0x124: {  	[tilespmem:$0x1FE10] =	vst v63;
	v2 =	vadd.f32 v47, v49;
	v63 =	vadd.f32 v17, v16;
	v16 =	vld [tilespmem:s23+$0x2B0];
	v17 =	vmul.f32 v32, v32  }
0x125: {  	[tilespmem:$0x1FE40] =	vst v47;
	v38 =	vmul.f32 v3, v20;
	v6 =	vadd.f32 v9, v6;
	v47 =	vadd.f32 v0, v18;
	v0 =	vld [tilespmem:s23+$0x2D0]  }
0x126: {  	v3 =	vmul.f32 v3, v21;
	v2 =	vadd.f32 v32, v2;
	v12 =	vadd.f32 v17, v63;
	v17 =	vld [tilespmem:s7+$0x147C0]  }
0x127: {  	v46 =	vadd.f32 v10, v37;
	v37 =	vadd.f32 v11, v38;
	v43 =	vmul.f32 v24, v39;
	v39 =	vld [tilespmem:$0x1FED0]  }
0x128: {  	v33 =	vadd.f32 v6, v3;
	v10 =	vld [tilespmem:s7+$0x147D0]  }
0x129: {  	v54 =	vld [tilespmem:s7+$0x147E0];
	v49 =	vmul.f32 v24, v48;
	v2 =	vadd.f32 v37, v2;
	v45 =	vadd.f32 v25, v16  }
0x12a: {  	v11 =	vld [tilespmem:s23+$0x2E0];
	v44 =	vadd.f32 v47, v46;
	v38 =	vadd.f32 v4, v43  }
0x12b: {  	[tilespmem:$0x1FDC0] =	vst v8;
	v13 =	vld [tilespmem:s30+$0x2A0];
	v60 =	vmul.f32 v37, v37;
	v2 =	vadd.f32 v33, v2;
	v8 =	vadd.f32 v45, v49  }
0x12c: {  	v9 =	vld [tilespmem:s14+$0x14780];
	v34 =	vadd.f32 v17, v34;
	v63 =	vadd.f32 v38, v44;
	v43 =	vmul.f32 v24, v39  }
0x12d: {  	v3 =	vld [tilespmem:s23+$0x2F0];
	v6 =	vadd.f32 v60, v12;
	v60 =	vmul.f32 v24, v20;
	v0 =	vadd.f32 v10, v0  }
0x12e: {  	(xrf2) =	vadd.scan.msk.f32 $0xffff, v7;
	v16, _, _ =	vpop (xrf2);
	v12 =	vld [tilespmem:s30+$0x290];
	v45 =	vmul.f32 v24, v19;
	v7 =	vadd.f32 v8, v63;
	v18 =	vadd.f32 v34, v43  }
0x12f: {  	[tilespmem:$0x1FE30] =	vst v22;
	(v2sf) =	vpush v16, $0xF;
	v54 =	vadd.f32 v54, v11;
	v11 =	vld.msk [tilespmem:s24+$0x14286 ss:$0x0], $0xffff;
	v44 =	vmul.f32 v33, v33  }
0x130: {  	v16 =	vmul.f32 v47, v47;
	(xrf2) =	vadd.scan.msk.f32 $0xffff, v2;
	v2 =	vld [tilespmem:s30+$0x2C0];
	v22 =	vadd.f32 v0, v45;
	v7 =	vadd.f32 v18, v7  }
0x131: {  	v48 =	vmul.f32 v46, v46;
	v17 =	vld [tilespmem:s14+$0x147C0];
	v6 =	vadd.f32 v44, v6;
	v43 =	vadd.f32 v54, v60  }
0x132: {  	v4 =	vld.msk [tilespmem:s24+$0x14285 ss:$0x0], $0xffff;
	v49, _, _ =	vpop (xrf2);
	v39 =	vmul.f32 v24, v21;
	v34 =	vadd.f32 v5, v3;
	v7 =	vadd.f32 v22, v7  }
0x133: {  	s19 =	sor.u32 $0x6, s24;
	(v2sf) =	vpush v49, $0xF;
	v10 =	vadd.f32 v16, v48;
	v0 =	vld [tilespmem:s14+$0x14790];
	v63 =	vmul.f32 v38, v38;
	(xrf2) =	vadd.scan.msk.f32 $0xffff, v6  }
0x134: {  	s1 =	sshll.u32 s19, $0x7;
	s21 =	sor.u32 s4, s19;
	[tilespmem:$0x1FE00] =	vst v30;
	v16, _, _ =	vpop (xrf2);
	v5 =	vld [tilespmem:s30+$0x2B0];
	v30 =	vadd.f32 v34, v39;
	v7 =	vadd.f32 v43, v7  }
0x135: {  	s26 =	smulhi.u32 $0x51EB851F, s21;
	s7 =	sand.u32 $0x3FFFFF80, s1;
	(v2sf) =	vpush v16, $0xF;
	v16 =	vmul.f32 v8, v8;
	v60 =	vld [tilespmem:$0x1FE90];
	v44 =	vadd.f32 v63, v10  }
0x136: {  	v2 =	vadd.f32 v17, v2;
	v17 =	vld [tilespmem:s7+$0x2A0];
	v49 =	vadd.f32 v30, v7  }
0x137: {  	s3 =	sshrl.u32 s26, $0x6;
	v48 =	vadd.f32 v16, v44;
	v16 =	vmul.f32 v18, v18;
	v44 =	vld [tilespmem:$0x1FEB0]  }
0x138: {  	s3 =	smul.u32 $0xC8, s3;
	v10 =	vld [tilespmem:s14+$0x147B0];
	v63 =	vmul.f32 v4, v23;
	(xrf2) =	vadd.scan.msk.f32 $0xffff, v49  }
0x139: {  	v0 =	vadd.f32 v0, v12;
	v12 =	vld [tilespmem:s30+$0x2E0];
	v3 =	vadd.f32 v16, v48;
	v16 =	vmul.f32 v22, v22  }
0x13a: {  	s2 =	ssub.s32 s21, s3;
	v9 =	vadd.f32 v9, v15;
	v39 =	vadd.f32 v14, v13;
	v15 =	vmul.f32 v4, v60;
	v60 =	vld [tilespmem:$0x1FFD0]  }
0x13b: {  	s2 =	sshll.u32 s2, $0x7;
	v45, _, _ =	vpop (xrf2);
	v13 =	vld [tilespmem:s7+$0x280];
	v63 =	vadd.f32 v0, v63;
	v48 =	vmul.f32 v43, v43;
	v3 =	vadd.f32 v16, v3  }
0x13c: {  	(v2sf) =	vpush v45, $0xF;
	v14 =	vld [tilespmem:s2+$0x14780];
	v54, _, _ =	vpop (xrf2);
	v24 =	vadd.f32 v9, v15;
	v45 =	vmul.f32 v4, v44  }
0x13d: {  	[tilespmem:$0x1FE60] =	vst v18;
	v18 =	vld [tilespmem:s14+$0x147D0];
	(v2sf) =	vpush v54, $0xF;
	v16 =	vmul.f32 v63, v63;
	v49 =	vadd.f32 v48, v3;
	v34, _, _ =	vpop (xrf2)  }
0x13e: {  	v0 =	vld [tilespmem:s7+$0x290];
	v15 =	vmul.f32 v24, v24;
	(v2sf) =	vpush v34, $0xF;
	v34 =	vadd.f32 v39, v45  }
0x13f: {  	[tilespmem:$0x1FDE0] =	vst v1;
	v54 =	vadd.f32 v10, v5;
	v1 =	vmul.f32 v4, v60;
	v45 =	vld [tilespmem:$0x1FED0]  }
0x140: {  	v9 =	vld [tilespmem:s2+$0x14790];
	v44 =	vmul.f32 v30, v30;
	v15 =	vadd.f32 v16, v15;
	v16 =	vmul.f32 v34, v34  }
0x141: {  	v25 =	vadd.f32 v54, v1;
	v54 =	vld [tilespmem:$0x1FE90]  }
0x142: {  	v6 =	vadd.f32 v44, v49;
	v10 =	vadd.f32 v16, v15;
	v15 =	vld [tilespmem:s2+$0x147A0];
	v49, _, _ =	vpop (xrf2)  }
0x143: {  	s28 =	spop (v2sf);
	(v2sf) =	vpush v49, $0xF;
	v49 =	vld [tilespmem:$0x1FEB0]  }
0x144: {  	v7 =	vld [tilespmem:s30+$0x2D0];
	v48 =	vmul.f32 v4, v45  }
0x145: {  	v39 =	vld [tilespmem:s14+$0x147E0]  }
0x146: {  	[tilespmem:$0x1FE50] =	vst v8;
	v44 =	vld [tilespmem:s30+$0x2F0];
	v5 =	vmul.f32 v11, v54;
	v8 =	vadd.f32 v2, v48;
	v2 =	vadd.f32 v14, v13  }
0x147: {  	v0 =	vadd.f32 v9, v0;
	v9 =	vld [tilespmem:s7+$0x2C0]  }
0x148: {  	v54 =	vmovc v29;
	v29 =	vadd.f32 v2, v5;
	v2 =	vadd.f32 v15, v17;
	v15 =	vmul.f32 v11, v49;
	v49 =	vld [tilespmem:$0x1FFD0]  }
0x149: {  	s5 =	sor.u32 $0x7, s24;
	v1 =	vadd.f32 v18, v7;
	v18 =	vld [tilespmem:s14+$0x147F0];
	v48 =	vmul.f32 v11, v23  }
0x14a: {  	s8 =	sor.u32 s4, s5;
	v16 =	vmul.f32 v25, v25;
	v45 =	vld [tilespmem:s7+$0x2B0]  }
0x14b: {  	s18 =	smulhi.u32 $0x51EB851F, s8;
	v60 =	vmov v31;
	v13 =	vld [tilespmem:s2+$0x147B0];
	v14 =	vmul.f32 v4, v19;
	v31 =	vadd.f32 v0, v48  }
0x14c: {  	v10 =	vadd.f32 v16, v10;
	v16 =	vmul.f32 v8, v8;
	v17 =	vld [tilespmem:s2+$0x147C0];
	v3 =	vmul.f32 v29, v29  }
0x14d: {  	s14 =	sshrl.u32 s18, $0x6;
	v48 =	vmul.f32 v31, v31;
	v26 =	vadd.f32 v2, v15;
	v5 =	vmul.f32 v11, v49;
	v49 =	vld [tilespmem:$0x1FED0]  }
0x14e: {  	s14 =	smul.u32 $0xC8, s14;
	v16 =	vadd.f32 v16, v10;
	v10 =	vadd.f32 v1, v14;
	v14 =	vld [tilespmem:s2+$0x147D0]  }
0x14f: {  	(xrf2) =	vadd.scan.msk.f32 $0xffff, v6;
	v6 =	vadd.f32 v48, v3;
	v15 =	vld [tilespmem:s7+$0x2D0];
	v7 =	vmul.f32 v26, v26  }
0x150: {  	s3 =	sshll.u32 s5, $0x7;
	s31 =	spop (v2sf);
	s5 =	ssub.s32 s8, s14;
	v13 =	vadd.f32 v13, v45;
	v45 =	vld [tilespmem:$0x1FF90]  }
0x151: {  	s1 =	smul.f32 $7.812500000e-03, s31;
	s31 =	sshll.u32 s5, $0x7;
	v48 =	vld [tilespmem:s7+$0x2E0];
	v9 =	vadd.f32 v17, v9;
	v19 =	vadd.f32 v7, v6  }
0x152: {  	v6 =	vadd.f32 v13, v5;
	v5 =	vmul.f32 v4, v20;
	v20 =	vld [tilespmem:s31+$0x14780];
	v17 =	vmul.f32 v11, v49  }
0x153: {  	s26 =	sand.u32 $0x3FFFFF80, s3;
	v39 =	vadd.f32 v39, v12;
	v49 =	vld [tilespmem:s2+$0x147E0]  }
0x154: {  	v14 =	vadd.f32 v14, v15;
	v15 =	vmul.f32 v6, v6;
	v7 =	vadd.f32 v9, v17;
	v17 =	vld [tilespmem:s26+$0x280]  }
0x155: {  	v18 =	vadd.f32 v18, v44;
	v0 =	vmul.f32 v11, v45;
	v9 =	vmul.f32 v10, v10  }
0x156: {  	v12 =	vld.msk [tilespmem:s24+$0x14287 ss:$0x0], $0xffff;
	v4 =	vmul.f32 v4, v21;
	v15 =	vadd.f32 v15, v19;
	v1 =	vmul.f32 v7, v7  }
0x157: {  	[tilespmem:$0x1FE70] =	vst v22;
	v22 =	vld [tilespmem:s31+$0x147A0];
	v16 =	vadd.f32 v9, v16;
	v9 =	vadd.f32 v14, v0  }
0x158: {  	v44 =	vld [tilespmem:$0x1FE90];
	v14 =	vadd.f32 v1, v15;
	v15 =	vadd.f32 v18, v4  }
0x159: {  	v4 =	vadd.f32 v20, v17;
	v20 =	vadd.f32 v49, v48;
	v49 =	vld [tilespmem:$0x1FEC0]  }
0x15a: {  	s28 =	smul.f32 $7.812500000e-03, s28;
	v13 =	vadd.f32 v39, v5;
	v39 =	vld [tilespmem:s26+$0x290]  }
0x15b: {  	v19 =	vld [tilespmem:s31+$0x14790]  }
0x15c: {  	s0 =	smul.f32 s28, s28;
	v21 =	vld [tilespmem:s26+$0x2A0];
	v5 =	vmul.f32 v9, v9  }
0x15d: {  	v17 =	vld [tilespmem:s26+$0x2B0]  }
0x15e: {  	s1 =	ssub.f32 s1, s0;
	v48 =	vld [tilespmem:s31+$0x147B0];
	v18 =	vadd.f32 v5, v14;
	v5 =	vmul.f32 v11, v49  }
0x15f: {  	v45 =	vmul.f32 v12, v44;
	v49 =	vld [tilespmem:$0x1FEB0]  }
0x160: {  	s1 =	sadd.f32 $9.999999960e-13, s1;
	v19 =	vadd.f32 v19, v39;
	v39 =	vmul.f32 v12, v23;
	v14 =	vadd.f32 v20, v5;
	v5 =	vld [tilespmem:$0x1FFD0]  }
0x161: {  	v23 =	vld [tilespmem:s31+$0x147C0];
	v44 =	vadd.f32 v4, v45;
	v4 =	vadd.f32 v63, v24  }
0x162: {  	s6 =	smul.f32 $5.000000000e-01, s1;
	s1 =	sshra.s32 s1, $0x1;
	s15 =	spop (v2sf);
	v45 =	vadd.f32 v19, v39;
	v19 =	vadd.f32 v22, v21;
	v21 =	vld [tilespmem:s7+$0x2F0]  }
0x163: {  	s1 =	ssub.s32 $0x5F3759DF, s1;
	s15 =	smul.f32 $7.812500000e-03, s15;
	v4 =	vadd.f32 v34, v4;
	v20 =	vld [tilespmem:s2+$0x147F0]  }
0x164: {  	s17 =	smul.f32 s1, s6;
	v0 =	vmul.f32 v14, v14;
	v22 =	vmul.f32 v12, v49;
	v49 =	vld [tilespmem:s26+$0x2C0]  }
0x165: {  	s21 =	smul.f32 s15, s15;
	s18 =	spop (v2sf);
	v2, _, _ =	vpop (xrf2);
	v17 =	vadd.f32 v48, v17;
	v48 =	vadd.f32 v25, v4;
	v4 =	vmul.f32 v12, v5  }
0x166: {  	s19 =	smul.f32 $7.812500000e-03, s18;
	(v2sf) =	vpush v2, $0xF;
	v2 =	vadd.f32 v0, v18;
	v18 =	vld [tilespmem:s31+$0x147D0]  }
0x167: {  	s0 =	smul.f32 s1, s17;
	[tilespmem:$0x1FE80] =	vst v24;
	v24 =	vadd.f32 v17, v4;
	v17 =	vadd.f32 v8, v48;
	v48 =	vld [tilespmem:$0x1FED0]  }
0x168: {  	s3 =	ssub.f32 s19, s21;
	v3 =	vmul.f32 v13, v13;
	v39 =	vadd.f32 v19, v22;
	v19 =	vmul.f32 v44, v44;
	v5 =	vld [tilespmem:s26+$0x2D0]  }
0x169: {  	s8 =	ssub.f32 $1.500000000e+00, s0;
	v22 =	vmul.f32 v45, v45;
	v20 =	vadd.f32 v20, v21;
	v21 =	vadd.f32 v23, v49;
	v49 =	vld [tilespmem:$0x1FF90]  }
0x16a: {  	s3 =	sadd.f32 $9.999999960e-13, s3;
	v16 =	vadd.f32 v3, v16  }
0x16b: {  	s1 =	smul.f32 s1, s8;
	v19 =	vadd.f32 v22, v19;
	v22 =	vmul.f32 v15, v15;
	v4 =	vmul.f32 v39, v39  }
0x16c: {  	s14 =	sshra.s32 s3, $0x1;
	s21 =	smul.f32 $5.000000000e-01, s3;
	v23 =	vmul.f32 v12, v48  }
0x16d: {  	s17 =	smul.f32 s1, s6;
	s5 =	ssub.s32 $0x5F3759DF, s14;
	v16 =	vadd.f32 v22, v16;
	v19 =	vadd.f32 v4, v19;
	v22 =	vmul.f32 v24, v24;
	v4 =	vld [tilespmem:$0x1FF30]  }
0x16e: {  	s19 =	spop (v2sf);
	s18 =	smul.f32 s5, s21;
	v1 =	vadd.f32 v18, v5;
	v18 =	vmul.f32 v12, v49;
	v48 =	vadd.f32 v21, v23  }
0x16f: {  	s0 =	spop (v2sf);
	s3 =	smul.f32 s17, s1  }
0x170: {  	s17 =	smul.f32 $7.812500000e-03, s0;
	v19 =	vadd.f32 v22, v19;
	v5 =	vadd.f32 v1, v18;
	v18 =	vmul.f32 v48, v48  }
0x171: {  	s2 =	smul.f32 $7.812500000e-03, s19;
	v17 =	vadd.f32 v10, v17  }
0x172: {  	s14 =	smul.f32 s5, s18;
	v22 =	vld [tilespmem:s26+$0x2E0];
	v11 =	vmul.f32 v11, v4;
	v4 =	vadd.f32 v18, v19;
	v18 =	vmul.f32 v5, v5  }
0x173: {  	s3 =	ssub.f32 $1.500000000e+00, s3;
	s8 =	smul.f32 s2, s2;
	v17 =	vadd.f32 v13, v17;
	v49 =	vld [tilespmem:s31+$0x147E0]  }
0x174: {  	s14 =	ssub.f32 $1.500000000e+00, s14;
	v21 =	vadd.f32 v31, v29;
	v18 =	vadd.f32 v18, v4;
	v4 =	vld [tilespmem:$0x1FEC0]  }
0x175: {  	s1 =	smul.f32 s3, s1;
	s18 =	ssub.f32 s17, s8;
	v17 =	vadd.f32 v15, v17  }
0x176: {  	s17 =	smul.f32 s5, s14;
	v21 =	vadd.f32 v26, v21  }
0x177: {  	s6 =	smul.f32 s1, s6;
	s3 =	sadd.f32 $9.999999960e-13, s18;
	v23 =	vadd.f32 v45, v44;
	(xrf2) =	vadd.scan.msk.f32 $0xffff, v17  }
0x178: {  	s14 =	smul.f32 s17, s21;
	(xrf2) =	vadd.scan.msk.f32 $0xffff, v16;
	v16 =	vadd.f32 v20, v11;
	v17 =	vadd.f32 v6, v21  }
0x179: {  	v0 =	vld [tilespmem:s26+$0x2F0];
	s5 =	smul.f32 $5.000000000e-01, s3;
	v21 =	vadd.f32 v39, v23;
	v49 =	vadd.f32 v49, v22;
	v20 =	vmul.f32 v12, v4  }
0x17a: {  	s8 =	spop (v2sf);
	s0 =	smul.f32 s14, s17;
	v23 =	vld [tilespmem:s31+$0x147F0]  }
0x17b: {  	s19 =	sshra.s32 s3, $0x1;
	s14 =	smul.f32 $7.812500000e-03, s8;
	s8 =	spop (v2sf);
	v19 =	vadd.f32 v24, v21;
	v11 =	vadd.f32 v49, v20;
	v49 =	vld [tilespmem:$0x1FF30]  }
0x17c: {  	s18 =	ssub.s32 $0x5F3759DF, s19;
	s8 =	smul.f32 $7.812500000e-03, s8  }
0x17d: {  	s19 =	smul.f32 s18, s5;
	v17 =	vadd.f32 v7, v17;
	v19 =	vadd.f32 v48, v19  }
0x17e: {  	s3 =	ssub.f32 $1.500000000e+00, s0;
	s0 =	smul.f32 s14, s14  }
0x17f: {  	s19 =	smul.f32 s18, s19;
	v17 =	vadd.f32 v9, v17;
	v19 =	vadd.f32 v5, v19  }
0x180: {  	s17 =	smul.f32 s3, s17;
	s31 =	ssub.f32 s8, s0;
	v0 =	vadd.f32 v23, v0;
	v20 =	vmul.f32 v11, v11;
	v12 =	vmul.f32 v12, v49  }
0x181: {  	s6 =	smul.f32 s6, s1;
	s0 =	ssub.f32 $1.500000000e+00, s19;
	v17 =	vadd.f32 v14, v17;
	v19 =	vadd.f32 v11, v19  }
0x182: {  	s19 =	smul.f32 s17, s21;
	s3 =	sadd.f32 $9.999999960e-13, s31;
	v4 =	vmul.f32 v16, v16;
	v49 =	vadd.f32 v20, v18;
	v12 =	vadd.f32 v0, v12  }
0x183: {  	s8 =	smul.f32 s18, s0;
	v17 =	vadd.f32 v16, v17  }
0x184: {  	s21 =	sshra.s32 s3, $0x1;
	s31 =	smul.f32 $5.000000000e-01, s3;
	v0 =	vadd.f32 v4, v2;
	v18 =	vmul.f32 v12, v12  }
0x185: {  	s0 =	smul.f32 s8, s5;
	s21 =	ssub.s32 $0x5F3759DF, s21;
	(xrf2) =	vadd.scan.msk.f32 $0xffff, v17;
	v17 =	vadd.f32 v12, v19;
	v19, _, _ =	vpop (xrf2)  }
0x186: {  	s18 =	smul.f32 s21, s31;
	(xrf2) =	vadd.scan.msk.f32 $0xffff, v0;
	(v2sf) =	vpush v19, $0xF;
	v4 =	vadd.f32 v18, v49;
	v49, _, _ =	vpop (xrf2)  }
0x187: {  	s6 =	ssub.f32 $1.500000000e+00, s6;
	s3 =	smul.f32 s0, s8;
	(xrf2) =	vadd.scan.msk.f32 $0xffff, v17;
	(v2sf) =	vpush v49, $0xF;
	v49 =	vld [tilespmem:$0x1FD60]  }
0x188: {  	s0 =	smul.f32 s21, s18;
	(xrf2) =	vadd.scan.msk.f32 $0xffff, v4;
	v4 =	vld [tilespmem:$0x1FD50]  }
0x189: {  	s18 =	smul.f32 s6, s1;
	s6 =	ssub.f32 $1.500000000e+00, s3  }
0x18a: {  	s0 =	ssub.f32 $1.500000000e+00, s0;
	v2 =	vmov s28  }
0x18b: {  	v23 =	vmov s15;
	s1 =	smul.f32 s6, s8;
	v0 =	vsub.f32 v58, v2;
	v17 =	vsub.f32 v51, v2  }
0x18c: {  	s0 =	smul.f32 s21, s0;
	s21 =	spop (v2sf);
	v58 =	vld [tilespmem:$0x1FD80];
	v20 =	vsub.f32 v49, v2;
	v49 =	vsub.f32 v50, v23  }
0x18d: {  	s6 =	smul.f32 $7.812500000e-03, s21;
	v50 =	vsub.f32 v53, v23;
	v19 =	vsub.f32 v4, v2;
	v4 =	vld [tilespmem:$0x1FEE0]  }
0x18e: {  	s3 =	smul.f32 s19, s17;
	v53 =	vsub.f32 v56, v23;
	v56 =	vsub.f32 v59, v23;
	v59 =	vld [tilespmem:$0x1FF10]  }
0x18f: {  	v42 =	vsub.f32 v42, v23;
	s19 =	smul.f32 s6, s6;
	s28 =	spop (v2sf)  }
0x190: {  	v41 =	vsub.f32 v41, v23;
	v28 =	vsub.f32 v28, v23;
	s3 =	ssub.f32 $1.500000000e+00, s3;
	s8 =	smul.f32 $7.812500000e-03, s28;
	v3, _, _ =	vpop (xrf2);
	v17 =	vmul.f32 s18, v17  }
0x191: {  	(v2sf) =	vpush v3, $0xF;
	v23 =	vsub.f32 v27, v23;
	v27, _, _ =	vpop (xrf2);
	v20 =	vmul.f32 s18, v20  }
0x192: {  	s8 =	ssub.f32 s8, s19;
	s19 =	smul.f32 s3, s17;
	(v2sf) =	vpush v27, $0xF;
	v27, _, _ =	vpop (xrf2);
	v17 =	vmul.f32 v17, v4;
	v4 =	vld [tilespmem:$0x1FFB0]  }
0x193: {  	v22 =	vsub.f32 v58, v2;
	(v2sf) =	vpush v27, $0xF;
	v20 =	vmul.f32 v20, v59;
	v59 =	vld [tilespmem:$0x1FEE0];
	v27, _, _ =	vpop (xrf2)  }
0x194: {  	(v2sf) =	vpush v27, $0xF;
	v27 =	vmul.f32 s19, v42;
	v42 =	vld [tilespmem:$0x1FFF0]  }
0x195: {  	v22 =	vmul.f32 s18, v22  }
0x196: {  	v41 =	vmul.f32 s19, v41;
	v49 =	vmul.f32 s19, v49  }
0x197: {  	v19 =	vmul.f32 s18, v19;
	v22 =	vmul.f32 v22, v4  }
0x198: {  	v18 =	vsub.f32 v61, v2;
	v28 =	vmul.f32 s19, v28;
	v41 =	vmul.f32 v41, v59;
	v59 =	vld [tilespmem:$0x1FF40]  }
0x199: {  	v19 =	vmul.f32 v19, v35;
	v22 =	vadd.f32 v22, v42;
	v42 =	vmul.f32 v49, v35;
	v35 =	vld [tilespmem:$0x1FF10]  }
0x19a: {  	v18 =	vmul.f32 s18, v18  }
0x19b: {  	v28 =	vmul.f32 v28, v36  }
0x19c: {  	v51 =	vld [tilespmem:$0x1FD70];
	v18 =	vmul.f32 v18, v36;
	v36 =	vmul.f32 s19, v50  }
0x19d: {  	v41 =	vadd.f32 v41, v59;
	v59 =	vld [tilespmem:$0x1FF20]  }
0x19e: {  	v49 =	vmul.f32 v36, v35;
	v35 =	vld [tilespmem:$0x1FDA0];
	_ =	sdelay $0x2  }
0x19f: {  	v21 =	vsub.f32 v51, v2;
	v51 =	vld [tilespmem:$0x1FFE0];
	v36 =	vmul.f32 s19, v53  }
0x1a0: {  	s21 =	smul.f32 s0, s31;
	v53 =	vmul.f32 s19, v56;
	v56 =	vmov s2  }
0x1a1: {  	v50 =	vmul.f32 v36, v59;
	v59 =	vsub.f32 v35, v56;
	v35 =	vld [tilespmem:$0x1FDB0]  }
0x1a2: {  	s28 =	smul.f32 s21, s0;
	v0 =	vmul.f32 s18, v0  }
0x1a3: {  	v61 =	vld [tilespmem:$0x1FD90]  }
0x1a4: {  	s5 =	smul.f32 s1, s5;
	s15 =	ssub.f32 $1.500000000e+00, s28;
	v0 =	vmul.f32 v0, v51;
	v36 =	vld [tilespmem:$0x1FFB0]  }
0x1a5: {  	s8 =	sadd.f32 $9.999999960e-13, s8  }
0x1a6: {  	s5 =	smul.f32 s5, s1;
	v3 =	vadd.f32 v0, v62;
	v0 =	vsub.f32 v35, v56;
	v35 =	vld [tilespmem:$0x1FFF0]  }
0x1a7: {  	s28 =	smul.f32 s15, s0;
	s17 =	sshra.s32 s8, $0x1;
	s15 =	spop (v2sf)  }
0x1a8: {  	s0 =	ssub.s32 $0x5F3759DF, s17;
	v2 =	vsub.f32 v61, v2;
	s15 =	smul.f32 $7.812500000e-03, s15;
	s17 =	spop (v2sf)  }
0x1a9: {  	s17 =	smul.f32 $7.812500000e-03, s17;
	v53 =	vmul.f32 v53, v36  }
0x1aa: {  	s5 =	ssub.f32 $1.500000000e+00, s5;
	v21 =	vmul.f32 s18, v21;
	v2 =	vmul.f32 s18, v2;
	s18 =	smul.f32 s15, s15  }
0x1ab: {  	v53 =	vadd.f32 v53, v35;
	v35 =	vld [tilespmem:$0x1FEE0]  }
0x1ac: {  	s3 =	ssub.f32 s17, s18;
	s17 =	smul.f32 s5, s1;
	v36 =	vld [tilespmem:$0x1FDC0]  }
0x1ad: {  	_ = 	snop  }
0x1ae: {  	v58 =	vld [tilespmem:$0x1FF40];
	v0 =	vmul.f32 s17, v0;
	_ =	sdelay $0x1  }
0x1af: {  	s21 =	smul.f32 $5.000000000e-01, s8;
	v0 =	vmul.f32 v0, v35;
	v35 =	vld [tilespmem:$0x1FEF0]  }
0x1b0: {  	v1 =	vsub.f32 v36, v56  }
0x1b1: {  	s8 =	smul.f32 s0, s21;
	v61 =	vld [tilespmem:$0x1FF20]  }
0x1b2: {  	v17 =	vadd.f32 v17, v58;
	v58 =	vld [tilespmem:$0x1FF80];
	v1 =	vmul.f32 s17, v1  }
0x1b3: {  	s8 =	smul.f32 s0, s8;
	v36 =	vld [tilespmem:$0x1FDD0]  }
0x1b4: {  	s31 =	smul.f32 s28, s31;
	v1 =	vmul.f32 v1, v35;
	v35 =	vld [tilespmem:$0x1FF40]  }
0x1b5: {  	s5 =	ssub.f32 $1.500000000e+00, s8  }
0x1b6: {  	v2 =	vmul.f32 v2, v54;
	v21 =	vmul.f32 v21, v61;
	v61 =	vld [tilespmem:$0x1FF70];
	s8 =	smul.f32 s31, s28;
	s3 =	sadd.f32 $9.999999960e-13, s3  }
0x1b7: {  	v18 =	vadd.f32 v18, v60;
	[tilespmem:s13+$0x290] =	vst v17;
	v17 =	vld [tilespmem:$0x1FF00];
	s0 =	smul.f32 s0, s5  }
0x1b8: {  	v4 =	vadd.f32 v2, v58;
	s18 =	sshra.s32 s3, $0x1;
	s5 =	smul.f32 $5.000000000e-01, s3;
	v2 =	vsub.f32 v36, v56;
	v36 =	vld [tilespmem:$0x1FDE0]  }
0x1b9: {  	v23 =	vmul.f32 s19, v23;
	s19 =	smul.f32 s0, s21;
	s31 =	ssub.s32 $0x5F3759DF, s18;
	v0 =	vadd.f32 v0, v35;
	v35 =	vld [tilespmem:$0x1FDF0]  }
0x1ba: {  	v28 =	vadd.f32 v28, v60;
	[tilespmem:s13+$0x2A0] =	vst v18;
	v18 =	vld [tilespmem:$0x1FF20];
	v20 =	vadd.f32 v20, v57;
	v27 =	vmul.f32 v27, v51;
	s1 =	smul.f32 s31, s5  }
0x1bb: {  	v19 =	vadd.f32 v19, v55;
	v40 =	vsub.f32 v40, v56;
	s3 =	smul.f32 s19, s0;
	v2 =	vmul.f32 s17, v2  }
0x1bc: {  	v23 =	vmul.f32 v23, v54;
	[tilespmem:s13+$0x2C0] =	vst v20;
	v20 =	vld [tilespmem:$0x1FFB0];
	v21 =	vadd.f32 v21, v61;
	v27 =	vadd.f32 v27, v62;
	s8 =	ssub.f32 $1.500000000e+00, s8  }
0x1bd: {  	s19 =	smul.f32 s31, s1;
	v40 =	vmul.f32 s17, v40;
	s2 =	ssub.f32 $1.500000000e+00, s3;
	v2 =	vmul.f32 v2, v17;
	v17 =	vld [tilespmem:$0x1FF10];
	v36 =	vsub.f32 v36, v56  }
0x1be: {  	[tilespmem:s13+$0x280] =	vst v3;
	s18 =	spop (v2sf);
	s1 =	smul.f32 s8, s28;
	v59 =	vmul.f32 s17, v59;
	v3 =	vsub.f32 v35, v56;
	v35 =	vsub.f32 v52, v56;
	v56 =	vld [tilespmem:$0x1FE00]  }
0x1bf: {  	v23 =	vadd.f32 v23, v58;
	v42 =	vadd.f32 v42, v55;
	[tilespmem:s13+$0x2E0] =	vst v22;
	v22 =	vld [tilespmem:$0x1FFF0];
	s28 =	ssub.f32 $1.500000000e+00, s19;
	v18 =	vmul.f32 v40, v18;
	s0 =	smul.f32 s2, s0  }
0x1c0: {  	[tilespmem:s13+$0x2D0] =	vst v21;
	v21 =	vld [tilespmem:$0x1FE10];
	v49 =	vadd.f32 v49, v57;
	s2 =	smul.f32 $7.812500000e-03, s18;
	v59 =	vmul.f32 v59, v51;
	v3 =	vmul.f32 s17, v3  }
0x1c1: {  	v50 =	vadd.f32 v50, v61;
	s3 =	smul.f32 s31, s28;
	v18 =	vadd.f32 v18, v61;
	v36 =	vmul.f32 s17, v36  }
0x1c2: {  	[tilespmem:s16+$0x280] =	vst v27;
	v27 =	vld [tilespmem:$0x1FE40];
	s31 =	smul.f32 s0, s21;
	v59 =	vadd.f32 v59, v62;
	v52 =	vmov s14;
	v3 =	vmul.f32 v3, v20  }
0x1c3: {  	[tilespmem:s13+$0x2B0] =	vst v19;
	v40 =	vld [tilespmem:$0x1FEE0];
	s28 =	smul.f32 s2, s2;
	v17 =	vmul.f32 v36, v17;
	v19 =	vmul.f32 s17, v35;
	v36 =	vsub.f32 v56, v52  }
0x1c4: {  	s19 =	smul.f32 s3, s5;
	v2 =	vadd.f32 v2, v55;
	v3 =	vadd.f32 v3, v22;
	v22 =	vld [tilespmem:$0x1FE30]  }
0x1c5: {  	s21 =	spop (v2sf);
	s8 =	smul.f32 s31, s0;
	v21 =	vsub.f32 v21, v52;
	v19 =	vmul.f32 v19, v54;
	v20 =	vmul.f32 s1, v36;
	v36 =	vld [tilespmem:$0x1FE20]  }
0x1c6: {  	s18 =	smul.f32 $7.812500000e-03, s21;
	[tilespmem:s10+$0x280] =	vst v59;
	v59 =	vld [tilespmem:$0x1FF40];
	v1 =	vadd.f32 v1, v60;
	v17 =	vadd.f32 v17, v57  }
0x1c7: {  	[tilespmem:s13+$0x2F0] =	vst v4;
	s8 =	ssub.f32 $1.500000000e+00, s8;
	s14 =	smul.f32 s19, s3;
	v4 =	vadd.f32 v19, v58;
	v19 =	vmul.f32 s1, v21;
	v20 =	vmul.f32 v20, v51  }
0x1c8: {  	[tilespmem:s16+$0x2A0] =	vst v28;
	v28 =	vld [tilespmem:$0x1FF00];
	v27 =	vsub.f32 v27, v52;
	v32 =	vsub.f32 v32, v52;
	s17 =	ssub.f32 s18, s28  }
0x1c9: {  	[tilespmem:s16+$0x2D0] =	vst v50;
	v50 =	vld [tilespmem:$0x1FE50];
	s31 =	ssub.f32 $1.500000000e+00, s14;
	v19 =	vmul.f32 v19, v40;
	v22 =	vsub.f32 v22, v52;
	v20 =	vadd.f32 v20, v62  }
0x1ca: {  	[tilespmem:s16+$0x290] =	vst v41;
	v33 =	vsub.f32 v33, v52;
	s14 =	smul.f32 s8, s0;
	v27 =	vmul.f32 s1, v27;
	s17 =	sadd.f32 $9.999999960e-13, s17;
	v56 =	vld [tilespmem:$0x1FE70];
	v35 =	vsub.f32 v36, v52  }
0x1cb: {  	v41 =	vld [tilespmem:$0x1FEF0];
	s3 =	smul.f32 s31, s3;
	v19 =	vadd.f32 v19, v59;
	v22 =	vmul.f32 s1, v22;
	[tilespmem:s25+$0x280] =	vst v20;
	v20 =	vmov s2  }
0x1cc: {  	[tilespmem:s16+$0x2E0] =	vst v53;
	v53 =	vld [tilespmem:$0x1FE60];
	s18 =	sshra.s32 s17, $0x1;
	s13 =	smul.f32 $5.000000000e-01, s17;
	v21 =	vmul.f32 s1, v35;
	v35 =	vmov s6;
	v26 =	vsub.f32 v26, v20  }
0x1cd: {  	s19 =	smul.f32 s3, s5;
	s21 =	ssub.s32 $0x5F3759DF, s18;
	v22 =	vmul.f32 v22, v28;
	v28 =	vsub.f32 v37, v52;
	v36 =	vsub.f32 v46, v35  }
0x1ce: {  	[tilespmem:s16+$0x2C0] =	vst v49;
	v32 =	vmul.f32 s1, v32;
	s8 =	smul.f32 s21, s13;
	v49 =	vsub.f32 v47, v35;
	v38 =	vsub.f32 v38, v35  }
0x1cf: {  	[tilespmem:s16+$0x2B0] =	vst v42;
	s28 =	spop (v2sf);
	v33 =	vmul.f32 s1, v33;
	s0 =	smul.f32 s19, s3;
	v40 =	vsub.f32 v50, v35;
	v42 =	vsub.f32 v56, v35  }
0x1d0: {  	[tilespmem:s16+$0x2F0] =	vst v23;
	s5 =	smul.f32 $7.812500000e-03, s28;
	v23 =	vsub.f32 v43, v35;
	v30 =	vsub.f32 v30, v35;
	v21 =	vmul.f32 v21, v41  }
0x1d1: {  	s8 =	smul.f32 s21, s8;
	s0 =	ssub.f32 $1.500000000e+00, s0;
	v41 =	vsub.f32 v53, v35;
	v35 =	vmov s15;
	v28 =	vmul.f32 s1, v28  }
0x1d2: {  	[tilespmem:s10+$0x2A0] =	vst v1;
	s31 =	spop (v2sf);
	s16 =	smul.f32 s5, s5;
	v36 =	vmul.f32 s14, v36;
	v1 =	vadd.f32 v22, v55;
	v22 =	vmul.f32 v33, v54  }
0x1d3: {  	s8 =	ssub.f32 $1.500000000e+00, s8;
	s0 =	smul.f32 s0, s3;
	v53 =	vsub.f32 v63, v35;
	v56 =	vmul.f32 s14, v23;
	v23 =	vsub.f32 v34, v35  }
0x1d4: {  	[tilespmem:s10+$0x2D0] =	vst v18;
	v52 =	vld [tilespmem:$0x1FF10];
	s1 =	smul.f32 $7.812500000e-03, s31;
	v18 =	vmul.f32 s14, v42;
	v25 =	vsub.f32 v25, v35;
	v8 =	vsub.f32 v8, v35  }
0x1d5: {  	[tilespmem:s10+$0x290] =	vst v0;
	s17 =	smul.f32 s21, s8;
	v59 =	vmul.f32 s14, v30;
	v10 =	vsub.f32 v10, v35;
	v0 =	vadd.f32 v21, v60;
	v21 =	vld [tilespmem:$0x1FFB0]  }
0x1d6: {  	[tilespmem:s25+$0x290] =	vst v19;
	v19 =	vld [tilespmem:$0x1FFF0];
	v13 =	vsub.f32 v13, v35;
	v50 =	vmul.f32 s14, v41;
	s1 =	ssub.f32 s1, s16;
	v33 =	vmul.f32 v36, v51  }
0x1d7: {  	v47 =	vld [tilespmem:$0x1FF20];
	s8 =	smul.f32 s17, s13;
	v63 =	vadd.f32 v22, v58;
	v22 =	vmul.f32 s0, v53;
	v23 =	vmul.f32 s0, v23  }
0x1d8: {  	[tilespmem:s10+$0x2B0] =	vst v2;
	v6 =	vsub.f32 v6, v20;
	v25 =	vmul.f32 s0, v25;
	v8 =	vmul.f32 s0, v8;
	s1 =	sadd.f32 $9.999999960e-13, s1  }
0x1d9: {  	[tilespmem:s10+$0x2C0] =	vst v17;
	v46 =	vld [tilespmem:$0x1FEE0];
	v15 =	vsub.f32 v15, v35;
	s8 =	smul.f32 s8, s17;
	v10 =	vmul.f32 s0, v10;
	v13 =	vmul.f32 s0, v13  }
0x1da: {  	[tilespmem:s10+$0x2E0] =	vst v3;
	v7 =	vsub.f32 v7, v20;
	v27 =	vmul.f32 v27, v52;
	v52 =	vld [tilespmem:$0x1FE80];
	v21 =	vmul.f32 v28, v21;
	s18 =	sshra.s32 s1, $0x1;
	s1 =	smul.f32 $5.000000000e-01, s1  }
0x1db: {  	v41 =	vld [tilespmem:$0x1FF10];
	[tilespmem:s25+$0x2B0] =	vst v1;
	v15 =	vmul.f32 s0, v15;
	v1 =	vsub.f32 v9, v20;
	v9 =	vsub.f32 v14, v20;
	s8 =	ssub.f32 $1.500000000e+00, s8;
	s6 =	ssub.s32 $0x5F3759DF, s18  }
0x1dc: {  	[tilespmem:s10+$0x2F0] =	vst v4;
	v14 =	vmov s5;
	v32 =	vmul.f32 v32, v47;
	s19 =	smul.f32 s6, s1;
	v19 =	vadd.f32 v21, v19;
	v21 =	vld [tilespmem:$0x1FEF0]  }
0x1dd: {  	[tilespmem:s25+$0x2A0] =	vst v0;
	v34 =	vadd.f32 v33, v62;
	s21 =	smul.f32 s8, s17;
	v28 =	vmul.f32 s14, v49;
	v49 =	vmul.f32 s14, v40;
	v40 =	vld [tilespmem:$0x1FF40]  }
0x1de: {  	v36 =	vld [tilespmem:$0x1FEF0];
	[tilespmem:s25+$0x2F0] =	vst v63;
	v63 =	vmul.f32 v15, v54;
	v43 =	vadd.f32 v27, v57;
	v17 =	vadd.f32 v32, v61;
	s2 =	smul.f32 s6, s19  }
0x1df: {  	[tilespmem:s23+$0x280] =	vst v34;
	s3 =	smul.f32 s21, s13;
	v27 =	vmul.f32 v28, v46;
	v28 =	vmul.f32 s14, v38;
	v37 =	vsub.f32 v52, v35;
	v35 =	vld [tilespmem:$0x1FF00]  }
0x1e0: {  	v4 =	vmul.f32 v59, v54;
	v44 =	vsub.f32 v44, v14;
	v34 =	vadd.f32 v63, v58;
	[tilespmem:s25+$0x2C0] =	vst v43;
	v52 =	vld [tilespmem:$0x1FF10];
	s2 =	ssub.f32 $1.500000000e+00, s2  }
0x1e1: {  	v59 =	vld [tilespmem:$0x1FFB0];
	v5 =	vsub.f32 v5, v14;
	v0 =	vmul.f32 v50, v41;
	[tilespmem:s25+$0x2D0] =	vst v17;
	s3 =	smul.f32 s3, s21;
	v21 =	vmul.f32 v28, v21  }
0x1e2: {  	v18 =	vmul.f32 v18, v47;
	v43 =	vadd.f32 v4, v58;
	[tilespmem:s30+$0x2F0] =	vst v34;
	v2 =	vadd.f32 v27, v40;
	s2 =	smul.f32 s6, s2  }
0x1e3: {  	v53 =	vmul.f32 v10, v47;
	v0 =	vadd.f32 v0, v57;
	[tilespmem:s25+$0x2E0] =	vst v19;
	s3 =	ssub.f32 $1.500000000e+00, s3;
	v17 =	vadd.f32 v21, v60  }
0x1e4: {  	v28 =	vmul.f32 s0, v37;
	v19 =	vmul.f32 v49, v35;
	[tilespmem:s23+$0x290] =	vst v2;
	v2 =	vsub.f32 v16, v20;
	s28 =	smul.f32 s2, s1  }
0x1e5: {  	v49 =	vmul.f32 v23, v36;
	s0 =	smul.f32 s3, s21;
	v4 =	vmul.f32 v8, v52;
	v8 =	vadd.f32 v53, v61;
	[tilespmem:s23+$0x2A0] =	vst v17;
	v17 =	vld [tilespmem:$0x1FFB0]  }
0x1e6: {  	v10 =	vmul.f32 v13, v59;
	[tilespmem:s23+$0x2F0] =	vst v43;
	v21 =	vsub.f32 v29, v20;
	v16 =	vadd.f32 v19, v55;
	s5 =	smul.f32 s28, s2  }
0x1e7: {  	[tilespmem:s23+$0x2C0] =	vst v0;
	v50 =	vadd.f32 v49, v60;
	v6 =	vmul.f32 s0, v6;
	v1 =	vmul.f32 s0, v1  }
0x1e8: {  	v42 =	vld [tilespmem:$0x1FFF0];
	v2 =	vmul.f32 s0, v2;
	[tilespmem:s23+$0x2B0] =	vst v16;
	v16 =	vadd.f32 v18, v61;
	v18 =	vmul.f32 v22, v46;
	s5 =	ssub.f32 $1.500000000e+00, s5  }
0x1e9: {  	v32 =	vld [tilespmem:$0x1FFF0];
	v4 =	vadd.f32 v4, v57;
	[tilespmem:s30+$0x2D0] =	vst v8;
	v6 =	vmul.f32 v6, v35;
	v1 =	vmul.f32 v1, v47  }
0x1ea: {  	v59 =	vsub.f32 v24, v14;
	[tilespmem:s30+$0x2A0] =	vst v50;
	v22 =	vld [tilespmem:$0x1FFB0];
	v3 =	vmul.f32 v56, v17;
	v17 =	vmul.f32 v28, v51;
	s2 =	smul.f32 s5, s2  }
0x1eb: {  	v27 =	vsub.f32 v31, v20;
	v53 =	vld [tilespmem:$0x1FFF0];
	v15 =	vmul.f32 s0, v21;
	[tilespmem:s30+$0x2C0] =	vst v4;
	v6 =	vadd.f32 v6, v55  }
0x1ec: {  	v2 =	vmul.f32 v2, v54;
	[tilespmem:s23+$0x2D0] =	vst v16;
	v1 =	vadd.f32 v1, v61;
	v16 =	vadd.f32 v17, v62;
	v17 =	vld [tilespmem:$0x1FF40];
	s1 =	smul.f32 s2, s1  }
0x1ed: {  	v43 =	vmul.f32 s0, v9;
	v33 =	vmul.f32 v15, v51;
	[tilespmem:s7+$0x2B0] =	vst v6;
	v0 =	vadd.f32 v3, v42;
	v42 =	vld [tilespmem:$0x1FF10]  }
0x1ee: {  	v40 =	vld [tilespmem:$0x1FF40];
	v49 =	vsub.f32 v45, v14;
	v2 =	vadd.f32 v2, v58;
	[tilespmem:s7+$0x2D0] =	vst v1;
	s1 =	smul.f32 s1, s2  }
0x1ef: {  	v38 =	vadd.f32 v33, v62;
	v50 =	vmul.f32 v43, v22;
	[tilespmem:s30+$0x280] =	vst v16;
	v16 =	vmul.f32 s0, v27  }
0x1f0: {  	v7 =	vmul.f32 s0, v7;
	v43 =	vsub.f32 v12, v14;
	[tilespmem:s23+$0x2E0] =	vst v0;
	v0 =	vadd.f32 v10, v32;
	s1 =	ssub.f32 $1.500000000e+00, s1  }
0x1f1: {  	[tilespmem:s7+$0x2F0] =	vst v2;
	v4 =	vadd.f32 v50, v53;
	v15 =	vmul.f32 v16, v46;
	v17 =	vadd.f32 v18, v17  }
0x1f2: {  	v32 =	vsub.f32 v48, v14;
	[tilespmem:s30+$0x2E0] =	vst v0;
	v18 =	vmul.f32 v25, v35;
	v0 =	vmul.f32 v7, v42;
	s1 =	smul.f32 s1, s2  }
0x1f3: {  	v10 =	vadd.f32 v15, v40;
	v40 =	vsub.f32 v11, v14;
	[tilespmem:s30+$0x290] =	vst v17;
	v17 =	vmul.f32 s0, v26  }
0x1f4: {  	[tilespmem:s7+$0x280] =	vst v38;
	v27 =	vld [tilespmem:$0x1FF40];
	v56 =	vadd.f32 v18, v55;
	v52 =	vmul.f32 s1, v44;
	v3 =	vmul.f32 s1, v49  }
0x1f5: {  	[tilespmem:s7+$0x2E0] =	vst v4;
	v0 =	vadd.f32 v0, v57;
	v34 =	vmul.f32 s1, v59;
	v37 =	vmul.f32 v17, v36  }
0x1f6: {  	v42 =	vmul.f32 s1, v5;
	v59 =	vld [tilespmem:$0x1FFF0];
	[tilespmem:s30+$0x2B0] =	vst v56;
	v56 =	vsub.f32 v39, v14;
	v7 =	vmul.f32 v52, v51  }
0x1f7: {  	[tilespmem:s7+$0x290] =	vst v10;
	v3 =	vmul.f32 v3, v46;
	v46 =	vmul.f32 s1, v40;
	v41 =	vadd.f32 v37, v60  }
0x1f8: {  	v50 =	vmul.f32 s1, v43;
	v39 =	vld [tilespmem:$0x1FF10];
	[tilespmem:s7+$0x2C0] =	vst v0;
	v49 =	vmul.f32 v42, v47;
	v63 =	vadd.f32 v7, v62  }
0x1f9: {  	v13 =	vmul.f32 s1, v56;
	v33 =	vadd.f32 v3, v27;
	v52 =	vmul.f32 v46, v22;
	[tilespmem:s7+$0x2A0] =	vst v41  }
0x1fa: {  	v23 =	vld [tilespmem:$0x1FEA0];
	v56 =	vmul.f32 v50, v54;
	v53 =	vadd.f32 v49, v61;
	[tilespmem:s26+$0x280] =	vst v63  }
0x1fb: {  	v20 =	vld [tilespmem:$0x1FEC0];
	v38 =	vmul.f32 s1, v32;
	v37 =	vmul.f32 v13, v36;
	[tilespmem:s26+$0x290] =	vst v33;
	v61 =	vadd.f32 v52, v59  }
0x1fc: {  	p1 =	slt.u32 s24, $0x78;
	v19 =	vld [tilespmem:$0x1FF90];
	v41 =	vmul.f32 v34, v35;
	[tilespmem:s26+$0x2D0] =	vst v53;
	v63 =	vadd.f32 v56, v58  }
.Ltmp1:
0x1fd: {  	v21 =	vld [tilespmem:$0x1FF30];
	v45 =	vmul.f32 v38, v39;
	v44 =	vadd.f32 v37, v60;
	[tilespmem:s26+$0x2E0] =	vst v61;
	(pc) =	sbr.rel @p1 .LBB2_5-.Ltmp1, $4  }
0x1fe: {  	v25 =	vld [tilespmem:$0x1FEB0];
	v48 =	vadd.f32 v41, v55;
	[tilespmem:s26+$0x2F0] =	vst v63  }
0x1ff: {  	v18 =	vld [tilespmem:$0x1FED0];
	v51 =	vadd.f32 v45, v57;
	[tilespmem:s26+$0x2A0] =	vst v44  }
0x200: {  	s31 =	sadd.s32 $0x8, s24;
	v26 =	vld [tilespmem:$0x1FE90];
	[tilespmem:s26+$0x2B0] =	vst v48  }
0x201: {  	s24 =	smov.u32 s31;
	v24 =	vmov v62;
	v31 =	vmov v60;
	v29 =	vmov v54;
	v17 =	vld [tilespmem:$0x1FFD0];
	[tilespmem:s26+$0x2C0] =	vst v51  }
0x202: {  	s1 =	rddreg [dreg:$0x7]  }
0x203: {  	s0 =	sshll.u32 s4, $0x4;
	s18 =	rddreg [dreg:$0x10]  }
0x204: {  	s17 =	simm.s32 $0x280;
	s0 =	sadd.s32 s1, s0;
	s24 =	sadd.s32 s22, s18  }
0x205: {  	[hbm4b:s0+s9] =	stream.linear.scatter [tilespmem:s17], [sflag:$0x6], $0x4000, $0x38;
	[tilespmem:$0x1AD80] =	vst v63  }
0x206: {  	s19 =	rddreg [dreg:$0xa];
	s0 =	sshrl.u32 s24, $0x3  }
0x207: {  	s2 =	simm.s32 $0x180;
	s1 =	sadd.s32 s19, s0  }
0x208: {  	[tilespmem:s2], [sflag:$0xE] =	stream.linear.gather [hbm4b:s1+s9], $0x80, $0x38;
	[tilespmem:$0x1AD80] =	vst v63  }
0x209: {  	s21 =	simm.s32 $0x14580;
	s23 =	simm.s32 $0xD;
	s0 =	sadd.s32 s12, s0  }
0x20a: {  	[tilespmem:s21], [sflag:$0x13] =	stream.linear.gather [hbm4b:s0+s9], $0x80, $0x38;
	[tilespmem:$0x1AD80] =	vst v63  }
0x20b: {  	_ =	swait.ge [sflag:s23], $0x80  }
0x20c: {  	[sflag:s23] =	ssyncset.done $0x0  }
0x20d: {  	s0 =	simm.s32 @!p0 $0x8;
	[sflag:s23] =	ssyncadd.s32 $0xFFFFFF80  }
0x20e: {  	_ =	swait.ge @!p0 [sflag:s0], $0x4000  }
0x20f: {  	[sflag:s0] =	ssyncset.done @!p0 $0x0  }
0x210: {  	s25 =	simm.s32 $0x80;
	[sflag:s0] =	ssyncadd.s32 @!p0 $0xFFFFC000  }
0x211: {  	s26 =	simm.s32 $0x8280;
	s28 =	simm.s32 $0x11;
	s0 =	rddreg [dreg:$0x1]  }
0x212: {  	[tilespmem:s26], [sflag:$0x3] =	stream.indirect.gather [hbm4b:s0+s25], $0x80, s11, s25, $0xb8;
	[tilespmem:$0x1AD80] =	vst v63  }
0x213: {  	_ =	swait.ge [sflag:s28], $0x80  }
0x214: {  	[sflag:s28] =	ssyncset.done $0x0  }
0x215: {  	s30 =	simm.s32 $0x2;
	[sflag:s28] =	ssyncadd.s32 $0xFFFFFF80  }
0x216: {  	_ =	swait.ge [sflag:s30], $0x4000  }
0x217: {  	[sflag:s30] =	ssyncset.done $0x0;
	s31 =	rddreg [dreg:$0x11];
	v2 =	vld [tilespmem:$0x1FF80]  }
0x218: {  	s13 =	simm.s32 $0x0;
	v8 =	vmov v55;
	v61 =	vld [tilespmem:$0x1FFE0];
	s4 =	sadd.s32 s22, s31;
	[sflag:s30] =	ssyncadd.s32 $0xFFFFC000  }
.LBB2_7:
0x219: {  	s0 =	sor.u32 s4, s13  }
0x21a: {  	s1 =	smulhi.u32 $0x51EB851F, s0;
	_ =	sdelay $0x1  }
0x21b: {  	s1 =	sshrl.u32 s1, $0x6  }
0x21c: {  	s2 =	sshll.u32 s13, $0x7;
	s1 =	smul.u32 $0xC8, s1  }
0x21d: {  	v1 =	vld.msk [tilespmem:s13+$0x14380 ss:$0x0], $0xffff;
	s16 =	sand.u32 $0x3FFFFF80, s2  }
0x21e: {  	v0 =	vld [tilespmem:s16+$0x4280];
	s0 =	ssub.s32 s0, s1  }
0x21f: {  	v3 =	vld [tilespmem:s16+$0x4290];
	s0 =	sshll.u32 s0, $0x7  }
0x220: {  	v58 =	vmov v2;
	v2 =	vld [tilespmem:s0+$0x14780]  }
0x221: {  	v4 =	vld [tilespmem:s0+$0x14790]  }
0x222: {  	v5 =	vld [tilespmem:s16+$0x42A0]  }
0x223: {  	v6 =	vld [tilespmem:s0+$0x147A0]  }
0x224: {  	v9 =	vld [tilespmem:s16+$0x42C0]  }
0x225: {  	v63 =	vmov v8;
	v7 =	vmul.f32 v1, v26;
	v8 =	vld [tilespmem:s0+$0x147B0];
	v0 =	vadd.f32 v2, v0  }
0x226: {  	v40 =	vmul.f32 v1, v23;
	v2 =	vld [tilespmem:s16+$0x42B0];
	v3 =	vadd.f32 v4, v3  }
0x227: {  	v42 =	vld [tilespmem:s16+$0x42D0];
	v11 =	vadd.f32 v0, v7  }
0x228: {  	s5 =	sor.u32 $0x1, s13;
	v41 =	vmul.f32 v1, v25;
	v51 =	vadd.f32 v3, v40;
	v0 =	vld [tilespmem:s0+$0x147C0];
	v3 =	vadd.f32 v6, v5  }
0x229: {  	s6 =	sor.u32 s4, s5;
	v43 =	vld [tilespmem:s16+$0x42E0]  }
0x22a: {  	s3 =	smulhi.u32 $0x51EB851F, s6;
	v10 =	vld [tilespmem:s0+$0x147D0];
	v6 =	vmul.f32 v11, v11;
	v7 =	vmul.f32 v51, v51;
	v13 =	vadd.f32 v3, v41  }
0x22b: {  	s7 =	sshll.u32 s5, $0x7;
	[tilespmem:$0x1FBF0] =	vst v11;
	v3 =	vmul.f32 v1, v17;
	v2 =	vadd.f32 v8, v2;
	v8 =	vadd.f32 v51, v11;
	v11 =	vld [tilespmem:s0+$0x147E0]  }
0x22c: {  	s10 =	sand.u32 $0x3FFFFF80, s7;
	s3 =	sshrl.u32 s3, $0x6;
	v6 =	vadd.f32 v7, v6;
	v7 =	vmul.f32 v13, v13  }
0x22d: {  	v50 =	vld [tilespmem:s10+$0x42A0];
	s3 =	smul.u32 $0xC8, s3;
	v14 =	vadd.f32 v2, v3;
	v3 =	vadd.f32 v0, v9;
	v9 =	vmul.f32 v1, v18  }
0x22e: {  	v46 =	vmul.f32 v1, v19;
	v12 =	vld [tilespmem:s0+$0x147F0];
	v8 =	vadd.f32 v13, v8;
	v6 =	vadd.f32 v7, v6  }
0x22f: {  	s8 =	ssub.s32 s6, s3;
	v2 =	vld [tilespmem:s16+$0x42F0];
	v44 =	vmovc v14;
	v7 =	vmul.f32 v14, v14;
	v45 =	vadd.f32 v3, v9;
	v3 =	vadd.f32 v10, v42  }
0x230: {  	v56 =	vld [tilespmem:s10+$0x42B0];
	v49 =	vmul.f32 v1, v20;
	s11 =	sshll.u32 s8, $0x7;
	v8 =	vadd.f32 v44, v8;
	v4 =	vadd.f32 v11, v43  }
0x231: {  	s14 =	sor.u32 $0x2, s13;
	v11 =	vld [tilespmem:s11+$0x14790];
	v6 =	vadd.f32 v7, v6;
	v47 =	vmovc v45;
	v7 =	vmul.f32 v45, v45;
	v48 =	vadd.f32 v3, v46  }
0x232: {  	s15 =	sor.u32 s4, s14;
	v3 =	vld [tilespmem:s10+$0x4290];
	v8 =	vadd.f32 v47, v8  }
0x233: {  	s17 =	smulhi.u32 $0x51EB851F, s15;
	v0 =	vld.msk [tilespmem:s13+$0x14381 ss:$0x0], $0xffff;
	v15 =	vadd.f32 v4, v49;
	v6 =	vadd.f32 v7, v6;
	v7 =	vmul.f32 v48, v48  }
0x234: {  	v55 =	vmovc v57;
	v57 =	vld [tilespmem:s10+$0x42C0];
	v1 =	vmul.f32 v1, v21;
	v2 =	vadd.f32 v12, v2;
	v53 =	vadd.f32 v48, v8  }
0x235: {  	s3 =	sshrl.u32 s17, $0x6;
	v52 =	vld [tilespmem:s11+$0x147A0];
	v6 =	vadd.f32 v7, v6;
	v7 =	vmul.f32 v15, v15  }
0x236: {  	s18 =	sshll.u32 s14, $0x7;
	s3 =	smul.u32 $0xC8, s3;
	v9 =	vld [tilespmem:s10+$0x4280];
	v8 =	vadd.f32 v2, v1;
	v2 =	vadd.f32 v15, v53  }
0x237: {  	s25 =	sand.u32 $0x3FFFFF80, s18;
	v10 =	vld [tilespmem:s11+$0x14780];
	v3 =	vadd.f32 v11, v3;
	v6 =	vadd.f32 v7, v6  }
0x238: {  	v33 =	vld [tilespmem:s25+$0x4280];
	s19 =	ssub.s32 s15, s3;
	[tilespmem:$0x1FC50] =	vst v8;
	v7 =	vmul.f32 v8, v8;
	v2 =	vadd.f32 v8, v2;
	v8 =	vmul.f32 v0, v23  }
0x239: {  	v59 =	vld [tilespmem:s11+$0x147C0];
	s21 =	sshll.u32 s19, $0x7  }
0x23a: {  	v35 =	vld [tilespmem:s21+$0x14780];
	v31 =	vmul.f32 v0, v25;
	v41 =	vadd.f32 v3, v8;
	v3 =	vadd.f32 v52, v50  }
0x23b: {  	v1 =	vld [tilespmem:s11+$0x147B0];
	v6 =	vadd.f32 v7, v6;
	(xrf2) =	vadd.scan.msk.f32 $0xffff, v2  }
0x23c: {  	v7 =	vadd.f32 v10, v9;
	v2 =	vmul.f32 v0, v26;
	v28 =	vadd.f32 v3, v31;
	v3 =	vld [tilespmem:$0x1FFD0]  }
0x23d: {  	v40 =	vld [tilespmem:$0x1FF90]  }
0x23e: {  	[tilespmem:$0x1FC40] =	vst v15;
	v15 =	vld [tilespmem:s10+$0x42D0];
	v42 =	vadd.f32 v7, v2  }
0x23f: {  	v11 =	vld [tilespmem:s11+$0x147E0]  }
0x240: {  	v9 =	vld [tilespmem:s11+$0x147D0];
	v17 =	vmul.f32 v41, v41;
	v32 =	vmul.f32 v42, v42  }
0x241: {  	v10 =	vld [tilespmem:s10+$0x42E0];
	v1 =	vadd.f32 v1, v56;
	v3 =	vmul.f32 v0, v3  }
0x242: {  	v38 =	vld [tilespmem:s21+$0x14790];
	v34 =	vadd.f32 v17, v32;
	v17 =	vmul.f32 v28, v28  }
0x243: {  	v37 =	vmul.f32 v0, v18;
	v2 =	vld.msk [tilespmem:s13+$0x14382 ss:$0x0], $0xffff;
	v50 =	vadd.f32 v1, v3;
	v3 =	vadd.f32 v59, v57  }
0x244: {  	v5 =	vmul.f32 v0, v40;
	v4 =	vadd.f32 v35, v33;
	v12 =	vadd.f32 v17, v34;
	v1 =	vld [tilespmem:s25+$0x4290]  }
0x245: {  	v19, _, _ =	vpop (xrf2);
	v17 =	vmul.f32 v50, v50;
	v53 =	vadd.f32 v3, v37;
	v3 =	vadd.f32 v9, v15  }
0x246: {  	v18 =	vld [tilespmem:s25+$0x42A0];
	v43 =	vadd.f32 v11, v10;
	v10 =	vmul.f32 v0, v20;
	(v2sf) =	vpush v19, $0xF  }
0x247: {  	v9 =	vld [tilespmem:s21+$0x147A0];
	v12 =	vadd.f32 v17, v12;
	v19 =	vmul.f32 v53, v53;
	v56 =	vadd.f32 v3, v5  }
0x248: {  	[tilespmem:$0x1FC20] =	vst v45;
	v45 =	vmul.f32 v2, v23;
	v59 =	vadd.f32 v43, v10;
	v10 =	vmul.f32 v2, v26;
	v15 =	vld [tilespmem:s25+$0x42B0]  }
0x249: {  	v3 =	vld [tilespmem:s21+$0x147B0];
	v1 =	vadd.f32 v38, v1;
	v12 =	vadd.f32 v19, v12;
	v19 =	vmul.f32 v56, v56  }
0x24a: {  	v21 =	vadd.f32 v4, v10  }
0x24b: {  	v8 =	vadd.f32 v1, v45;
	v12 =	vadd.f32 v19, v12;
	v19 =	vmul.f32 v59, v59  }
0x24c: {  	(xrf2) =	vadd.scan.msk.f32 $0xffff, v6;
	v6 =	vld [tilespmem:s10+$0x42F0];
	v1 =	vadd.f32 v9, v18;
	v9 =	vmul.f32 v2, v25  }
0x24d: {  	v7 =	vld [tilespmem:s11+$0x147F0];
	v18 =	vadd.f32 v8, v21;
	v10 =	vadd.f32 v19, v12  }
0x24e: {  	[tilespmem:$0x1FC70] =	vst v8;
	v19 =	vmul.f32 v8, v8;
	v8 =	vadd.f32 v1, v9;
	v1 =	vadd.f32 v3, v15;
	v3 =	vld [tilespmem:$0x1FFD0];
	_ =	sdelay $0x4  }
0x24f: {  	v6 =	vadd.f32 v7, v6;
	v7 =	vld [tilespmem:$0x1FF30];
	v9 =	vmul.f32 v2, v3  }
0x250: {  	v16 =	vadd.f32 v41, v42  }
0x251: {  	[tilespmem:$0x1FC80] =	vst v8;
	v15 =	vadd.f32 v8, v18;
	v18 =	vmul.f32 v8, v8;
	v8 =	vadd.f32 v1, v9;
	v1 =	vld [tilespmem:$0x1FED0]  }
0x252: {  	v16 =	vadd.f32 v28, v16  }
0x253: {  	v44 =	vld [tilespmem:s25+$0x42D0]  }
0x254: {  	v11 =	vld [tilespmem:s25+$0x42C0];
	v16 =	vadd.f32 v50, v16;
	v0 =	vmul.f32 v0, v7;
	v17, _, _ =	vpop (xrf2)  }
0x255: {  	(v2sf) =	vpush v17, $0xF;
	v17 =	vld [tilespmem:s21+$0x147C0]  }
0x256: {  	v16 =	vadd.f32 v53, v16;
	v24 =	vadd.f32 v6, v0;
	v6 =	vmul.f32 v2, v1;
	v1 =	vld [tilespmem:$0x1FF90]  }
0x257: {  	v46 =	vld [tilespmem:s21+$0x147D0]  }
0x258: {  	v47 =	vld [tilespmem:s21+$0x147E0];
	v49 =	vmul.f32 v21, v21;
	v16 =	vadd.f32 v56, v16  }
0x259: {  	v20 =	vld [tilespmem:s25+$0x42E0]  }
0x25a: {  	s23 =	sor.u32 $0x3, s13;
	v16 =	vadd.f32 v59, v16;
	v7 =	vadd.f32 v19, v49  }
0x25b: {  	s26 =	sor.u32 s4, s23;
	v0 =	vadd.f32 v17, v11;
	v57 =	vmul.f32 v2, v1;
	v1 =	vld [tilespmem:$0x1FEC0]  }
0x25c: {  	s28 =	smulhi.u32 $0x51EB851F, s26;
	v29 =	vadd.f32 v24, v16;
	v16 =	vmul.f32 v24, v24;
	v7 =	vadd.f32 v18, v7  }
0x25d: {  	[tilespmem:$0x1FC90] =	vst v8;
	v15 =	vadd.f32 v8, v15;
	v17 =	vmul.f32 v8, v8;
	v8 =	vadd.f32 v0, v6  }
0x25e: {  	s30 =	sshll.u32 s23, $0x7;
	s3 =	sshrl.u32 s28, $0x6;
	v4 =	vadd.f32 v47, v20;
	v0 =	vadd.f32 v46, v44  }
0x25f: {  	s23 =	sand.u32 $0x3FFFFF80, s30;
	s3 =	smul.u32 $0xC8, s3;
	[tilespmem:$0x1FC30] =	vst v48;
	v48 =	vld [tilespmem:s25+$0x42F0];
	v30 =	vadd.f32 v16, v10;
	v7 =	vadd.f32 v17, v7;
	v19 =	vmul.f32 v8, v8  }
0x260: {  	v52 =	vld [tilespmem:s23+$0x4280];
	v15 =	vadd.f32 v8, v15;
	v34 =	vadd.f32 v0, v57;
	v10 =	vmul.f32 v2, v1  }
0x261: {  	s31 =	ssub.s32 s26, s3;
	[tilespmem:$0x1FC60] =	vst v21;
	v21 =	vld [tilespmem:s21+$0x147F0];
	v7 =	vadd.f32 v19, v7  }
0x262: {  	s1 =	sshll.u32 s31, $0x7;
	v11 =	vld [tilespmem:s23+$0x4290];
	v15 =	vadd.f32 v34, v15;
	v19 =	vmul.f32 v34, v34;
	v1 =	vadd.f32 v4, v10  }
0x263: {  	v18 =	vld [tilespmem:s1+$0x14790]  }
0x264: {  	v7 =	vadd.f32 v19, v7;
	[tilespmem:$0x1FCB0] =	vst v1;
	v15 =	vadd.f32 v1, v15;
	v19 =	vmul.f32 v1, v1;
	v1 =	vld [tilespmem:$0x1FF30]  }
0x265: {  	v3 =	vld.msk [tilespmem:s13+$0x14383 ss:$0x0], $0xffff  }
0x266: {  	v9 =	vld [tilespmem:s1+$0x14780]  }
0x267: {  	v17 =	vld [tilespmem:s1+$0x147A0]  }
0x268: {  	v6 =	vld [tilespmem:s23+$0x42A0]  }
0x269: {  	v2 =	vmul.f32 v2, v1;
	v1 =	vld [tilespmem:$0x1FFD0]  }
0x26a: {  	v11 =	vadd.f32 v18, v11  }
0x26b: {  	v16 =	vld [tilespmem:s1+$0x147B0];
	v32 =	vmul.f32 v3, v23;
	v31 =	vadd.f32 v9, v52;
	v9 =	vmul.f32 v3, v26  }
0x26c: {  	v12 =	vadd.f32 v21, v48;
	v0 =	vld [tilespmem:s23+$0x42B0]  }
0x26d: {  	v22 =	vadd.f32 v31, v9;
	v9 =	vmul.f32 v3, v25;
	[tilespmem:$0x1FCA0] =	vst v8;
	v8 =	vadd.f32 v11, v32  }
0x26e: {  	v6 =	vadd.f32 v17, v6;
	v52 =	vadd.f32 v12, v2;
	v2 =	vmul.f32 v3, v1;
	v1 =	vld [tilespmem:$0x1FED0]  }
0x26f: {  	v17 =	vmul.f32 v22, v22  }
0x270: {  	v21 =	vadd.f32 v6, v9;
	v7 =	vadd.f32 v19, v7;
	v19 =	vmul.f32 v8, v8  }
0x271: {  	[tilespmem:$0x1FCD0] =	vst v8;
	v0 =	vadd.f32 v16, v0  }
0x272: {  	v38 =	vadd.f32 v8, v22;
	[tilespmem:$0x1FCE0] =	vst v21;
	v16 =	vadd.f32 v19, v17  }
0x273: {  	v8 =	vmovc v21;
	v17 =	vmul.f32 v21, v21;
	v21 =	vadd.f32 v0, v2;
	v2 =	vmul.f32 v3, v1;
	v1 =	vld [tilespmem:$0x1FF90];
	_ =	sdelay $0x2  }
0x274: {  	v33 =	vld [tilespmem:s1+$0x147D0]  }
0x275: {  	v35 =	vld [tilespmem:s1+$0x147E0]  }
0x276: {  	v40 =	vmul.f32 v3, v1;
	v1 =	vld [tilespmem:$0x1FEC0]  }
0x277: {  	v20 =	vld [tilespmem:s23+$0x42C0]  }
0x278: {  	s2 =	sor.u32 $0x4, s13;
	v18 =	vld [tilespmem:s23+$0x42D0]  }
0x279: {  	s5 =	sor.u32 s4, s2;
	v11 =	vld [tilespmem:s23+$0x42E0]  }
0x27a: {  	s6 =	smulhi.u32 $0x51EB851F, s5;
	v10 =	vld [tilespmem:s1+$0x147C0]  }
0x27b: {  	v48 =	vmul.f32 v3, v1;
	v1 =	vld [tilespmem:$0x1FF30]  }
0x27c: {  	s3 =	sshrl.u32 s6, $0x6;
	v6 =	vld [tilespmem:s23+$0x42F0]  }
0x27d: {  	s3 =	smul.u32 $0xC8, s3;
	s0 =	sshll.u32 s2, $0x7;
	v9 =	vld [tilespmem:s1+$0x147F0]  }
0x27e: {  	s30 =	sand.u32 $0x3FFFFF80, s0;
	v19 =	vld.msk [tilespmem:s13+$0x14384 ss:$0x0], $0xffff  }
0x27f: {  	s7 =	ssub.s32 s5, s3;
	v0 =	vadd.f32 v10, v20;
	v10 =	vld [tilespmem:s30+$0x4280]  }
0x280: {  	s1 =	sshll.u32 s7, $0x7;
	v3 =	vmul.f32 v3, v1;
	v1 =	vld [tilespmem:$0x1FFD0]  }
0x281: {  	v11 =	vadd.f32 v35, v11;
	v4 =	vadd.f32 v33, v18;
	v20 =	vld [tilespmem:s1+$0x14780]  }
0x282: {  	[tilespmem:$0x1FCC0] =	vst v22;
	v22 =	vld [tilespmem:s30+$0x42A0];
	v6 =	vadd.f32 v9, v6;
	v12 =	vadd.f32 v8, v38  }
0x283: {  	v18 =	vld [tilespmem:s1+$0x14790];
	v16 =	vadd.f32 v17, v16;
	v15 =	vadd.f32 v52, v15;
	v17 =	vmul.f32 v21, v21  }
0x284: {  	s8 =	sor.u32 $0x5, s13;
	(xrf2) =	vadd.scan.msk.f32 $0xffff, v29;
	v47 =	vmul.f32 v19, v26;
	v8 =	vadd.f32 v0, v2;
	v0 =	vld [tilespmem:s30+$0x4290];
	v2 =	vadd.f32 v21, v12  }
0x285: {  	s0 =	sshll.u32 s8, $0x7;
	[tilespmem:$0x1FCF0] =	vst v21;
	v16 =	vadd.f32 v17, v16;
	v21 =	vmul.f32 v52, v52;
	v29 =	vmul.f32 v19, v1;
	v1 =	vld [tilespmem:$0x1FED0]  }
0x286: {  	s7 =	sand.u32 $0x3FFFFF80, s0;
	v43 =	vld [tilespmem:s1+$0x147A0];
	v10 =	vadd.f32 v20, v10;
	v17 =	vmul.f32 v8, v8;
	v2 =	vadd.f32 v8, v2  }
0x287: {  	v35 =	vld [tilespmem:s7+$0x42A0];
	v7 =	vadd.f32 v21, v7;
	v37 =	vadd.f32 v4, v40  }
0x288: {  	v20 =	vld [tilespmem:s1+$0x147B0];
	[tilespmem:$0x1FD00] =	vst v8;
	v8 =	vadd.f32 v10, v47;
	v46 =	vadd.f32 v17, v16  }
0x289: {  	v16 =	vld [tilespmem:s30+$0x42B0];
	v2 =	vadd.f32 v37, v2;
	v33 =	vadd.f32 v11, v48  }
0x28a: {  	(xrf2) =	vadd.scan.msk.f32 $0xffff, v30;
	v0 =	vadd.f32 v18, v0;
	v17 =	vmul.f32 v37, v37;
	v48 =	vmul.f32 v19, v1;
	v1 =	vld [tilespmem:$0x1FF90]  }
0x28b: {  	v21 =	vld [tilespmem:s30+$0x42C0];
	v18 =	vmul.f32 v19, v23;
	v2 =	vadd.f32 v33, v2;
	v32 =	vadd.f32 v6, v3  }
0x28c: {  	v49 =	vmul.f32 v19, v25;
	v4 =	vadd.f32 v43, v22;
	v12 =	vadd.f32 v17, v46;
	v17 =	vld [tilespmem:s1+$0x147C0]  }
0x28d: {  	(xrf2) =	vadd.scan.msk.f32 $0xffff, v15;
	v10 =	vld [tilespmem:s1+$0x147D0];
	v45 =	vadd.f32 v0, v18;
	v2 =	vadd.f32 v32, v2  }
0x28e: {  	s17 =	sor.u32 $0x6, s13;
	(xrf2) =	vadd.scan.msk.f32 $0xffff, v7;
	v0 =	vld [tilespmem:s30+$0x42D0];
	v38 =	vadd.f32 v4, v49;
	v6 =	vmul.f32 v33, v33  }
0x28f: {  	s18 =	sor.u32 s4, s17;
	v9 =	vadd.f32 v45, v8;
	v57 =	vadd.f32 v20, v16;
	v16, _, _ =	vpop (xrf2);
	(xrf2) =	vadd.scan.msk.f32 $0xffff, v2;
	v2 =	vmul.f32 v19, v1;
	v1 =	vld [tilespmem:$0x1FEC0]  }
0x290: {  	s19 =	smulhi.u32 $0x51EB851F, s18;
	v47 =	vld [tilespmem:s1+$0x147F0];
	v6 =	vadd.f32 v6, v12;
	v49 =	vmul.f32 v32, v32  }
0x291: {  	s11 =	sor.u32 s4, s8;
	v40 =	vld [tilespmem:s1+$0x147E0];
	v7 =	vadd.f32 v38, v9;
	v9 =	vadd.f32 v17, v21  }
0x292: {  	s2 =	sshrl.u32 s19, $0x6;
	s14 =	smulhi.u32 $0x51EB851F, s11;
	v11 =	vld [tilespmem:s30+$0x42E0];
	v6 =	vadd.f32 v49, v6;
	v44 =	vadd.f32 v57, v29  }
0x293: {  	s2 =	smul.u32 $0xC8, s2;
	v0 =	vadd.f32 v10, v0;
	v3 =	vld [tilespmem:s30+$0x42F0]  }
0x294: {  	s3 =	sshrl.u32 s14, $0x6;
	v31, _, _ =	vpop (xrf2);
	(xrf2) =	vadd.scan.msk.f32 $0xffff, v6;
	v7 =	vadd.f32 v44, v7;
	v18 =	vadd.f32 v9, v48;
	v6 =	vmul.f32 v19, v1;
	v1 =	vld [tilespmem:$0x1FF30]  }
0x295: {  	s3 =	smul.u32 $0xC8, s3;
	v15 =	vld [tilespmem:s7+$0x4280];
	s1 =	ssub.s32 s18, s2;
	(v2sf) =	vpush v16, $0xF;
	v16 =	vmul.f32 v45, v45  }
0x296: {  	[tilespmem:$0x1FD10] =	vst v8;
	v4 =	vld.msk [tilespmem:s13+$0x14385 ss:$0x0], $0xffff;
	s14 =	sshll.u32 s1, $0x7;
	v10 =	vmul.f32 v8, v8;
	v7 =	vadd.f32 v18, v7;
	v8 =	vadd.f32 v0, v2  }
0x297: {  	s15 =	ssub.s32 s11, s3;
	(v2sf) =	vpush v31, $0xF;
	v46 =	vld [tilespmem:s14+$0x14780];
	v2 =	vadd.f32 v40, v11  }
0x298: {  	s6 =	sshll.u32 s15, $0x7;
	v10 =	vadd.f32 v16, v10;
	v57 =	vld [tilespmem:s7+$0x4290];
	v11 =	vmul.f32 v38, v38;
	v7 =	vadd.f32 v8, v7  }
0x299: {  	v16, _, _ =	vpop (xrf2);
	v9 =	vld [tilespmem:s6+$0x14780];
	v43 =	vadd.f32 v2, v6;
	v2 =	vadd.f32 v47, v3;
	v3 =	vmul.f32 v19, v1  }
0x29a: {  	(v2sf) =	vpush v16, $0xF;
	v0 =	vld [tilespmem:s6+$0x14790];
	v6 =	vadd.f32 v11, v10  }
0x29b: {  	v16 =	vmul.f32 v44, v44;
	v48 =	vld [tilespmem:s6+$0x147A0];
	v7 =	vadd.f32 v43, v7;
	v29 =	vadd.f32 v2, v3  }
0x29c: {  	v1 =	vld [tilespmem:$0x1FFD0]  }
0x29d: {  	s0 =	sshll.u32 s17, $0x7;
	v17 =	vld [tilespmem:s6+$0x147C0];
	v3 =	vadd.f32 v16, v6;
	v6 =	vadd.f32 v29, v7  }
0x29e: {  	s26 =	sand.u32 $0x3FFFFF80, s0;
	v49 =	vld [tilespmem:s7+$0x42B0];
	v9 =	vadd.f32 v9, v15;
	v16 =	vmul.f32 v18, v18  }
0x29f: {  	v15 =	vmul.f32 v4, v26;
	v40 =	vld [tilespmem:s26+$0x4280];
	v11, _, _ =	vpop (xrf2);
	v0 =	vadd.f32 v0, v57;
	(xrf2) =	vadd.scan.msk.f32 $0xffff, v6;
	v6 =	vmul.f32 v4, v23  }
0x2a0: {  	v10 =	vld [tilespmem:s6+$0x147B0];
	(v2sf) =	vpush v11, $0xF;
	v3 =	vadd.f32 v16, v3;
	v16 =	vmul.f32 v8, v8  }
0x2a1: {  	v11, _, _ =	vpop (xrf2);
	v57 =	vadd.f32 v0, v6;
	v0 =	vadd.f32 v48, v35;
	v48 =	vmul.f32 v4, v1;
	v1 =	vld [tilespmem:$0x1FED0]  }
0x2a2: {  	v47 =	vadd.f32 v9, v15;
	(v2sf) =	vpush v11, $0xF;
	v11 =	vld.msk [tilespmem:s13+$0x14386 ss:$0x0], $0xffff;
	v9, _, _ =	vpop (xrf2);
	v6 =	vmul.f32 v4, v25  }
0x2a3: {  	(v2sf) =	vpush v9, $0xF;
	v9 =	vmul.f32 v43, v43;
	v2 =	vld [tilespmem:s7+$0x42C0];
	v3 =	vadd.f32 v16, v3  }
0x2a4: {  	v35 =	vadd.f32 v0, v6;
	v0 =	vld [tilespmem:s26+$0x4290]  }
0x2a5: {  	v6 =	vadd.f32 v9, v3;
	v9 =	vld [tilespmem:s14+$0x14790]  }
0x2a6: {  	v3 =	vadd.f32 v10, v49;
	v49 =	vmul.f32 v4, v1;
	v1 =	vld [tilespmem:$0x1FE90];
	_ =	sdelay $0x1  }
0x2a7: {  	v2 =	vadd.f32 v17, v2;
	_ =	sdelay $0x1  }
0x2a8: {  	[tilespmem:$0x1FD30] =	vst v8;
	v8 =	vadd.f32 v2, v49;
	v2 =	vadd.f32 v46, v40  }
0x2a9: {  	v0 =	vadd.f32 v9, v0;
	v9 =	vmul.f32 v11, v23;
	v30, _, _ =	vpop (xrf2);
	v31 =	vmul.f32 v11, v1  }
0x2aa: {  	s21 =	spop (v2sf);
	v15 =	vmul.f32 v47, v47;
	v16 =	vmul.f32 v57, v57;
	(v2sf) =	vpush v30, $0xF  }
0x2ab: {  	v30 =	vadd.f32 v2, v31;
	v31 =	vadd.f32 v0, v9;
	v0 =	vld [tilespmem:$0x1FF90]  }
0x2ac: {  	v21 =	vld [tilespmem:s26+$0x42B0];
	v10 =	vmul.f32 v29, v29;
	v15 =	vadd.f32 v16, v15;
	v16 =	vmul.f32 v35, v35  }
0x2ad: {  	v17 =	vld [tilespmem:s26+$0x42A0]  }
0x2ae: {  	v6 =	vadd.f32 v10, v6;
	v10 =	vadd.f32 v16, v15;
	v15 =	vld [tilespmem:s14+$0x147A0]  }
0x2af: {  	v40 =	vld [tilespmem:s14+$0x147B0]  }
0x2b0: {  	v46 =	vmul.f32 v4, v0;
	v0 =	vld [tilespmem:$0x1FFD0];
	_ =	sdelay $0x2  }
0x2b1: {  	v9 =	vld [tilespmem:s26+$0x42C0]  }
0x2b2: {  	v2 =	vadd.f32 v15, v17;
	v17 =	vld [tilespmem:s14+$0x147C0]  }
0x2b3: {  	[tilespmem:$0x1FC00] =	vst v13;
	v13 =	vadd.f32 v40, v21;
	v21 =	vmul.f32 v11, v0;
	v0 =	vld [tilespmem:$0x1FED0];
	_ =	sdelay $0x2  }
0x2b4: {  	[tilespmem:$0x1FD20] =	vst v18;
	v18 =	vld [tilespmem:s6+$0x147D0]  }
0x2b5: {  	v7 =	vld [tilespmem:s7+$0x42D0]  }
0x2b6: {  	v9 =	vadd.f32 v17, v9;
	v17 =	vmul.f32 v11, v0;
	v0 =	vld [tilespmem:$0x1FEC0]  }
0x2b7: {  	v26 =	vadd.f32 v3, v48;
	_ =	sdelay $0x1  }
0x2b8: {  	v16 =	vmul.f32 v26, v26  }
0x2b9: {  	(xrf2) =	vadd.scan.msk.f32 $0xffff, v6;
	v6 =	vadd.f32 v18, v7;
	v15 =	vmul.f32 v11, v25  }
0x2ba: {  	v10 =	vadd.f32 v16, v10;
	v16 =	vmul.f32 v8, v8;
	v49 =	vmul.f32 v4, v0;
	v0 =	vld [tilespmem:$0x1FF90]  }
0x2bb: {  	v7 =	vmul.f32 v30, v30;
	v22 =	vmul.f32 v31, v31;
	v27 =	vadd.f32 v2, v15  }
0x2bc: {  	v16 =	vadd.f32 v16, v10  }
0x2bd: {  	s3 =	sor.u32 $0x7, s13;
	v12 =	vld [tilespmem:s7+$0x42E0];
	v10 =	vadd.f32 v6, v46;
	v6 =	vadd.f32 v22, v7;
	v7 =	vmul.f32 v27, v27  }
0x2be: {  	s11 =	sor.u32 s4, s3;
	v19 =	vld [tilespmem:s6+$0x147E0]  }
0x2bf: {  	s5 =	smulhi.u32 $0x51EB851F, s11;
	v40 =	vadd.f32 v7, v6;
	v6 =	vadd.f32 v13, v21;
	v21 =	vmul.f32 v11, v0;
	v0 =	vld [tilespmem:$0x1FF30]  }
0x2c0: {  	v48 =	vld [tilespmem:s14+$0x147D0]  }
0x2c1: {  	s5 =	sshrl.u32 s5, $0x6;
	v15 =	vld [tilespmem:s26+$0x42D0]  }
0x2c2: {  	s5 =	smul.u32 $0xC8, s5  }
0x2c3: {  	s28 =	spop (v2sf);
	s2 =	smul.f32 $7.812500000e-03, s21;
	v19 =	vadd.f32 v19, v12;
	v12 =	vld.msk [tilespmem:s13+$0x14387 ss:$0x0], $0xffff  }
0x2c4: {  	s0 =	smul.f32 $7.812500000e-03, s28;
	v4 =	vmul.f32 v4, v0;
	v0 =	vld [tilespmem:$0x1FE90]  }
0x2c5: {  	v20 =	vld [tilespmem:s7+$0x42F0];
	s1 =	sshll.u32 s3, $0x7;
	s31 =	smul.f32 s2, s2;
	v7 =	vadd.f32 v9, v17;
	v9 =	vmul.f32 v10, v10;
	v13 =	vadd.f32 v19, v49  }
0x2c6: {  	[tilespmem:$0x1FC10] =	vst v14;
	s3 =	ssub.s32 s11, s5;
	s28 =	sand.u32 $0x3FFFFF80, s1;
	v18 =	vld [tilespmem:s6+$0x147F0];
	v14 =	vadd.f32 v48, v15  }
0x2c7: {  	s0 =	ssub.f32 s0, s31;
	s31 =	sshll.u32 s3, $0x7;
	v16 =	vadd.f32 v9, v16;
	v19 =	vld [tilespmem:s28+$0x4290];
	v5 =	vmul.f32 v13, v13  }
0x2c8: {  	v9 =	vadd.f32 v14, v21;
	v21 =	vld [tilespmem:s31+$0x14790]  }
0x2c9: {  	v16 =	vadd.f32 v5, v16;
	v5 =	vmul.f32 v12, v0;
	v0 =	vld [tilespmem:$0x1FEA0]  }
0x2ca: {  	v23 =	vld [tilespmem:s14+$0x147E0]  }
0x2cb: {  	v46 =	vld [tilespmem:s31+$0x14780];
	v15 =	vmul.f32 v6, v6  }
0x2cc: {  	v17 =	vld [tilespmem:s28+$0x4280]  }
0x2cd: {  	v22 =	vld [tilespmem:s26+$0x42E0];
	v15 =	vadd.f32 v15, v40  }
0x2ce: {  	v14 =	vmul.f32 v7, v7;
	v19 =	vadd.f32 v21, v19;
	v21 =	vmul.f32 v12, v0;
	v0 =	vld [tilespmem:$0x1FEC0]  }
0x2cf: {  	v18 =	vadd.f32 v18, v20;
	v20, _, _ =	vpop (xrf2)  }
0x2d0: {  	(v2sf) =	vpush v20, $0xF;
	v48 =	vld [tilespmem:s28+$0x42A0];
	v14 =	vadd.f32 v14, v15;
	v20 =	vmul.f32 v9, v9  }
0x2d1: {  	v46 =	vadd.f32 v46, v17;
	v17 =	vld [tilespmem:s28+$0x42B0];
	v15 =	vadd.f32 v18, v4  }
0x2d2: {  	v18 =	vadd.f32 v20, v14;
	v20 =	vadd.f32 v23, v22;
	v22 =	vld [tilespmem:s31+$0x147B0]  }
0x2d3: {  	v40 =	vmul.f32 v11, v0;
	v0 =	vld [tilespmem:$0x1FFD0]  }
0x2d4: {  	v49 =	vld [tilespmem:s31+$0x147A0];
	v4 =	vadd.f32 v57, v47;
	_ =	sdelay $0x1  }
0x2d5: {  	v4 =	vadd.f32 v35, v4;
	v14 =	vadd.f32 v20, v40  }
0x2d6: {  	v46 =	vadd.f32 v46, v5;
	v17 =	vadd.f32 v22, v17  }
0x2d7: {  	v1 =	vld [tilespmem:s28+$0x42D0];
	v22 =	vadd.f32 v26, v4;
	v4 =	vmul.f32 v12, v0;
	v0 =	vmul.f32 v14, v14  }
0x2d8: {  	[tilespmem:$0x1FD40] =	vst v47;
	v23 =	vmul.f32 v12, v25;
	v5 =	vld [tilespmem:s31+$0x147C0];
	v47 =	vadd.f32 v19, v21;
	v19 =	vadd.f32 v49, v48  }
0x2d9: {  	v2 =	vadd.f32 v0, v18;
	v0 =	vld [tilespmem:$0x1FED0]  }
0x2da: {  	v21 =	vld [tilespmem:s26+$0x42F0];
	v40 =	vadd.f32 v19, v23;
	v19 =	vmul.f32 v46, v46;
	v23 =	vmul.f32 v47, v47  }
0x2db: {  	v48 =	vld [tilespmem:s28+$0x42C0]  }
0x2dc: {  	v20 =	vld [tilespmem:s14+$0x147F0];
	v19 =	vadd.f32 v23, v19;
	v23 =	vmul.f32 v15, v15  }
0x2dd: {  	v18 =	vld [tilespmem:s31+$0x147D0]  }
0x2de: {  	v16 =	vadd.f32 v23, v16;
	v23 =	vmul.f32 v12, v0;
	v0 =	vld [tilespmem:$0x1FF90]  }
0x2df: {  	v25 =	vadd.f32 v17, v4;
	v17 =	vadd.f32 v8, v22  }
0x2e0: {  	s0 =	sadd.f32 $9.999999960e-13, s0;
	v22 =	vmul.f32 v40, v40  }
0x2e1: {  	v20 =	vadd.f32 v20, v21;
	v17 =	vadd.f32 v10, v17  }
0x2e2: {  	s15 =	smul.f32 $5.000000000e-01, s0;
	s0 =	sshra.s32 s0, $0x1;
	v21 =	vadd.f32 v5, v48;
	v19 =	vadd.f32 v22, v19  }
0x2e3: {  	s0 =	ssub.s32 $0x5F3759DF, s0;
	v17 =	vadd.f32 v13, v17;
	v1 =	vadd.f32 v18, v1;
	v18 =	vmul.f32 v12, v0;
	v0 =	vld [tilespmem:$0x1FF30]  }
0x2e4: {  	s8 =	smul.f32 s0, s15;
	s17 =	spop (v2sf);
	v48 =	vadd.f32 v21, v23;
	v21 =	vadd.f32 v31, v30  }
0x2e5: {  	s6 =	smul.f32 $7.812500000e-03, s17;
	s17 =	spop (v2sf);
	v22 =	vmul.f32 v25, v25;
	v17 =	vadd.f32 v15, v17;
	v5 =	vadd.f32 v1, v18;
	v1 =	vld [tilespmem:$0x1FEC0]  }
0x2e6: {  	s18 =	smul.f32 $7.812500000e-03, s17;
	v49 =	vld [tilespmem:s31+$0x147E0];
	v23 =	vadd.f32 v47, v46;
	v21 =	vadd.f32 v27, v21  }
0x2e7: {  	s19 =	smul.f32 s6, s6;
	v19 =	vadd.f32 v22, v19;
	v22 =	vld [tilespmem:s28+$0x42E0]  }
0x2e8: {  	s21 =	smul.f32 s0, s8;
	(xrf2) =	vadd.scan.msk.f32 $0xffff, v17;
	v17 =	vadd.f32 v6, v21;
	v21 =	vadd.f32 v40, v23;
	v23 =	vld [tilespmem:s31+$0x147F0];
	v11 =	vmul.f32 v11, v0  }
0x2e9: {  	s1 =	ssub.f32 s18, s19;
	v18 =	vmul.f32 v48, v48;
	v0 =	vld [tilespmem:s28+$0x42F0]  }
0x2ea: {  	s5 =	ssub.f32 $1.500000000e+00, s21;
	(xrf2) =	vadd.scan.msk.f32 $0xffff, v16;
	v16 =	vadd.f32 v20, v11;
	v20 =	vmul.f32 v12, v1;
	v1 =	vld [tilespmem:$0x1FF30]  }
0x2eb: {  	s1 =	sadd.f32 $9.999999960e-13, s1;
	v11 =	vadd.f32 v18, v19;
	v18 =	vmul.f32 v5, v5  }
0x2ec: {  	s0 =	smul.f32 s0, s5;
	v19 =	vadd.f32 v25, v21  }
0x2ed: {  	s8 =	sshra.s32 s1, $0x1;
	s21 =	smul.f32 $5.000000000e-01, s1;
	v18 =	vadd.f32 v18, v11;
	v11 =	vadd.f32 v49, v22  }
0x2ee: {  	s11 =	smul.f32 s0, s15;
	s3 =	ssub.s32 $0x5F3759DF, s8;
	v17 =	vadd.f32 v7, v17;
	v19 =	vadd.f32 v48, v19  }
0x2ef: {  	s17 =	smul.f32 s3, s21;
	v0 =	vadd.f32 v23, v0;
	v11 =	vadd.f32 v11, v20;
	v12 =	vmul.f32 v12, v1  }
0x2f0: {  	s1 =	smul.f32 s11, s0;
	v17 =	vadd.f32 v9, v17;
	v19 =	vadd.f32 v5, v19  }
0x2f1: {  	s18 =	spop (v2sf);
	s5 =	smul.f32 s3, s17;
	v20 =	vmul.f32 v11, v11;
	v12 =	vadd.f32 v0, v12;
	v0 =	vmul.f32 v16, v16  }
0x2f2: {  	s19 =	spop (v2sf);
	s14 =	smul.f32 $7.812500000e-03, s18;
	v17 =	vadd.f32 v14, v17;
	v19 =	vadd.f32 v11, v19  }
0x2f3: {  	s8 =	smul.f32 $7.812500000e-03, s19;
	v0 =	vadd.f32 v0, v2;
	v2 =	vadd.f32 v20, v18  }
0x2f4: {  	s5 =	ssub.f32 $1.500000000e+00, s5;
	s11 =	smul.f32 s14, s14;
	v17 =	vadd.f32 v16, v17;
	v1 =	vld [tilespmem:$0x1FC00]  }
0x2f5: {  	s1 =	ssub.f32 $1.500000000e+00, s1;
	v18 =	vmul.f32 v12, v12  }
0x2f6: {  	s3 =	smul.f32 s3, s5;
	s17 =	ssub.f32 s8, s11;
	(xrf2) =	vadd.scan.msk.f32 $0xffff, v17;
	v17 =	vadd.f32 v12, v19;
	v19, _, _ =	vpop (xrf2)  }
0x2f7: {  	s1 =	smul.f32 s1, s0;
	(v2sf) =	vpush v19, $0xF;
	(xrf2) =	vadd.scan.msk.f32 $0xffff, v0;
	v0 =	vadd.f32 v18, v2;
	v2, _, _ =	vpop (xrf2)  }
0x2f8: {  	s18 =	smul.f32 s3, s21;
	s0 =	sadd.f32 $9.999999960e-13, s17;
	(v2sf) =	vpush v2, $0xF;
	v2 =	vmov s2  }
0x2f9: {  	s8 =	smul.f32 s1, s15;
	v18 =	vsub.f32 v1, v2;
	v1 =	vld [tilespmem:$0x1FC10]  }
0x2fa: {  	s19 =	sshra.s32 s0, $0x1;
	s5 =	smul.f32 $5.000000000e-01, s0  }
0x2fb: {  	s11 =	smul.f32 s18, s3;
	s18 =	ssub.s32 $0x5F3759DF, s19  }
0x2fc: {  	s19 =	spop (v2sf);
	s17 =	smul.f32 s18, s5  }
0x2fd: {  	s15 =	smul.f32 $7.812500000e-03, s19;
	s19 =	spop (v2sf)  }
0x2fe: {  	s19 =	smul.f32 $7.812500000e-03, s19;
	v19 =	vsub.f32 v1, v2;
	v1 =	vld [tilespmem:$0x1FC20]  }
0x2ff: {  	s31 =	smul.f32 s15, s15  }
0x300: {  	s0 =	ssub.f32 $1.500000000e+00, s11;
	s11 =	smul.f32 s18, s17  }
0x301: {  	s31 =	ssub.f32 s19, s31  }
0x302: {  	s17 =	smul.f32 s0, s3;
	s19 =	ssub.f32 $1.500000000e+00, s11  }
0x303: {  	s3 =	smul.f32 s8, s1;
	(xrf2) =	vadd.scan.msk.f32 $0xffff, v17;
	v20 =	vsub.f32 v1, v2;
	v1 =	vld [tilespmem:$0x1FC30]  }
0x304: {  	s8 =	smul.f32 s18, s19;
	(xrf2) =	vadd.scan.msk.f32 $0xffff, v0;
	v0 =	vld [tilespmem:$0x1FBF0]  }
0x305: {  	s11 =	smul.f32 s17, s21;
	s0 =	sadd.f32 $9.999999960e-13, s31  }
0x306: {  	s19 =	smul.f32 s8, s5  }
0x307: {  	s3 =	ssub.f32 $1.500000000e+00, s3;
	s31 =	smul.f32 $5.000000000e-01, s0  }
0x308: {  	s21 =	sshra.s32 s0, $0x1;
	s0 =	smul.f32 s19, s8;
	v21 =	vsub.f32 v1, v2;
	v1 =	vld [tilespmem:$0x1FC40]  }
0x309: {  	s19 =	smul.f32 s3, s1;
	v0 =	vsub.f32 v0, v2;
	_ =	sdelay $0x1  }
0x30a: {  	v0 =	vmul.f32 s19, v0;
	_ =	sdelay $0x1  }
0x30b: {  	v0 =	vmul.f32 v0, v61;
	v22 =	vsub.f32 v1, v2;
	v1 =	vld [tilespmem:$0x1FC50];
	_ =	sdelay $0x1  }
0x30c: {  	v3 =	vadd.f32 v0, v62;
	v0 =	vld [tilespmem:$0x1FF00];
	_ =	sdelay $0x2  }
0x30d: {  	v17 =	vsub.f32 v51, v2;
	v19 =	vmul.f32 s19, v19;
	v2 =	vsub.f32 v1, v2;
	v1 =	vld [tilespmem:$0x1FEE0];
	_ =	sdelay $0x1  }
0x30e: {  	v19 =	vmul.f32 v19, v0;
	v0 =	vld [tilespmem:$0x1FF40]  }
0x30f: {  	v17 =	vmul.f32 s19, v17;
	_ =	sdelay $0x1  }
0x310: {  	v17 =	vmul.f32 v17, v1;
	_ =	sdelay $0x1  }
0x311: {  	v17 =	vadd.f32 v17, v0;
	v0 =	vld [tilespmem:$0x1FF20];
	_ =	sdelay $0x2  }
0x312: {  	v21 =	vmul.f32 s19, v21;
	_ =	sdelay $0x1  }
0x313: {  	v21 =	vmul.f32 v21, v0;
	v0 =	vld [tilespmem:$0x1FFB0];
	_ =	sdelay $0x2  }
0x314: {  	v22 =	vmul.f32 s19, v22;
	_ =	sdelay $0x1  }
0x315: {  	v22 =	vmul.f32 v22, v0;
	v0 =	vld [tilespmem:$0x1FFF0];
	_ =	sdelay $0x1  }
0x316: {  	s3 =	smul.f32 s11, s17;
	_ =	sdelay $0x1  }
0x317: {  	s3 =	ssub.f32 $1.500000000e+00, s3  }
0x318: {  	v23 =	vmov s6;
	v22 =	vadd.f32 v22, v0;
	v0 =	vld [tilespmem:$0x1FEE0]  }
0x319: {  	s18 =	ssub.s32 $0x5F3759DF, s21;
	v41 =	vsub.f32 v41, v23;
	s3 =	smul.f32 s3, s17  }
0x31a: {  	s21 =	smul.f32 s18, s31  }
0x31b: {  	v41 =	vmul.f32 s3, v41  }
0x31c: {  	s21 =	smul.f32 s18, s21;
	v42 =	vsub.f32 v42, v23;
	v28 =	vsub.f32 v28, v23  }
0x31d: {  	s0 =	ssub.f32 $1.500000000e+00, s0;
	v49 =	vsub.f32 v50, v23;
	v50 =	vsub.f32 v53, v23;
	v41 =	vmul.f32 v41, v0;
	v0 =	vld [tilespmem:$0x1FF00]  }
0x31e: {  	v53 =	vsub.f32 v56, v23;
	v56 =	vsub.f32 v59, v23;
	s11 =	ssub.f32 $1.500000000e+00, s21;
	v51, _, _ =	vpop (xrf2)  }
0x31f: {  	v23 =	vsub.f32 v24, v23;
	s1 =	smul.f32 s0, s8;
	(v2sf) =	vpush v51, $0xF;
	v24, _, _ =	vpop (xrf2)  }
0x320: {  	s0 =	smul.f32 s18, s11;
	s18 =	spop (v2sf);
	v59 =	vmul.f32 s3, v49;
	(v2sf) =	vpush v24, $0xF;
	v24, _, _ =	vpop (xrf2)  }
0x321: {  	s21 =	spop (v2sf);
	(v2sf) =	vpush v24, $0xF;
	v24, _, _ =	vpop (xrf2)  }
0x322: {  	(v2sf) =	vpush v24, $0xF;
	v24 =	vmul.f32 s3, v42;
	v42 =	vmul.f32 v59, v0;
	v0 =	vld [tilespmem:$0x1FF40];
	_ =	sdelay $0x1  }
0x323: {  	v28 =	vmul.f32 s3, v28  }
0x324: {  	v18 =	vmul.f32 s19, v18  }
0x325: {  	v28 =	vmul.f32 v28, v36  }
0x326: {  	v18 =	vmul.f32 v18, v36;
	v36 =	vmul.f32 s3, v50;
	v41 =	vadd.f32 v41, v0;
	v0 =	vld [tilespmem:$0x1FF20]  }
0x327: {  	s2 =	smul.f32 $7.812500000e-03, s18;
	v20 =	vmul.f32 s19, v20  }
0x328: {  	s11 =	smul.f32 $7.812500000e-03, s21;
	v49 =	vmul.f32 v36, v39  }
0x329: {  	s18 =	smul.f32 s2, s2;
	v20 =	vmul.f32 v20, v39;
	v39 =	vmul.f32 s3, v53  }
0x32a: {  	s21 =	smul.f32 s0, s31  }
0x32b: {  	s6 =	ssub.f32 s11, s18;
	v50 =	vmul.f32 v39, v0;
	v0 =	vld [tilespmem:$0x1FC60]  }
0x32c: {  	s11 =	smul.f32 s21, s0  }
0x32d: {  	s6 =	sadd.f32 $9.999999960e-13, s6  }
0x32e: {  	s5 =	smul.f32 s1, s5;
	s8 =	ssub.f32 $1.500000000e+00, s11  }
0x32f: {  	v36 =	vmul.f32 s3, v56;
	v56 =	vmov s14;
	s17 =	sshra.s32 s6, $0x1;
	s21 =	smul.f32 $5.000000000e-01, s6  }
0x330: {  	s18 =	smul.f32 s8, s0;
	s0 =	ssub.s32 $0x5F3759DF, s17;
	v2 =	vmul.f32 s19, v2;
	v39 =	vsub.f32 v0, v56;
	v0 =	vld [tilespmem:$0x1FFB0]  }
0x331: {  	s8 =	smul.f32 s0, s21  }
0x332: {  	s5 =	smul.f32 s5, s1;
	v2 =	vmul.f32 v2, v54  }
0x333: {  	s11 =	spop (v2sf);
	s8 =	smul.f32 s0, s8  }
0x334: {  	s6 =	smul.f32 $7.812500000e-03, s11;
	s17 =	spop (v2sf);
	v4 =	vadd.f32 v2, v58;
	v2 =	vld [tilespmem:$0x1FFF0]  }
0x335: {  	s5 =	ssub.f32 $1.500000000e+00, s5;
	s11 =	smul.f32 $7.812500000e-03, s17;
	v53 =	vmul.f32 v36, v0;
	v0 =	vld [tilespmem:$0x1FC70]  }
0x336: {  	v51 =	vld [tilespmem:$0x1FF70];
	s19 =	smul.f32 s6, s6  }
0x337: {  	[tilespmem:s16+$0x4280] =	vst v3;
	v3 =	vld [tilespmem:$0x1FCB0];
	s17 =	smul.f32 s5, s1;
	s5 =	ssub.f32 $1.500000000e+00, s8  }
0x338: {  	v18 =	vadd.f32 v18, v60;
	s31 =	smul.f32 s18, s31;
	s11 =	ssub.f32 s11, s19;
	v36 =	vld [tilespmem:$0x1FEE0]  }
0x339: {  	v20 =	vadd.f32 v20, v55;
	s0 =	smul.f32 s0, s5;
	v53 =	vadd.f32 v53, v2;
	v2 =	vld [tilespmem:$0x1FC90]  }
0x33a: {  	[tilespmem:s16+$0x42A0] =	vst v18;
	v18 =	vld [tilespmem:$0x1FF20];
	s8 =	smul.f32 s31, s18;
	s19 =	sadd.f32 $9.999999960e-13, s11;
	v0 =	vsub.f32 v0, v56  }
0x33b: {  	[tilespmem:s16+$0x42C0] =	vst v20;
	v20 =	vld [tilespmem:$0x1FFB0];
	s11 =	smul.f32 s0, s21  }
0x33c: {  	v23 =	vmul.f32 s3, v23;
	v1 =	vld [tilespmem:$0x1FC80];
	s31 =	sshra.s32 s19, $0x1;
	s5 =	smul.f32 $5.000000000e-01, s19;
	v0 =	vmul.f32 s17, v0  }
0x33d: {  	v3 =	vsub.f32 v3, v56;
	s3 =	smul.f32 s11, s0;
	s19 =	ssub.s32 $0x5F3759DF, s31;
	[tilespmem:s16+$0x4290] =	vst v17;
	v17 =	vld [tilespmem:$0x1FF00]  }
0x33e: {  	v23 =	vmul.f32 v23, v54;
	s1 =	smul.f32 s19, s5;
	v2 =	vsub.f32 v2, v56;
	v0 =	vmul.f32 v0, v36;
	v36 =	vld [tilespmem:$0x1FCA0]  }
0x33f: {  	v34 =	vsub.f32 v34, v56;
	v24 =	vmul.f32 v24, v61;
	v3 =	vmul.f32 s17, v3;
	s3 =	ssub.f32 $1.500000000e+00, s3;
	[tilespmem:s16+$0x42E0] =	vst v22;
	v22 =	vld [tilespmem:$0x1FFF0]  }
0x340: {  	v28 =	vadd.f32 v28, v60;
	s8 =	ssub.f32 $1.500000000e+00, s8;
	s31 =	smul.f32 s19, s1;
	v59 =	vmul.f32 s17, v39;
	v39 =	vld [tilespmem:$0x1FEF0];
	v2 =	vmul.f32 s17, v2  }
0x341: {  	v34 =	vmul.f32 s17, v34;
	v1 =	vsub.f32 v1, v56;
	s0 =	smul.f32 s3, s0;
	v21 =	vadd.f32 v21, v51  }
0x342: {  	v23 =	vadd.f32 v23, v58;
	v3 =	vmul.f32 v3, v20;
	s1 =	smul.f32 s8, s18;
	s14 =	ssub.f32 $1.500000000e+00, s31;
	v2 =	vmul.f32 v2, v17;
	v17 =	vld [tilespmem:$0x1FF10]  }
0x343: {  	v49 =	vadd.f32 v49, v55;
	v1 =	vmul.f32 s17, v1;
	s8 =	smul.f32 s0, s21;
	[tilespmem:s16+$0x42D0] =	vst v21;
	v21 =	vld [tilespmem:$0x1FCD0];
	v36 =	vsub.f32 v36, v56  }
0x344: {  	v24 =	vadd.f32 v24, v62;
	v18 =	vmul.f32 v34, v18;
	s18 =	spop (v2sf);
	s3 =	smul.f32 s19, s14;
	v3 =	vadd.f32 v3, v22;
	v22 =	vld [tilespmem:$0x1FCF0]  }
0x345: {  	v19 =	vadd.f32 v19, v63;
	s14 =	smul.f32 $7.812500000e-03, s18;
	v1 =	vmul.f32 v1, v39;
	v39 =	vld [tilespmem:$0x1FF40];
	v36 =	vmul.f32 s17, v36  }
0x346: {  	[tilespmem:s10+$0x4280] =	vst v24;
	v24 =	vld [tilespmem:$0x1FD00];
	v18 =	vadd.f32 v18, v51;
	s19 =	spop (v2sf);
	s8 =	smul.f32 s8, s0;
	v59 =	vmul.f32 v59, v61;
	v56 =	vsub.f32 v52, v56  }
0x347: {  	[tilespmem:s16+$0x42B0] =	vst v19;
	s21 =	smul.f32 $7.812500000e-03, s19;
	v42 =	vadd.f32 v42, v63;
	v50 =	vadd.f32 v50, v51;
	v17 =	vmul.f32 v36, v17;
	v36 =	vld [tilespmem:$0x1FCC0]  }
0x348: {  	[tilespmem:s10+$0x4290] =	vst v41;
	v41 =	vld [tilespmem:$0x1FF00];
	v59 =	vadd.f32 v59, v62;
	v52 =	vmov s15;
	s15 =	smul.f32 s3, s5;
	v19 =	vmul.f32 s17, v56  }
0x349: {  	s31 =	smul.f32 s14, s14;
	v1 =	vadd.f32 v1, v60;
	v22 =	vsub.f32 v22, v52;
	v56 =	vld [tilespmem:$0x1FEE0]  }
0x34a: {  	[tilespmem:s10+$0x42A0] =	vst v28;
	s8 =	ssub.f32 $1.500000000e+00, s8;
	v0 =	vadd.f32 v0, v39;
	v39 =	vld [tilespmem:$0x1FCE0];
	v21 =	vsub.f32 v21, v52;
	s15 =	smul.f32 s15, s3;
	v19 =	vmul.f32 v19, v54  }
0x34b: {  	[tilespmem:s16+$0x42F0] =	vst v4;
	s11 =	ssub.f32 s21, s31;
	v2 =	vadd.f32 v2, v63;
	v24 =	vsub.f32 v24, v52;
	v22 =	vmul.f32 s1, v22  }
0x34c: {  	[tilespmem:s10+$0x42B0] =	vst v42;
	v42 =	vld [tilespmem:$0x1FD10];
	s15 =	ssub.f32 $1.500000000e+00, s15;
	v4 =	vadd.f32 v19, v58;
	v19 =	vmul.f32 s1, v21;
	v34 =	vsub.f32 v36, v52  }
0x34d: {  	[tilespmem:s10+$0x42F0] =	vst v23;
	s16 =	smul.f32 s8, s0;
	s8 =	sadd.f32 $9.999999960e-13, s11;
	v22 =	vmul.f32 v22, v41;
	v41 =	vsub.f32 v32, v52;
	v17 =	vadd.f32 v17, v55  }
0x34e: {  	[tilespmem:s10+$0x42C0] =	vst v49;
	s3 =	smul.f32 s15, s3;
	v19 =	vmul.f32 v19, v56;
	v56 =	vsub.f32 v33, v52;
	v36 =	vld [tilespmem:$0x1FEF0];
	v20 =	vmul.f32 s1, v34  }
0x34f: {  	s11 =	sshra.s32 s8, $0x1;
	[tilespmem:s10+$0x42D0] =	vst v50;
	s15 =	smul.f32 $5.000000000e-01, s8;
	v34 =	vsub.f32 v39, v52;
	v39 =	vsub.f32 v37, v52;
	v37 =	vmov s2;
	v52 =	vld [tilespmem:$0x1FF10]  }
0x350: {  	s18 =	ssub.s32 $0x5F3759DF, s11;
	[tilespmem:s25+$0x42A0] =	vst v1;
	v1 =	vadd.f32 v22, v63;
	s17 =	smul.f32 s3, s5;
	v50 =	vsub.f32 v44, v37;
	v44 =	vld [tilespmem:$0x1FF40]  }
0x351: {  	s19 =	spop (v2sf);
	[tilespmem:s25+$0x4280] =	vst v59;
	v59 =	vld [tilespmem:$0x1FF20];
	v24 =	vmul.f32 s1, v24;
	s8 =	smul.f32 s18, s15;
	v32 =	vsub.f32 v42, v37;
	v49 =	vsub.f32 v45, v37  }
0x352: {  	[tilespmem:s10+$0x42E0] =	vst v53;
	v53 =	vld [tilespmem:$0x1FD20];
	v28 =	vmul.f32 s1, v56;
	s2 =	smul.f32 $7.812500000e-03, s19;
	v38 =	vsub.f32 v38, v37;
	v23 =	vsub.f32 v43, v37  }
0x353: {  	v56 =	vld [tilespmem:$0x1FD30];
	s0 =	smul.f32 s17, s3;
	v29 =	vsub.f32 v29, v37;
	v20 =	vmul.f32 v20, v61;
	v21 =	vmul.f32 s1, v34  }
0x354: {  	s21 =	spop (v2sf);
	v45 =	vld [tilespmem:$0x1FFB0];
	v34 =	vmul.f32 s1, v39;
	s31 =	smul.f32 s2, s2;
	v33 =	vmov s2;
	v24 =	vmul.f32 v24, v52  }
0x355: {  	[tilespmem:s25+$0x42E0] =	vst v3;
	v39 =	vld [tilespmem:$0x1FF10];
	v21 =	vmul.f32 v21, v36;
	v36 =	vmul.f32 s1, v41;
	s1 =	smul.f32 $7.812500000e-03, s21;
	v19 =	vadd.f32 v19, v44  }
0x356: {  	[tilespmem:s25+$0x42B0] =	vst v2;
	s10 =	smul.f32 s18, s8;
	s0 =	ssub.f32 $1.500000000e+00, s0;
	v32 =	vmul.f32 s16, v32;
	v43 =	vmul.f32 s16, v49;
	v2 =	vadd.f32 v24, v55;
	v24 =	vld [tilespmem:$0x1FEE0]  }
0x357: {  	v49 =	vmul.f32 s16, v38;
	v3 =	vmul.f32 s16, v23;
	v41 =	vsub.f32 v53, v37;
	s1 =	ssub.f32 s1, s31;
	[tilespmem:s23+$0x4290] =	vst v19;
	v19 =	vld [tilespmem:$0x1FFF0]  }
0x358: {  	[tilespmem:s25+$0x42D0] =	vst v18;
	v42 =	vsub.f32 v56, v37;
	v37 =	vmov s6;
	v34 =	vmul.f32 v34, v59;
	s6 =	ssub.f32 $1.500000000e+00, s10;
	v53 =	vld [tilespmem:$0x1FD40]  }
0x359: {  	[tilespmem:s25+$0x4290] =	vst v0;
	s0 =	smul.f32 s0, s3;
	v23 =	vsub.f32 v35, v37;
	v35 =	vld [tilespmem:$0x1FF00];
	v0 =	vadd.f32 v21, v60;
	v22 =	vmul.f32 v36, v54;
	s1 =	sadd.f32 $9.999999960e-13, s1  }
0x35a: {  	[tilespmem:s25+$0x42C0] =	vst v17;
	v50 =	vmul.f32 s16, v50;
	v20 =	vadd.f32 v20, v62;
	v21 =	vmul.f32 v28, v45;
	s11 =	smul.f32 s18, s6  }
0x35b: {  	v17 =	vadd.f32 v34, v51;
	v52 =	vmul.f32 s16, v41;
	v34 =	vld [tilespmem:$0x1FF20];
	[tilespmem:s23+$0x42A0] =	vst v0;
	v0 =	vadd.f32 v22, v58;
	s17 =	sshra.s32 s1, $0x1;
	s1 =	smul.f32 $5.000000000e-01, s1  }
0x35c: {  	v32 =	vmul.f32 v32, v61;
	s6 =	smul.f32 s11, s15;
	[tilespmem:s23+$0x42C0] =	vst v2;
	s5 =	ssub.s32 $0x5F3759DF, s17;
	v24 =	vmul.f32 v43, v24;
	v19 =	vadd.f32 v21, v19  }
0x35d: {  	v56 =	vsub.f32 v57, v37;
	v36 =	vsub.f32 v53, v37;
	[tilespmem:s23+$0x42F0] =	vst v0;
	v0 =	vmul.f32 v52, v39;
	s18 =	smul.f32 s5, s1  }
0x35e: {  	v18 =	vmul.f32 s16, v42;
	s6 =	smul.f32 s6, s11;
	v21 =	vld [tilespmem:$0x1FEF0];
	v2 =	vadd.f32 v24, v44;
	[tilespmem:s23+$0x42E0] =	vst v19;
	v19 =	vmul.f32 v50, v35  }
0x35f: {  	[tilespmem:s23+$0x4280] =	vst v20;
	v20 =	vmov s14;
	v59 =	vmul.f32 s0, v36;
	v0 =	vadd.f32 v0, v55;
	s8 =	smul.f32 s5, s18  }
0x360: {  	v36 =	vld [tilespmem:$0x1FEF0];
	v18 =	vmul.f32 v18, v34;
	s6 =	ssub.f32 $1.500000000e+00, s6;
	[tilespmem:s30+$0x4290] =	vst v2;
	v2 =	vsub.f32 v16, v20;
	v16 =	vadd.f32 v19, v63  }
0x361: {  	v26 =	vsub.f32 v26, v37;
	v57 =	vmul.f32 s16, v29;
	v8 =	vsub.f32 v8, v37;
	[tilespmem:s30+$0x42C0] =	vst v0;
	v0 =	vld [tilespmem:$0x1FFF0];
	s8 =	ssub.f32 $1.500000000e+00, s8  }
0x362: {  	v10 =	vsub.f32 v10, v37;
	v3 =	vmul.f32 v3, v45;
	s19 =	smul.f32 s6, s11;
	[tilespmem:s30+$0x42B0] =	vst v16;
	v16 =	vadd.f32 v18, v51;
	v18 =	vld [tilespmem:$0x1FEE0]  }
0x363: {  	[tilespmem:s23+$0x42B0] =	vst v1;
	v13 =	vsub.f32 v13, v37;
	v23 =	vmul.f32 s0, v23;
	v21 =	vmul.f32 v49, v21;
	s21 =	smul.f32 s5, s8  }
0x364: {  	v15 =	vsub.f32 v15, v37;
	v26 =	vmul.f32 s0, v26;
	v8 =	vmul.f32 s0, v8;
	[tilespmem:s23+$0x42D0] =	vst v17;
	s23 =	smul.f32 s19, s15  }
0x365: {  	[tilespmem:s25+$0x42F0] =	vst v4;
	v4 =	vmul.f32 v57, v54;
	v22 =	vmul.f32 s0, v56;
	v17 =	vadd.f32 v21, v60;
	s25 =	smul.f32 s21, s1  }
0x366: {  	v38 =	vmul.f32 v8, v39;
	v37 =	vmul.f32 v23, v36;
	s5 =	smul.f32 s23, s19;
	v0 =	vadd.f32 v3, v0  }
0x367: {  	v1 =	vadd.f32 v32, v62;
	v8 =	vld [tilespmem:$0x1FF20];
	[tilespmem:s30+$0x42A0] =	vst v17;
	s2 =	smul.f32 s25, s21;
	v17 =	vmul.f32 v59, v61;
	v18 =	vmul.f32 v22, v18  }
0x368: {  	v15 =	vmul.f32 s0, v15;
	v3 =	vadd.f32 v4, v58;
	s5 =	ssub.f32 $1.500000000e+00, s5;
	[tilespmem:s30+$0x42E0] =	vst v0;
	v0 =	vadd.f32 v37, v60  }
0x369: {  	[tilespmem:s30+$0x42D0] =	vst v16;
	s2 =	ssub.f32 $1.500000000e+00, s2;
	v16 =	vadd.f32 v17, v62;
	v17 =	vadd.f32 v18, v44;
	v18 =	vmul.f32 v26, v35  }
0x36a: {  	v10 =	vmul.f32 s0, v10;
	v13 =	vmul.f32 s0, v13;
	v27 =	vsub.f32 v27, v20;
	s0 =	smul.f32 s5, s19;
	[tilespmem:s7+$0x42A0] =	vst v0;
	v0 =	vld [tilespmem:$0x1FFF0]  }
0x36b: {  	v6 =	vsub.f32 v6, v20;
	v41 =	vmul.f32 v15, v54;
	[tilespmem:s30+$0x42F0] =	vst v3;
	s2 =	smul.f32 s2, s21;
	v3 =	vadd.f32 v18, v63  }
0x36c: {  	v7 =	vsub.f32 v7, v20;
	v8 =	vmul.f32 v10, v8;
	[tilespmem:s7+$0x4290] =	vst v17;
	v17 =	vmul.f32 s0, v27  }
0x36d: {  	v10 =	vmul.f32 v13, v45;
	v6 =	vmul.f32 s0, v6;
	s1 =	smul.f32 s2, s1;
	[tilespmem:s7+$0x42B0] =	vst v3;
	v3 =	vadd.f32 v41, v58  }
0x36e: {  	[tilespmem:s30+$0x4280] =	vst v1;
	v1 =	vsub.f32 v9, v20;
	v8 =	vadd.f32 v8, v51;
	v42 =	vmul.f32 v17, v36  }
0x36f: {  	v21 =	vsub.f32 v30, v20;
	v6 =	vmul.f32 v6, v35;
	v0 =	vadd.f32 v10, v0;
	s1 =	smul.f32 s1, s2;
	[tilespmem:s7+$0x42F0] =	vst v3;
	v3 =	vld [tilespmem:$0x1FF20]  }
0x370: {  	v9 =	vsub.f32 v14, v20;
	[tilespmem:s7+$0x42D0] =	vst v8;
	v8 =	vadd.f32 v42, v60  }
0x371: {  	v15 =	vmul.f32 s0, v21;
	v7 =	vmul.f32 s0, v7;
	v6 =	vadd.f32 v6, v63;
	[tilespmem:s7+$0x42E0] =	vst v0;
	s1 =	ssub.f32 $1.500000000e+00, s1  }
0x372: {  	v1 =	vmul.f32 s0, v1;
	v2 =	vmul.f32 s0, v2;
	[tilespmem:s26+$0x42A0] =	vst v8;
	v8 =	vld [tilespmem:$0x1FFF0]  }
0x373: {  	v0 =	vmul.f32 v7, v39;
	v7 =	vmul.f32 s0, v9;
	v9 =	vsub.f32 v46, v33;
	[tilespmem:s26+$0x42B0] =	vst v6;
	v6 =	vld [tilespmem:$0x1FEE0];
	s1 =	smul.f32 s1, s2  }
0x374: {  	v2 =	vmul.f32 v2, v54;
	v1 =	vmul.f32 v1, v3;
	v3 =	vsub.f32 v47, v33  }
0x375: {  	v4 =	vadd.f32 v38, v55;
	v49 =	vmul.f32 v7, v45;
	v7 =	vmul.f32 s1, v9  }
0x376: {  	v10 =	vmul.f32 v15, v61;
	v0 =	vadd.f32 v0, v55;
	v3 =	vmul.f32 s1, v3  }
0x377: {  	[tilespmem:s7+$0x42C0] =	vst v4;
	v7 =	vmul.f32 v7, v61;
	v4 =	vadd.f32 v49, v8;
	v8 =	vsub.f32 v40, v33  }
0x378: {  	v1 =	vadd.f32 v1, v51;
	v3 =	vmul.f32 v3, v6;
	v6 =	vsub.f32 v25, v33  }
0x379: {  	[tilespmem:s26+$0x42C0] =	vst v0;
	v0 =	vadd.f32 v7, v62;
	v7 =	vmul.f32 s1, v8;
	v8 =	vsub.f32 v48, v33  }
0x37a: {  	v2 =	vadd.f32 v2, v58;
	[tilespmem:s26+$0x42D0] =	vst v1;
	v1 =	vadd.f32 v3, v44;
	v3 =	vmul.f32 s1, v6  }
0x37b: {  	[tilespmem:s7+$0x4280] =	vst v16;
	v15 =	vld [tilespmem:$0x1FEE0];
	v50 =	vmul.f32 v7, v36;
	v6 =	vmul.f32 s1, v8  }
0x37c: {  	v24 =	vsub.f32 v31, v20;
	[tilespmem:s26+$0x42F0] =	vst v2;
	v2 =	vmul.f32 v3, v35  }
0x37d: {  	[tilespmem:s28+$0x4280] =	vst v0;
	v0 =	vadd.f32 v50, v60;
	v53 =	vmul.f32 v6, v39  }
0x37e: {  	v16 =	vmul.f32 s0, v24;
	[tilespmem:s28+$0x4290] =	vst v1;
	v1 =	vadd.f32 v2, v63;
	v2 =	vld [tilespmem:$0x1FF20]  }
0x37f: {  	v5 =	vsub.f32 v5, v33;
	[tilespmem:s28+$0x42A0] =	vst v0;
	v0 =	vadd.f32 v53, v55  }
0x380: {  	v15 =	vmul.f32 v16, v15;
	v7 =	vsub.f32 v11, v33  }
0x381: {  	v52 =	vsub.f32 v12, v33;
	v43 =	vadd.f32 v10, v62;
	v3 =	vmul.f32 s1, v5;
	[tilespmem:s28+$0x42C0] =	vst v0;
	v0 =	vld [tilespmem:$0x1FFF0]  }
0x382: {  	v23 =	vld [tilespmem:$0x1FEA0];
	v10 =	vadd.f32 v15, v44;
	v6 =	vmul.f32 s1, v7  }
0x383: {  	v19 =	vld [tilespmem:$0x1FF90];
	[tilespmem:s26+$0x4280] =	vst v43;
	v2 =	vmul.f32 v3, v2;
	v3 =	vmul.f32 s1, v52  }
0x384: {  	p1 =	slt.u32 s13, $0x78;
	v20 =	vld [tilespmem:$0x1FEC0];
	[tilespmem:s26+$0x4290] =	vst v10;
	v59 =	vmul.f32 v6, v45  }
.Ltmp2:
0x385: {  	v21 =	vld [tilespmem:$0x1FF30];
	[tilespmem:s28+$0x42B0] =	vst v1;
	v1 =	vadd.f32 v2, v51;
	v2 =	vmul.f32 v3, v54;
	(pc) =	sbr.rel @p1 .LBB2_7-.Ltmp2, $4  }
0x386: {  	v26 =	vld [tilespmem:$0x1FE90];
	[tilespmem:s26+$0x42E0] =	vst v4;
	v0 =	vadd.f32 v59, v0  }
0x387: {  	v18 =	vld [tilespmem:$0x1FED0];
	[tilespmem:s28+$0x42D0] =	vst v1;
	v1 =	vadd.f32 v2, v58  }
0x388: {  	s31 =	sadd.s32 $0x8, s13;
	v17 =	vld [tilespmem:$0x1FFD0];
	[tilespmem:s28+$0x42E0] =	vst v0  }
0x389: {  	s13 =	smov.u32 s31;
	v57 =	vmov v55;
	v25 =	vld [tilespmem:$0x1FEB0];
	v8 =	vmov v63;
	v2 =	vmov v58;
	[tilespmem:s28+$0x42F0] =	vst v1  }
0x38a: {  	s1 =	rddreg [dreg:$0x7]  }
0x38b: {  	s0 =	sshll.u32 s4, $0x4;
	s19 =	rddreg [dreg:$0x12]  }
0x38c: {  	s18 =	simm.s32 $0x4280;
	s0 =	sadd.s32 s1, s0;
	s4 =	sadd.s32 s22, s19  }
0x38d: {  	[hbm4b:s0+s9] =	stream.linear.scatter [tilespmem:s18], [sflag:$0x7], $0x4000, $0x38;
	[tilespmem:$0x1AD80] =	vst v63  }
0x38e: {  	s21 =	rddreg [dreg:$0xa];
	s0 =	sshrl.u32 s4, $0x3  }
0x38f: {  	s2 =	simm.s32 $0x200;
	s1 =	sadd.s32 s21, s0  }
0x390: {  	[tilespmem:s2], [sflag:$0xF] =	stream.linear.gather [hbm4b:s1+s9], $0x80, $0x38;
	[tilespmem:$0x1AD80] =	vst v63  }
0x391: {  	s23 =	simm.s32 $0x14680;
	s25 =	simm.s32 $0xE;
	s0 =	sadd.s32 s12, s0  }
0x392: {  	[tilespmem:s23], [sflag:$0x14] =	stream.linear.gather [hbm4b:s0+s9], $0x80, $0x38;
	[tilespmem:$0x1AD80] =	vst v63  }
0x393: {  	_ =	swait.ge [sflag:s25], $0x80  }
0x394: {  	[sflag:s25] =	ssyncset.done $0x0  }
0x395: {  	s0 =	simm.s32 @!p0 $0x9;
	[sflag:s25] =	ssyncadd.s32 $0xFFFFFF80  }
0x396: {  	_ =	swait.ge @!p0 [sflag:s0], $0x4000  }
0x397: {  	[sflag:s0] =	ssyncset.done @!p0 $0x0  }
0x398: {  	s26 =	simm.s32 $0x80;
	s28 =	simm.s32 $0x180;
	[sflag:s0] =	ssyncadd.s32 @!p0 $0xFFFFC000  }
0x399: {  	s3 =	simm.s32 $0xC280;
	s30 =	simm.s32 $0x12;
	s0 =	rddreg [dreg:$0x1]  }
0x39a: {  	[tilespmem:s3], [sflag:$0x4] =	stream.indirect.gather [hbm4b:s0+s26], $0x80, s28, s26, $0xb8;
	[tilespmem:$0x1AD80] =	vst v63  }
0x39b: {  	_ =	swait.ge [sflag:s30], $0x80  }
0x39c: {  	[sflag:s30] =	ssyncset.done $0x0  }
0x39d: {  	s31 =	simm.s32 $0x3;
	[sflag:s30] =	ssyncadd.s32 $0xFFFFFF80  }
0x39e: {  	_ =	swait.ge [sflag:s31], $0x4000  }
0x39f: {  	v0 =	vld [tilespmem:$0x1FF70];
	_ =	sdelay $0x3  }
0x3a0: {  	[sflag:s31] =	ssyncset.done $0x0  }
0x3a1: {  	s13 =	simm.s32 $0x0;
	v51 =	vmov v62;
	v57 =	vmov v61;
	[sflag:s31] =	ssyncadd.s32 $0xFFFFC000;
	v61 =	vmov v0  }
.LBB2_9:
0x3a2: {  	s2 =	sshll.u32 s13, $0x7  }
0x3a3: {  	v1 =	vld.msk [tilespmem:s13+$0x14480 ss:$0x0], $0xffff;
	s16 =	sand.u32 $0x3FFFFF80, s2  }
0x3a4: {  	s0 =	sor.u32 s29, s13;
	v0 =	vld [tilespmem:s16+$0x8280]  }
0x3a5: {  	s1 =	smulhi.u32 $0x51EB851F, s0;
	v3 =	vld [tilespmem:s16+$0x8290]  }
0x3a6: {  	v5 =	vld [tilespmem:s16+$0x82A0]  }
0x3a7: {  	v40 =	vld [tilespmem:s16+$0x82B0];
	s1 =	sshrl.u32 s1, $0x6  }
0x3a8: {  	v9 =	vld [tilespmem:s16+$0x82C0];
	s1 =	smul.u32 $0xC8, s1  }
0x3a9: {  	v45 =	vld [tilespmem:s16+$0x82D0]  }
0x3aa: {  	v49 =	vld [tilespmem:s16+$0x82E0];
	s0 =	ssub.s32 s0, s1  }
0x3ab: {  	v56 =	vld [tilespmem:s16+$0x82F0];
	s0 =	sshll.u32 s0, $0x7  }
0x3ac: {  	s30 =	sor.u32 $0x1, s13;
	v2 =	vld [tilespmem:s0+$0x14780]  }
0x3ad: {  	s31 =	sor.u32 s29, s30;
	v4 =	vld [tilespmem:s0+$0x14790]  }
0x3ae: {  	s3 =	smulhi.u32 $0x51EB851F, s31;
	v6 =	vld [tilespmem:s0+$0x147A0]  }
0x3af: {  	v8 =	vld [tilespmem:s0+$0x147B0]  }
0x3b0: {  	s3 =	sshrl.u32 s3, $0x6;
	v42 =	vld [tilespmem:s0+$0x147C0]  }
0x3b1: {  	s3 =	smul.u32 $0xC8, s3;
	v10 =	vld [tilespmem:s0+$0x147D0]  }
0x3b2: {  	s1 =	sshll.u32 s30, $0x7;
	v52 =	vld [tilespmem:s0+$0x147E0]  }
0x3b3: {  	s5 =	ssub.s32 s31, s3;
	s10 =	sand.u32 $0x3FFFFF80, s1;
	v29 =	vld [tilespmem:s0+$0x147F0]  }
0x3b4: {  	v36 =	vld [tilespmem:s10+$0x8280];
	s6 =	sshll.u32 s5, $0x7  }
0x3b5: {  	v37 =	vld [tilespmem:s6+$0x14780]  }
0x3b6: {  	s7 =	sor.u32 $0x2, s13;
	v62 =	vadd.f32 v42, v9;
	v42 =	vld [tilespmem:s10+$0x8290]  }
0x3b7: {  	s14 =	sshll.u32 s7, $0x7;
	v3 =	vadd.f32 v4, v3;
	v4 =	vadd.f32 v52, v49;
	v49 =	vld [tilespmem:s6+$0x147B0]  }
0x3b8: {  	s25 =	sand.u32 $0x3FFFFF80, s14;
	v7 =	vmul.f32 v1, v26;
	v0 =	vadd.f32 v2, v0;
	v52 =	vld [tilespmem:s10+$0x82C0]  }
0x3b9: {  	s8 =	sor.u32 s29, s7;
	v44 =	vmul.f32 v1, v25;
	v43 =	vadd.f32 v6, v5;
	v33 =	vadd.f32 v10, v45;
	v10 =	vld [tilespmem:s25+$0x82F0]  }
0x3ba: {  	s11 =	smulhi.u32 $0x51EB851F, s8;
	v28 =	vmul.f32 v1, v18;
	v12 =	vadd.f32 v0, v7;
	v0 =	vld.msk [tilespmem:s13+$0x14481 ss:$0x0], $0xffff  }
0x3bb: {  	v41 =	vmul.f32 v1, v23;
	v34 =	vmul.f32 v1, v19;
	v13 =	vadd.f32 v43, v44;
	v44 =	vld [tilespmem:s6+$0x14790]  }
0x3bc: {  	v48 =	vmul.f32 v1, v17;
	s3 =	sshrl.u32 s11, $0x6;
	v2 =	vadd.f32 v8, v40;
	v32 =	vadd.f32 v62, v28;
	v62 =	vld [tilespmem:s10+$0x82A0]  }
0x3bd: {  	s3 =	smul.u32 $0xC8, s3;
	v11 =	vadd.f32 v3, v41;
	v41 =	vadd.f32 v33, v34;
	v33 =	vld [tilespmem:s6+$0x147A0]  }
0x3be: {  	v14 =	vadd.f32 v2, v48;
	v2 =	vadd.f32 v29, v56;
	v56 =	vld [tilespmem:s6+$0x147C0]  }
0x3bf: {  	s15 =	ssub.s32 s8, s3;
	v34 =	vadd.f32 v37, v36;
	v36 =	vld [tilespmem:s6+$0x147D0]  }
0x3c0: {  	s17 =	sshll.u32 s15, $0x7;
	v7 =	vld [tilespmem:s6+$0x147F0];
	v46 =	vmul.f32 v12, v12;
	v47 =	vmul.f32 v11, v11;
	v50 =	vadd.f32 v11, v12  }
0x3c1: {  	v43 =	vmul.f32 v1, v20;
	v1 =	vmul.f32 v1, v21;
	v28 =	vld [tilespmem:s17+$0x14780]  }
0x3c2: {  	v6 =	vadd.f32 v47, v46;
	v8 =	vadd.f32 v13, v50;
	v46 =	vld [tilespmem:s10+$0x82B0]  }
0x3c3: {  	v29 =	vld [tilespmem:s25+$0x8290];
	v53 =	vmul.f32 v13, v13;
	v30 =	vmovc v14;
	v48 =	vadd.f32 v2, v1;
	v37 =	vmul.f32 v0, v26  }
0x3c4: {  	[tilespmem:$0x1FA90] =	vst v11;
	v31 =	vmul.f32 v14, v14;
	v11 =	vld [tilespmem:s10+$0x82E0];
	v3 =	vadd.f32 v44, v42;
	v8 =	vadd.f32 v30, v8  }
0x3c5: {  	v38 =	vmovc v32;
	v40 =	vmul.f32 v32, v32;
	v6 =	vadd.f32 v53, v6;
	v42 =	vadd.f32 v34, v37;
	v34 =	vld [tilespmem:s17+$0x14790]  }
0x3c6: {  	v37 =	vmul.f32 v0, v19;
	v19 =	vld [tilespmem:s25+$0x82E0];
	v8 =	vadd.f32 v38, v8;
	v38 =	vmul.f32 v0, v23  }
0x3c7: {  	v6 =	vadd.f32 v31, v6;
	v2 =	vadd.f32 v49, v46;
	v46 =	vmul.f32 v0, v17;
	v17 =	vld [tilespmem:s25+$0x82A0]  }
0x3c8: {  	v31 =	vadd.f32 v3, v38;
	v38 =	vld [tilespmem:s17+$0x147A0]  }
0x3c9: {  	v59 =	vmul.f32 v41, v41;
	v6 =	vadd.f32 v40, v6;
	v40 =	vld [tilespmem:s25+$0x82B0]  }
0x3ca: {  	v15 =	vadd.f32 v4, v43;
	v45 =	vadd.f32 v41, v8;
	v3 =	vld.msk [tilespmem:s13+$0x14483 ss:$0x0], $0xffff  }
0x3cb: {  	[tilespmem:$0x1FAD0] =	vst v41;
	v43 =	vmul.f32 v0, v25;
	v41 =	vadd.f32 v33, v62;
	v6 =	vadd.f32 v59, v6;
	v59 =	vld [tilespmem:s10+$0x82D0]  }
0x3cc: {  	[tilespmem:$0x1FAE0] =	vst v15;
	v47 =	vmul.f32 v15, v15;
	v50 =	vadd.f32 v15, v45;
	v15 =	vld [tilespmem:s6+$0x147E0]  }
0x3cd: {  	v45 =	vadd.f32 v31, v42;
	v30 =	vadd.f32 v41, v43;
	v41 =	vld [tilespmem:s17+$0x147B0]  }
0x3ce: {  	s18 =	sor.u32 $0x3, s13;
	[tilespmem:$0x1FAA0] =	vst v13;
	v44 =	vmul.f32 v42, v42;
	v16 =	vmul.f32 v31, v31;
	v6 =	vadd.f32 v47, v6;
	v47 =	vld [tilespmem:s25+$0x8280]  }
0x3cf: {  	s19 =	sor.u32 s29, s18;
	[tilespmem:$0x1FAC0] =	vst v32;
	v32 =	vadd.f32 v56, v52;
	v13 =	vadd.f32 v30, v45;
	v45 =	vld [tilespmem:s25+$0x82D0]  }
0x3d0: {  	s21 =	smulhi.u32 $0x51EB851F, s19;
	[tilespmem:$0x1FAF0] =	vst v48;
	v53 =	vmul.f32 v48, v48;
	v1 =	vadd.f32 v48, v50;
	v62 =	vadd.f32 v16, v44;
	v48 =	vld [tilespmem:s17+$0x147D0]  }
0x3d1: {  	s23 =	sshll.u32 s18, $0x7;
	v16 =	vmul.f32 v30, v30;
	v50 =	vadd.f32 v2, v46;
	v2 =	vadd.f32 v34, v29;
	v29 =	vld [tilespmem:$0x1FFD0]  }
0x3d2: {  	s23 =	sand.u32 $0x3FFFFF80, s23;
	s3 =	sshrl.u32 s21, $0x6;
	v33 =	vmul.f32 v0, v18;
	v49 =	vadd.f32 v38, v17;
	v6 =	vadd.f32 v53, v6;
	(xrf2) =	vadd.scan.msk.f32 $0xffff, v1;
	v1 =	vld.msk [tilespmem:s13+$0x14482 ss:$0x0], $0xffff  }
0x3d3: {  	s3 =	smul.u32 $0xC8, s3;
	v34 =	vld [tilespmem:s23+$0x8280];
	v8 =	vadd.f32 v16, v62;
	v13 =	vadd.f32 v50, v13;
	v16 =	vmul.f32 v50, v50  }
0x3d4: {  	v44 =	vmul.f32 v0, v20;
	v53 =	vadd.f32 v32, v33;
	v43 =	vadd.f32 v15, v11;
	v15 =	vld [tilespmem:s25+$0x82C0];
	(xrf2) =	vadd.scan.msk.f32 $0xffff, v6  }
0x3d5: {  	s26 =	ssub.s32 s19, s3;
	v36 =	vadd.f32 v36, v59;
	v6 =	vld [tilespmem:s10+$0x82F0];
	v8 =	vadd.f32 v16, v8  }
0x3d6: {  	s28 =	sor.u32 $0x4, s13;
	s1 =	sshll.u32 s26, $0x7;
	v13 =	vadd.f32 v53, v13;
	v59 =	vadd.f32 v43, v44;
	v44 =	vld [tilespmem:$0x1FF90]  }
0x3d7: {  	s30 =	sor.u32 s29, s28;
	v56 =	vadd.f32 v36, v37;
	v4 =	vadd.f32 v28, v47;
	v37 =	vld [tilespmem:s1+$0x14780];
	v46 =	vmul.f32 v1, v26  }
0x3d8: {  	s31 =	smulhi.u32 $0x51EB851F, s30;
	v28 =	vadd.f32 v41, v40;
	v40 =	vld [tilespmem:$0x1FED0];
	v43 =	vadd.f32 v48, v45;
	v47 =	vmul.f32 v1, v23  }
0x3d9: {  	v48 =	vld [tilespmem:s23+$0x82B0];
	v13 =	vadd.f32 v56, v13;
	v22 =	vadd.f32 v4, v46  }
0x3da: {  	s3 =	sshrl.u32 s31, $0x6;
	v0 =	vmul.f32 v0, v21;
	v20 =	vadd.f32 v2, v47;
	v4 =	vld [tilespmem:s17+$0x147E0];
	v6 =	vadd.f32 v7, v6  }
0x3db: {  	s3 =	smul.u32 $0xC8, s3;
	v52 =	vmul.f32 v1, v25;
	v13 =	vadd.f32 v59, v13;
	v46 =	vld [tilespmem:s23+$0x82A0];
	v45 =	vmul.f32 v1, v44  }
0x3dc: {  	s0 =	sshll.u32 s28, $0x7;
	v44 =	vld [tilespmem:$0x1FFD0];
	v62 =	vmul.f32 v22, v22;
	v17 =	vadd.f32 v20, v22;
	v25 =	vadd.f32 v6, v0;
	v18, _, _ =	vpop (xrf2)  }
0x3dd: {  	s5 =	ssub.s32 s30, s3;
	s30 =	sand.u32 $0x3FFFFF80, s0;
	[tilespmem:$0x1FB00] =	vst v22;
	v22 =	vadd.f32 v49, v52;
	v49 =	vld [tilespmem:$0x1FEC0];
	(v2sf) =	vpush v18, $0xF;
	v18 =	vmul.f32 v53, v53  }
0x3de: {  	[tilespmem:$0x1FA80] =	vst v12;
	v41 =	vmul.f32 v1, v40;
	v40 =	vadd.f32 v43, v45;
	v43 =	vld [tilespmem:s30+$0x82B0];
	v12 =	vadd.f32 v25, v13;
	v16, _, _ =	vpop (xrf2)  }
0x3df: {  	(v2sf) =	vpush v16, $0xF;
	v8 =	vadd.f32 v18, v8;
	v16 =	vld [tilespmem:s17+$0x147C0];
	v18 =	vmul.f32 v56, v56  }
0x3e0: {  	v4 =	vadd.f32 v4, v19;
	v19 =	vld [tilespmem:s23+$0x82C0]  }
0x3e1: {  	(xrf2) =	vadd.scan.msk.f32 $0xffff, v12;
	v12 =	vld [tilespmem:$0x1FF30];
	v8 =	vadd.f32 v18, v8;
	v18 =	vmul.f32 v59, v59  }
0x3e2: {  	v52 =	vmul.f32 v1, v49;
	v49 =	vld [tilespmem:s30+$0x8280]  }
0x3e3: {  	[tilespmem:$0x1FB10] =	vst v20;
	v8 =	vadd.f32 v18, v8;
	v18 =	vmul.f32 v20, v20;
	v20 =	vld [tilespmem:s17+$0x147F0]  }
0x3e4: {  	v32 =	vmul.f32 v1, v29;
	v38 =	vadd.f32 v16, v15;
	v15 =	vld [tilespmem:s23+$0x8290]  }
0x3e5: {  	s6 =	sor.u32 $0x5, s13;
	v33 =	vadd.f32 v18, v62;
	v62 =	vld [tilespmem:s1+$0x147B0]  }
0x3e6: {  	s7 =	sor.u32 s29, s6;
	v47 =	vmul.f32 v25, v25;
	v18 =	vadd.f32 v28, v32;
	v32 =	vld [tilespmem:s1+$0x147C0]  }
0x3e7: {  	s8 =	smulhi.u32 $0x51EB851F, s7;
	v36 =	vadd.f32 v22, v17;
	v17 =	vmul.f32 v22, v22;
	v28 =	vadd.f32 v37, v34;
	v34 =	vld [tilespmem:s1+$0x147D0]  }
0x3e8: {  	v5 =	vadd.f32 v47, v8;
	v8 =	vld [tilespmem:s1+$0x147F0]  }
0x3e9: {  	s3 =	sshrl.u32 s8, $0x6;
	v7 =	vadd.f32 v17, v33;
	v17 =	vld [tilespmem:s1+$0x14790]  }
0x3ea: {  	[tilespmem:$0x1FAB0] =	vst v14;
	s3 =	smul.u32 $0xC8, s3;
	v29 =	vmul.f32 v3, v26;
	v14 =	vadd.f32 v18, v36;
	v36 =	vld [tilespmem:$0x1FEB0]  }
0x3eb: {  	s0 =	sshll.u32 s6, $0x7;
	[tilespmem:$0x1FB30] =	vst v18;
	v16 =	vmul.f32 v18, v18;
	v18 =	vadd.f32 v38, v41;
	v38 =	vld [tilespmem:s23+$0x82E0]  }
0x3ec: {  	s11 =	ssub.s32 s7, s3;
	s7 =	sand.u32 $0x3FFFFF80, s0;
	v24 =	vadd.f32 v28, v29;
	v29 =	vld [tilespmem:$0x1FF90]  }
0x3ed: {  	v2 =	vadd.f32 v4, v52;
	(xrf2) =	vadd.scan.msk.f32 $0xffff, v5;
	v5 =	vld [tilespmem:s7+$0x82B0]  }
0x3ee: {  	v1 =	vmul.f32 v1, v21;
	v10 =	vadd.f32 v20, v10;
	v7 =	vadd.f32 v16, v7;
	v16 =	vld [tilespmem:s1+$0x147A0]  }
0x3ef: {  	[tilespmem:$0x1FB40] =	vst v18;
	v14 =	vadd.f32 v18, v14;
	v18 =	vmul.f32 v18, v18;
	v0 =	vadd.f32 v62, v48;
	v48 =	vld [tilespmem:$0x1FED0]  }
0x3f0: {  	v52 =	vadd.f32 v10, v1;
	v62 =	vld [tilespmem:s30+$0x8290];
	v33 =	vadd.f32 v17, v15;
	v15 =	vmul.f32 v3, v23  }
0x3f1: {  	v47 =	vadd.f32 v32, v19;
	v7 =	vadd.f32 v18, v7;
	v17 =	vld [tilespmem:s23+$0x82D0]  }
0x3f2: {  	[tilespmem:$0x1FB20] =	vst v22;
	v1 =	vmul.f32 v3, v44;
	v14 =	vadd.f32 v40, v14;
	v22 =	vadd.f32 v33, v15;
	v15 =	vld [tilespmem:s1+$0x147E0];
	s1 =	sshll.u32 s5, $0x7  }
0x3f3: {  	v18 =	vmul.f32 v40, v40;
	v37 =	vmul.f32 v3, v36;
	v6 =	vadd.f32 v16, v46;
	v19 =	vld [tilespmem:s1+$0x14780]  }
0x3f4: {  	v20 =	vadd.f32 v0, v1;
	v14 =	vadd.f32 v2, v14;
	v1 =	vmul.f32 v3, v48;
	v48 =	vld [tilespmem:$0x1FEC0]  }
0x3f5: {  	[tilespmem:$0x1FB50] =	vst v2;
	v7 =	vadd.f32 v18, v7;
	v18 =	vmul.f32 v2, v2;
	v2 =	vadd.f32 v6, v37;
	v6 =	vld [tilespmem:s23+$0x82F0]  }
0x3f6: {  	v14 =	vadd.f32 v52, v14;
	v4 =	vadd.f32 v34, v17;
	v17 =	vld [tilespmem:s1+$0x14790]  }
0x3f7: {  	v16 =	vmul.f32 v24, v24;
	v7 =	vadd.f32 v18, v7;
	v18 =	vmul.f32 v22, v22;
	v34 =	vld [tilespmem:s1+$0x147A0]  }
0x3f8: {  	(xrf2) =	vadd.scan.msk.f32 $0xffff, v14;
	v14 =	vld [tilespmem:s7+$0x8280]  }
0x3f9: {  	v45 =	vadd.f32 v22, v24;
	v46 =	vadd.f32 v18, v16;
	v16 =	vmul.f32 v2, v2;
	v18 =	vld.msk [tilespmem:s13+$0x14484 ss:$0x0], $0xffff  }
0x3fa: {  	v32 =	vmul.f32 v3, v29;
	v21 =	vadd.f32 v47, v1;
	v9 =	vadd.f32 v19, v49;
	v19 =	vld [tilespmem:s1+$0x147B0]  }
0x3fb: {  	v10 =	vadd.f32 v2, v45;
	v13 =	vadd.f32 v16, v46;
	v16 =	vmul.f32 v20, v20;
	v49 =	vld [tilespmem:$0x1FEB0]  }
0x3fc: {  	s6 =	sshll.u32 s11, $0x7;
	v11 =	vadd.f32 v15, v38;
	v15 =	vmul.f32 v3, v48;
	v3 =	vmul.f32 v3, v12;
	v12 =	vld [tilespmem:s1+$0x147E0]  }
0x3fd: {  	[tilespmem:$0x1FB90] =	vst v20;
	v28 =	vadd.f32 v20, v10;
	v20 =	vmul.f32 v52, v52;
	v6 =	vadd.f32 v8, v6;
	v8 =	vld [tilespmem:s6+$0x14780]  }
0x3fe: {  	v33 =	vmov v21;
	[tilespmem:$0x1FBA0] =	vst v21;
	v13 =	vadd.f32 v16, v13;
	v16 =	vmul.f32 v21, v21;
	v21 =	vld [tilespmem:s30+$0x82A0]  }
0x3ff: {  	v7 =	vadd.f32 v20, v7;
	v20 =	vld [tilespmem:s30+$0x82C0]  }
0x400: {  	v45 =	vadd.f32 v4, v32;
	v38 =	vadd.f32 v11, v15;
	v11 =	vld [tilespmem:s30+$0x82E0]  }
0x401: {  	v1 =	vadd.f32 v33, v28;
	v0 =	vadd.f32 v17, v62;
	v33 =	vld [tilespmem:$0x1FFD0];
	v17 =	vmul.f32 v18, v23  }
0x402: {  	v47 =	vmul.f32 v18, v26;
	v37 =	vadd.f32 v6, v3;
	v3 =	vld [tilespmem:s30+$0x82F0]  }
0x403: {  	v1 =	vadd.f32 v45, v1;
	v17 =	vadd.f32 v0, v17;
	v0 =	vld [tilespmem:s30+$0x82D0]  }
0x404: {  	v41 =	vadd.f32 v16, v13;
	v16 =	vmul.f32 v45, v45;
	v46 =	vadd.f32 v9, v47;
	v9 =	vld [tilespmem:s1+$0x147D0]  }
0x405: {  	v62 =	vmul.f32 v18, v49;
	v32 =	vadd.f32 v19, v43;
	v49 =	vld [tilespmem:$0x1FED0];
	v1 =	vadd.f32 v38, v1  }
0x406: {  	v36 =	vmul.f32 v38, v38;
	v10 =	vadd.f32 v16, v41;
	v16 =	vld [tilespmem:s1+$0x147C0];
	v4 =	vadd.f32 v34, v21  }
0x407: {  	s14 =	sor.u32 $0x6, s13;
	v28 =	vadd.f32 v17, v46;
	v47 =	vadd.f32 v37, v1;
	v1 =	vld.msk [tilespmem:s13+$0x14485 ss:$0x0], $0xffff  }
0x408: {  	s15 =	sor.u32 s29, s14;
	v34 =	vmul.f32 v18, v33;
	v6 =	vadd.f32 v36, v10;
	v10 =	vld [tilespmem:s7+$0x8290];
	v29 =	vadd.f32 v4, v62  }
0x409: {  	s17 =	smulhi.u32 $0x51EB851F, s15;
	v36 =	vadd.f32 v12, v11;
	v11 =	vld [tilespmem:s7+$0x82A0]  }
0x40a: {  	v15, _, _ =	vpop (xrf2);
	v44 =	vadd.f32 v32, v34;
	v41 =	vadd.f32 v29, v28;
	v19 =	vmov v29;
	[tilespmem:$0x1FBC0] =	vst v29;
	v29 =	vld [tilespmem:$0x1FF90]  }
0x40b: {  	s2 =	sshrl.u32 s17, $0x6;
	(v2sf) =	vpush v15, $0xF;
	v33 =	vmul.f32 v46, v46;
	v15 =	vmul.f32 v17, v17;
	v4 =	vld [tilespmem:s1+$0x147F0]  }
0x40c: {  	s2 =	smul.u32 $0xC8, s2;
	(xrf2) =	vadd.scan.msk.f32 $0xffff, v7;
	v62 =	vmul.f32 v18, v49;
	v48 =	vadd.f32 v16, v20;
	v7 =	vadd.f32 v44, v41;
	v41 =	vld [tilespmem:$0x1FEC0]  }
0x40d: {  	v0 =	vadd.f32 v9, v0;
	v9 =	vadd.f32 v15, v33;
	v49 =	vld [tilespmem:s6+$0x147A0];
	v28 =	vmul.f32 v37, v37;
	v34, _, _ =	vpop (xrf2)  }
0x40e: {  	s1 =	ssub.s32 s15, s2;
	(v2sf) =	vpush v34, $0xF;
	v16 =	vadd.f32 v48, v62;
	v62 =	vld [tilespmem:$0x1FF30]  }
0x40f: {  	s0 =	sshll.u32 s14, $0x7;
	[tilespmem:$0x1FB80] =	vst v2;
	v12 =	vld.msk [tilespmem:s13+$0x14486 ss:$0x0], $0xffff;
	s14 =	sshll.u32 s1, $0x7;
	v15, _, _ =	vpop (xrf2);
	v6 =	vadd.f32 v28, v6;
	v48 =	vmul.f32 v19, v19;
	v32 =	vmul.f32 v18, v29  }
0x410: {  	s26 =	sand.u32 $0x3FFFFF80, s0;
	[tilespmem:$0x1FBB0] =	vst v17;
	v13 =	vld [tilespmem:s14+$0x14780];
	(v2sf) =	vpush v15, $0xF;
	v15 =	vmul.f32 v44, v44;
	v3 =	vadd.f32 v4, v3  }
0x411: {  	(xrf2) =	vadd.scan.msk.f32 $0xffff, v47;
	v20 =	vld [tilespmem:s26+$0x82B0];
	v7 =	vadd.f32 v16, v7;
	v43 =	vadd.f32 v0, v32;
	v47 =	vmul.f32 v18, v41  }
0x412: {  	v17 =	vmov v16;
	[tilespmem:$0x1FBD0] =	vst v16;
	v28 =	vadd.f32 v48, v9;
	v9 =	vld [tilespmem:s6+$0x147B0];
	v49 =	vadd.f32 v49, v11  }
0x413: {  	(xrf2) =	vadd.scan.msk.f32 $0xffff, v6;
	v11 =	vld [tilespmem:s26+$0x8280];
	v2 =	vmul.f32 v18, v62;
	v7 =	vadd.f32 v43, v7;
	v16 =	vadd.f32 v36, v47  }
0x414: {  	v33 =	vadd.f32 v15, v28;
	v15 =	vmul.f32 v17, v17;
	v17 =	vld [tilespmem:s6+$0x147D0]  }
0x415: {  	v28 =	vld [tilespmem:$0x1FEB0];
	v32 =	vadd.f32 v3, v2;
	v7 =	vadd.f32 v16, v7  }
0x416: {  	v8 =	vadd.f32 v8, v14;
	v0 =	vld [tilespmem:s6+$0x14790];
	v41 =	vmul.f32 v1, v26  }
0x417: {  	v3 =	vld [tilespmem:s7+$0x82C0];
	v34 =	vadd.f32 v32, v7  }
0x418: {  	v62 =	vadd.f32 v8, v41;
	v41 =	vld [tilespmem:$0x1FFD0]  }
0x419: {  	v29, _, _ =	vpop (xrf2);
	v4 =	vadd.f32 v15, v33;
	v15 =	vmul.f32 v43, v43;
	v8 =	vld [tilespmem:s14+$0x14790];
	(xrf2) =	vadd.scan.msk.f32 $0xffff, v34  }
0x41a: {  	(v2sf) =	vpush v29, $0xF;
	v47 =	vmul.f32 v1, v23;
	v18 =	vmov v16;
	[tilespmem:$0x1FBE0] =	vst v16;
	v16 =	vld [tilespmem:s6+$0x147C0]  }
0x41b: {  	v36, _, _ =	vpop (xrf2);
	v4 =	vadd.f32 v15, v4;
	v0 =	vadd.f32 v0, v10;
	v10 =	vld [tilespmem:s7+$0x82E0];
	v33 =	vmul.f32 v18, v18  }
0x41c: {  	(v2sf) =	vpush v36, $0xF;
	v29 =	vmul.f32 v1, v28;
	v18 =	vld [tilespmem:s6+$0x147E0]  }
0x41d: {  	v14 =	vmul.f32 v62, v62;
	v48, _, _ =	vpop (xrf2);
	v47 =	vadd.f32 v0, v47;
	v6 =	vadd.f32 v33, v4;
	v33 =	vld [tilespmem:$0x1FED0]  }
0x41e: {  	v7 =	vld [tilespmem:s7+$0x82D0];
	v36 =	vadd.f32 v49, v29;
	v49 =	vmul.f32 v32, v32;
	(v2sf) =	vpush v48, $0xF  }
0x41f: {  	v0 =	vld [tilespmem:s26+$0x8290];
	v34 =	vadd.f32 v9, v5;
	v48 =	vmul.f32 v1, v41;
	v15 =	vmul.f32 v47, v47  }
0x420: {  	v5 =	vld [tilespmem:s7+$0x82F0];
	v41 =	vadd.f32 v13, v11;
	v9 =	vadd.f32 v49, v6;
	v49 =	vmul.f32 v12, v26  }
0x421: {  	v3 =	vadd.f32 v16, v3;
	v16 =	vld [tilespmem:s26+$0x82A0];
	v14 =	vadd.f32 v15, v14;
	v15 =	vmul.f32 v36, v36  }
0x422: {  	v27 =	vadd.f32 v34, v48;
	v34 =	vmul.f32 v1, v33;
	v33 =	vadd.f32 v41, v49;
	v41 =	vld [tilespmem:$0x1FEB0]  }
0x423: {  	v14 =	vadd.f32 v15, v14;
	v15 =	vld [tilespmem:s14+$0x147A0];
	v48, _, _ =	vpop (xrf2)  }
0x424: {  	s18 =	spop (v2sf);
	v4 =	vmul.f32 v12, v23;
	v0 =	vadd.f32 v8, v0;
	(v2sf) =	vpush v48, $0xF;
	v48 =	vld [tilespmem:$0x1FF90]  }
0x425: {  	v6 =	vld [tilespmem:$0x1FF90];
	v19 =	vmul.f32 v27, v27  }
0x426: {  	[tilespmem:$0x1FB60] =	vst v24;
	(xrf2) =	vadd.scan.msk.f32 $0xffff, v9;
	v9 =	vld [tilespmem:s14+$0x147D0];
	v24 =	vadd.f32 v3, v34;
	v34 =	vadd.f32 v0, v4  }
0x427: {  	s28 =	sor.u32 $0x7, s13;
	v8 =	vld [tilespmem:s26+$0x82C0];
	v28 =	vadd.f32 v19, v14  }
0x428: {  	s31 =	sor.u32 s29, s28;
	v14 =	vld [tilespmem:s14+$0x147B0];
	v21 =	vmul.f32 v34, v34;
	v29 =	vadd.f32 v15, v16;
	v15 =	vmul.f32 v12, v41  }
0x429: {  	s5 =	smulhi.u32 $0x51EB851F, s31;
	v7 =	vadd.f32 v17, v7;
	v41 =	vld [tilespmem:$0x1FFD0];
	v49 =	vmul.f32 v1, v48;
	v48 =	vmul.f32 v33, v33  }
0x42a: {  	v19 =	vmul.f32 v24, v24;
	v16 =	vld [tilespmem:s14+$0x147C0]  }
0x42b: {  	s5 =	sshrl.u32 s5, $0x6;
	v11 =	vadd.f32 v7, v49;
	v49 =	vadd.f32 v21, v48;
	v48 =	vld [tilespmem:$0x1FED0]  }
0x42c: {  	s5 =	smul.u32 $0xC8, s5;
	v19 =	vadd.f32 v19, v28;
	v28 =	vadd.f32 v29, v15;
	v15 =	vld [tilespmem:s26+$0x82D0]  }
0x42d: {  	v4 =	vld [tilespmem:$0x1FEC0]  }
0x42e: {  	s3 =	ssub.s32 s31, s5;
	v10 =	vadd.f32 v18, v10;
	v18 =	vld [tilespmem:s14+$0x147E0];
	v14 =	vadd.f32 v14, v20;
	v20 =	vmul.f32 v12, v41  }
0x42f: {  	s31 =	sshll.u32 s3, $0x7;
	s1 =	sshll.u32 s28, $0x7;
	v17 =	vld [tilespmem:s6+$0x147F0];
	v29 =	vmul.f32 v28, v28  }
0x430: {  	s28 =	sand.u32 $0x3FFFFF80, s1;
	v8 =	vadd.f32 v16, v8;
	v41 =	vld [tilespmem:s31+$0x14780];
	v7 =	vadd.f32 v14, v20;
	v16 =	vmul.f32 v12, v48  }
0x431: {  	[tilespmem:$0x1FB70] =	vst v22;
	v23 =	vmul.f32 v12, v6;
	v9 =	vadd.f32 v9, v15;
	v20 =	vld [tilespmem:s28+$0x8280];
	v22 =	vadd.f32 v29, v49  }
0x432: {  	v15 =	vmul.f32 v7, v7;
	v29 =	vld [tilespmem:$0x1FF30];
	v8 =	vadd.f32 v8, v16;
	v16 =	vmul.f32 v1, v4  }
0x433: {  	v21 =	vld [tilespmem:s26+$0x82E0];
	v9 =	vadd.f32 v9, v23  }
0x434: {  	v13 =	vld.msk [tilespmem:s13+$0x14487 ss:$0x0], $0xffff;
	v15 =	vadd.f32 v15, v22;
	v14 =	vadd.f32 v10, v16;
	v16 =	vmul.f32 v8, v8  }
0x435: {  	v0 =	vld [tilespmem:s31+$0x147A0];
	v5 =	vadd.f32 v17, v5;
	v17, _, _ =	vpop (xrf2);
	v49 =	vmul.f32 v11, v11  }
0x436: {  	s19 =	spop (v2sf);
	(v2sf) =	vpush v17, $0xF;
	v17 =	vmul.f32 v9, v9;
	v22 =	vld [tilespmem:s31+$0x14790];
	v15 =	vadd.f32 v16, v15  }
0x437: {  	v19 =	vadd.f32 v49, v19;
	v41 =	vadd.f32 v41, v20;
	v20 =	vld [tilespmem:s28+$0x82B0];
	v1 =	vmul.f32 v1, v29  }
0x438: {  	v17 =	vadd.f32 v17, v15;
	v15 =	vadd.f32 v18, v21;
	v21 =	vld [tilespmem:s31+$0x147B0]  }
0x439: {  	v49 =	vld [tilespmem:s28+$0x82A0];
	v16 =	vadd.f32 v5, v1;
	v5 =	vadd.f32 v47, v62  }
0x43a: {  	v48 =	vmul.f32 v13, v26;
	v29 =	vld [tilespmem:$0x1FEA0]  }
0x43b: {  	v10 =	vld [tilespmem:s28+$0x8290];
	v5 =	vadd.f32 v36, v5  }
0x43c: {  	v48 =	vadd.f32 v41, v48;
	v41 =	vld [tilespmem:$0x1FEC0]  }
0x43d: {  	v20 =	vadd.f32 v21, v20;
	v21 =	vadd.f32 v27, v5;
	v5 =	vld [tilespmem:$0x1FFD0]  }
0x43e: {  	v4 =	vld [tilespmem:$0x1FEB0]  }
0x43f: {  	v23 =	vmul.f32 v14, v14  }
0x440: {  	s2 =	smul.f32 $7.812500000e-03, s18;
	v0 =	vadd.f32 v0, v49;
	v49 =	vld [tilespmem:s31+$0x147C0];
	v18 =	vmul.f32 v13, v29;
	v10 =	vadd.f32 v22, v10  }
0x441: {  	s0 =	smul.f32 $7.812500000e-03, s19;
	v19 =	vadd.f32 v23, v19;
	v23 =	vld [tilespmem:s28+$0x82C0];
	v22 =	vmul.f32 v12, v41  }
0x442: {  	s21 =	smul.f32 s2, s2;
	v29 =	vadd.f32 v10, v18;
	v10 =	vld [tilespmem:s26+$0x82F0];
	v5 =	vmul.f32 v13, v5  }
0x443: {  	v18 =	vmul.f32 v13, v4;
	v15 =	vadd.f32 v15, v22;
	v22 =	vld [tilespmem:s14+$0x147F0]  }
0x444: {  	s0 =	ssub.f32 s0, s21;
	v26 =	vadd.f32 v20, v5;
	v5 =	vld [tilespmem:$0x1FED0]  }
0x445: {  	v41 =	vadd.f32 v0, v18;
	v0 =	vmul.f32 v48, v48;
	v18 =	vmul.f32 v29, v29  }
0x446: {  	s0 =	sadd.f32 $9.999999960e-13, s0  }
0x447: {  	v1 =	vadd.f32 v18, v0;
	v20 =	vadd.f32 v24, v21;
	v21 =	vmul.f32 v41, v41  }
0x448: {  	s15 =	smul.f32 $5.000000000e-01, s0;
	s0 =	sshra.s32 s0, $0x1;
	v6 =	vmul.f32 v15, v15;
	v4 =	vadd.f32 v49, v23  }
0x449: {  	s0 =	ssub.s32 $0x5F3759DF, s0;
	v2 =	vld [tilespmem:s28+$0x82D0];
	v1 =	vadd.f32 v21, v1;
	v21 =	vadd.f32 v22, v10;
	v22 =	vmul.f32 v13, v5  }
0x44a: {  	s8 =	smul.f32 s0, s15;
	s11 =	spop (v2sf);
	v18 =	vmul.f32 v16, v16;
	v3 =	vadd.f32 v6, v17;
	v17 =	vld [tilespmem:s31+$0x147D0]  }
0x44b: {  	s6 =	smul.f32 $7.812500000e-03, s11;
	s11 =	spop (v2sf);
	v49 =	vadd.f32 v4, v22;
	v4 =	vld [tilespmem:$0x1FF90]  }
0x44c: {  	s17 =	smul.f32 $7.812500000e-03, s11;
	v18 =	vadd.f32 v18, v19;
	v19 =	vadd.f32 v11, v20  }
0x44d: {  	s18 =	smul.f32 s6, s6  }
0x44e: {  	s19 =	smul.f32 s0, s8;
	v6 =	vadd.f32 v34, v33;
	v0 =	vld [tilespmem:s28+$0x82F0];
	v19 =	vadd.f32 v14, v19  }
0x44f: {  	s1 =	ssub.f32 s17, s18;
	v2 =	vadd.f32 v17, v2;
	v20 =	vmul.f32 v26, v26;
	v10 =	vld [tilespmem:s31+$0x147E0]  }
0x450: {  	s21 =	ssub.f32 $1.500000000e+00, s19;
	v5 =	vld [tilespmem:$0x1FF30];
	v17 =	vadd.f32 v16, v19;
	v22 =	vadd.f32 v28, v6;
	v19 =	vmul.f32 v13, v4  }
0x451: {  	s1 =	sadd.f32 $9.999999960e-13, s1;
	v1 =	vadd.f32 v20, v1;
	v20 =	vld [tilespmem:s28+$0x82E0]  }
0x452: {  	s0 =	smul.f32 s0, s21;
	v22 =	vadd.f32 v7, v22;
	v4 =	vld [tilespmem:$0x1FEC0];
	v6 =	vadd.f32 v2, v19;
	v19 =	vmul.f32 v49, v49  }
0x453: {  	s5 =	sshra.s32 s1, $0x1;
	s21 =	smul.f32 $5.000000000e-01, s1;
	(xrf2) =	vadd.scan.msk.f32 $0xffff, v17;
	v17 =	vld [tilespmem:s31+$0x147F0]  }
0x454: {  	s8 =	smul.f32 s0, s15;
	s3 =	ssub.s32 $0x5F3759DF, s5;
	v1 =	vadd.f32 v19, v1;
	v19 =	vadd.f32 v8, v22  }
0x455: {  	s11 =	smul.f32 s3, s21;
	(xrf2) =	vadd.scan.msk.f32 $0xffff, v18;
	v12 =	vmul.f32 v12, v5  }
0x456: {  	s1 =	smul.f32 s8, s0;
	v19 =	vadd.f32 v9, v19  }
0x457: {  	s17 =	spop (v2sf);
	s5 =	smul.f32 s3, s11;
	v10 =	vadd.f32 v10, v20;
	v18 =	vadd.f32 v21, v12;
	v5 =	vmul.f32 v13, v4  }
0x458: {  	s18 =	spop (v2sf);
	s14 =	smul.f32 $7.812500000e-03, s17;
	v0 =	vadd.f32 v17, v0;
	v17 =	vadd.f32 v15, v19  }
0x459: {  	s8 =	smul.f32 $7.812500000e-03, s18;
	v12 =	vadd.f32 v10, v5;
	v10 =	vld [tilespmem:$0x1FF30]  }
0x45a: {  	s5 =	ssub.f32 $1.500000000e+00, s5;
	s19 =	smul.f32 s14, s14;
	v17 =	vadd.f32 v18, v17  }
0x45b: {  	s1 =	ssub.f32 $1.500000000e+00, s1;
	v2 =	vmul.f32 v6, v6;
	v5 =	vmul.f32 v12, v12  }
0x45c: {  	s3 =	smul.f32 s3, s5;
	v23 =	vadd.f32 v29, v48;
	s11 =	ssub.f32 s8, s19  }
0x45d: {  	s1 =	smul.f32 s1, s0;
	v1 =	vadd.f32 v2, v1  }
0x45e: {  	s17 =	smul.f32 s3, s21;
	v23 =	vadd.f32 v41, v23;
	s0 =	sadd.f32 $9.999999960e-13, s11;
	v2 =	vmul.f32 v13, v10;
	(xrf2) =	vadd.scan.msk.f32 $0xffff, v17;
	v17, _, _ =	vpop (xrf2)  }
0x45f: {  	s8 =	smul.f32 s1, s15;
	v1 =	vadd.f32 v5, v1;
	(v2sf) =	vpush v17, $0xF;
	v5, _, _ =	vpop (xrf2)  }
0x460: {  	s18 =	sshra.s32 s0, $0x1;
	s5 =	smul.f32 $5.000000000e-01, s0;
	v4 =	vmul.f32 v18, v18;
	v13 =	vadd.f32 v0, v2;
	(v2sf) =	vpush v5, $0xF;
	v5 =	vld [tilespmem:$0x1FA90]  }
0x461: {  	s19 =	smul.f32 s17, s3;
	s11 =	ssub.s32 $0x5F3759DF, s18;
	v21 =	vadd.f32 v26, v23  }
0x462: {  	s18 =	spop (v2sf);
	s17 =	smul.f32 s11, s5;
	v0 =	vadd.f32 v4, v3;
	v3 =	vmul.f32 v13, v13  }
0x463: {  	s15 =	smul.f32 $7.812500000e-03, s18;
	s18 =	spop (v2sf);
	v20 =	vadd.f32 v49, v21  }
0x464: {  	s18 =	smul.f32 $7.812500000e-03, s18;
	v4 =	vadd.f32 v3, v1;
	v1 =	vmov s2  }
0x465: {  	s0 =	ssub.f32 $1.500000000e+00, s19;
	s19 =	smul.f32 s15, s15;
	v19 =	vadd.f32 v6, v20;
	v3 =	vsub.f32 v5, v1;
	v5 =	vld [tilespmem:$0x1FAC0]  }
0x466: {  	s31 =	smul.f32 s11, s17  }
0x467: {  	s17 =	smul.f32 s0, s3;
	s0 =	ssub.f32 s18, s19;
	v19 =	vadd.f32 v12, v19  }
0x468: {  	s19 =	ssub.f32 $1.500000000e+00, s31  }
0x469: {  	s3 =	smul.f32 s8, s1;
	v10 =	vadd.f32 v13, v19  }
0x46a: {  	s8 =	smul.f32 s11, s19;
	(xrf2) =	vadd.scan.msk.f32 $0xffff, v0;
	v19 =	vsub.f32 v5, v1;
	v5 =	vld [tilespmem:$0x1FAE0]  }
0x46b: {  	s18 =	smul.f32 s17, s21;
	s0 =	sadd.f32 $9.999999960e-13, s0;
	v22 =	vmov s6;
	(xrf2) =	vadd.scan.msk.f32 $0xffff, v10  }
0x46c: {  	s19 =	smul.f32 s8, s5;
	v23 =	vsub.f32 v42, v22;
	(xrf2) =	vadd.scan.msk.f32 $0xffff, v4  }
0x46d: {  	s3 =	ssub.f32 $1.500000000e+00, s3;
	s31 =	smul.f32 $5.000000000e-01, s0;
	v42 =	vsub.f32 v50, v22;
	v50 =	vsub.f32 v53, v22  }
0x46e: {  	s21 =	sshra.s32 s0, $0x1;
	s0 =	smul.f32 s19, s8;
	v53 =	vsub.f32 v56, v22;
	v56 =	vsub.f32 v59, v22;
	v59 =	vld [tilespmem:$0x1FEE0]  }
0x46f: {  	s11 =	ssub.s32 $0x5F3759DF, s21;
	s19 =	smul.f32 s3, s1;
	v21 =	vsub.f32 v5, v1;
	v5, _, _ =	vpop (xrf2)  }
0x470: {  	s21 =	smul.f32 s11, s31;
	(v2sf) =	vpush v5, $0xF;
	v5 =	vld [tilespmem:$0x1FF40]  }
0x471: {  	s3 =	smul.f32 s18, s17;
	v4 =	vld [tilespmem:$0x1FA80];
	v3 =	vmul.f32 s19, v3  }
0x472: {  	s21 =	smul.f32 s11, s21;
	s0 =	ssub.f32 $1.500000000e+00, s0  }
0x473: {  	v31 =	vsub.f32 v31, v22;
	s3 =	ssub.f32 $1.500000000e+00, s3;
	v3 =	vmul.f32 v3, v59  }
0x474: {  	v30 =	vsub.f32 v30, v22;
	v22 =	vsub.f32 v25, v22;
	s21 =	ssub.f32 $1.500000000e+00, s21;
	s1 =	smul.f32 s0, s8;
	v25, _, _ =	vpop (xrf2)  }
0x475: {  	s8 =	spop (v2sf);
	s3 =	smul.f32 s3, s17;
	(v2sf) =	vpush v25, $0xF;
	v25, _, _ =	vpop (xrf2);
	v3 =	vadd.f32 v3, v5;
	v5 =	vld [tilespmem:$0x1FFB0]  }
0x476: {  	s0 =	smul.f32 s11, s21;
	s11 =	spop (v2sf);
	v0 =	vsub.f32 v4, v1;
	v4 =	vld [tilespmem:$0x1FAB0];
	(v2sf) =	vpush v25, $0xF;
	v25, _, _ =	vpop (xrf2)  }
0x477: {  	(v2sf) =	vpush v25, $0xF;
	v25 =	vmul.f32 s3, v31;
	v31 =	vld [tilespmem:$0x1FFF0]  }
0x478: {  	v21 =	vmul.f32 s19, v21;
	_ =	sdelay $0x1  }
0x479: {  	v21 =	vmul.f32 v21, v5  }
0x47a: {  	v17 =	vsub.f32 v4, v1;
	v4 =	vld [tilespmem:$0x1FAD0]  }
0x47b: {  	v21 =	vadd.f32 v21, v31;
	v31 =	vmul.f32 s3, v42;
	v42 =	vld [tilespmem:$0x1FEF0];
	_ =	sdelay $0x1  }
0x47c: {  	v19 =	vmul.f32 s19, v19  }
0x47d: {  	v30 =	vmul.f32 s3, v30;
	v50 =	vmul.f32 s3, v50;
	v10 =	vld [tilespmem:$0x1FAA0]  }
0x47e: {  	v19 =	vmul.f32 v19, v39;
	v17 =	vmul.f32 s19, v17;
	v20 =	vsub.f32 v4, v1;
	v4 =	vld [tilespmem:$0x1FAF0]  }
0x47f: {  	v30 =	vmul.f32 v30, v42;
	v42 =	vmul.f32 v50, v39;
	v39 =	vld [tilespmem:$0x1FF20];
	_ =	sdelay $0x1  }
0x480: {  	v17 =	vmul.f32 v17, v35  }
0x481: {  	s18 =	smul.f32 $7.812500000e-03, s11;
	v31 =	vmul.f32 v31, v35;
	v35 =	vmul.f32 s3, v53  }
0x482: {  	s11 =	smul.f32 s0, s31;
	v10 =	vsub.f32 v10, v1;
	v1 =	vsub.f32 v4, v1;
	v4 =	vld [tilespmem:$0x1FEF0]  }
0x483: {  	s2 =	smul.f32 $7.812500000e-03, s8;
	v50 =	vmul.f32 v35, v39;
	v39 =	vld [tilespmem:$0x1FB10]  }
0x484: {  	s5 =	smul.f32 s1, s5;
	v0 =	vmul.f32 s19, v0  }
0x485: {  	s21 =	smul.f32 s2, s2  }
0x486: {  	s11 =	smul.f32 s11, s0;
	v10 =	vmul.f32 s19, v10;
	v0 =	vmul.f32 v0, v57;
	v35 =	vld [tilespmem:$0x1FFB0]  }
0x487: {  	s6 =	ssub.f32 s18, s21;
	v53 =	vmul.f32 s3, v56;
	v56 =	vmov s14  }
0x488: {  	s5 =	smul.f32 s5, s1;
	s8 =	ssub.f32 $1.500000000e+00, s11;
	v10 =	vmul.f32 v10, v4;
	v4 =	vadd.f32 v0, v51;
	v0 =	vsub.f32 v39, v56;
	v39 =	vld [tilespmem:$0x1FFF0]  }
0x489: {  	s6 =	sadd.f32 $9.999999960e-13, s6  }
0x48a: {  	s5 =	ssub.f32 $1.500000000e+00, s5;
	s18 =	smul.f32 s8, s0  }
0x48b: {  	s17 =	sshra.s32 s6, $0x1;
	s21 =	smul.f32 $5.000000000e-01, s6;
	s11 =	spop (v2sf);
	v53 =	vmul.f32 v53, v35  }
0x48c: {  	s0 =	ssub.s32 $0x5F3759DF, s17;
	s17 =	spop (v2sf);
	s6 =	smul.f32 $7.812500000e-03, s11;
	v35 =	vld [tilespmem:$0x1FB20]  }
0x48d: {  	s11 =	smul.f32 $7.812500000e-03, s17;
	v1 =	vmul.f32 s19, v1;
	v53 =	vadd.f32 v53, v39;
	v39 =	vld [tilespmem:$0x1FEE0]  }
0x48e: {  	s17 =	smul.f32 s5, s1  }
0x48f: {  	v1 =	vmul.f32 v1, v54  }
0x490: {  	v59 =	vld [tilespmem:$0x1FF20];
	v0 =	vmul.f32 s17, v0  }
0x491: {  	v5 =	vadd.f32 v1, v58;
	v1 =	vsub.f32 v35, v56;
	v35 =	vld [tilespmem:$0x1FB30]  }
0x492: {  	v0 =	vmul.f32 v0, v39;
	v39 =	vld [tilespmem:$0x1FB40];
	_ =	sdelay $0x1  }
0x493: {  	v20 =	vmul.f32 s19, v20;
	_ =	sdelay $0x1  }
0x494: {  	v20 =	vmul.f32 v20, v59;
	v59 =	vld [tilespmem:$0x1FEE0]  }
0x495: {  	v2 =	vsub.f32 v35, v56;
	v35 =	vsub.f32 v39, v56;
	v39 =	vld [tilespmem:$0x1FEF0];
	_ =	sdelay $0x2  }
0x496: {  	v1 =	vmul.f32 s17, v1  }
0x497: {  	v25 =	vmul.f32 v25, v59;
	v59 =	vld [tilespmem:$0x1FF40]  }
0x498: {  	v1 =	vmul.f32 v1, v39;
	v39 =	vld [tilespmem:$0x1FF40];
	_ =	sdelay $0x3  }
0x499: {  	v25 =	vadd.f32 v25, v59;
	v59 =	vld [tilespmem:$0x1FB00]  }
0x49a: {  	v0 =	vadd.f32 v0, v39;
	v39 =	vld [tilespmem:$0x1FB50]  }
0x49b: {  	s8 =	smul.f32 s0, s21;
	_ =	sdelay $0x1  }
0x49c: {  	s8 =	smul.f32 s0, s8  }
0x49d: {  	s19 =	smul.f32 s6, s6;
	v40 =	vsub.f32 v40, v56;
	v59 =	vsub.f32 v59, v56  }
0x49e: {  	v23 =	vmul.f32 s3, v23;
	s5 =	ssub.f32 $1.500000000e+00, s8;
	[tilespmem:s16+$0x8280] =	vst v4;
	v4 =	vsub.f32 v39, v56;
	v39 =	vsub.f32 v52, v56;
	v56 =	vld [tilespmem:$0x1FF00]  }
0x49f: {  	s31 =	smul.f32 s18, s31;
	s11 =	ssub.f32 s11, s19  }
0x4a0: {  	v23 =	vmul.f32 v23, v57;
	s0 =	smul.f32 s0, s5  }
0x4a1: {  	s8 =	smul.f32 s31, s18;
	s19 =	sadd.f32 $9.999999960e-13, s11;
	v2 =	vmul.f32 s17, v2  }
0x4a2: {  	v23 =	vadd.f32 v23, v51;
	s11 =	smul.f32 s0, s21  }
0x4a3: {  	v22 =	vmul.f32 s3, v22;
	v19 =	vadd.f32 v19, v55;
	s31 =	sshra.s32 s19, $0x1;
	s5 =	smul.f32 $5.000000000e-01, s19;
	v2 =	vmul.f32 v2, v56;
	v56 =	vld [tilespmem:$0x1FF10]  }
0x4a4: {  	[tilespmem:s10+$0x8280] =	vst v23;
	v23 =	vld [tilespmem:$0x1FBA0];
	v20 =	vadd.f32 v20, v61;
	s3 =	smul.f32 s11, s0;
	s19 =	ssub.s32 $0x5F3759DF, s31  }
0x4a5: {  	v22 =	vmul.f32 v22, v54;
	[tilespmem:s16+$0x82C0] =	vst v19;
	v19 =	vld [tilespmem:$0x1FFB0];
	s1 =	smul.f32 s19, s5  }
0x4a6: {  	[tilespmem:s16+$0x82D0] =	vst v20;
	v20 =	vld [tilespmem:$0x1FB70];
	s3 =	ssub.f32 $1.500000000e+00, s3;
	v35 =	vmul.f32 s17, v35  }
0x4a7: {  	v22 =	vadd.f32 v22, v58;
	s8 =	ssub.f32 $1.500000000e+00, s8;
	[tilespmem:s16+$0x82E0] =	vst v21;
	v21 =	vld [tilespmem:$0x1FFF0];
	s31 =	smul.f32 s19, s1;
	v59 =	vmul.f32 s17, v59  }
0x4a8: {  	v17 =	vadd.f32 v17, v63;
	[tilespmem:s16+$0x8290] =	vst v3;
	s0 =	smul.f32 s3, s0;
	v4 =	vmul.f32 s17, v4;
	v3 =	vmul.f32 v35, v56;
	v35 =	vld [tilespmem:$0x1FF20]  }
0x4a9: {  	[tilespmem:s10+$0x82F0] =	vst v22;
	v10 =	vadd.f32 v10, v60;
	v31 =	vadd.f32 v31, v63;
	v40 =	vmul.f32 s17, v40;
	s1 =	smul.f32 s8, s18;
	s14 =	ssub.f32 $1.500000000e+00, s31;
	v56 =	vld [tilespmem:$0x1FB60]  }
0x4aa: {  	v30 =	vadd.f32 v30, v60;
	[tilespmem:s10+$0x8290] =	vst v25;
	v25 =	vld [tilespmem:$0x1FEE0];
	s8 =	smul.f32 s0, s21;
	v59 =	vmul.f32 v59, v57;
	v4 =	vmul.f32 v4, v19  }
0x4ab: {  	[tilespmem:s16+$0x82B0] =	vst v17;
	v42 =	vadd.f32 v42, v55;
	s18 =	spop (v2sf);
	v50 =	vadd.f32 v50, v61;
	s3 =	smul.f32 s19, s14;
	v17 =	vmul.f32 s17, v39;
	v39 =	vld [tilespmem:$0x1FB80]  }
0x4ac: {  	[tilespmem:s16+$0x82F0] =	vst v5;
	s14 =	smul.f32 $7.812500000e-03, s18;
	v59 =	vadd.f32 v59, v51;
	v52 =	vmov s15;
	v4 =	vadd.f32 v4, v21;
	v21 =	vld [tilespmem:$0x1FB90]  }
0x4ad: {  	v22 =	vld [tilespmem:$0x1FBE0];
	[tilespmem:s16+$0x82A0] =	vst v10;
	s19 =	spop (v2sf);
	s8 =	smul.f32 s8, s0;
	v20 =	vsub.f32 v20, v52;
	v23 =	vsub.f32 v23, v52;
	v17 =	vmul.f32 v17, v54  }
0x4ae: {  	[tilespmem:s10+$0x82C0] =	vst v42;
	v42 =	vld [tilespmem:$0x1FBC0];
	s21 =	smul.f32 $7.812500000e-03, s19;
	v1 =	vadd.f32 v1, v60;
	v10 =	vmul.f32 v40, v35;
	v35 =	vsub.f32 v56, v52  }
0x4af: {  	[tilespmem:s10+$0x82E0] =	vst v53;
	v53 =	vld [tilespmem:$0x1FBD0];
	s15 =	smul.f32 s3, s5;
	v23 =	vmul.f32 s1, v23;
	v5 =	vadd.f32 v17, v58;
	v17 =	vmul.f32 s1, v20  }
0x4b0: {  	s31 =	smul.f32 s14, s14;
	v2 =	vadd.f32 v2, v63;
	v40 =	vld [tilespmem:$0x1FF00];
	v19 =	vmul.f32 s1, v35;
	v35 =	vsub.f32 v39, v52  }
0x4b1: {  	s8 =	ssub.f32 $1.500000000e+00, s8;
	s15 =	smul.f32 s15, s3;
	v17 =	vmul.f32 v17, v25;
	v25 =	vld [tilespmem:$0x1FEF0];
	v21 =	vsub.f32 v21, v52;
	v3 =	vadd.f32 v3, v55  }
0x4b2: {  	s11 =	ssub.f32 s21, s31;
	v10 =	vadd.f32 v10, v61;
	v20 =	vmul.f32 s1, v35;
	v35 =	vmov s2  }
0x4b3: {  	s15 =	ssub.f32 $1.500000000e+00, s15;
	v21 =	vmul.f32 s1, v21;
	v56 =	vsub.f32 v46, v35;
	v39 =	vsub.f32 v42, v35  }
0x4b4: {  	[tilespmem:s10+$0x82D0] =	vst v50;
	s16 =	smul.f32 s8, s0;
	s8 =	sadd.f32 $9.999999960e-13, s11;
	v19 =	vmul.f32 v19, v57;
	v50 =	vsub.f32 v44, v35;
	v42 =	vsub.f32 v53, v35  }
0x4b5: {  	s3 =	smul.f32 s15, s3;
	v21 =	vmul.f32 v21, v40;
	v43 =	vsub.f32 v43, v35;
	v22 =	vsub.f32 v22, v35  }
0x4b6: {  	[tilespmem:s10+$0x82B0] =	vst v31;
	s11 =	sshra.s32 s8, $0x1;
	s15 =	smul.f32 $5.000000000e-01, s8;
	v32 =	vsub.f32 v32, v35;
	v20 =	vmul.f32 v20, v25;
	v25 =	vsub.f32 v45, v52  }
0x4b7: {  	[tilespmem:s25+$0x8280] =	vst v59;
	s18 =	ssub.s32 $0x5F3759DF, s11;
	s17 =	smul.f32 s3, s5;
	v40 =	vld [tilespmem:$0x1FBB0];
	v45 =	vsub.f32 v38, v52;
	v52 =	vsub.f32 v37, v52;
	v37 =	vmul.f32 s16, v56  }
0x4b8: {  	s19 =	spop (v2sf);
	[tilespmem:s25+$0x82A0] =	vst v1;
	s8 =	smul.f32 s18, s15;
	v46 =	vld [tilespmem:$0x1FF20];
	v19 =	vadd.f32 v19, v51;
	v59 =	vmul.f32 s16, v39;
	v42 =	vmul.f32 s16, v42  }
0x4b9: {  	[tilespmem:s25+$0x8290] =	vst v0;
	s2 =	smul.f32 $7.812500000e-03, s19;
	v44 =	vld [tilespmem:$0x1FF40];
	v1 =	vadd.f32 v21, v63;
	v43 =	vmul.f32 s16, v43;
	v53 =	vmul.f32 s16, v22  }
0x4ba: {  	s0 =	smul.f32 s17, s3;
	v25 =	vmul.f32 s1, v25;
	v0 =	vadd.f32 v20, v60;
	[tilespmem:s23+$0x8280] =	vst v19;
	v19 =	vmov s14  }
0x4bb: {  	[tilespmem:s10+$0x82A0] =	vst v30;
	s21 =	spop (v2sf);
	s31 =	smul.f32 s2, s2;
	v30 =	vmul.f32 s1, v45;
	v7 =	vsub.f32 v7, v19;
	v8 =	vsub.f32 v8, v19  }
0x4bc: {  	v31 =	vmul.f32 s1, v52;
	s1 =	smul.f32 $7.812500000e-03, s21;
	[tilespmem:s23+$0x82B0] =	vst v1;
	v1 =	vsub.f32 v9, v19;
	v9 =	vsub.f32 v15, v19  }
0x4bd: {  	s10 =	smul.f32 s18, s8;
	s0 =	ssub.f32 $1.500000000e+00, s0;
	v39 =	vld [tilespmem:$0x1FF10];
	v15 =	vmov s2;
	v38 =	vsub.f32 v40, v35;
	v35 =	vmov s6  }
0x4be: {  	v52 =	vld [tilespmem:$0x1FF10];
	v17 =	vadd.f32 v17, v44;
	v25 =	vmul.f32 v25, v46;
	s1 =	ssub.f32 s1, s31;
	v6 =	vsub.f32 v6, v15  }
0x4bf: {  	[tilespmem:s25+$0x82E0] =	vst v4;
	v20 =	vld [tilespmem:$0x1FFB0];
	v21 =	vmul.f32 v31, v54;
	s6 =	ssub.f32 $1.500000000e+00, s10;
	v22 =	vsub.f32 v36, v35;
	v27 =	vsub.f32 v27, v35  }
0x4c0: {  	s0 =	smul.f32 s0, s3;
	[tilespmem:s25+$0x82D0] =	vst v10;
	v31 =	vmul.f32 v37, v57;
	v24 =	vsub.f32 v24, v35;
	v11 =	vsub.f32 v11, v35;
	s1 =	sadd.f32 $9.999999960e-13, s1  }
0x4c1: {  	v10 =	vmul.f32 v43, v46;
	v14 =	vsub.f32 v14, v35;
	v16 =	vsub.f32 v16, v35;
	s11 =	smul.f32 s18, s6;
	[tilespmem:s23+$0x8290] =	vst v17;
	v17 =	vld [tilespmem:$0x1FFF0]  }
0x4c2: {  	[tilespmem:s25+$0x82C0] =	vst v3;
	v45 =	vld [tilespmem:$0x1FEE0];
	v56 =	vmul.f32 s16, v38;
	v3 =	vadd.f32 v25, v61;
	v25 =	vmul.f32 s16, v50;
	s17 =	sshra.s32 s1, $0x1;
	s1 =	smul.f32 $5.000000000e-01, s1  }
0x4c3: {  	[tilespmem:s25+$0x82F0] =	vst v5;
	v50 =	vsub.f32 v62, v35;
	v23 =	vmul.f32 v23, v52;
	v52 =	vsub.f32 v47, v35;
	v35 =	vld [tilespmem:$0x1FF00];
	s6 =	smul.f32 s11, s15;
	s5 =	ssub.s32 $0x5F3759DF, s17  }
0x4c4: {  	[tilespmem:s25+$0x82B0] =	vst v2;
	v62 =	vadd.f32 v21, v58;
	v40 =	vmul.f32 v42, v39;
	v20 =	vmul.f32 v30, v20;
	s18 =	smul.f32 s5, s1  }
0x4c5: {  	[tilespmem:s23+$0x82A0] =	vst v0;
	v31 =	vadd.f32 v31, v51;
	v22 =	vmul.f32 s0, v22;
	v27 =	vmul.f32 s0, v27;
	s6 =	smul.f32 s6, s11  }
0x4c6: {  	v36 =	vld [tilespmem:$0x1FEF0];
	v24 =	vmul.f32 s0, v24;
	v11 =	vmul.f32 s0, v11;
	[tilespmem:s23+$0x82D0] =	vst v3;
	v17 =	vadd.f32 v20, v17;
	s8 =	smul.f32 s5, s18  }
0x4c7: {  	v16 =	vmul.f32 s0, v16;
	[tilespmem:s23+$0x82F0] =	vst v62;
	v2 =	vadd.f32 v23, v55;
	v23 =	vmul.f32 v56, v45;
	s6 =	ssub.f32 $1.500000000e+00, s6  }
0x4c8: {  	v47 =	vadd.f32 v10, v61;
	v56 =	vmul.f32 s16, v32;
	[tilespmem:s23+$0x82E0] =	vst v17;
	v17 =	vmul.f32 v25, v35;
	s8 =	ssub.f32 $1.500000000e+00, s8  }
0x4c9: {  	[tilespmem:s30+$0x8280] =	vst v31;
	v0 =	vadd.f32 v40, v55;
	v21 =	vmul.f32 s0, v52;
	v30 =	vmul.f32 v24, v39;
	s19 =	smul.f32 s6, s11  }
0x4ca: {  	[tilespmem:s30+$0x82D0] =	vst v47;
	v11 =	vmul.f32 v11, v46;
	v16 =	vmul.f32 v16, v54;
	v17 =	vadd.f32 v17, v63;
	s21 =	smul.f32 s5, s8  }
0x4cb: {  	v42 =	vld [tilespmem:$0x1FFB0];
	v20 =	vmul.f32 v59, v36;
	v59 =	vmul.f32 s0, v50;
	[tilespmem:s23+$0x82C0] =	vst v2;
	v32 =	vadd.f32 v23, v44;
	s23 =	smul.f32 s19, s15  }
0x4cc: {  	v23 =	vsub.f32 v34, v19;
	v2 =	vsub.f32 v18, v19;
	[tilespmem:s30+$0x82B0] =	vst v17;
	v17 =	vmul.f32 v21, v45;
	s25 =	smul.f32 s21, s1  }
0x4cd: {  	[tilespmem:s30+$0x82C0] =	vst v0;
	v43 =	vmul.f32 v56, v54;
	v4 =	vadd.f32 v30, v55;
	v40 =	vadd.f32 v16, v58;
	s5 =	smul.f32 s23, s19  }
0x4ce: {  	v52 =	vld [tilespmem:$0x1FFF0];
	v38 =	vadd.f32 v20, v60;
	[tilespmem:s30+$0x8290] =	vst v32;
	v62 =	vadd.f32 v17, v44;
	v17 =	vmul.f32 v27, v35;
	s2 =	smul.f32 s25, s21  }
0x4cf: {  	v56 =	vmul.f32 v22, v36;
	v20 =	vsub.f32 v33, v19;
	v25 =	vsub.f32 v28, v19;
	[tilespmem:s7+$0x82C0] =	vst v4;
	s5 =	ssub.f32 $1.500000000e+00, s5  }
0x4d0: {  	v3 =	vmul.f32 v53, v42;
	v53 =	vadd.f32 v43, v58;
	[tilespmem:s7+$0x82F0] =	vst v40;
	v31 =	vadd.f32 v17, v63;
	v17 =	vld [tilespmem:$0x1FFB0];
	s2 =	ssub.f32 $1.500000000e+00, s2  }
0x4d1: {  	v14 =	vmul.f32 s0, v14;
	v28 =	vadd.f32 v56, v60;
	v33 =	vadd.f32 v11, v61;
	[tilespmem:s30+$0x82A0] =	vst v38;
	s0 =	smul.f32 s5, s19  }
0x4d2: {  	v37 =	vld [tilespmem:$0x1FFF0];
	v50 =	vmul.f32 v59, v57;
	v56 =	vsub.f32 v29, v15;
	v29 =	vsub.f32 v26, v15;
	[tilespmem:s30+$0x82F0] =	vst v53;
	s2 =	smul.f32 s2, s21  }
0x4d3: {  	v0 =	vadd.f32 v3, v52;
	[tilespmem:s7+$0x82A0] =	vst v28;
	v32 =	vmul.f32 s0, v20;
	v34 =	vmul.f32 s0, v25  }
0x4d4: {  	v59 =	vadd.f32 v50, v51;
	[tilespmem:s7+$0x82D0] =	vst v33;
	v7 =	vmul.f32 s0, v7;
	v8 =	vmul.f32 s0, v8;
	s1 =	smul.f32 s2, s1  }
0x4d5: {  	v53 =	vsub.f32 v48, v15;
	[tilespmem:s30+$0x82E0] =	vst v0;
	v1 =	vmul.f32 s0, v1;
	v14 =	vmul.f32 v14, v17  }
0x4d6: {  	v28 =	vsub.f32 v41, v15;
	[tilespmem:s7+$0x8280] =	vst v59;
	v59 =	vld [tilespmem:$0x1FFB0];
	v52 =	vmul.f32 s0, v9;
	v5 =	vmul.f32 v32, v57;
	s1 =	smul.f32 s1, s2  }
0x4d7: {  	[tilespmem:s7+$0x8290] =	vst v62;
	v2 =	vmul.f32 s0, v2;
	v11 =	vmul.f32 v34, v36;
	v0 =	vadd.f32 v14, v37  }
0x4d8: {  	[tilespmem:s7+$0x82B0] =	vst v31;
	v17 =	vmul.f32 s0, v23;
	v7 =	vmul.f32 v7, v35;
	v42 =	vadd.f32 v5, v51;
	s1 =	ssub.f32 $1.500000000e+00, s1  }
0x4d9: {  	v50 =	vmul.f32 v8, v39;
	v1 =	vmul.f32 v1, v46;
	v47 =	vadd.f32 v11, v60;
	[tilespmem:s7+$0x82E0] =	vst v0  }
0x4da: {  	v2 =	vmul.f32 v2, v54;
	v38 =	vmul.f32 v17, v45;
	v7 =	vadd.f32 v7, v63;
	v11 =	vld [tilespmem:$0x1FFF0];
	[tilespmem:s26+$0x8280] =	vst v42;
	s1 =	smul.f32 s1, s2  }
0x4db: {  	v4 =	vmul.f32 v52, v59;
	v32 =	vsub.f32 v49, v15;
	v1 =	vadd.f32 v1, v61;
	[tilespmem:s26+$0x82A0] =	vst v47  }
0x4dc: {  	v2 =	vadd.f32 v2, v58;
	v43 =	vadd.f32 v38, v44;
	[tilespmem:s26+$0x82B0] =	vst v7;
	v62 =	vmul.f32 s1, v53  }
0x4dd: {  	v0 =	vadd.f32 v50, v55;
	[tilespmem:s26+$0x82D0] =	vst v1;
	v38 =	vsub.f32 v12, v15;
	v3 =	vmul.f32 s1, v56  }
0x4de: {  	[tilespmem:s26+$0x82F0] =	vst v2;
	v42 =	vsub.f32 v13, v15;
	v31 =	vmul.f32 s1, v28;
	v14 =	vmul.f32 v62, v57  }
0x4df: {  	[tilespmem:s26+$0x8290] =	vst v43;
	v4 =	vadd.f32 v4, v11;
	v34 =	vmul.f32 s1, v29;
	v3 =	vmul.f32 v3, v45  }
0x4e0: {  	v52 =	vld [tilespmem:$0x1FFB0];
	[tilespmem:s26+$0x82C0] =	vst v0;
	v41 =	vmul.f32 s1, v6;
	v36 =	vmul.f32 v31, v36;
	v30 =	vadd.f32 v14, v51  }
0x4e1: {  	v18 =	vld [tilespmem:$0x1FED0];
	v49 =	vmul.f32 s1, v42;
	[tilespmem:s26+$0x82E0] =	vst v4;
	v40 =	vmul.f32 v34, v35;
	v33 =	vadd.f32 v3, v44  }
0x4e2: {  	v59 =	vld [tilespmem:$0x1FFF0];
	v37 =	vmul.f32 s1, v32;
	v48 =	vmul.f32 v41, v46;
	v43 =	vadd.f32 v36, v60;
	[tilespmem:s28+$0x8280] =	vst v30  }
0x4e3: {  	v19 =	vld [tilespmem:$0x1FF90];
	v45 =	vmul.f32 s1, v38;
	v56 =	vmul.f32 v49, v54;
	v47 =	vadd.f32 v40, v63;
	[tilespmem:s28+$0x8290] =	vst v33  }
0x4e4: {  	p1 =	slt.u32 s13, $0x78;
	v26 =	vld [tilespmem:$0x1FE90];
	v44 =	vmul.f32 v37, v39;
	v53 =	vadd.f32 v48, v61;
	[tilespmem:s28+$0x82A0] =	vst v43  }
.Ltmp3:
0x4e5: {  	v21 =	vld [tilespmem:$0x1FF30];
	v4 =	vmul.f32 v45, v52;
	v62 =	vadd.f32 v56, v58;
	[tilespmem:s28+$0x82B0] =	vst v47;
	(pc) =	sbr.rel @p1 .LBB2_9-.Ltmp3, $4  }
0x4e6: {  	v20 =	vld [tilespmem:$0x1FEC0];
	v50 =	vadd.f32 v44, v55;
	[tilespmem:s28+$0x82D0] =	vst v53  }
0x4e7: {  	v25 =	vld [tilespmem:$0x1FEB0];
	v0 =	vadd.f32 v4, v59;
	[tilespmem:s28+$0x82F0] =	vst v62  }
0x4e8: {  	s31 =	sadd.s32 $0x8, s13;
	v23 =	vld [tilespmem:$0x1FEA0];
	[tilespmem:s28+$0x82C0] =	vst v50  }
0x4e9: {  	s13 =	smov.u32 s31;
	v17 =	vld [tilespmem:$0x1FFD0];
	[tilespmem:s28+$0x82E0] =	vst v0  }
0x4ea: {  	p1 =	sne.s32 s20, $0x9  }
.Ltmp4:
0x4eb: {  	_ = 	snop;
	(pc) =	sbr.rel @p1 .LBB2_12-.Ltmp4, $4  }
0x4ec: {  	_ = 	snop  }
0x4ed: {  	s0 =	sshll.u32 s29, $0x4;
	s1 =	rddreg [dreg:$0x7]  }
0x4ee: {  	s31 =	simm.s32 $0x8280;
	s0 =	sadd.s32 s1, s0  }
0x4ef: {  	v31 =	vmov v57;
	v48 =	vmov v51;
	[hbm4b:s0+s9] =	stream.linear.scatter [tilespmem:s31], [sflag:$0x8], $0x4000, $0x38;
	[tilespmem:$0x1AD80] =	vst v63  }
.Ltmp5:
0x4f0: {  	(pc) =	sbr.rel .LBB2_13-.Ltmp5, $4  }
0x4f1: {  	s0 =	simm.s32 $0xF  }
0x4f2: {  	_ =	swait.ge [sflag:s0], $0x80  }
0x4f3: {  	[sflag:s0] =	ssyncset.done $0x0  }
0x4f4: {  	s31 =	simm.s32 $0x10280;
	[sflag:s0] =	ssyncadd.s32 $0xFFFFFF80  }
.LBB2_12:
0x4f5: {  	s0 =	rddreg [dreg:$0x13]  }
0x4f6: {  	s0 =	sadd.s32 s22, s0  }
0x4f7: {  	s1 =	rddreg [dreg:$0xa];
	s0 =	sshrl.u32 s0, $0x3  }
0x4f8: {  	s29 =	simm.s32 $0x14280;
	s1 =	sadd.s32 s1, s0  }
0x4f9: {  	[tilespmem:s9], [sflag:$0xB] =	stream.linear.gather [hbm4b:s1+s9], $0x80, $0x38;
	[tilespmem:$0x1AD80] =	vst v63  }
.Ltmp6:
0x4fa: {  	s30 =	simm.s32 $0xF;
	s0 =	sadd.s32 s12, s0;
	(pc) =	sbr.rel @p0 .LBB2_14-.Ltmp6, $4  }
0x4fb: {  	[tilespmem:s29], [sflag:$0x10] =	stream.linear.gather [hbm4b:s0+s9], $0x80, $0x38;
	[tilespmem:$0x1AD80] =	vst v63  }
0x4fc: {  	_ =	swait.ge [sflag:s30], $0x80  }
0x4fd: {  	[sflag:s30] =	ssyncset.done $0x0  }
0x4fe: {  	s31 =	simm.s32 $0x10280;
	[sflag:s30] =	ssyncadd.s32 $0xFFFFFF80  }
.LBB2_13:
0x4ff: {  	s0 =	simm.s32 $0xA  }
0x500: {  	_ =	swait.ge [sflag:s0], $0x4000  }
0x501: {  	[sflag:s0] =	ssyncset.done $0x0  }
0x502: {  	[sflag:s0] =	ssyncadd.s32 $0xFFFFC000  }
.LBB2_14:
0x503: {  	s0 =	rddreg [dreg:$0x1]  }
0x504: {  	s1 =	simm.s32 $0x80;
	s2 =	simm.s32 $0x200;
	s29 =	simm.s32 $0x13  }
0x505: {  	[tilespmem:s31], [sflag:$0x5] =	stream.indirect.gather [hbm4b:s0+s1], $0x80, s2, s1, $0xb8;
	[tilespmem:$0x1AD80] =	vst v63  }
0x506: {  	_ =	swait.ge [sflag:s29], $0x80  }
0x507: {  	[sflag:s29] =	ssyncset.done $0x0  }
0x508: {  	s30 =	simm.s32 $0x4;
	[sflag:s29] =	ssyncadd.s32 $0xFFFFFF80  }
0x509: {  	_ =	swait.ge [sflag:s30], $0x4000  }
0x50a: {  	v8 =	vld [tilespmem:$0x1FEE0]  }
0x50b: {  	[sflag:s30] =	ssyncset.done $0x0;
	v6 =	vld [tilespmem:$0x1FF20]  }
0x50c: {  	s13 =	simm.s32 $0x0;
	v27 =	vld [tilespmem:$0x1FF40];
	[sflag:s30] =	ssyncadd.s32 $0xFFFFC000  }
.LBB2_15:
0x50d: {  	s2 =	sshll.u32 s13, $0x7;
	v1 =	vld.msk [tilespmem:s13+$0x14580 ss:$0x0], $0xffff  }
0x50e: {  	s0 =	sor.u32 s24, s13;
	v32 =	vld [tilespmem:$0x1FFD0];
	s16 =	sand.u32 $0x3FFFFF80, s2  }
0x50f: {  	s1 =	smulhi.u32 $0x51EB851F, s0;
	v0 =	vld [tilespmem:s16+$0xC280]  }
0x510: {  	v3 =	vld [tilespmem:s16+$0xC290]  }
0x511: {  	v5 =	vld [tilespmem:s16+$0xC2A0];
	s1 =	sshrl.u32 s1, $0x6  }
0x512: {  	s7 =	sor.u32 $0x2, s13;
	v40 =	vld [tilespmem:s16+$0xC2B0];
	s1 =	smul.u32 $0xC8, s1  }
0x513: {  	s14 =	sshll.u32 s7, $0x7;
	v9 =	vld [tilespmem:s16+$0xC2C0]  }
0x514: {  	v44 =	vld [tilespmem:s16+$0xC2F0];
	s25 =	sand.u32 $0x3FFFFF80, s14;
	s0 =	ssub.s32 s0, s1  }
0x515: {  	v36 =	vld [tilespmem:s25+$0xC290];
	s0 =	sshll.u32 s0, $0x7  }
0x516: {  	v2 =	vld [tilespmem:s0+$0x14780]  }
0x517: {  	v4 =	vld [tilespmem:s0+$0x14790]  }
0x518: {  	v47 =	vmov v6;
	s29 =	sor.u32 $0x1, s13;
	v6 =	vld [tilespmem:s0+$0x147A0]  }
0x519: {  	v55 =	vmov v8;
	s30 =	sor.u32 s24, s29;
	v8 =	vld [tilespmem:s0+$0x147B0]  }
0x51a: {  	s3 =	smulhi.u32 $0x51EB851F, s30;
	v41 =	vld [tilespmem:s0+$0x147C0]  }
0x51b: {  	s8 =	sor.u32 s24, s7;
	v10 =	vld [tilespmem:s0+$0x147D0]  }
0x51c: {  	s11 =	smulhi.u32 $0x51EB851F, s8;
	s3 =	sshrl.u32 s3, $0x6;
	s1 =	sshll.u32 s29, $0x7;
	v11 =	vld [tilespmem:s0+$0x147E0]  }
0x51d: {  	s3 =	smul.u32 $0xC8, s3;
	s10 =	sand.u32 $0x3FFFFF80, s1;
	v12 =	vld [tilespmem:s0+$0x147F0]  }
0x51e: {  	v50 =	vld [tilespmem:s10+$0xC290]  }
0x51f: {  	s5 =	ssub.s32 s30, s3;
	s3 =	sshrl.u32 s11, $0x6;
	v13 =	vld [tilespmem:s10+$0xC2A0]  }
0x520: {  	v52 =	vld [tilespmem:s10+$0xC2B0];
	s3 =	smul.u32 $0xC8, s3  }
0x521: {  	s18 =	sor.u32 $0x3, s13;
	s6 =	sshll.u32 s5, $0x7;
	v15 =	vld [tilespmem:s10+$0xC2D0]  }
0x522: {  	s19 =	sor.u32 s24, s18;
	v7 =	vmul.f32 v1, v26;
	v53 =	vld [tilespmem:s6+$0x147B0];
	s15 =	ssub.s32 s8, s3;
	v0 =	vadd.f32 v2, v0  }
0x523: {  	s28 =	sor.u32 $0x4, s13;
	s21 =	smulhi.u32 $0x51EB851F, s19;
	v56 =	vld [tilespmem:s6+$0x147C0];
	s17 =	sshll.u32 s15, $0x7;
	v3 =	vadd.f32 v4, v3;
	v4 =	vmul.f32 v1, v23  }
0x524: {  	s29 =	sor.u32 s24, s28;
	v34 =	vld [tilespmem:s17+$0x14780];
	v51 =	vadd.f32 v0, v7  }
0x525: {  	s30 =	smulhi.u32 $0x51EB851F, s29;
	s3 =	sshrl.u32 s21, $0x6;
	v42 =	vadd.f32 v6, v5;
	v5 =	vld [tilespmem:s16+$0xC2D0];
	v45 =	vadd.f32 v3, v4;
	v4 =	vmul.f32 v1, v25  }
0x526: {  	v43 =	vmul.f32 v1, v17;
	s3 =	smul.u32 $0xC8, s3;
	v38 =	vld [tilespmem:s17+$0x14790];
	v2 =	vadd.f32 v8, v40;
	v6 =	vmul.f32 v51, v51  }
0x527: {  	v7 =	vmul.f32 v45, v45;
	v57 =	vadd.f32 v42, v4;
	v4 =	vld [tilespmem:s16+$0xC2E0];
	v8 =	vadd.f32 v45, v51  }
0x528: {  	v46 =	vadd.f32 v41, v9;
	v9 =	vmul.f32 v1, v18;
	v40 =	vld [tilespmem:s17+$0x147B0];
	s26 =	ssub.s32 s19, s3;
	s3 =	sshrl.u32 s30, $0x6;
	v58 =	vadd.f32 v2, v43  }
0x529: {  	s3 =	smul.u32 $0xC8, s3;
	v0 =	vld.msk [tilespmem:s13+$0x14581 ss:$0x0], $0xffff;
	v6 =	vadd.f32 v7, v6;
	v7 =	vmul.f32 v57, v57;
	v8 =	vadd.f32 v57, v8  }
0x52a: {  	s0 =	sshll.u32 s28, $0x7;
	v61 =	vadd.f32 v46, v9;
	v9 =	vld [tilespmem:s10+$0xC280];
	v49 =	vadd.f32 v10, v5;
	v5 =	vmul.f32 v1, v19  }
0x52b: {  	v43 =	vld [tilespmem:s17+$0x147D0];
	s5 =	ssub.s32 s29, s3;
	s29 =	sand.u32 $0x3FFFFF80, s0;
	v6 =	vadd.f32 v7, v6;
	v7 =	vmul.f32 v58, v58;
	v8 =	vadd.f32 v58, v8  }
0x52c: {  	v22 =	vld [tilespmem:s29+$0xC2A0];
	v62 =	vadd.f32 v49, v5;
	v5 =	vmul.f32 v1, v20;
	v4 =	vadd.f32 v11, v4  }
0x52d: {  	v11 =	vld [tilespmem:s6+$0x14790];
	v6 =	vadd.f32 v7, v6;
	v7 =	vmul.f32 v61, v61;
	v8 =	vadd.f32 v61, v8  }
0x52e: {  	v2 =	vadd.f32 v12, v44;
	v10 =	vld [tilespmem:s6+$0x14780];
	v1 =	vmul.f32 v1, v21;
	v14 =	vadd.f32 v4, v5  }
0x52f: {  	v4 =	vld [tilespmem:s6+$0x147A0];
	v6 =	vadd.f32 v7, v6;
	v7 =	vmul.f32 v62, v62;
	v5 =	vadd.f32 v62, v8  }
0x530: {  	v8 =	vadd.f32 v2, v1;
	v2 =	vadd.f32 v53, v52;
	v52 =	vld [tilespmem:$0x1FFD0]  }
0x531: {  	s23 =	sshll.u32 s18, $0x7;
	v6 =	vadd.f32 v7, v6;
	v7 =	vmul.f32 v14, v14;
	v54 =	vadd.f32 v14, v5;
	v5 =	vld [tilespmem:s10+$0xC2C0]  }
0x532: {  	s23 =	sand.u32 $0x3FFFFF80, s23;
	v3 =	vadd.f32 v11, v50;
	v11 =	vld [tilespmem:s6+$0x147E0]  }
0x533: {  	s1 =	sshll.u32 s26, $0x7;
	v6 =	vadd.f32 v7, v6;
	v7 =	vmul.f32 v8, v8;
	v1 =	vadd.f32 v8, v54;
	v54 =	vld [tilespmem:s23+$0xC280]  }
0x534: {  	v60 =	vadd.f32 v4, v13;
	v13 =	vld [tilespmem:s1+$0x147E0]  }
0x535: {  	v6 =	vadd.f32 v7, v6;
	v7 =	vadd.f32 v10, v9;
	v9 =	vld [tilespmem:s6+$0x147D0]  }
0x536: {  	v4 =	vmul.f32 v0, v25;
	v10 =	vld [tilespmem:s10+$0xC2E0]  }
0x537: {  	(xrf2) =	vadd.scan.msk.f32 $0xffff, v1;
	v1 =	vld.msk [tilespmem:s13+$0x14582 ss:$0x0], $0xffff  }
0x538: {  	[tilespmem:$0x1F960] =	vst v8;
	v8 =	vmul.f32 v0, v23;
	v28 =	vadd.f32 v60, v4;
	v4 =	vld [tilespmem:s25+$0xC280]  }
0x539: {  	v59 =	vmul.f32 v0, v26;
	v37 =	vadd.f32 v56, v5;
	v5 =	vmul.f32 v0, v18;
	v18 =	vld [tilespmem:s25+$0xC2A0]  }
0x53a: {  	v41 =	vadd.f32 v3, v8;
	v3 =	vmul.f32 v0, v32;
	(xrf2) =	vadd.scan.msk.f32 $0xffff, v6;
	v6 =	vld [tilespmem:s10+$0xC2F0]  }
0x53b: {  	v29 =	vadd.f32 v7, v59;
	v7 =	vld [tilespmem:s6+$0x147F0]  }
0x53c: {  	v50 =	vadd.f32 v2, v3;
	v3 =	vld.msk [tilespmem:s13+$0x14583 ss:$0x0], $0xffff  }
0x53d: {  	v53 =	vadd.f32 v37, v5;
	v5 =	vld [tilespmem:$0x1FF90]  }
0x53e: {  	v17 =	vmul.f32 v41, v41;
	v37 =	vld [tilespmem:s29+$0xC290];
	v63 =	vmul.f32 v29, v29  }
0x53f: {  	v39 =	vadd.f32 v9, v15;
	v9 =	vld [tilespmem:s17+$0x147A0]  }
0x540: {  	v16 =	vadd.f32 v41, v29;
	v15 =	vld [tilespmem:s25+$0xC2B0];
	v33 =	vadd.f32 v17, v63;
	v17 =	vmul.f32 v28, v28  }
0x541: {  	v2 =	vadd.f32 v38, v36;
	v4 =	vadd.f32 v34, v4;
	v42 =	vmul.f32 v1, v23;
	v34 =	vld [tilespmem:s23+$0xC2B0]  }
0x542: {  	v16 =	vadd.f32 v28, v16;
	v63 =	vld [tilespmem:$0x1FED0];
	v12 =	vadd.f32 v17, v33;
	v17 =	vmul.f32 v50, v50  }
0x543: {  	v8 =	vadd.f32 v2, v42;
	v6 =	vadd.f32 v7, v6;
	v7 =	vld [tilespmem:$0x1FF30];
	v5 =	vmul.f32 v0, v5  }
0x544: {  	v42 =	vld [tilespmem:$0x1FEC0];
	v16 =	vadd.f32 v50, v16;
	v12 =	vadd.f32 v17, v12  }
0x545: {  	v33 =	vld [tilespmem:$0x1FF90];
	v19, _, _ =	vpop (xrf2);
	v56 =	vadd.f32 v39, v5;
	v5 =	vadd.f32 v11, v10;
	v10 =	vmul.f32 v0, v20  }
0x546: {  	v16 =	vadd.f32 v53, v16;
	v11 =	vld [tilespmem:s25+$0xC2C0];
	(v2sf) =	vpush v19, $0xF;
	v19 =	vmul.f32 v53, v53  }
0x547: {  	v20 =	vld [tilespmem:s25+$0xC2E0];
	v44 =	vadd.f32 v9, v18;
	v59 =	vadd.f32 v5, v10;
	v10 =	vmul.f32 v1, v26  }
0x548: {  	v17, _, _ =	vpop (xrf2);
	v16 =	vadd.f32 v56, v16;
	v5 =	vld [tilespmem:s25+$0xC2D0];
	v12 =	vadd.f32 v19, v12;
	v19 =	vmul.f32 v56, v56  }
0x549: {  	v9 =	vmul.f32 v1, v25;
	(v2sf) =	vpush v17, $0xF;
	v17 =	vld [tilespmem:s17+$0x147C0];
	v21 =	vadd.f32 v4, v10  }
0x54a: {  	v0 =	vmul.f32 v0, v7;
	v4 =	vld [tilespmem:s17+$0x147E0];
	v12 =	vadd.f32 v19, v12;
	v19 =	vmul.f32 v59, v59  }
0x54b: {  	v16 =	vadd.f32 v59, v16;
	[tilespmem:$0x1F970] =	vst v21;
	v46 =	vmul.f32 v21, v21;
	v18 =	vadd.f32 v8, v21;
	v21 =	vld [tilespmem:s17+$0x147F0]  }
0x54c: {  	v25 =	vadd.f32 v6, v0;
	v10 =	vadd.f32 v19, v12;
	v12 =	vld [tilespmem:s25+$0xC2F0]  }
0x54d: {  	[tilespmem:$0x1F980] =	vst v8;
	v19 =	vmul.f32 v8, v8;
	v8 =	vadd.f32 v44, v9;
	v44 =	vld [tilespmem:$0x1FEB0]  }
0x54e: {  	[tilespmem:$0x1F950] =	vst v14;
	v14 =	vadd.f32 v25, v16;
	v32 =	vadd.f32 v43, v5;
	v5 =	vmul.f32 v1, v33;
	v33 =	vld [tilespmem:$0x1FED0]  }
0x54f: {  	v49 =	vadd.f32 v40, v15;
	v9 =	vmul.f32 v1, v52;
	v60 =	vadd.f32 v17, v11;
	v11 =	vld [tilespmem:s23+$0xC290]  }
0x550: {  	v16 =	vmul.f32 v25, v25;
	(xrf2) =	vadd.scan.msk.f32 $0xffff, v14;
	v14 =	vld [tilespmem:$0x1FFD0]  }
0x551: {  	[tilespmem:$0x1F990] =	vst v8;
	v15 =	vadd.f32 v8, v18;
	v18 =	vmul.f32 v8, v8;
	v8 =	vadd.f32 v49, v9;
	v9 =	vld [tilespmem:s1+$0x14780]  }
0x552: {  	v40 =	vadd.f32 v32, v5;
	v5 =	vadd.f32 v16, v10;
	v16 =	vld [tilespmem:s1+$0x147B0]  }
0x553: {  	v4 =	vadd.f32 v4, v20;
	v20 =	vld [tilespmem:s23+$0xC2C0]  }
0x554: {  	v7 =	vadd.f32 v19, v46;
	v46 =	vld [tilespmem:$0x1FF30]  }
0x555: {  	v6 =	vmul.f32 v1, v63;
	v10 =	vmul.f32 v1, v42;
	v42 =	vld [tilespmem:$0x1FF90]  }
0x556: {  	v7 =	vadd.f32 v18, v7;
	v18 =	vld [tilespmem:s1+$0x14790]  }
0x557: {  	v36 =	vadd.f32 v60, v6;
	v6 =	vld [tilespmem:s23+$0xC2A0];
	v17 =	vmul.f32 v8, v8  }
0x558: {  	v43 =	vmul.f32 v3, v23;
	v15 =	vadd.f32 v8, v15;
	v39 =	vadd.f32 v4, v10;
	v10 =	vld [tilespmem:s1+$0x147C0]  }
0x559: {  	v19 =	vmul.f32 v36, v36;
	v12 =	vadd.f32 v21, v12;
	v7 =	vadd.f32 v17, v7;
	v17 =	vld [tilespmem:s1+$0x147A0]  }
0x55a: {  	v15 =	vadd.f32 v36, v15;
	v4 =	vadd.f32 v9, v54;
	v9 =	vmul.f32 v3, v26;
	v54 =	vld [tilespmem:$0x1FFD0]  }
0x55b: {  	v7 =	vadd.f32 v19, v7;
	v19 =	vmul.f32 v40, v40;
	v11 =	vadd.f32 v18, v11;
	v18 =	vld [tilespmem:s23+$0xC2D0]  }
0x55c: {  	v1 =	vmul.f32 v1, v46;
	v15 =	vadd.f32 v40, v15;
	v24 =	vadd.f32 v4, v9;
	v4 =	vld [tilespmem:s1+$0x147D0]  }
0x55d: {  	v32 =	vadd.f32 v10, v20;
	v10 =	vld [tilespmem:s29+$0xC280];
	v7 =	vadd.f32 v19, v7;
	v19 =	vmul.f32 v39, v39  }
0x55e: {  	s6 =	sor.u32 $0x5, s13;
	[tilespmem:$0x1F9A0] =	vst v8;
	v9 =	vmul.f32 v3, v44;
	v8 =	vadd.f32 v11, v43;
	v6 =	vadd.f32 v17, v6;
	v11 =	vld [tilespmem:s23+$0xC2E0]  }
0x55f: {  	s7 =	sor.u32 s24, s6;
	v52 =	vadd.f32 v12, v1;
	v43 =	vmul.f32 v3, v42;
	v42 =	vld [tilespmem:$0x1FF30];
	v7 =	vadd.f32 v19, v7  }
0x560: {  	s8 =	smulhi.u32 $0x51EB851F, s7;
	v49 =	vmov v8;
	[tilespmem:$0x1F9C0] =	vst v8;
	v19 =	vmul.f32 v8, v8;
	v8 =	vadd.f32 v6, v9;
	v6 =	vld [tilespmem:s23+$0xC2F0]  }
0x561: {  	v9 =	vld [tilespmem:s1+$0x147F0];
	s1 =	sshll.u32 s5, $0x7  }
0x562: {  	s3 =	sshrl.u32 s8, $0x6;
	v15 =	vadd.f32 v39, v15;
	v21 =	vmul.f32 v52, v52;
	v20 =	vld [tilespmem:s1+$0x14780]  }
0x563: {  	s3 =	smul.u32 $0xC8, s3;
	v4 =	vadd.f32 v4, v18;
	v18 =	vld [tilespmem:s1+$0x14790]  }
0x564: {  	s0 =	sshll.u32 s6, $0x7;
	v15 =	vadd.f32 v52, v15;
	v7 =	vadd.f32 v21, v7;
	v21 =	vld [tilespmem:s29+$0xC2C0]  }
0x565: {  	s11 =	ssub.s32 s7, s3;
	s7 =	sand.u32 $0x3FFFFF80, s0;
	(xrf2) =	vadd.scan.msk.f32 $0xffff, v5;
	v17 =	vmul.f32 v24, v24;
	v60 =	vadd.f32 v49, v24;
	v49 =	vld [tilespmem:$0x1FEC0]  }
0x566: {  	v0 =	vadd.f32 v16, v34;
	v1 =	vmul.f32 v3, v54;
	(xrf2) =	vadd.scan.msk.f32 $0xffff, v15;
	v15 =	vld [tilespmem:s7+$0xC280]  }
0x567: {  	v16 =	vadd.f32 v19, v17;
	v63 =	vmov v8;
	v19 =	vld.msk [tilespmem:s13+$0x14584 ss:$0x0], $0xffff  }
0x568: {  	[tilespmem:$0x1F9D0] =	vst v8;
	v17 =	vmul.f32 v8, v8;
	v8 =	vadd.f32 v0, v1;
	v1 =	vmul.f32 v3, v33;
	v33 =	vld [tilespmem:$0x1FED0]  }
0x569: {  	v2 =	vadd.f32 v4, v43;
	v4 =	vld [tilespmem:s1+$0x147A0]  }
0x56a: {  	v12 =	vadd.f32 v63, v60;
	v60 =	vld [tilespmem:s29+$0xC2D0];
	v16 =	vadd.f32 v17, v16  }
0x56b: {  	v63 =	vld [tilespmem:$0x1FEB0];
	v34 =	vmov v8;
	[tilespmem:$0x1F9E0] =	vst v8;
	v17 =	vmul.f32 v8, v8;
	v8 =	vadd.f32 v32, v1  }
0x56c: {  	v11 =	vadd.f32 v13, v11;
	v13 =	vld [tilespmem:$0x1FF30];
	v38 =	vadd.f32 v34, v12  }
0x56d: {  	v32 =	vld [tilespmem:s29+$0xC2F0];
	v6 =	vadd.f32 v9, v6;
	v16 =	vadd.f32 v17, v16;
	v17 =	vmul.f32 v8, v8  }
0x56e: {  	v10 =	vadd.f32 v20, v10;
	v20 =	vld [tilespmem:s1+$0x147B0];
	v0 =	vadd.f32 v18, v37;
	v54 =	vmul.f32 v3, v49  }
0x56f: {  	v49 =	vld [tilespmem:s7+$0xC290];
	v1 =	vadd.f32 v8, v38;
	v46 =	vmul.f32 v19, v26;
	v18 =	vmul.f32 v19, v23  }
0x570: {  	v34 =	vmul.f32 v19, v33;
	v33 =	vld [tilespmem:$0x1FEC0];
	v44 =	vadd.f32 v17, v16;
	v17 =	vmul.f32 v2, v2  }
0x571: {  	[tilespmem:$0x1F9B0] =	vst v24;
	v16 =	vld [tilespmem:s29+$0xC2B0];
	v24 =	vadd.f32 v11, v54;
	v4 =	vadd.f32 v4, v22;
	v3 =	vmul.f32 v3, v13  }
0x572: {  	[tilespmem:$0x1F9F0] =	vst v8;
	v5 =	vmul.f32 v19, v63;
	v11 =	vld [tilespmem:s29+$0xC2E0];
	v8 =	vadd.f32 v10, v46;
	v18 =	vadd.f32 v0, v18  }
0x573: {  	v12 =	vadd.f32 v17, v44;
	v17 =	vld [tilespmem:s1+$0x147C0];
	v38 =	vadd.f32 v6, v3;
	v6 =	vmul.f32 v24, v24  }
0x574: {  	v13 =	vld [tilespmem:s1+$0x147E0];
	v1 =	vadd.f32 v2, v1;
	v9 =	vadd.f32 v18, v8;
	v22 =	vmov v8  }
0x575: {  	v10 =	vld [tilespmem:s1+$0x147D0];
	[tilespmem:$0x1FA20] =	vst v8;
	v8 =	vadd.f32 v4, v5;
	v6 =	vadd.f32 v6, v12;
	v37 =	vmul.f32 v38, v38  }
0x576: {  	s6 =	sshll.u32 s11, $0x7;
	v46 =	vld [tilespmem:$0x1FF90];
	v5 =	vmul.f32 v19, v14;
	v1 =	vadd.f32 v24, v1;
	v4 =	vadd.f32 v20, v16  }
0x577: {  	(xrf2) =	vadd.scan.msk.f32 $0xffff, v7;
	v63 =	vld [tilespmem:s6+$0x14790];
	v7 =	vadd.f32 v8, v9;
	v6 =	vadd.f32 v37, v6  }
0x578: {  	[tilespmem:$0x1FA00] =	vst v2;
	v16, _, _ =	vpop (xrf2);
	v37 =	vld [tilespmem:s6+$0x147A0];
	v2 =	vadd.f32 v4, v5;
	v9 =	vadd.f32 v17, v21  }
0x579: {  	s14 =	sor.u32 $0x6, s13;
	(v2sf) =	vpush v16, $0xF;
	v4 =	vld [tilespmem:s1+$0x147F0];
	v5 =	vadd.f32 v38, v1  }
0x57a: {  	s0 =	sshll.u32 s14, $0x7;
	[tilespmem:$0x1FA30] =	vst v18;
	v16 =	vmul.f32 v18, v18;
	v18 =	vld [tilespmem:s6+$0x147D0];
	v7 =	vadd.f32 v2, v7;
	v43 =	vadd.f32 v9, v34  }
0x57b: {  	s26 =	sand.u32 $0x3FFFFF80, s0;
	v0 =	vadd.f32 v10, v60;
	v54, _, _ =	vpop (xrf2);
	v1 =	vld.msk [tilespmem:s13+$0x14585 ss:$0x0], $0xffff;
	(xrf2) =	vadd.scan.msk.f32 $0xffff, v5;
	v5 =	vmul.f32 v19, v46  }
0x57c: {  	v10 =	vmul.f32 v22, v22;
	(v2sf) =	vpush v54, $0xF;
	v21 =	vld [tilespmem:s26+$0xC2B0];
	v7 =	vadd.f32 v43, v7  }
0x57d: {  	s15 =	sor.u32 s24, s14;
	v9 =	vld [tilespmem:s6+$0x14780];
	(xrf2) =	vadd.scan.msk.f32 $0xffff, v6;
	v6 =	vmul.f32 v19, v33;
	v60 =	vadd.f32 v0, v5;
	v5 =	vadd.f32 v13, v11  }
0x57e: {  	s17 =	smulhi.u32 $0x51EB851F, s15;
	v10 =	vadd.f32 v16, v10;
	v17 =	vmovc v2;
	v34 =	vmul.f32 v8, v8;
	v33 =	vld [tilespmem:$0x1FEB0];
	v3 =	vadd.f32 v4, v32  }
0x57f: {  	v16, _, _ =	vpop (xrf2);
	v11 =	vld [tilespmem:s7+$0xC2A0];
	v4 =	vmul.f32 v19, v42;
	v7 =	vadd.f32 v60, v7;
	v20 =	vadd.f32 v5, v6  }
0x580: {  	s2 =	sshrl.u32 s17, $0x6;
	(v2sf) =	vpush v16, $0xF;
	v16 =	vmul.f32 v17, v17;
	v17 =	vld [tilespmem:s6+$0x147C0];
	v6 =	vadd.f32 v34, v10  }
0x581: {  	s2 =	smul.u32 $0xC8, s2;
	v44, _, _ =	vpop (xrf2);
	v13 =	vld.msk [tilespmem:s13+$0x14586 ss:$0x0], $0xffff;
	v32 =	vadd.f32 v3, v4;
	v7 =	vadd.f32 v20, v7  }
0x582: {  	(v2sf) =	vpush v44, $0xF;
	v44 =	vld [tilespmem:s26+$0xC290];
	v9 =	vadd.f32 v9, v15  }
0x583: {  	s1 =	ssub.s32 s15, s2;
	v5 =	vld [tilespmem:s7+$0xC2B0];
	v15 =	vmul.f32 v1, v26;
	v4 =	vadd.f32 v16, v6;
	v6 =	vadd.f32 v32, v7  }
0x584: {  	[tilespmem:$0x1FA40] =	vst v8;
	s14 =	sshll.u32 s1, $0x7;
	v10 =	vld [tilespmem:s6+$0x147B0];
	v16 =	vmul.f32 v43, v43  }
0x585: {  	v0 =	vadd.f32 v63, v49;
	v34 =	vld [tilespmem:s14+$0x14780];
	v8 =	vadd.f32 v9, v15;
	(xrf2) =	vadd.scan.msk.f32 $0xffff, v6;
	v6 =	vmul.f32 v1, v23  }
0x586: {  	v49 =	vmul.f32 v60, v60;
	v3 =	vld [tilespmem:s7+$0xC2C0];
	v54 =	vadd.f32 v37, v11;
	v4 =	vadd.f32 v16, v4;
	v46, _, _ =	vpop (xrf2)  }
0x587: {  	(v2sf) =	vpush v46, $0xF;
	v9, _, _ =	vpop (xrf2);
	v46 =	vld [tilespmem:$0x1FFD0];
	v63 =	vadd.f32 v0, v6;
	v6 =	vmul.f32 v1, v33  }
0x588: {  	v11 =	vld [tilespmem:s26+$0xC280];
	v4 =	vadd.f32 v49, v4;
	(v2sf) =	vpush v9, $0xF;
	v9 =	vmul.f32 v20, v20  }
0x589: {  	v42 =	vmul.f32 v8, v8;
	v49 =	vld [tilespmem:$0x1FED0];
	v15 =	vmul.f32 v63, v63;
	v37 =	vadd.f32 v54, v6  }
0x58a: {  	v6 =	vadd.f32 v9, v4;
	v9 =	vld [tilespmem:s14+$0x14790]  }
0x58b: {  	v3 =	vadd.f32 v17, v3;
	v17 =	vld [tilespmem:s26+$0xC2A0];
	v14 =	vadd.f32 v15, v42;
	v15 =	vmul.f32 v37, v37  }
0x58c: {  	v4 =	vadd.f32 v10, v5;
	v5 =	vmul.f32 v1, v46;
	v42 =	vld [tilespmem:$0x1FF90]  }
0x58d: {  	v33 =	vadd.f32 v34, v11;
	v14 =	vadd.f32 v15, v14;
	v15 =	vld [tilespmem:s14+$0x147A0]  }
0x58e: {  	v34 =	vmul.f32 v13, v26;
	v54 =	vmovc v27;
	v27 =	vadd.f32 v4, v5;
	v5 =	vmul.f32 v1, v49;
	v49 =	vld [tilespmem:$0x1FEB0]  }
0x58f: {  	v7 =	vld [tilespmem:s7+$0xC2D0];
	v10 =	vmul.f32 v32, v32;
	v0 =	vadd.f32 v9, v44;
	v9 =	vmul.f32 v13, v23  }
0x590: {  	v34 =	vadd.f32 v33, v34;
	v33 =	vld [tilespmem:$0x1FFD0]  }
0x591: {  	[tilespmem:$0x1FA60] =	vst v20;
	v10 =	vadd.f32 v10, v6;
	v20 =	vmul.f32 v27, v27;
	v11, _, _ =	vpop (xrf2);
	v6 =	vadd.f32 v0, v9;
	v9 =	vld [tilespmem:s26+$0xC2C0]  }
0x592: {  	s18 =	spop (v2sf);
	(v2sf) =	vpush v11, $0xF;
	v44 =	vmul.f32 v1, v42;
	v42 =	vld [tilespmem:$0x1FED0]  }
0x593: {  	v11 =	vadd.f32 v20, v14;
	v14 =	vld [tilespmem:s14+$0x147B0];
	v46 =	vadd.f32 v15, v17;
	v15 =	vmul.f32 v13, v49  }
0x594: {  	v7 =	vadd.f32 v18, v7;
	(xrf2) =	vadd.scan.msk.f32 $0xffff, v10;
	v10 =	vmul.f32 v34, v34;
	v17 =	vld [tilespmem:s14+$0x147C0];
	v22 =	vmul.f32 v6, v6  }
0x595: {  	v30 =	vadd.f32 v46, v15;
	v15 =	vld [tilespmem:s26+$0xC2D0]  }
0x596: {  	v12 =	vadd.f32 v7, v44;
	v7 =	vadd.f32 v22, v10;
	v10 =	vld [tilespmem:s14+$0x147D0]  }
0x597: {  	s28 =	sor.u32 $0x7, s13;
	v46 =	vld [tilespmem:$0x1FF90]  }
0x598: {  	s30 =	sor.u32 s24, s28;
	[tilespmem:$0x1FA10] =	vst v24;
	v24 =	vadd.f32 v3, v5  }
0x599: {  	s5 =	smulhi.u32 $0x51EB851F, s30;
	v19 =	vld [tilespmem:s7+$0xC2E0]  }
0x59a: {  	v16 =	vld [tilespmem:s6+$0x147E0];
	v20 =	vmul.f32 v24, v24  }
0x59b: {  	s5 =	sshrl.u32 s5, $0x6;
	v44 =	vld [tilespmem:$0x1FEC0];
	v14 =	vadd.f32 v14, v21;
	v21 =	vmul.f32 v13, v33;
	v9 =	vadd.f32 v17, v9  }
0x59c: {  	s5 =	smul.u32 $0xC8, s5;
	v18 =	vld [tilespmem:s6+$0x147F0];
	v17 =	vmul.f32 v13, v42;
	v10 =	vadd.f32 v10, v15;
	v42 =	vmul.f32 v13, v46  }
0x59d: {  	s1 =	sshll.u32 s28, $0x7;
	v5 =	vld [tilespmem:s7+$0xC2F0];
	v11 =	vadd.f32 v20, v11;
	v20 =	vmul.f32 v30, v30  }
0x59e: {  	s3 =	ssub.s32 s30, s5;
	s28 =	sand.u32 $0x3FFFFF80, s1;
	v33 =	vadd.f32 v14, v21;
	v10 =	vadd.f32 v10, v42;
	v42 =	vld [tilespmem:$0x1FF30]  }
0x59f: {  	s30 =	sshll.u32 s3, $0x7;
	v16 =	vadd.f32 v16, v19;
	v20 =	vadd.f32 v20, v7;
	v21 =	vld [tilespmem:s28+$0xC280]  }
0x5a0: {  	v49 =	vadd.f32 v9, v17;
	v17 =	vmul.f32 v1, v44;
	v44 =	vmovc v48;
	v48 =	vld [tilespmem:s30+$0x14780];
	v23 =	vmul.f32 v33, v33  }
0x5a1: {  	v19 =	vld [tilespmem:s14+$0x147E0]  }
0x5a2: {  	v0 =	vld [tilespmem:s30+$0x147A0];
	v15 =	vadd.f32 v16, v17;
	v17 =	vmul.f32 v49, v49;
	v16 =	vadd.f32 v23, v20  }
0x5a3: {  	v22 =	vld [tilespmem:s26+$0xC2E0];
	v5 =	vadd.f32 v18, v5;
	v1 =	vmul.f32 v1, v42  }
0x5a4: {  	v14 =	vld.msk [tilespmem:s13+$0x14587 ss:$0x0], $0xffff;
	v16 =	vadd.f32 v17, v16  }
0x5a5: {  	v9 =	vmul.f32 v12, v12;
	v17 =	vadd.f32 v5, v1;
	v1 =	vadd.f32 v48, v21;
	v48 =	vld [tilespmem:$0x1FEA0]  }
0x5a6: {  	v42 =	vld [tilespmem:s28+$0xC2A0]  }
0x5a7: {  	v18, _, _ =	vpop (xrf2);
	v9 =	vadd.f32 v9, v11;
	v11 =	vld [tilespmem:s28+$0xC290]  }
0x5a8: {  	s19 =	spop (v2sf);
	(v2sf) =	vpush v18, $0xF;
	v20 =	vld [tilespmem:s30+$0x14790];
	v18 =	vmul.f32 v10, v10;
	_ =	sdelay $0x1  }
0x5a9: {  	v18 =	vadd.f32 v18, v16;
	v16 =	vadd.f32 v19, v22;
	v19 =	vmul.f32 v14, v48;
	v48 =	vld [tilespmem:$0x1FEC0]  }
0x5aa: {  	s2 =	smul.f32 $7.812500000e-03, s18;
	v0 =	vadd.f32 v0, v42;
	v42 =	vld [tilespmem:$0x1FEB0]  }
0x5ab: {  	s0 =	smul.f32 $7.812500000e-03, s19  }
0x5ac: {  	s21 =	smul.f32 s2, s2;
	v11 =	vadd.f32 v20, v11;
	v20 =	vld [tilespmem:s30+$0x147B0];
	v5 =	vmul.f32 v14, v26  }
0x5ad: {  	v21 =	vld [tilespmem:s28+$0xC2B0]  }
0x5ae: {  	s0 =	ssub.f32 s0, s21;
	v46 =	vmovc v31;
	v31 =	vadd.f32 v1, v5;
	v5 =	vadd.f32 v63, v8;
	v1 =	vld [tilespmem:$0x1FFD0];
	v22 =	vmul.f32 v13, v48  }
0x5af: {  	v48 =	vadd.f32 v11, v19;
	v19 =	vmul.f32 v14, v42  }
0x5b0: {  	s0 =	sadd.f32 $9.999999960e-13, s0;
	v5 =	vadd.f32 v37, v5;
	v16 =	vadd.f32 v16, v22  }
0x5b1: {  	v42 =	vadd.f32 v0, v19;
	v0 =	vmul.f32 v31, v31;
	v19 =	vmul.f32 v48, v48  }
0x5b2: {  	s15 =	smul.f32 $5.000000000e-01, s0;
	s0 =	sshra.s32 s0, $0x1;
	v20 =	vadd.f32 v20, v21;
	v21 =	vadd.f32 v27, v5  }
0x5b3: {  	s0 =	ssub.s32 $0x5F3759DF, s0;
	v5 =	vmul.f32 v14, v1;
	v11 =	vld [tilespmem:s26+$0xC2F0];
	v1 =	vadd.f32 v19, v0;
	v0 =	vmul.f32 v16, v16  }
0x5b4: {  	s8 =	smul.f32 s0, s15;
	s11 =	spop (v2sf);
	v22 =	vld [tilespmem:s14+$0x147F0]  }
0x5b5: {  	s6 =	smul.f32 $7.812500000e-03, s11;
	s11 =	spop (v2sf);
	v23 =	vmul.f32 v15, v15;
	v4 =	vadd.f32 v0, v18;
	v0 =	vld [tilespmem:$0x1FED0]  }
0x5b6: {  	s17 =	smul.f32 $7.812500000e-03, s11  }
0x5b7: {  	[tilespmem:$0x1FA50] =	vst v2;
	v2 =	vld [tilespmem:s30+$0x147C0];
	s18 =	smul.f32 s6, s6;
	v9 =	vadd.f32 v23, v9  }
0x5b8: {  	s19 =	smul.f32 s0, s8;
	v23 =	vld [tilespmem:s28+$0xC2C0];
	v26 =	vadd.f32 v20, v5;
	v20 =	vadd.f32 v24, v21;
	v21 =	vmul.f32 v42, v42  }
0x5b9: {  	s1 =	ssub.f32 s17, s18;
	v19 =	vmul.f32 v17, v17  }
0x5ba: {  	s21 =	ssub.f32 $1.500000000e+00, s19;
	v1 =	vadd.f32 v21, v1;
	v21 =	vadd.f32 v22, v11;
	v11 =	vmul.f32 v14, v0;
	v0 =	vld [tilespmem:$0x1FF90]  }
0x5bb: {  	s1 =	sadd.f32 $9.999999960e-13, s1  }
0x5bc: {  	s0 =	smul.f32 s0, s21;
	v3 =	vld [tilespmem:s28+$0xC2D0];
	v19 =	vadd.f32 v19, v9;
	v9 =	vadd.f32 v12, v20;
	v20 =	vmul.f32 v26, v26  }
0x5bd: {  	s5 =	sshra.s32 s1, $0x1;
	s21 =	smul.f32 $5.000000000e-01, s1;
	v2 =	vadd.f32 v2, v23;
	v18 =	vld [tilespmem:s30+$0x147D0]  }
0x5be: {  	s8 =	smul.f32 s0, s15;
	s3 =	ssub.s32 $0x5F3759DF, s5;
	v1 =	vadd.f32 v20, v1  }
0x5bf: {  	s11 =	smul.f32 s3, s21;
	v20 =	vadd.f32 v15, v9;
	v9 =	vadd.f32 v2, v11;
	v11 =	vmul.f32 v14, v0;
	v0 =	vld [tilespmem:$0x1FF30]  }
0x5c0: {  	s1 =	smul.f32 s8, s0  }
0x5c1: {  	s17 =	spop (v2sf);
	s5 =	smul.f32 s3, s11  }
0x5c2: {  	s18 =	spop (v2sf);
	s14 =	smul.f32 $7.812500000e-03, s17;
	v3 =	vadd.f32 v18, v3  }
0x5c3: {  	s8 =	smul.f32 $7.812500000e-03, s18  }
0x5c4: {  	s5 =	ssub.f32 $1.500000000e+00, s5;
	v23 =	vld [tilespmem:s30+$0x147E0];
	s19 =	smul.f32 s14, s14;
	v11 =	vadd.f32 v3, v11;
	v3 =	vmul.f32 v13, v0  }
0x5c5: {  	s1 =	ssub.f32 $1.500000000e+00, s1;
	v18 =	vadd.f32 v17, v20;
	v20 =	vld [tilespmem:s28+$0xC2E0]  }
0x5c6: {  	s3 =	smul.f32 s3, s5;
	s11 =	ssub.f32 s8, s19;
	v2 =	vadd.f32 v6, v34;
	v7 =	vadd.f32 v21, v3;
	v3 =	vld [tilespmem:$0x1FEC0]  }
0x5c7: {  	s1 =	smul.f32 s1, s0;
	v13 =	vmul.f32 v9, v9  }
0x5c8: {  	s17 =	smul.f32 s3, s21;
	v22 =	vadd.f32 v48, v31;
	s0 =	sadd.f32 $9.999999960e-13, s11;
	v2 =	vadd.f32 v30, v2  }
0x5c9: {  	s8 =	smul.f32 s1, s15;
	(xrf2) =	vadd.scan.msk.f32 $0xffff, v18;
	v18 =	vld [tilespmem:s30+$0x147F0];
	v1 =	vadd.f32 v13, v1;
	v13 =	vmul.f32 v11, v11  }
0x5ca: {  	v22 =	vadd.f32 v42, v22;
	s18 =	sshra.s32 s0, $0x1;
	s5 =	smul.f32 $5.000000000e-01, s0;
	v2 =	vadd.f32 v33, v2;
	v0 =	vld [tilespmem:s28+$0xC2F0]  }
0x5cb: {  	s19 =	smul.f32 s17, s3;
	s11 =	ssub.s32 $0x5F3759DF, s18;
	v1 =	vadd.f32 v13, v1;
	v13 =	vadd.f32 v23, v20;
	v20 =	vmul.f32 v14, v3;
	v3 =	vld [tilespmem:$0x1FF30]  }
0x5cc: {  	s18 =	spop (v2sf);
	s17 =	smul.f32 s11, s5  }
0x5cd: {  	s15 =	smul.f32 $7.812500000e-03, s18;
	s18 =	spop (v2sf);
	(xrf2) =	vadd.scan.msk.f32 $0xffff, v19;
	v19 =	vadd.f32 v26, v22;
	v2 =	vadd.f32 v49, v2  }
0x5ce: {  	s18 =	smul.f32 $7.812500000e-03, s18  }
0x5cf: {  	s0 =	ssub.f32 $1.500000000e+00, s19;
	s19 =	smul.f32 s15, s15;
	v19 =	vadd.f32 v9, v19;
	v2 =	vadd.f32 v10, v2  }
0x5d0: {  	s30 =	smul.f32 s11, s17;
	v0 =	vadd.f32 v18, v0;
	v13 =	vadd.f32 v13, v20;
	v14 =	vmul.f32 v14, v3  }
0x5d1: {  	s17 =	smul.f32 s0, s3;
	s0 =	ssub.f32 s18, s19;
	v2 =	vadd.f32 v16, v2;
	v18 =	vadd.f32 v11, v19  }
0x5d2: {  	s19 =	ssub.f32 $1.500000000e+00, s30;
	v19 =	vmul.f32 v13, v13;
	v14 =	vadd.f32 v0, v14;
	v0 =	vmul.f32 v7, v7  }
0x5d3: {  	s3 =	smul.f32 s8, s1;
	v2 =	vadd.f32 v7, v2;
	v18 =	vadd.f32 v13, v18  }
0x5d4: {  	s8 =	smul.f32 s11, s19;
	v1 =	vadd.f32 v19, v1;
	v0 =	vadd.f32 v0, v4;
	v4 =	vmul.f32 v14, v14  }
0x5d5: {  	s18 =	smul.f32 s17, s21;
	s0 =	sadd.f32 $9.999999960e-13, s0;
	(xrf2) =	vadd.scan.msk.f32 $0xffff, v2;
	v2 =	vadd.f32 v14, v18  }
0x5d6: {  	s19 =	smul.f32 s8, s5;
	(xrf2) =	vadd.scan.msk.f32 $0xffff, v0;
	v0 =	vadd.f32 v4, v1  }
0x5d7: {  	s3 =	ssub.f32 $1.500000000e+00, s3;
	s30 =	smul.f32 $5.000000000e-01, s0;
	v18, _, _ =	vpop (xrf2);
	(xrf2) =	vadd.scan.msk.f32 $0xffff, v2  }
0x5d8: {  	s21 =	sshra.s32 s0, $0x1;
	s0 =	smul.f32 s19, s8;
	v1, _, _ =	vpop (xrf2);
	(xrf2) =	vadd.scan.msk.f32 $0xffff, v0  }
0x5d9: {  	v22 =	vmov s6;
	s19 =	smul.f32 s3, s1  }
0x5da: {  	s11 =	ssub.s32 $0x5F3759DF, s21;
	s3 =	smul.f32 s18, s17;
	v23 =	vsub.f32 v29, v22  }
0x5db: {  	s21 =	smul.f32 s11, s30;
	v29 =	vsub.f32 v41, v22;
	v41 =	vsub.f32 v50, v22  }
0x5dc: {  	s3 =	ssub.f32 $1.500000000e+00, s3;
	v50 =	vsub.f32 v53, v22;
	v53 =	vsub.f32 v56, v22  }
0x5dd: {  	s21 =	smul.f32 s11, s21;
	v56 =	vsub.f32 v59, v22;
	v59 =	vld [tilespmem:$0x1FEF0];
	(v2sf) =	vpush v18, $0xF  }
0x5de: {  	v28 =	vsub.f32 v28, v22;
	s3 =	smul.f32 s3, s17;
	(v2sf) =	vpush v1, $0xF;
	v1 =	vmov s2  }
0x5df: {  	s0 =	ssub.f32 $1.500000000e+00, s0;
	v22 =	vsub.f32 v25, v22;
	v19 =	vsub.f32 v61, v1;
	v61, _, _ =	vpop (xrf2)  }
0x5e0: {  	s21 =	ssub.f32 $1.500000000e+00, s21;
	v28 =	vmul.f32 s3, v28;
	v18 =	vsub.f32 v58, v1;
	(v2sf) =	vpush v61, $0xF;
	v25, _, _ =	vpop (xrf2)  }
0x5e1: {  	s1 =	smul.f32 s0, s8;
	s8 =	spop (v2sf);
	(v2sf) =	vpush v25, $0xF;
	v25, _, _ =	vpop (xrf2)  }
0x5e2: {  	s0 =	smul.f32 s11, s21;
	s11 =	spop (v2sf);
	v28 =	vmul.f32 v28, v59;
	v18 =	vmul.f32 s19, v18;
	(v2sf) =	vpush v25, $0xF;
	v25, _, _ =	vpop (xrf2)  }
0x5e3: {  	v59 =	vld [tilespmem:$0x1FF10];
	(v2sf) =	vpush v25, $0xF;
	v25 =	vmul.f32 s3, v29;
	v29 =	vmul.f32 s3, v41  }
0x5e4: {  	v18 =	vmul.f32 v18, v35  }
0x5e5: {  	v29 =	vmul.f32 v29, v35;
	v35 =	vmul.f32 s3, v50;
	v50 =	vld [tilespmem:$0x1FFA0];
	_ =	sdelay $0x2  }
0x5e6: {  	v4 =	vsub.f32 v57, v1;
	v57 =	vld [tilespmem:$0x1F950];
	v41 =	vmul.f32 v35, v59;
	v35 =	vmul.f32 s3, v53;
	_ =	sdelay $0x1  }
0x5e7: {  	v28 =	vadd.f32 v28, v50;
	v50 =	vmul.f32 v35, v47;
	v35 =	vld [tilespmem:$0x1FFB0]  }
0x5e8: {  	s2 =	smul.f32 $7.812500000e-03, s8  }
0x5e9: {  	s18 =	smul.f32 $7.812500000e-03, s11;
	v58 =	vld [tilespmem:$0x1F960]  }
0x5ea: {  	s21 =	smul.f32 s2, s2;
	v21 =	vsub.f32 v57, v1;
	v57 =	vld [tilespmem:$0x1FFB0];
	v53 =	vmul.f32 s3, v56  }
0x5eb: {  	s11 =	smul.f32 s0, s30;
	v0 =	vsub.f32 v51, v1;
	v20 =	vsub.f32 v62, v1;
	v62 =	vld [tilespmem:$0x1FEF0]  }
0x5ec: {  	s6 =	ssub.f32 s18, s21;
	v53 =	vmul.f32 v53, v35;
	v35 =	vld [tilespmem:$0x1F980]  }
0x5ed: {  	s11 =	smul.f32 s11, s0;
	v0 =	vmul.f32 s19, v0;
	v21 =	vmul.f32 s19, v21  }
0x5ee: {  	v4 =	vmul.f32 s19, v4;
	s6 =	sadd.f32 $9.999999960e-13, s6  }
0x5ef: {  	s5 =	smul.f32 s1, s5;
	s8 =	ssub.f32 $1.500000000e+00, s11;
	v45 =	vsub.f32 v45, v1;
	v0 =	vmul.f32 v0, v46;
	v21 =	vmul.f32 v21, v57;
	v57 =	vld [tilespmem:$0x1FFC0]  }
0x5f0: {  	v1 =	vsub.f32 v58, v1;
	v4 =	vmul.f32 v4, v62;
	v62 =	vld [tilespmem:$0x1FF80];
	s17 =	sshra.s32 s6, $0x1;
	s21 =	smul.f32 $5.000000000e-01, s6;
	v56 =	vmov s14  }
0x5f1: {  	s18 =	smul.f32 s8, s0;
	v3 =	vadd.f32 v0, v44;
	s0 =	ssub.s32 $0x5F3759DF, s17;
	v0 =	vsub.f32 v35, v56;
	v35 =	vld [tilespmem:$0x1F990]  }
0x5f2: {  	v1 =	vmul.f32 s19, v1;
	s8 =	smul.f32 s0, s21  }
0x5f3: {  	s5 =	smul.f32 s5, s1;
	v51 =	vld [tilespmem:$0x1FF10]  }
0x5f4: {  	v2 =	vmul.f32 s19, v45;
	v45 =	vld [tilespmem:$0x1FFA0];
	s8 =	smul.f32 s0, s8;
	s11 =	spop (v2sf);
	v1 =	vmul.f32 v1, v57  }
0x5f5: {  	[tilespmem:$0x1FA70] =	vst v63;
	s6 =	smul.f32 $7.812500000e-03, s11;
	s17 =	spop (v2sf)  }
0x5f6: {  	v63 =	vmovc v8;
	v8 =	vmovc v6;
	s5 =	ssub.f32 $1.500000000e+00, s5;
	v19 =	vmul.f32 s19, v19;
	s11 =	smul.f32 $7.812500000e-03, s17;
	v6 =	vadd.f32 v1, v62;
	v1 =	vsub.f32 v35, v56;
	v35 =	vld [tilespmem:$0x1F9A0]  }
0x5f7: {  	v61 =	vld [tilespmem:$0x1FF70];
	v20 =	vmul.f32 s19, v20;
	s19 =	smul.f32 s6, s6  }
0x5f8: {  	v19 =	vmul.f32 v19, v51;
	v51 =	vld [tilespmem:$0x1FF60];
	s17 =	smul.f32 s5, s1;
	s5 =	ssub.f32 $1.500000000e+00, s8  }
0x5f9: {  	v2 =	vmul.f32 v2, v55;
	s30 =	smul.f32 s18, s30;
	v4 =	vadd.f32 v4, v45;
	v45 =	vld [tilespmem:$0x1FFF0];
	s11 =	ssub.f32 s11, s19  }
0x5fa: {  	v20 =	vmul.f32 v20, v47;
	v59 =	vld [tilespmem:$0x1F970];
	s0 =	smul.f32 s0, s5  }
0x5fb: {  	v23 =	vmul.f32 s3, v23;
	v5 =	vadd.f32 v2, v54;
	s8 =	smul.f32 s30, s18;
	s19 =	sadd.f32 $9.999999960e-13, s11;
	v2 =	vsub.f32 v35, v56;
	v35 =	vld [tilespmem:$0x1FEF0]  }
0x5fc: {  	v22 =	vmul.f32 s3, v22;
	v58 =	vld [tilespmem:$0x1FF50];
	v20 =	vadd.f32 v20, v61;
	s11 =	smul.f32 s0, s21  }
0x5fd: {  	v23 =	vmul.f32 v23, v46;
	v19 =	vadd.f32 v19, v51;
	v40 =	vsub.f32 v40, v56;
	s30 =	sshra.s32 s19, $0x1;
	s5 =	smul.f32 $5.000000000e-01, s19  }
0x5fe: {  	[tilespmem:s16+$0xC2D0] =	vst v20;
	v20 =	vld [tilespmem:$0x1F9C0];
	v21 =	vadd.f32 v21, v45;
	v25 =	vmul.f32 v25, v55;
	s3 =	smul.f32 s11, s0;
	s19 =	ssub.s32 $0x5F3759DF, s30;
	v1 =	vmul.f32 s17, v1  }
0x5ff: {  	[tilespmem:s16+$0xC2C0] =	vst v19;
	v19 =	vld [tilespmem:$0x1FFB0];
	v36 =	vsub.f32 v36, v56;
	v40 =	vmul.f32 s17, v40;
	v59 =	vsub.f32 v59, v56;
	s1 =	smul.f32 s19, s5  }
0x600: {  	[tilespmem:s16+$0xC280] =	vst v3;
	s3 =	ssub.f32 $1.500000000e+00, s3;
	v1 =	vmul.f32 v1, v35;
	v35 =	vsub.f32 v39, v56;
	v39 =	vsub.f32 v52, v56;
	v56 =	vld [tilespmem:$0x1F9B0]  }
0x601: {  	v23 =	vadd.f32 v23, v44;
	v18 =	vadd.f32 v18, v58;
	[tilespmem:s16+$0xC2E0] =	vst v21;
	v21 =	vld [tilespmem:$0x1F9E0];
	s8 =	ssub.f32 $1.500000000e+00, s8;
	s30 =	smul.f32 s19, s1  }
0x602: {  	[tilespmem:s16+$0xC2A0] =	vst v4;
	v25 =	vadd.f32 v25, v54;
	v22 =	vmul.f32 v22, v57;
	v4 =	vmul.f32 v40, v47;
	v40 =	vld [tilespmem:$0x1F9D0];
	s0 =	smul.f32 s3, s0  }
0x603: {  	[tilespmem:s16+$0xC290] =	vst v5;
	v5 =	vld [tilespmem:$0x1FFA0];
	v29 =	vadd.f32 v29, v58;
	v41 =	vadd.f32 v41, v51;
	s1 =	smul.f32 s8, s18;
	s14 =	ssub.f32 $1.500000000e+00, s30  }
0x604: {  	[tilespmem:s16+$0xC2B0] =	vst v18;
	v22 =	vadd.f32 v22, v62;
	s8 =	smul.f32 s0, s21;
	v52 =	vmov s15;
	v3 =	vmul.f32 s17, v35  }
0x605: {  	[tilespmem:s10+$0xC2A0] =	vst v28;
	v28 =	vld [tilespmem:$0x1FF00];
	v59 =	vmul.f32 s17, v59;
	s18 =	spop (v2sf);
	s3 =	smul.f32 s19, s14;
	v18 =	vmul.f32 s17, v39;
	v35 =	vsub.f32 v56, v52  }
0x606: {  	[tilespmem:s10+$0xC290] =	vst v25;
	v25 =	vld [tilespmem:$0x1FEF0];
	s14 =	smul.f32 $7.812500000e-03, s18;
	v20 =	vsub.f32 v20, v52;
	v21 =	vsub.f32 v21, v52;
	v3 =	vmul.f32 v3, v19  }
0x607: {  	[tilespmem:s10+$0xC280] =	vst v23;
	v23 =	vld [tilespmem:$0x1F9F0];
	s19 =	spop (v2sf);
	s8 =	smul.f32 s8, s0;
	v18 =	vmul.f32 v18, v57;
	v19 =	vmul.f32 s1, v35;
	v35 =	vsub.f32 v40, v52  }
0x608: {  	v59 =	vmul.f32 v59, v46;
	s21 =	smul.f32 $7.812500000e-03, s19;
	v1 =	vadd.f32 v1, v5;
	v21 =	vmul.f32 s1, v21;
	v56 =	vld [tilespmem:$0x1FA40]  }
0x609: {  	[tilespmem:s16+$0xC2F0] =	vst v6;
	s15 =	smul.f32 s3, s5;
	v5 =	vld [tilespmem:$0x1FF00];
	v6 =	vadd.f32 v18, v62;
	v18 =	vmul.f32 s1, v20;
	v20 =	vmul.f32 s1, v35  }
0x60a: {  	v50 =	vadd.f32 v50, v61;
	v0 =	vmul.f32 s17, v0;
	s30 =	smul.f32 s14, s14;
	v21 =	vmul.f32 v21, v28;
	v28 =	vld [tilespmem:$0x1FA10]  }
0x60b: {  	v4 =	vadd.f32 v4, v61;
	v53 =	vadd.f32 v53, v45;
	s8 =	ssub.f32 $1.500000000e+00, s8;
	s15 =	smul.f32 s15, s3;
	v20 =	vmul.f32 v20, v25;
	v25 =	vld [tilespmem:$0x1FA00]  }
0x60c: {  	[tilespmem:s10+$0xC2D0] =	vst v50;
	v50 =	vld [tilespmem:$0x1FA50];
	v59 =	vadd.f32 v59, v44;
	v0 =	vmul.f32 v0, v55;
	s11 =	ssub.f32 s21, s30;
	v35 =	vmov s2  }
0x60d: {  	v2 =	vmul.f32 s17, v2;
	s15 =	ssub.f32 $1.500000000e+00, s15;
	v39 =	vsub.f32 v56, v35;
	v56 =	vsub.f32 v60, v35;
	v60 =	vld [tilespmem:$0x1FFA0]  }
0x60e: {  	v36 =	vmul.f32 s17, v36;
	[tilespmem:s10+$0xC2F0] =	vst v22;
	v22 =	vld [tilespmem:$0x1FA60];
	s16 =	smul.f32 s8, s0;
	v0 =	vadd.f32 v0, v54;
	s8 =	sadd.f32 $9.999999960e-13, s11;
	v23 =	vsub.f32 v23, v52  }
0x60f: {  	[tilespmem:s10+$0xC2B0] =	vst v29;
	v29 =	vsub.f32 v38, v52;
	v3 =	vadd.f32 v3, v45;
	s3 =	smul.f32 s15, s3;
	v2 =	vmul.f32 v2, v5;
	v5 =	vld [tilespmem:$0x1FF10]  }
0x610: {  	[tilespmem:s10+$0xC2C0] =	vst v41;
	s11 =	sshra.s32 s8, $0x1;
	v23 =	vmul.f32 s1, v23;
	s15 =	smul.f32 $5.000000000e-01, s8;
	v28 =	vsub.f32 v28, v52;
	v25 =	vsub.f32 v25, v52;
	v52 =	vld [tilespmem:$0x1FA30]  }
0x611: {  	v41 =	vld [tilespmem:$0x1FA20];
	[tilespmem:s10+$0xC2E0] =	vst v53;
	s18 =	ssub.s32 $0x5F3759DF, s11;
	v29 =	vmul.f32 s1, v29;
	s17 =	smul.f32 s3, s5;
	v2 =	vadd.f32 v2, v58;
	v40 =	vsub.f32 v50, v35  }
0x612: {  	s19 =	spop (v2sf);
	[tilespmem:s25+$0xC290] =	vst v0;
	v18 =	vmul.f32 v18, v55;
	s8 =	smul.f32 s18, s15;
	v53 =	vsub.f32 v43, v35;
	v0 =	vadd.f32 v20, v60;
	v20 =	vld [tilespmem:$0x1FFB0]  }
0x613: {  	v19 =	vmul.f32 v19, v46;
	s2 =	smul.f32 $7.812500000e-03, s19;
	v22 =	vsub.f32 v22, v35;
	v32 =	vsub.f32 v32, v35  }
0x614: {  	v18 =	vadd.f32 v18, v54;
	s0 =	smul.f32 s17, s3;
	v50 =	vadd.f32 v21, v58;
	v21 =	vmul.f32 v29, v57  }
0x615: {  	s21 =	spop (v2sf);
	s30 =	smul.f32 s2, s2;
	v5 =	vmul.f32 v36, v5;
	v28 =	vmul.f32 s1, v28;
	v38 =	vsub.f32 v52, v35;
	v52 =	vld [tilespmem:$0x1FF10]  }
0x616: {  	[tilespmem:s25+$0xC2D0] =	vst v4;
	v19 =	vadd.f32 v19, v44;
	v53 =	vmul.f32 s16, v53;
	v25 =	vmul.f32 s1, v25;
	s1 =	smul.f32 $7.812500000e-03, s21  }
0x617: {  	[tilespmem:s25+$0xC280] =	vst v59;
	s10 =	smul.f32 s18, s8;
	v36 =	vsub.f32 v41, v35;
	s0 =	ssub.f32 $1.500000000e+00, s0;
	v4 =	vmul.f32 s16, v56;
	v20 =	vmul.f32 v28, v20  }
0x618: {  	[tilespmem:s25+$0xC2F0] =	vst v6;
	v6 =	vmul.f32 s16, v32;
	v5 =	vadd.f32 v5, v51;
	v25 =	vmul.f32 v25, v47;
	s1 =	ssub.f32 s1, s30  }
0x619: {  	[tilespmem:s23+$0xC290] =	vst v18;
	v36 =	vmul.f32 s16, v36;
	v35 =	vmov s6;
	s6 =	ssub.f32 $1.500000000e+00, s10;
	v18 =	vadd.f32 v20, v45;
	v20 =	vld [tilespmem:$0x1FEF0]  }
0x61a: {  	v59 =	vld [tilespmem:$0x1FA70];
	s0 =	smul.f32 s0, s3;
	[tilespmem:s25+$0xC2C0] =	vst v5;
	v5 =	vadd.f32 v25, v61;
	s1 =	sadd.f32 $9.999999960e-13, s1;
	v28 =	vmul.f32 s16, v38;
	v23 =	vmul.f32 v23, v52  }
0x61b: {  	v56 =	vsub.f32 v63, v35;
	v63 =	vmul.f32 s16, v22;
	v22 =	vsub.f32 v37, v35;
	s11 =	smul.f32 s18, s6  }
0x61c: {  	[tilespmem:s25+$0xC2A0] =	vst v1;
	v32 =	vld [tilespmem:$0x1FF10];
	s17 =	sshra.s32 s1, $0x1;
	s1 =	smul.f32 $5.000000000e-01, s1;
	v52 =	vadd.f32 v23, v51;
	v23 =	vmul.f32 v28, v55;
	v28 =	vmul.f32 s16, v39  }
0x61d: {  	[tilespmem:s25+$0xC2E0] =	vst v3;
	v4 =	vmul.f32 v4, v47;
	v27 =	vsub.f32 v27, v35;
	v24 =	vsub.f32 v24, v35;
	s6 =	smul.f32 s11, s15;
	s5 =	ssub.s32 $0x5F3759DF, s17  }
0x61e: {  	[tilespmem:s23+$0xC2B0] =	vst v50;
	v12 =	vsub.f32 v12, v35;
	v15 =	vsub.f32 v15, v35;
	s18 =	smul.f32 s5, s1;
	v20 =	vmul.f32 v28, v20  }
0x61f: {  	[tilespmem:s23+$0xC280] =	vst v19;
	v19 =	vmov s14;
	v17 =	vsub.f32 v17, v35;
	s6 =	smul.f32 s6, s11;
	v39 =	vsub.f32 v59, v35;
	v35 =	vld [tilespmem:$0x1FF00]  }
0x620: {  	v29 =	vmul.f32 v36, v46;
	v4 =	vadd.f32 v4, v61;
	[tilespmem:s23+$0xC2D0] =	vst v5;
	s8 =	smul.f32 s5, s18;
	v5 =	vadd.f32 v20, v60  }
0x621: {  	[tilespmem:s23+$0xC2A0] =	vst v0;
	v50 =	vmul.f32 v53, v32;
	v53 =	vsub.f32 v7, v19;
	v25 =	vmul.f32 s16, v40;
	s6 =	ssub.f32 $1.500000000e+00, s6  }
0x622: {  	v40 =	vadd.f32 v21, v62;
	v22 =	vmul.f32 s0, v22;
	v27 =	vmul.f32 s0, v27;
	s8 =	ssub.f32 $1.500000000e+00, s8;
	[tilespmem:s29+$0xC2A0] =	vst v5;
	v5 =	vld [tilespmem:$0x1FFB0]  }
0x623: {  	v41 =	vadd.f32 v29, v44;
	v24 =	vmul.f32 s0, v24;
	v12 =	vmul.f32 s0, v12;
	[tilespmem:s23+$0xC2E0] =	vst v18;
	s19 =	smul.f32 s6, s11  }
0x624: {  	v15 =	vmul.f32 s0, v15;
	[tilespmem:s23+$0xC2F0] =	vst v40;
	s21 =	smul.f32 s5, s8;
	v18 =	vmul.f32 v25, v35;
	v25 =	vsub.f32 v30, v19;
	v30 =	vld [tilespmem:$0x1FEF0]  }
0x625: {  	v0 =	vadd.f32 v50, v51;
	v17 =	vmul.f32 s0, v17;
	v28 =	vmul.f32 s0, v56;
	[tilespmem:s23+$0xC2C0] =	vst v52;
	s23 =	smul.f32 s19, s15  }
0x626: {  	[tilespmem:s25+$0xC2B0] =	vst v2;
	v21 =	vmul.f32 s0, v39;
	v43 =	vadd.f32 v23, v54;
	s25 =	smul.f32 s21, s1;
	v7 =	vadd.f32 v18, v58  }
0x627: {  	v52 =	vsub.f32 v10, v19;
	s5 =	smul.f32 s23, s19;
	v3 =	vmul.f32 v63, v5;
	v5 =	vmul.f32 v6, v57  }
0x628: {  	v10 =	vsub.f32 v16, v19;
	v16 =	vmov s2;
	[tilespmem:s29+$0xC2B0] =	vst v7;
	v7 =	vmul.f32 v21, v55  }
0x629: {  	[tilespmem:s29+$0xC2D0] =	vst v4;
	s2 =	smul.f32 s25, s21;
	s5 =	ssub.f32 $1.500000000e+00, s5;
	v6 =	vmul.f32 v28, v46;
	v59 =	vadd.f32 v5, v62;
	v5 =	vmul.f32 v22, v30;
	v22 =	vld [tilespmem:$0x1FFB0]  }
0x62a: {  	[tilespmem:s29+$0xC280] =	vst v41;
	v12 =	vmul.f32 v12, v47;
	v23 =	vsub.f32 v8, v19;
	v56 =	vadd.f32 v3, v45  }
0x62b: {  	[tilespmem:s29+$0xC2C0] =	vst v0;
	s2 =	ssub.f32 $1.500000000e+00, s2;
	s0 =	smul.f32 s5, s19;
	v4 =	vadd.f32 v6, v44;
	v6 =	vadd.f32 v7, v54;
	v7 =	vmul.f32 v27, v35  }
0x62c: {  	v20 =	vsub.f32 v34, v19;
	[tilespmem:s29+$0xC290] =	vst v43;
	v63 =	vadd.f32 v5, v60;
	v5 =	vmul.f32 v24, v32  }
0x62d: {  	v8 =	vsub.f32 v33, v19;
	s2 =	smul.f32 s2, s21;
	v34 =	vmul.f32 s0, v25;
	[tilespmem:s29+$0xC2E0] =	vst v56;
	v33 =	vadd.f32 v7, v58  }
0x62e: {  	[tilespmem:s7+$0xC280] =	vst v4;
	v4 =	vadd.f32 v5, v51;
	v5 =	vmul.f32 s0, v20;
	v7 =	vmul.f32 v15, v22  }
0x62f: {  	v29 =	vsub.f32 v49, v19;
	s1 =	smul.f32 s2, s1;
	[tilespmem:s29+$0xC2F0] =	vst v59;
	v15 =	vmul.f32 v17, v57;
	v17 =	vmul.f32 s0, v23  }
0x630: {  	v8 =	vmul.f32 s0, v8;
	[tilespmem:s7+$0xC290] =	vst v6;
	v6 =	vadd.f32 v12, v61;
	v12 =	vmul.f32 v34, v30  }
0x631: {  	s1 =	smul.f32 s1, s2;
	[tilespmem:s7+$0xC2A0] =	vst v63;
	v5 =	vmul.f32 v5, v46;
	v36 =	vadd.f32 v7, v45;
	v7 =	vmul.f32 v17, v55  }
0x632: {  	v1 =	vmul.f32 s0, v52;
	v8 =	vmul.f32 v8, v35;
	[tilespmem:s7+$0xC2D0] =	vst v6;
	v6 =	vadd.f32 v12, v60  }
0x633: {  	s1 =	ssub.f32 $1.500000000e+00, s1;
	[tilespmem:s7+$0xC2C0] =	vst v4;
	v4 =	vadd.f32 v5, v44;
	v5 =	vadd.f32 v7, v54;
	v7 =	vmul.f32 s0, v29  }
0x634: {  	v2 =	vmul.f32 s0, v53;
	v1 =	vmul.f32 v1, v47;
	[tilespmem:s7+$0xC2B0] =	vst v33;
	v8 =	vadd.f32 v8, v58  }
0x635: {  	[tilespmem:s26+$0xC2A0] =	vst v6;
	s1 =	smul.f32 s1, s2;
	v38 =	vmul.f32 v7, v32;
	v7 =	vmul.f32 s0, v10;
	v10 =	vsub.f32 v31, v16  }
0x636: {  	v39 =	vsub.f32 v48, v16;
	v2 =	vmul.f32 v2, v57;
	v1 =	vadd.f32 v1, v61;
	[tilespmem:s26+$0xC2B0] =	vst v8  }
0x637: {  	[tilespmem:s26+$0xC280] =	vst v4;
	v4 =	vmul.f32 v7, v22;
	v7 =	vmul.f32 s1, v10  }
0x638: {  	v2 =	vadd.f32 v2, v62;
	v6 =	vsub.f32 v42, v16;
	[tilespmem:s26+$0xC2D0] =	vst v1;
	v3 =	vmul.f32 s1, v39  }
0x639: {  	v37 =	vadd.f32 v15, v62;
	[tilespmem:s26+$0xC290] =	vst v5;
	v0 =	vadd.f32 v38, v51;
	v5 =	vmul.f32 v7, v46  }
0x63a: {  	[tilespmem:s26+$0xC2F0] =	vst v2;
	v3 =	vmul.f32 v3, v55;
	v4 =	vadd.f32 v4, v45;
	v7 =	vsub.f32 v26, v16  }
0x63b: {  	[tilespmem:s7+$0xC2E0] =	vst v36;
	v40 =	vadd.f32 v5, v44;
	v5 =	vmul.f32 s1, v6;
	v6 =	vsub.f32 v9, v16  }
0x63c: {  	[tilespmem:s7+$0xC2F0] =	vst v37;
	v41 =	vadd.f32 v3, v54;
	v42 =	vmul.f32 s1, v7;
	v7 =	vsub.f32 v11, v16  }
0x63d: {  	[tilespmem:s26+$0xC2E0] =	vst v4;
	v4 =	vmul.f32 v5, v30;
	v5 =	vmul.f32 s1, v6;
	v6 =	vsub.f32 v13, v16  }
0x63e: {  	[tilespmem:s26+$0xC2C0] =	vst v0;
	v43 =	vmul.f32 v42, v35;
	v49 =	vmul.f32 s1, v7;
	v7 =	vsub.f32 v14, v16  }
0x63f: {  	v19 =	vld [tilespmem:$0x1FF90];
	[tilespmem:s28+$0xC290] =	vst v41;
	v50 =	vadd.f32 v4, v60;
	v4 =	vmul.f32 v5, v32;
	v5 =	vmul.f32 s1, v6  }
0x640: {  	v18 =	vld [tilespmem:$0x1FED0];
	[tilespmem:s28+$0xC280] =	vst v40;
	v52 =	vadd.f32 v43, v58;
	v53 =	vmul.f32 v49, v47;
	v56 =	vmul.f32 s1, v7  }
0x641: {  	p0 =	slt.u32 s13, $0x78;
	v21 =	vld [tilespmem:$0x1FF30];
	[tilespmem:s28+$0xC2A0] =	vst v50;
	v58 =	vadd.f32 v4, v51;
	v4 =	vmul.f32 v5, v22  }
.Ltmp7:
0x642: {  	v25 =	vld [tilespmem:$0x1FEB0];
	[tilespmem:s28+$0xC2B0] =	vst v52;
	v59 =	vadd.f32 v53, v61;
	v60 =	vmul.f32 v56, v57;
	(pc) =	sbr.rel @p0 .LBB2_15-.Ltmp7, $4  }
0x643: {  	v20 =	vld [tilespmem:$0x1FEC0];
	[tilespmem:s28+$0xC2C0] =	vst v58;
	v61 =	vadd.f32 v4, v45  }
0x644: {  	v23 =	vld [tilespmem:$0x1FEA0];
	[tilespmem:s28+$0xC2D0] =	vst v59;
	v63 =	vadd.f32 v60, v62  }
0x645: {  	s30 =	sadd.s32 $0x8, s13;
	v17 =	vld [tilespmem:$0x1FFD0];
	[tilespmem:s28+$0xC2E0] =	vst v61  }
0x646: {  	s13 =	smov.u32 s30;
	v48 =	vmovc v44;
	v27 =	vmovc v54;
	v8 =	vmov v55;
	v31 =	vmov v46;
	v26 =	vld [tilespmem:$0x1FE90];
	v6 =	vmov v47;
	[tilespmem:s28+$0xC2F0] =	vst v63  }
0x647: {  	s0 =	sshll.u32 s24, $0x4;
	s1 =	rddreg [dreg:$0x7]  }
0x648: {  	s28 =	simm.s32 $0xC280;
	s0 =	sadd.s32 s1, s0  }
0x649: {  	[hbm4b:s0+s9] =	stream.linear.scatter [tilespmem:s28], [sflag:$0x9], $0x4000, $0x38;
	[tilespmem:$0x1AD80] =	vst v63  }
0x64a: {  	p0 =	seq.s32 s20, $0x9;
	s0 =	rddreg [dreg:$0x14]  }
0x64b: {  	s0 =	sadd.s32 @!p0 s22, s0  }
0x64c: {  	s1 =	rddreg [dreg:$0xa];
	s0 =	sshrl.u32 @!p0 s0, $0x3  }
0x64d: {  	s2 =	simm.s32 @!p0 $0x0;
	s3 =	simm.s32 @!p0 $0x80;
	s1 =	sadd.s32 @!p0 s1, s0  }
0x64e: {  	[tilespmem:s3], [sflag:$0xC] =	stream.linear.gather @!p0 [hbm4b:s1+s2], $0x80, $0x38;
	[tilespmem:$0x1AD80] =	vst v63  }
0x64f: {  	s0 =	sadd.s32 @!p0 s12, s0;
	s1 =	simm.s32 @!p0 $0x14380  }
0x650: {  	[tilespmem:s1], [sflag:$0x11] =	stream.linear.gather @!p0 [hbm4b:s0+s2], $0x80, $0x38;
	[tilespmem:$0x1AD80] =	vst v63  }
0x651: {  	s0 =	simm.s32 @!p0 $0xB  }
0x652: {  	_ =	swait.ge @!p0 [sflag:s0], $0x80  }
0x653: {  	[sflag:s0] =	ssyncset.done @!p0 $0x0  }
0x654: {  	[sflag:s0] =	ssyncadd.s32 @!p0 $0xFFFFFF80;
	s0 =	simm.s32 @!p0 $0x6  }
0x655: {  	_ =	swait.ge @!p0 [sflag:s0], $0x4000  }
0x656: {  	[sflag:s0] =	ssyncset.done @!p0 $0x0  }
0x657: {  	[sflag:s0] =	ssyncadd.s32 @!p0 $0xFFFFC000  }
0x658: {  	s29 =	simm.s32 $0x14;
	s0 =	simm.s32 @!p0 $0x280;
	s1 =	rddreg [dreg:$0x1]  }
0x659: {  	[tilespmem:s0], [sflag:$0x1] =	stream.indirect.gather @!p0 [hbm4b:s1+s3], $0x80, s2, s3, $0xb8;
	[tilespmem:$0x1AD80] =	vst v63  }
0x65a: {  	_ =	swait.ge [sflag:s29], $0x80  }
0x65b: {  	[sflag:s29] =	ssyncset.done $0x0  }
0x65c: {  	s30 =	simm.s32 $0x5;
	[sflag:s29] =	ssyncadd.s32 $0xFFFFFF80  }
0x65d: {  	_ =	swait.ge [sflag:s30], $0x4000  }
0x65e: {  	[sflag:s30] =	ssyncset.done $0x0  }
0x65f: {  	s13 =	simm.s32 $0x0;
	v60 =	vld [tilespmem:$0x1FFF0];
	[sflag:s30] =	ssyncadd.s32 $0xFFFFC000  }
.LBB2_17:
0x660: {  	s2 =	sshll.u32 s13, $0x7  }
0x661: {  	v1 =	vld.msk [tilespmem:s13+$0x14680 ss:$0x0], $0xffff;
	s16 =	sand.u32 $0x3FFFFF80, s2  }
0x662: {  	v0 =	vld [tilespmem:s16+$0x10280]  }
0x663: {  	v3 =	vld [tilespmem:s16+$0x10290]  }
0x664: {  	s0 =	sor.u32 s4, s13;
	v5 =	vld [tilespmem:s16+$0x102A0]  }
0x665: {  	s1 =	smulhi.u32 $0x51EB851F, s0;
	v49 =	vld [tilespmem:s16+$0x102B0]  }
0x666: {  	v9 =	vld [tilespmem:s16+$0x102C0]  }
0x667: {  	s23 =	sor.u32 $0x1, s13;
	v56 =	vld [tilespmem:s16+$0x102D0];
	s1 =	sshrl.u32 s1, $0x6  }
0x668: {  	s25 =	sshll.u32 s23, $0x7;
	v62 =	vld [tilespmem:s16+$0x102E0];
	s1 =	smul.u32 $0xC8, s1  }
0x669: {  	v30 =	vld [tilespmem:s16+$0x102F0];
	s10 =	sand.u32 $0x3FFFFF80, s25  }
0x66a: {  	v39 =	vld [tilespmem:s10+$0x10280];
	s0 =	ssub.s32 s0, s1  }
0x66b: {  	v45 =	vld [tilespmem:s10+$0x10290];
	s0 =	sshll.u32 s0, $0x7  }
0x66c: {  	s24 =	sor.u32 s4, s23;
	v2 =	vld [tilespmem:s0+$0x14780]  }
0x66d: {  	s3 =	smulhi.u32 $0x51EB851F, s24;
	v4 =	vld [tilespmem:s0+$0x14790]  }
0x66e: {  	v6 =	vld [tilespmem:s0+$0x147A0]  }
0x66f: {  	s3 =	sshrl.u32 s3, $0x6;
	v8 =	vld [tilespmem:s0+$0x147B0]  }
0x670: {  	s3 =	smul.u32 $0xC8, s3;
	v51 =	vld [tilespmem:s0+$0x147C0]  }
0x671: {  	v10 =	vld [tilespmem:s0+$0x147D0]  }
0x672: {  	s26 =	ssub.s32 s24, s3;
	v28 =	vld [tilespmem:s0+$0x147E0]  }
0x673: {  	v12 =	vld [tilespmem:s0+$0x147F0];
	s28 =	sshll.u32 s26, $0x7  }
0x674: {  	v40 =	vld [tilespmem:s28+$0x14780]  }
0x675: {  	v0 =	vadd.f32 v2, v0;
	v2 =	vadd.f32 v8, v49;
	v49 =	vld [tilespmem:s28+$0x14790]  }
0x676: {  	v31 =	vadd.f32 v51, v9;
	v51 =	vld [tilespmem:s10+$0x102A0]  }
0x677: {  	v37 =	vadd.f32 v10, v56;
	v56 =	vld [tilespmem:s10+$0x102B0]  }
0x678: {  	s29 =	sor.u32 $0x2, s13;
	v7 =	vmul.f32 v1, v26;
	v10 =	vld [tilespmem:s10+$0x102E0]  }
0x679: {  	s30 =	sor.u32 s4, s29;
	v53 =	vmul.f32 v1, v25;
	v52 =	vadd.f32 v6, v5;
	v9 =	vld [tilespmem:$0x1FFD0]  }
0x67a: {  	s5 =	smulhi.u32 $0x51EB851F, s30;
	v32 =	vmul.f32 v1, v18;
	v11 =	vadd.f32 v0, v7;
	v0 =	vld.msk [tilespmem:s13+$0x14681 ss:$0x0], $0xffff  }
0x67b: {  	v38 =	vmul.f32 v1, v19;
	v13 =	vadd.f32 v52, v53;
	v52 =	vld [tilespmem:s28+$0x147A0]  }
0x67c: {  	v50 =	vmul.f32 v1, v23;
	s3 =	sshrl.u32 s5, $0x6;
	v3 =	vadd.f32 v4, v3;
	v36 =	vadd.f32 v31, v32;
	v32 =	vld [tilespmem:s10+$0x102C0]  }
0x67d: {  	s6 =	sshll.u32 s29, $0x7;
	v61 =	vmul.f32 v1, v17;
	s3 =	smul.u32 $0xC8, s3;
	v43 =	vadd.f32 v37, v38;
	v37 =	vld [tilespmem:s28+$0x147D0]  }
0x67e: {  	s22 =	sand.u32 $0x3FFFFF80, s6;
	v48 =	vmul.f32 v1, v20;
	v4 =	vadd.f32 v28, v62;
	v57 =	vadd.f32 v3, v50;
	v7 =	vld [tilespmem:s28+$0x147F0]  }
0x67f: {  	s7 =	ssub.s32 s30, s3;
	v14 =	vadd.f32 v2, v61;
	v2 =	vadd.f32 v12, v30;
	v30 =	vld [tilespmem:s22+$0x10290];
	v58 =	vmul.f32 v11, v11  }
0x680: {  	s8 =	sshll.u32 s7, $0x7;
	v59 =	vmul.f32 v57, v57;
	v63 =	vadd.f32 v57, v11;
	v3 =	vadd.f32 v49, v45;
	v45 =	vld [tilespmem:s28+$0x147E0]  }
0x681: {  	v1 =	vmul.f32 v1, v21;
	v15 =	vadd.f32 v4, v48;
	v29 =	vmul.f32 v13, v13;
	v49 =	vld [tilespmem:s8+$0x147D0]  }
0x682: {  	[tilespmem:$0x1F820] =	vst v13;
	v34 =	vmul.f32 v14, v14;
	v6 =	vadd.f32 v59, v58;
	v8 =	vadd.f32 v13, v63;
	v63 =	vld [tilespmem:s28+$0x147B0]  }
0x683: {  	v33 =	vmovc v14;
	v41 =	vmov v36;
	[tilespmem:$0x1F840] =	vst v36;
	v42 =	vmul.f32 v36, v36;
	v36 =	vadd.f32 v40, v39;
	v13 =	vld.msk [tilespmem:s13+$0x14686 ss:$0x0], $0xffff  }
0x684: {  	v40 =	vmul.f32 v0, v20;
	v20 =	vld [tilespmem:s22+$0x102E0];
	v6 =	vadd.f32 v29, v6;
	v8 =	vadd.f32 v33, v8  }
0x685: {  	v62 =	vadd.f32 v2, v1;
	v39 =	vmul.f32 v0, v23;
	v58 =	vadd.f32 v52, v51;
	v29 =	vld [tilespmem:s8+$0x14780]  }
0x686: {  	v38 =	vmul.f32 v0, v26;
	v6 =	vadd.f32 v34, v6;
	v8 =	vadd.f32 v41, v8;
	v34 =	vld [tilespmem:s28+$0x147C0]  }
0x687: {  	v41 =	vadd.f32 v3, v39;
	v2 =	vadd.f32 v63, v56;
	v63 =	vld [tilespmem:s22+$0x10280]  }
0x688: {  	v59 =	vmul.f32 v0, v25;
	v6 =	vadd.f32 v42, v6;
	v42 =	vadd.f32 v36, v38;
	v36 =	vld [tilespmem:$0x1FF90]  }
0x689: {  	v39 =	vadd.f32 v45, v10;
	v53 =	vadd.f32 v43, v8;
	v38 =	vld [tilespmem:s8+$0x147B0]  }
0x68a: {  	[tilespmem:$0x1F850] =	vst v43;
	v50 =	vmul.f32 v43, v43;
	v28 =	vadd.f32 v58, v59;
	v43 =	vld [tilespmem:s22+$0x102C0]  }
0x68b: {  	v59 =	vadd.f32 v39, v40;
	v40 =	vld [tilespmem:$0x1FED0];
	v31 =	vadd.f32 v15, v53  }
0x68c: {  	[tilespmem:$0x1F860] =	vst v15;
	v61 =	vmul.f32 v15, v15;
	v6 =	vadd.f32 v50, v6;
	v15 =	vld [tilespmem:s10+$0x102D0]  }
0x68d: {  	s11 =	sor.u32 $0x3, s13;
	[tilespmem:$0x1F870] =	vst v62;
	v33 =	vmul.f32 v62, v62;
	v1 =	vadd.f32 v62, v31;
	v62 =	vld [tilespmem:$0x1FFD0]  }
0x68e: {  	s14 =	sor.u32 s4, s11;
	v6 =	vadd.f32 v61, v6;
	v31 =	vadd.f32 v34, v32;
	v32 =	vmul.f32 v0, v18;
	v18 =	vld [tilespmem:s22+$0x102A0]  }
0x68f: {  	s17 =	sshll.u32 s11, $0x7;
	s15 =	smulhi.u32 $0x51EB851F, s14;
	(xrf2) =	vadd.scan.msk.f32 $0xffff, v1;
	v1 =	vld.msk [tilespmem:s13+$0x14682 ss:$0x0], $0xffff  }
0x690: {  	s23 =	sand.u32 $0x3FFFFF80, s17;
	v6 =	vadd.f32 v33, v6;
	v33 =	vld [tilespmem:s8+$0x14790]  }
0x691: {  	s3 =	sshrl.u32 s15, $0x6;
	v53 =	vadd.f32 v31, v32;
	v32 =	vld [tilespmem:s23+$0x10280]  }
0x692: {  	s3 =	smul.u32 $0xC8, s3;
	v34 =	vadd.f32 v37, v15;
	v37 =	vld [tilespmem:s8+$0x147A0]  }
0x693: {  	v5 =	vmul.f32 v0, v36;
	v15 =	vld [tilespmem:s22+$0x102B0]  }
0x694: {  	s18 =	ssub.s32 s14, s3;
	(xrf2) =	vadd.scan.msk.f32 $0xffff, v6;
	v6 =	vld [tilespmem:s10+$0x102F0]  }
0x695: {  	s1 =	sshll.u32 s18, $0x7;
	v16 =	vadd.f32 v41, v42;
	v3 =	vmul.f32 v0, v62;
	v56 =	vadd.f32 v34, v5;
	v5 =	vld [tilespmem:s22+$0x102D0]  }
0x696: {  	v17 =	vmul.f32 v41, v41;
	v61 =	vmul.f32 v42, v42;
	v34 =	vld [tilespmem:s1+$0x14780]  }
0x697: {  	v16 =	vadd.f32 v28, v16;
	v50 =	vadd.f32 v2, v3;
	v3 =	vld.msk [tilespmem:s13+$0x14683 ss:$0x0], $0xffff  }
0x698: {  	v8 =	vadd.f32 v17, v61;
	v17 =	vmul.f32 v28, v28;
	v2 =	vadd.f32 v33, v30;
	v30 =	vld [tilespmem:$0x1FF30]  }
0x699: {  	v4 =	vadd.f32 v29, v63;
	v45 =	vmul.f32 v1, v26;
	v29 =	vmul.f32 v1, v9;
	v9 =	vld [tilespmem:s1+$0x147F0]  }
0x69a: {  	s19 =	sor.u32 $0x4, s13;
	v12 =	vadd.f32 v17, v8;
	v48 =	vmul.f32 v1, v23;
	v52 =	vadd.f32 v37, v18;
	v37 =	vld [tilespmem:s1+$0x147E0]  }
0x69b: {  	s21 =	sor.u32 s4, s19;
	v63 =	vadd.f32 v38, v15;
	v21 =	vadd.f32 v4, v45;
	v4 =	vld [tilespmem:s8+$0x147E0]  }
0x69c: {  	s24 =	smulhi.u32 $0x51EB851F, s21;
	v58 =	vmul.f32 v1, v25;
	v16 =	vadd.f32 v50, v16;
	v51 =	vadd.f32 v2, v48;
	v45 =	vld [tilespmem:s23+$0x10290]  }
0x69d: {  	v17 =	vmul.f32 v50, v50;
	v6 =	vadd.f32 v7, v6;
	v48 =	vadd.f32 v49, v5;
	v49 =	vld [tilespmem:$0x1FF90]  }
0x69e: {  	s26 =	sor.u32 $0x5, s13;
	s3 =	sshrl.u32 s24, $0x6;
	v62 =	vadd.f32 v52, v58;
	v33 =	vadd.f32 v63, v29;
	v52 =	vld [tilespmem:s23+$0x102A0]  }
0x69f: {  	s3 =	smul.u32 $0xC8, s3;
	s28 =	sor.u32 s4, s26;
	v58 =	vld [tilespmem:s23+$0x102B0];
	v63 =	vadd.f32 v34, v32;
	v16 =	vadd.f32 v53, v16;
	v19, _, _ =	vpop (xrf2)  }
0x6a0: {  	s29 =	smulhi.u32 $0x51EB851F, s28;
	v29 =	vld [tilespmem:s1+$0x147C0];
	v12 =	vadd.f32 v17, v12;
	(v2sf) =	vpush v19, $0xF;
	v19 =	vmul.f32 v53, v53  }
0x6a1: {  	v32 =	vld [tilespmem:$0x1FEB0];
	v18 =	vadd.f32 v51, v21;
	v0 =	vmul.f32 v0, v30;
	v16 =	vadd.f32 v56, v16;
	v17, _, _ =	vpop (xrf2)  }
0x6a2: {  	s25 =	ssub.s32 s21, s3;
	s3 =	sshrl.u32 s29, $0x6;
	(v2sf) =	vpush v17, $0xF;
	v12 =	vadd.f32 v19, v12;
	v17 =	vld [tilespmem:s8+$0x147C0];
	v19 =	vmul.f32 v56, v56  }
0x6a3: {  	s3 =	smul.u32 $0xC8, s3;
	v34 =	vld [tilespmem:$0x1FF30];
	v61 =	vmul.f32 v21, v21;
	v25 =	vadd.f32 v6, v0;
	v16 =	vadd.f32 v59, v16  }
0x6a4: {  	[tilespmem:$0x1F880] =	vst v21;
	v21 =	vld [tilespmem:s8+$0x147F0];
	v15 =	vadd.f32 v62, v18;
	v12 =	vadd.f32 v19, v12;
	v19 =	vmul.f32 v59, v59  }
0x6a5: {  	[tilespmem:$0x1F830] =	vst v14;
	s30 =	ssub.s32 s28, s3;
	v4 =	vadd.f32 v4, v20;
	v20 =	vld [tilespmem:s23+$0x102C0];
	v14 =	vadd.f32 v25, v16  }
0x6a6: {  	s6 =	sshll.u32 s30, $0x7;
	v18 =	vmul.f32 v62, v62;
	v10 =	vadd.f32 v19, v12;
	v12 =	vld [tilespmem:s22+$0x102F0];
	v19 =	vmul.f32 v51, v51  }
0x6a7: {  	v15 =	vadd.f32 v33, v15;
	v16 =	vmul.f32 v25, v25;
	(xrf2) =	vadd.scan.msk.f32 $0xffff, v14;
	v14 =	vld [tilespmem:s6+$0x147A0];
	v39 =	vadd.f32 v17, v43  }
0x6a8: {  	[tilespmem:$0x1F8B0] =	vst v33;
	v17 =	vmul.f32 v33, v33;
	v33 =	vmul.f32 v3, v32;
	v32 =	vld [tilespmem:$0x1FF90];
	v31 =	vadd.f32 v19, v61  }
0x6a9: {  	s0 =	sshll.u32 s19, $0x7;
	v61 =	vld [tilespmem:$0x1FEC0]  }
0x6aa: {  	s24 =	sand.u32 $0x3FFFFF80, s0;
	s0 =	sshll.u32 s26, $0x7;
	v5 =	vadd.f32 v16, v10;
	v7 =	vadd.f32 v18, v31;
	v18 =	vld [tilespmem:s1+$0x14790]  }
0x6ab: {  	s7 =	sand.u32 $0x3FFFFF80, s0;
	v16 =	vld [tilespmem:s1+$0x147B0]  }
0x6ac: {  	(xrf2) =	vadd.scan.msk.f32 $0xffff, v5;
	v5 =	vld [tilespmem:s7+$0x102B0]  }
0x6ad: {  	v7 =	vadd.f32 v17, v7;
	v17 =	vld [tilespmem:s1+$0x147A0]  }
0x6ae: {  	[tilespmem:$0x1F8A0] =	vst v62;
	v43 =	vmul.f32 v1, v40;
	v62 =	vmul.f32 v1, v61;
	v61 =	vld [tilespmem:$0x1FED0]  }
0x6af: {  	[tilespmem:$0x1F810] =	vst v11;
	v2 =	vmul.f32 v3, v26;
	v11 =	vadd.f32 v18, v45;
	v18 =	vld [tilespmem:s23+$0x102D0]  }
0x6b0: {  	[tilespmem:$0x1F890] =	vst v51;
	v51 =	vmul.f32 v1, v49;
	v36 =	vadd.f32 v39, v43;
	v39 =	vadd.f32 v4, v62;
	v4 =	vld [tilespmem:s1+$0x147D0]  }
0x6b1: {  	v45 =	vld [tilespmem:$0x1FFD0]  }
0x6b2: {  	v22 =	vadd.f32 v63, v2;
	v40 =	vadd.f32 v48, v51;
	v19 =	vmul.f32 v36, v36;
	v62 =	vld [tilespmem:s24+$0x10280];
	s1 =	sshll.u32 s25, $0x7  }
0x6b3: {  	v30 =	vmul.f32 v3, v23;
	v0 =	vadd.f32 v16, v58;
	v58 =	vadd.f32 v29, v20;
	v20 =	vld [tilespmem:s1+$0x14780]  }
0x6b4: {  	v15 =	vadd.f32 v36, v15;
	v1 =	vmul.f32 v1, v34;
	v7 =	vadd.f32 v19, v7;
	v34 =	vld [tilespmem:s1+$0x147A0]  }
0x6b5: {  	v19 =	vmul.f32 v40, v40;
	v31 =	vadd.f32 v11, v30;
	v6 =	vadd.f32 v17, v52;
	v11 =	vld [tilespmem:s23+$0x102E0]  }
0x6b6: {  	v12 =	vadd.f32 v21, v12;
	v15 =	vadd.f32 v40, v15;
	v30 =	vld [tilespmem:s24+$0x10290]  }
0x6b7: {  	v7 =	vadd.f32 v19, v7;
	v19 =	vmul.f32 v39, v39;
	v43 =	vadd.f32 v6, v33;
	v6 =	vld [tilespmem:s23+$0x102F0]  }
0x6b8: {  	v17 =	vmul.f32 v22, v22;
	v52 =	vadd.f32 v12, v1;
	v38 =	vmovc v31;
	v4 =	vadd.f32 v4, v18;
	v18 =	vld [tilespmem:s1+$0x14790]  }
0x6b9: {  	[tilespmem:$0x1F8C0] =	vst v22;
	v7 =	vadd.f32 v19, v7;
	v19 =	vmul.f32 v31, v31;
	v48 =	vadd.f32 v38, v22;
	v22 =	vld [tilespmem:s24+$0x102A0]  }
0x6ba: {  	v15 =	vadd.f32 v39, v15;
	v1 =	vmul.f32 v3, v45;
	v45 =	vld [tilespmem:$0x1FEC0]  }
0x6bb: {  	v21 =	vmul.f32 v52, v52;
	v16 =	vadd.f32 v19, v17;
	v19 =	vld.msk [tilespmem:s13+$0x14684 ss:$0x0], $0xffff  }
0x6bc: {  	v15 =	vadd.f32 v52, v15;
	v10 =	vadd.f32 v20, v62;
	v20 =	vld [tilespmem:s1+$0x147B0]  }
0x6bd: {  	v49 =	vmovc v43;
	v17 =	vmul.f32 v43, v43;
	v7 =	vadd.f32 v21, v7;
	v21 =	vld [tilespmem:s24+$0x102C0];
	v51 =	vadd.f32 v0, v1  }
0x6be: {  	(xrf2) =	vadd.scan.msk.f32 $0xffff, v15;
	v15 =	vld [tilespmem:s7+$0x10280];
	v1 =	vmul.f32 v3, v61;
	v12 =	vadd.f32 v49, v48  }
0x6bf: {  	v11 =	vadd.f32 v37, v11;
	v61 =	vld [tilespmem:$0x1FF30];
	v16 =	vadd.f32 v17, v16;
	v63 =	vmov v51  }
0x6c0: {  	[tilespmem:$0x1F8F0] =	vst v51;
	v17 =	vmul.f32 v51, v51;
	v29 =	vadd.f32 v58, v1;
	v51 =	vld [tilespmem:$0x1FEB0];
	v48 =	vmul.f32 v3, v45  }
0x6c1: {  	[tilespmem:$0x1F8D0] =	vst v31;
	v6 =	vadd.f32 v9, v6;
	v9 =	vld [tilespmem:s6+$0x14780];
	v31 =	vadd.f32 v63, v12  }
0x6c2: {  	v37 =	vadd.f32 v11, v48;
	v11 =	vld [tilespmem:s24+$0x102E0]  }
0x6c3: {  	v16 =	vadd.f32 v17, v16;
	[tilespmem:$0x1F900] =	vst v29;
	v17 =	vmul.f32 v29, v29;
	v1 =	vadd.f32 v29, v31;
	v29 =	vld [tilespmem:$0x1FFD0]  }
0x6c4: {  	v33 =	vmul.f32 v3, v32;
	v31 =	vld [tilespmem:s1+$0x147E0]  }
0x6c5: {  	v0 =	vadd.f32 v18, v30;
	v18 =	vmul.f32 v19, v23;
	v3 =	vmul.f32 v3, v61;
	v61 =	vld [tilespmem:$0x1FF90]  }
0x6c6: {  	[tilespmem:$0x1F8E0] =	vst v43;
	v2 =	vadd.f32 v4, v33;
	v43 =	vmul.f32 v19, v26;
	v38 =	vadd.f32 v17, v16;
	v16 =	vld [tilespmem:s24+$0x102B0]  }
0x6c7: {  	v18 =	vadd.f32 v0, v18;
	v0 =	vld [tilespmem:s24+$0x102D0]  }
0x6c8: {  	v4 =	vadd.f32 v34, v22;
	v17 =	vmul.f32 v2, v2;
	v49 =	vadd.f32 v10, v43;
	v10 =	vld [tilespmem:s1+$0x147D0]  }
0x6c9: {  	v43 =	vld [tilespmem:s1+$0x147F0];
	v1 =	vadd.f32 v2, v1;
	v58 =	vmul.f32 v19, v51;
	v34 =	vadd.f32 v6, v3  }
0x6ca: {  	v3 =	vld [tilespmem:s24+$0x102F0];
	v33 =	vmul.f32 v37, v37;
	v9 =	vadd.f32 v9, v15;
	v12 =	vadd.f32 v17, v38  }
0x6cb: {  	v17 =	vld [tilespmem:s1+$0x147C0];
	v62 =	vadd.f32 v18, v49;
	v8 =	vadd.f32 v4, v58  }
0x6cc: {  	v22 =	vmov v49;
	[tilespmem:$0x1F920] =	vst v49;
	v49 =	vld [tilespmem:$0x1FED0];
	v1 =	vadd.f32 v37, v1;
	v6 =	vadd.f32 v33, v12  }
0x6cd: {  	v30 =	vmul.f32 v19, v29;
	v12 =	vld [tilespmem:s7+$0x10290];
	v63 =	vadd.f32 v20, v16;
	v38 =	vadd.f32 v8, v62  }
0x6ce: {  	(xrf2) =	vadd.scan.msk.f32 $0xffff, v7;
	s1 =	sor.u32 $0x6, s13;
	v45 =	vadd.f32 v34, v1;
	v1 =	vld.msk [tilespmem:s13+$0x14685 ss:$0x0], $0xffff;
	v16, _, _ =	vpop (xrf2);
	v0 =	vadd.f32 v10, v0;
	v62 =	vmul.f32 v19, v61  }
0x6cf: {  	[tilespmem:$0x1F930] =	vst v18;
	v58 =	vmul.f32 v34, v34;
	s3 =	sor.u32 s4, s1;
	(v2sf) =	vpush v16, $0xF;
	v16 =	vmul.f32 v18, v18;
	v18 =	vld [tilespmem:s6+$0x147D0]  }
0x6d0: {  	[tilespmem:$0x1F910] =	vst v2;
	s5 =	smulhi.u32 $0x51EB851F, s3;
	v2 =	vadd.f32 v63, v30;
	(xrf2) =	vadd.scan.msk.f32 $0xffff, v45;
	v45 =	vadd.f32 v0, v62;
	v0 =	vld [tilespmem:s6+$0x14790]  }
0x6d1: {  	v6 =	vadd.f32 v58, v6;
	v63 =	vmul.f32 v22, v22;
	v30 =	vadd.f32 v31, v11;
	v31 =	vld [tilespmem:$0x1FEC0]  }
0x6d2: {  	s0 =	sshll.u32 s1, $0x7;
	s2 =	sshrl.u32 s5, $0x6;
	v48 =	vadd.f32 v17, v21;
	v51 =	vmul.f32 v19, v49;
	v7 =	vadd.f32 v2, v38;
	v38 =	vld [tilespmem:$0x1FF30]  }
0x6d3: {  	s25 =	sand.u32 $0x3FFFFF80, s0;
	v33 =	vmul.f32 v8, v8;
	v29, _, _ =	vpop (xrf2);
	v3 =	vadd.f32 v43, v3;
	v11 =	vld [tilespmem:s7+$0x102A0];
	s2 =	smul.u32 $0xC8, s2;
	v10 =	vadd.f32 v16, v63  }
0x6d4: {  	(v2sf) =	vpush v29, $0xF;
	v21 =	vld [tilespmem:s25+$0x102B0];
	v51 =	vadd.f32 v48, v51  }
0x6d5: {  	v17 =	vmov v2;
	s1 =	ssub.s32 s3, s2;
	v16, _, _ =	vpop (xrf2);
	v15 =	vmul.f32 v1, v26;
	v48 =	vadd.f32 v33, v10;
	v10 =	vld [tilespmem:s6+$0x147B0]  }
0x6d6: {  	(xrf2) =	vadd.scan.msk.f32 $0xffff, v6;
	s14 =	sshll.u32 s1, $0x7;
	v7 =	vadd.f32 v51, v7;
	(v2sf) =	vpush v16, $0xF;
	v16 =	vmul.f32 v17, v17;
	v63 =	vmovc v17;
	v17 =	vld [tilespmem:s6+$0x147C0]  }
0x6d7: {  	v32 =	vmul.f32 v19, v31;
	v0 =	vadd.f32 v0, v12;
	v12 =	vld [tilespmem:s14+$0x14780];
	v43 =	vmul.f32 v19, v38  }
0x6d8: {  	v61 =	vadd.f32 v9, v15;
	v9 =	vld [tilespmem:s25+$0x102C0];
	v62 =	vadd.f32 v16, v48;
	v16 =	vmul.f32 v51, v51  }
0x6d9: {  	v58 =	vadd.f32 v30, v32;
	v32 =	vadd.f32 v3, v43;
	v43 =	vld [tilespmem:$0x1FEB0]  }
0x6da: {  	v31 =	vmul.f32 v45, v45;
	v19 =	vld [tilespmem:s7+$0x102E0];
	v4 =	vadd.f32 v16, v62  }
0x6db: {  	v49, _, _ =	vpop (xrf2);
	v7 =	vadd.f32 v45, v7;
	v30 =	vmul.f32 v1, v23;
	v3 =	vld [tilespmem:s7+$0x102C0]  }
0x6dc: {  	(v2sf) =	vpush v49, $0xF;
	v4 =	vadd.f32 v31, v4;
	v31 =	vld [tilespmem:$0x1FFD0]  }
0x6dd: {  	v7 =	vadd.f32 v58, v7;
	v62 =	vadd.f32 v0, v30;
	v0 =	vld [tilespmem:s25+$0x10290]  }
0x6de: {  	v38 =	vadd.f32 v14, v11;
	v30 =	vadd.f32 v10, v5;
	v29, _, _ =	vpop (xrf2);
	v48 =	vmul.f32 v1, v43;
	v43 =	vld [tilespmem:s14+$0x14790]  }
0x6df: {  	v11 =	vld [tilespmem:s25+$0x10280];
	v49 =	vmul.f32 v58, v58;
	v2 =	vadd.f32 v32, v7;
	(v2sf) =	vpush v29, $0xF  }
0x6e0: {  	v7 =	vld [tilespmem:s7+$0x102D0];
	v33, _, _ =	vpop (xrf2);
	v29 =	vmul.f32 v61, v61;
	v15 =	vmul.f32 v62, v62;
	v38 =	vadd.f32 v38, v48  }
0x6e1: {  	(v2sf) =	vpush v33, $0xF;
	v6 =	vadd.f32 v49, v4;
	v49 =	vld [tilespmem:$0x1FED0];
	(xrf2) =	vadd.scan.msk.f32 $0xffff, v2;
	v33 =	vmul.f32 v1, v31  }
0x6e2: {  	v14 =	vadd.f32 v15, v29;
	v3 =	vadd.f32 v17, v3;
	v17 =	vld [tilespmem:s25+$0x102A0];
	v15 =	vmul.f32 v38, v38  }
0x6e3: {  	v27 =	vadd.f32 v30, v33;
	v0 =	vadd.f32 v43, v0;
	v43 =	vld [tilespmem:$0x1FF90]  }
0x6e4: {  	v48 =	vmul.f32 v32, v32;
	v14 =	vadd.f32 v15, v14;
	v15 =	vld [tilespmem:s14+$0x147A0]  }
0x6e5: {  	v4 =	vld [tilespmem:$0x1FEB0];
	v20 =	vmul.f32 v27, v27  }
0x6e6: {  	v16 =	vld [tilespmem:s6+$0x147E0];
	v10 =	vadd.f32 v48, v6  }
0x6e7: {  	v6 =	vadd.f32 v12, v11;
	v11 =	vadd.f32 v20, v14;
	v14 =	vld [tilespmem:s14+$0x147B0]  }
0x6e8: {  	v7 =	vadd.f32 v18, v7;
	v2 =	vmul.f32 v1, v49;
	v48 =	vmul.f32 v1, v43;
	v43 =	vld [tilespmem:s14+$0x147D0]  }
0x6e9: {  	s17 =	sor.u32 $0x7, s13;
	v31 =	vmul.f32 v13, v23;
	v30 =	vmul.f32 v13, v26;
	v49 =	vadd.f32 v15, v17;
	v17 =	vld [tilespmem:s14+$0x147C0]  }
0x6ea: {  	s18 =	sor.u32 s4, s17;
	v24 =	vadd.f32 v3, v2;
	v15 =	vmul.f32 v13, v4;
	v12 =	vadd.f32 v7, v48;
	v48 =	vld [tilespmem:$0x1FFD0]  }
0x6eb: {  	s5 =	smulhi.u32 $0x51EB851F, s18;
	v33 =	vadd.f32 v6, v30;
	v31 =	vadd.f32 v0, v31;
	v29, _, _ =	vpop (xrf2);
	v7 =	vld [tilespmem:$0x1FF90]  }
0x6ec: {  	s8 =	spop (v2sf);
	(v2sf) =	vpush v29, $0xF;
	v29 =	vadd.f32 v49, v15;
	v15 =	vld [tilespmem:s25+$0x102D0]  }
0x6ed: {  	s5 =	sshrl.u32 s5, $0x6;
	v6 =	vmul.f32 v33, v33;
	v22 =	vmul.f32 v31, v31;
	v49 =	vld [tilespmem:$0x1FED0]  }
0x6ee: {  	s5 =	smul.u32 $0xC8, s5;
	v20 =	vmul.f32 v24, v24  }
0x6ef: {  	v16 =	vadd.f32 v16, v19;
	v30 =	vadd.f32 v22, v6;
	v6 =	vld [tilespmem:$0x1FEC0]  }
0x6f0: {  	s3 =	ssub.s32 s18, s5;
	v5 =	vld [tilespmem:s7+$0x102F0];
	v11 =	vadd.f32 v20, v11;
	v14 =	vadd.f32 v14, v21;
	v21 =	vmul.f32 v13, v48  }
0x6f1: {  	s28 =	sshll.u32 s3, $0x7;
	v18 =	vld [tilespmem:s6+$0x147F0];
	(xrf2) =	vadd.scan.msk.f32 $0xffff, v10;
	v20 =	vmul.f32 v29, v29;
	v10 =	vadd.f32 v43, v15;
	v43 =	vmul.f32 v13, v7  }
0x6f2: {  	[tilespmem:$0x1F940] =	vst v8;
	s1 =	sshll.u32 s17, $0x7;
	v9 =	vadd.f32 v17, v9;
	v48 =	vld [tilespmem:s28+$0x14780];
	v17 =	vmul.f32 v13, v49;
	v8 =	vadd.f32 v14, v21  }
0x6f3: {  	s26 =	sand.u32 $0x3FFFFF80, s1;
	v20 =	vadd.f32 v20, v30;
	v10 =	vadd.f32 v10, v43;
	v43 =	vld [tilespmem:$0x1FF30]  }
0x6f4: {  	v30 =	vld [tilespmem:s26+$0x10290];
	v49 =	vadd.f32 v9, v17;
	v17 =	vmul.f32 v1, v6;
	v23 =	vmul.f32 v8, v8  }
0x6f5: {  	v21 =	vld [tilespmem:s26+$0x10280]  }
0x6f6: {  	v15 =	vadd.f32 v16, v17;
	v16 =	vadd.f32 v23, v20;
	v20 =	vld [tilespmem:s28+$0x14790]  }
0x6f7: {  	v19 =	vld [tilespmem:s14+$0x147E0];
	v17 =	vmul.f32 v49, v49  }
0x6f8: {  	v5 =	vadd.f32 v18, v5;
	v22 =	vld [tilespmem:s25+$0x102E0];
	v1 =	vmul.f32 v1, v43  }
0x6f9: {  	v4 =	vmul.f32 v12, v12;
	v14 =	vld.msk [tilespmem:s13+$0x14687 ss:$0x0], $0xffff;
	v16 =	vadd.f32 v17, v16  }
0x6fa: {  	v17 =	vadd.f32 v5, v1;
	v1 =	vadd.f32 v48, v21;
	v21 =	vld [tilespmem:s26+$0x102B0]  }
0x6fb: {  	v9 =	vadd.f32 v4, v11;
	v11 =	vadd.f32 v20, v30;
	v20 =	vld [tilespmem:s28+$0x147B0]  }
0x6fc: {  	v18, _, _ =	vpop (xrf2);
	v5 =	vadd.f32 v62, v61;
	v30 =	vld [tilespmem:$0x1FEA0]  }
0x6fd: {  	s11 =	spop (v2sf);
	(v2sf) =	vpush v18, $0xF;
	v18 =	vmul.f32 v10, v10  }
0x6fe: {  	v0 =	vld [tilespmem:s28+$0x147A0];
	v5 =	vadd.f32 v38, v5  }
0x6ff: {  	v43 =	vld [tilespmem:s26+$0x102A0];
	v18 =	vadd.f32 v18, v16;
	v48 =	vmul.f32 v14, v26  }
0x700: {  	v20 =	vadd.f32 v20, v21;
	v21 =	vadd.f32 v27, v5;
	v5 =	vld [tilespmem:$0x1FFD0]  }
0x701: {  	v16 =	vadd.f32 v19, v22;
	v19 =	vmul.f32 v14, v30;
	v30 =	vadd.f32 v1, v48;
	v48 =	vld [tilespmem:$0x1FEC0]  }
0x702: {  	v4 =	vld [tilespmem:$0x1FEB0]  }
0x703: {  	v23 =	vmul.f32 v15, v15  }
0x704: {  	v2 =	vld [tilespmem:s28+$0x147C0]  }
0x705: {  	v9 =	vadd.f32 v23, v9;
	v23 =	vld [tilespmem:s26+$0x102C0];
	v5 =	vmul.f32 v14, v5  }
0x706: {  	v0 =	vadd.f32 v0, v43;
	v22 =	vmul.f32 v13, v48  }
0x707: {  	v48 =	vadd.f32 v11, v19;
	v19 =	vmul.f32 v14, v4;
	v26 =	vadd.f32 v20, v5;
	v5 =	vld [tilespmem:$0x1FED0]  }
0x708: {  	s2 =	smul.f32 $7.812500000e-03, s8;
	v16 =	vadd.f32 v16, v22  }
0x709: {  	s0 =	smul.f32 $7.812500000e-03, s11;
	v11 =	vld [tilespmem:s25+$0x102F0];
	v43 =	vadd.f32 v0, v19;
	v0 =	vmul.f32 v30, v30;
	v19 =	vmul.f32 v48, v48  }
0x70a: {  	s15 =	smul.f32 s2, s2;
	v2 =	vadd.f32 v2, v23;
	v22 =	vld [tilespmem:s14+$0x147F0];
	v6 =	vmul.f32 v16, v16  }
0x70b: {  	v20 =	vadd.f32 v24, v21;
	v1 =	vadd.f32 v19, v0;
	v19 =	vmul.f32 v17, v17  }
0x70c: {  	s0 =	ssub.f32 s0, s15;
	v3 =	vld [tilespmem:s26+$0x102D0];
	v21 =	vmul.f32 v43, v43;
	v4 =	vadd.f32 v6, v18;
	v6 =	vmul.f32 v14, v5  }
0x70d: {  	v7 =	vadd.f32 v12, v20;
	v19 =	vadd.f32 v19, v9;
	v18 =	vld [tilespmem:s28+$0x147D0]  }
0x70e: {  	s0 =	sadd.f32 $9.999999960e-13, s0;
	v20 =	vmul.f32 v26, v26;
	v1 =	vadd.f32 v21, v1;
	v9 =	vadd.f32 v2, v6;
	v6 =	vld [tilespmem:$0x1FF30]  }
0x70f: {  	v21 =	vadd.f32 v22, v11  }
0x710: {  	s15 =	smul.f32 $5.000000000e-01, s0;
	s19 =	spop (v2sf);
	v11 =	vld [tilespmem:$0x1FF90];
	v1 =	vadd.f32 v20, v1;
	v20 =	vadd.f32 v15, v7  }
0x711: {  	s11 =	spop (v2sf);
	s6 =	smul.f32 $7.812500000e-03, s19;
	v23 =	vld [tilespmem:s28+$0x147E0];
	v7 =	vadd.f32 v31, v33  }
0x712: {  	s0 =	sshra.s32 s0, $0x1;
	s21 =	smul.f32 $7.812500000e-03, s11;
	v3 =	vadd.f32 v18, v3;
	v18 =	vadd.f32 v17, v20;
	v20 =	vld [tilespmem:s26+$0x102E0]  }
0x713: {  	s0 =	ssub.s32 $0x5F3759DF, s0;
	s29 =	smul.f32 s6, s6;
	v2 =	vadd.f32 v29, v7;
	v7 =	vmul.f32 v13, v6;
	v6 =	vld [tilespmem:$0x1FEC0]  }
0x714: {  	s8 =	smul.f32 s0, s15;
	v22 =	vadd.f32 v48, v30  }
0x715: {  	s1 =	ssub.f32 s21, s29;
	v5 =	vmul.f32 v14, v11  }
0x716: {  	s30 =	smul.f32 s0, s8;
	v0 =	vld [tilespmem:s26+$0x102F0];
	v22 =	vadd.f32 v43, v22;
	v13 =	vmul.f32 v9, v9  }
0x717: {  	s1 =	sadd.f32 $9.999999960e-13, s1;
	v2 =	vadd.f32 v8, v2;
	(xrf2) =	vadd.scan.msk.f32 $0xffff, v18;
	v18 =	vld [tilespmem:s28+$0x147F0];
	v11 =	vadd.f32 v3, v5  }
0x718: {  	s8 =	ssub.f32 $1.500000000e+00, s30;
	v1 =	vadd.f32 v13, v1;
	v13 =	vadd.f32 v23, v20;
	v20 =	vmul.f32 v14, v6;
	v6 =	vld [tilespmem:$0x1FF30]  }
0x719: {  	s11 =	sshra.s32 s1, $0x1;
	s21 =	smul.f32 $5.000000000e-01, s1;
	v2 =	vadd.f32 v49, v2  }
0x71a: {  	s0 =	smul.f32 s0, s8;
	s3 =	ssub.s32 $0x5F3759DF, s11;
	(xrf2) =	vadd.scan.msk.f32 $0xffff, v19;
	v19 =	vadd.f32 v26, v22;
	v5 =	vmul.f32 v11, v11  }
0x71b: {  	s18 =	smul.f32 s3, s21;
	v7 =	vadd.f32 v21, v7;
	v2 =	vadd.f32 v10, v2  }
0x71c: {  	s19 =	spop (v2sf);
	s17 =	smul.f32 s0, s15;
	v19 =	vadd.f32 v9, v19;
	v1 =	vadd.f32 v5, v1  }
0x71d: {  	s29 =	spop (v2sf);
	s5 =	smul.f32 s3, s18;
	v0 =	vadd.f32 v18, v0;
	v13 =	vadd.f32 v13, v20;
	v14 =	vmul.f32 v14, v6  }
0x71e: {  	s8 =	smul.f32 $7.812500000e-03, s29;
	v2 =	vadd.f32 v16, v2;
	v18 =	vadd.f32 v11, v19  }
0x71f: {  	s1 =	smul.f32 s17, s0;
	s5 =	ssub.f32 $1.500000000e+00, s5;
	v19 =	vmul.f32 v13, v13;
	v6 =	vmul.f32 v7, v7;
	v14 =	vadd.f32 v0, v14  }
0x720: {  	s14 =	smul.f32 $7.812500000e-03, s19;
	v2 =	vadd.f32 v7, v2;
	v18 =	vadd.f32 v13, v18  }
0x721: {  	s3 =	smul.f32 s3, s5;
	v1 =	vadd.f32 v19, v1;
	v0 =	vadd.f32 v6, v4;
	v4 =	vmul.f32 v14, v14  }
0x722: {  	s30 =	smul.f32 s14, s14;
	(xrf2) =	vadd.scan.msk.f32 $0xffff, v2;
	v5 =	vadd.f32 v14, v18  }
0x723: {  	s1 =	ssub.f32 $1.500000000e+00, s1;
	(xrf2) =	vadd.scan.msk.f32 $0xffff, v0;
	v6 =	vadd.f32 v4, v1  }
0x724: {  	s17 =	smul.f32 s3, s21;
	s11 =	ssub.f32 s8, s30;
	v18, _, _ =	vpop (xrf2);
	(xrf2) =	vadd.scan.msk.f32 $0xffff, v5  }
0x725: {  	s1 =	smul.f32 s1, s0;
	v4, _, _ =	vpop (xrf2);
	(xrf2) =	vadd.scan.msk.f32 $0xffff, v6;
	v6 =	vld [tilespmem:$0x1F820]  }
0x726: {  	s19 =	smul.f32 s17, s3;
	s0 =	sadd.f32 $9.999999960e-13, s11;
	v1 =	vmov s2  }
0x727: {  	s8 =	smul.f32 s1, s15;
	v2 =	vsub.f32 v57, v1;
	v57 =	vld [tilespmem:$0x1F830]  }
0x728: {  	s29 =	spop (v2sf);
	s18 =	sshra.s32 s0, $0x1;
	s5 =	smul.f32 $5.000000000e-01, s0  }
0x729: {  	s15 =	smul.f32 $7.812500000e-03, s29;
	s11 =	ssub.s32 $0x5F3759DF, s18;
	(v2sf) =	vpush v18, $0xF  }
0x72a: {  	s17 =	smul.f32 s11, s5;
	(v2sf) =	vpush v4, $0xF;
	v4 =	vsub.f32 v6, v1;
	v6 =	vld [tilespmem:$0x1F840]  }
0x72b: {  	s0 =	ssub.f32 $1.500000000e+00, s19;
	s19 =	smul.f32 s15, s15  }
0x72c: {  	s18 =	spop (v2sf);
	s30 =	smul.f32 s11, s17;
	v18 =	vsub.f32 v57, v1;
	v57 =	vld [tilespmem:$0x1F850]  }
0x72d: {  	s18 =	smul.f32 $7.812500000e-03, s18  }
0x72e: {  	s17 =	smul.f32 s0, s3;
	s29 =	ssub.f32 $1.500000000e+00, s30  }
0x72f: {  	s19 =	ssub.f32 s18, s19;
	s3 =	smul.f32 s8, s1;
	v19 =	vsub.f32 v6, v1;
	v6 =	vld [tilespmem:$0x1F860]  }
0x730: {  	s8 =	smul.f32 s11, s29;
	v5 =	vld [tilespmem:$0x1F810]  }
0x731: {  	s18 =	smul.f32 s17, s21;
	s0 =	sadd.f32 $9.999999960e-13, s19;
	v20 =	vsub.f32 v57, v1;
	v57 =	vld [tilespmem:$0x1F870]  }
0x732: {  	v22 =	vmov s6;
	s19 =	smul.f32 s8, s5  }
0x733: {  	s3 =	ssub.f32 $1.500000000e+00, s3;
	v23 =	vsub.f32 v42, v22;
	v42 =	vsub.f32 v50, v22;
	s28 =	smul.f32 $5.000000000e-01, s0  }
0x734: {  	v50 =	vsub.f32 v53, v22;
	s30 =	sshra.s32 s0, $0x1;
	s0 =	smul.f32 s19, s8;
	v21 =	vsub.f32 v6, v1;
	v6 =	vld [tilespmem:$0x1FEF0]  }
0x735: {  	v53 =	vsub.f32 v56, v22;
	v56 =	vsub.f32 v59, v22;
	v59 =	vld [tilespmem:$0x1FF10];
	s19 =	smul.f32 s3, s1  }
0x736: {  	v0 =	vsub.f32 v5, v1;
	v1 =	vsub.f32 v57, v1;
	v57 =	vld [tilespmem:$0x1FFA0]  }
0x737: {  	s3 =	smul.f32 s18, s17;
	v4 =	vmul.f32 s19, v4  }
0x738: {  	v19 =	vmul.f32 s19, v19  }
0x739: {  	v41 =	vsub.f32 v41, v22;
	v28 =	vsub.f32 v28, v22;
	s11 =	ssub.s32 $0x5F3759DF, s30;
	s3 =	ssub.f32 $1.500000000e+00, s3;
	v5, _, _ =	vpop (xrf2);
	v4 =	vmul.f32 v4, v6  }
0x73a: {  	v22 =	vsub.f32 v25, v22;
	s21 =	smul.f32 s11, s28;
	(v2sf) =	vpush v5, $0xF;
	v25, _, _ =	vpop (xrf2);
	v19 =	vmul.f32 v19, v59;
	v59 =	vld [tilespmem:$0x1FF60]  }
0x73b: {  	s18 =	spop (v2sf);
	s3 =	smul.f32 s3, s17;
	(v2sf) =	vpush v25, $0xF;
	v25, _, _ =	vpop (xrf2);
	v4 =	vadd.f32 v4, v57;
	v57 =	vld [tilespmem:$0x1FFB0]  }
0x73c: {  	s29 =	smul.f32 s11, s21;
	s21 =	spop (v2sf);
	(v2sf) =	vpush v25, $0xF;
	v25, _, _ =	vpop (xrf2)  }
0x73d: {  	v18 =	vmul.f32 s19, v18;
	(v2sf) =	vpush v25, $0xF;
	v25 =	vmul.f32 s3, v41;
	v6 =	vld [tilespmem:$0x1FF50]  }
0x73e: {  	v41 =	vmul.f32 s3, v42;
	v42 =	vld [tilespmem:$0x1FF80];
	v21 =	vmul.f32 s19, v21  }
0x73f: {  	v19 =	vadd.f32 v19, v59;
	v59 =	vld [tilespmem:$0x1FEF0]  }
0x740: {  	v18 =	vmul.f32 v18, v35;
	v21 =	vmul.f32 v21, v57;
	v57 =	vld [tilespmem:$0x1FFC0]  }
0x741: {  	v41 =	vmul.f32 v41, v35;
	v35 =	vld [tilespmem:$0x1FFA0]  }
0x742: {  	v28 =	vmul.f32 s3, v28;
	v18 =	vadd.f32 v18, v6;
	v6 =	vld [tilespmem:$0x1FF70]  }
0x743: {  	v20 =	vmul.f32 s19, v20;
	v1 =	vmul.f32 s19, v1  }
0x744: {  	v28 =	vmul.f32 v28, v59;
	v59 =	vld [tilespmem:$0x1FF10]  }
0x745: {  	v20 =	vmul.f32 v20, v47;
	v1 =	vmul.f32 v1, v57  }
0x746: {  	v28 =	vadd.f32 v28, v35;
	v35 =	vld [tilespmem:$0x1FF60]  }
0x747: {  	v20 =	vadd.f32 v20, v6;
	v6 =	vadd.f32 v1, v42;
	v42 =	vmul.f32 s3, v50;
	_ =	sdelay $0x1  }
0x748: {  	v50 =	vld [tilespmem:$0x1FF50];
	v42 =	vmul.f32 v42, v59;
	_ =	sdelay $0x1  }
0x749: {  	v42 =	vadd.f32 v42, v35;
	v35 =	vld [tilespmem:$0x1FFB0];
	_ =	sdelay $0x2  }
0x74a: {  	v41 =	vadd.f32 v41, v50;
	v50 =	vmul.f32 s3, v53;
	v53 =	vmul.f32 s3, v56;
	_ =	sdelay $0x1  }
0x74b: {  	v53 =	vmul.f32 v53, v35;
	v35 =	vld [tilespmem:$0x1F890]  }
0x74c: {  	v0 =	vmul.f32 s19, v0;
	_ =	sdelay $0x1  }
0x74d: {  	v0 =	vmul.f32 v0, v46  }
0x74e: {  	v56 =	vmov s14  }
0x74f: {  	v3 =	vadd.f32 v0, v44;
	v0 =	vsub.f32 v35, v56;
	v35 =	vld [tilespmem:$0x1FF70];
	_ =	sdelay $0x2  }
0x750: {  	v50 =	vmul.f32 v50, v47  }
0x751: {  	s0 =	ssub.f32 $1.500000000e+00, s0  }
0x752: {  	s30 =	ssub.f32 $1.500000000e+00, s29;
	v50 =	vadd.f32 v50, v35;
	v35 =	vld [tilespmem:$0x1F8A0]  }
0x753: {  	s1 =	smul.f32 s0, s8  }
0x754: {  	s0 =	smul.f32 s11, s30  }
0x755: {  	s29 =	smul.f32 $7.812500000e-03, s21  }
0x756: {  	s11 =	smul.f32 s0, s28  }
0x757: {  	s2 =	smul.f32 $7.812500000e-03, s18;
	v1 =	vsub.f32 v35, v56;
	v35 =	vld [tilespmem:$0x1FF80]  }
0x758: {  	s5 =	smul.f32 s1, s5;
	v22 =	vmul.f32 s3, v22  }
0x759: {  	s30 =	smul.f32 s2, s2  }
0x75a: {  	s11 =	smul.f32 s11, s0;
	v22 =	vmul.f32 v22, v57  }
0x75b: {  	s6 =	ssub.f32 s29, s30  }
0x75c: {  	s5 =	smul.f32 s5, s1;
	s8 =	ssub.f32 $1.500000000e+00, s11;
	v22 =	vadd.f32 v22, v35;
	v35 =	vld [tilespmem:$0x1F8B0]  }
0x75d: {  	v2 =	vmul.f32 s19, v2;
	s6 =	sadd.f32 $9.999999960e-13, s6  }
0x75e: {  	s5 =	ssub.f32 $1.500000000e+00, s5;
	s18 =	smul.f32 s8, s0  }
0x75f: {  	v2 =	vmul.f32 v2, v55;
	s17 =	sshra.s32 s6, $0x1;
	s21 =	smul.f32 $5.000000000e-01, s6;
	s29 =	spop (v2sf)  }
0x760: {  	v23 =	vmul.f32 s3, v23;
	s0 =	ssub.s32 $0x5F3759DF, s17;
	s6 =	smul.f32 $7.812500000e-03, s29;
	s17 =	spop (v2sf)  }
0x761: {  	v5 =	vadd.f32 v2, v54;
	s11 =	smul.f32 $7.812500000e-03, s17;
	v2 =	vsub.f32 v35, v56;
	v35 =	vld [tilespmem:$0x1FEF0]  }
0x762: {  	v23 =	vmul.f32 v23, v46;
	s17 =	smul.f32 s5, s1  }
0x763: {  	s19 =	smul.f32 s6, s6;
	v59 =	vld [tilespmem:$0x1F880]  }
0x764: {  	v23 =	vadd.f32 v23, v44;
	s30 =	smul.f32 s0, s21;
	v1 =	vmul.f32 s17, v1  }
0x765: {  	s28 =	smul.f32 s18, s28;
	s11 =	ssub.f32 s11, s19  }
0x766: {  	[tilespmem:s10+$0x10280] =	vst v23;
	s8 =	smul.f32 s0, s30;
	v21 =	vadd.f32 v21, v60;
	v36 =	vsub.f32 v36, v56;
	v1 =	vmul.f32 v1, v35;
	v35 =	vld [tilespmem:$0x1FFA0]  }
0x767: {  	v23 =	vld [tilespmem:$0x1F900];
	[tilespmem:s16+$0x10280] =	vst v3;
	s11 =	sadd.f32 $9.999999960e-13, s11;
	v40 =	vsub.f32 v40, v56;
	v3 =	vsub.f32 v39, v56  }
0x768: {  	s30 =	smul.f32 s28, s18;
	s29 =	ssub.f32 $1.500000000e+00, s8;
	v39 =	vsub.f32 v52, v56;
	v59 =	vsub.f32 v59, v56;
	v56 =	vld [tilespmem:$0x1FF00]  }
0x769: {  	s19 =	sshra.s32 s11, $0x1;
	s5 =	smul.f32 $5.000000000e-01, s11;
	[tilespmem:s16+$0x102B0] =	vst v18;
	v18 =	vld [tilespmem:$0x1FF50]  }
0x76a: {  	v25 =	vmul.f32 v25, v55;
	s0 =	smul.f32 s0, s29;
	s29 =	ssub.s32 $0x5F3759DF, s19;
	[tilespmem:s16+$0x102E0] =	vst v21;
	v21 =	vld [tilespmem:$0x1F8F0]  }
0x76b: {  	s1 =	smul.f32 s29, s5;
	v2 =	vmul.f32 s17, v2;
	v1 =	vadd.f32 v1, v35;
	v35 =	vld [tilespmem:$0x1FF10]  }
0x76c: {  	v25 =	vadd.f32 v25, v54;
	s28 =	smul.f32 s0, s21;
	[tilespmem:s16+$0x102D0] =	vst v20;
	v20 =	vld [tilespmem:$0x1F8D0]  }
0x76d: {  	s8 =	ssub.f32 $1.500000000e+00, s30;
	[tilespmem:s16+$0x102C0] =	vst v19;
	v19 =	vld [tilespmem:$0x1FF70];
	s30 =	smul.f32 s29, s1;
	v2 =	vmul.f32 v2, v56  }
0x76e: {  	[tilespmem:s10+$0x10290] =	vst v25;
	v25 =	vld [tilespmem:$0x1FEF0];
	s19 =	spop (v2sf);
	s3 =	smul.f32 s28, s0;
	v36 =	vmul.f32 s17, v36;
	v40 =	vmul.f32 s17, v40  }
0x76f: {  	s14 =	smul.f32 $7.812500000e-03, s19;
	v2 =	vadd.f32 v2, v18;
	v18 =	vld [tilespmem:$0x1FF60]  }
0x770: {  	[tilespmem:s16+$0x10290] =	vst v5;
	s1 =	smul.f32 s8, s18;
	v52 =	vmov s15;
	s3 =	ssub.f32 $1.500000000e+00, s3;
	v56 =	vld [tilespmem:$0x1F8E0];
	v5 =	vmul.f32 v36, v35;
	v36 =	vmul.f32 v40, v47  }
0x771: {  	s18 =	ssub.f32 $1.500000000e+00, s30;
	s30 =	smul.f32 s14, s14;
	v20 =	vsub.f32 v20, v52;
	v21 =	vsub.f32 v21, v52;
	v40 =	vld [tilespmem:$0x1F8C0]  }
0x772: {  	[tilespmem:s16+$0x102A0] =	vst v4;
	v23 =	vsub.f32 v23, v52;
	v59 =	vmul.f32 s17, v59;
	s0 =	smul.f32 s3, s0;
	v4 =	vadd.f32 v36, v19;
	v19 =	vld [tilespmem:$0x1FFB0]  }
0x773: {  	s28 =	spop (v2sf);
	v34 =	vsub.f32 v34, v52;
	v3 =	vmul.f32 s17, v3;
	s3 =	smul.f32 s29, s18;
	v21 =	vmul.f32 s1, v21;
	v36 =	vld [tilespmem:$0x1FF80]  }
0x774: {  	s29 =	smul.f32 $7.812500000e-03, s28;
	v59 =	vmul.f32 v59, v46;
	v5 =	vadd.f32 v5, v18;
	v18 =	vmul.f32 s17, v39;
	v39 =	vld [tilespmem:$0x1FF00]  }
0x775: {  	[tilespmem:s10+$0x102C0] =	vst v42;
	v42 =	vld [tilespmem:$0x1F930];
	v23 =	vmul.f32 s1, v23;
	v53 =	vadd.f32 v53, v60;
	s8 =	smul.f32 s0, s21;
	v0 =	vmul.f32 s17, v0  }
0x776: {  	v34 =	vmul.f32 s1, v34;
	s21 =	smul.f32 s3, s5;
	v59 =	vadd.f32 v59, v44;
	[tilespmem:s10+$0x102D0] =	vst v50;
	v50 =	vld [tilespmem:$0x1FF50];
	v35 =	vsub.f32 v40, v52  }
0x777: {  	[tilespmem:s10+$0x102B0] =	vst v41;
	v41 =	vld [tilespmem:$0x1F920];
	s8 =	smul.f32 s8, s0;
	v0 =	vmul.f32 v0, v55;
	v18 =	vmul.f32 v18, v57;
	v40 =	vsub.f32 v37, v52  }
0x778: {  	s11 =	ssub.f32 s29, s30;
	s15 =	smul.f32 s21, s3;
	v3 =	vmul.f32 v3, v19;
	v19 =	vmul.f32 s1, v35;
	v35 =	vsub.f32 v56, v52  }
0x779: {  	[tilespmem:s16+$0x102F0] =	vst v6;
	s8 =	ssub.f32 $1.500000000e+00, s8;
	v6 =	vadd.f32 v18, v36;
	v18 =	vmul.f32 s1, v20;
	v21 =	vmul.f32 v21, v39  }
0x77a: {  	[tilespmem:s10+$0x102A0] =	vst v28;
	s15 =	ssub.f32 $1.500000000e+00, s15;
	v0 =	vadd.f32 v0, v54;
	v28 =	vmul.f32 s1, v40;
	v20 =	vmul.f32 s1, v35  }
0x77b: {  	s18 =	sadd.f32 $9.999999960e-13, s11;
	s16 =	smul.f32 s8, s0;
	[tilespmem:s22+$0x102A0] =	vst v1;
	v56 =	vld [tilespmem:$0x1FF10];
	v3 =	vadd.f32 v3, v60;
	v35 =	vmov s2;
	v1 =	vadd.f32 v21, v50  }
0x77c: {  	s3 =	smul.f32 s15, s3;
	v36 =	vsub.f32 v41, v35;
	v37 =	vsub.f32 v42, v35;
	v20 =	vmul.f32 v20, v25;
	v25 =	vld [tilespmem:$0x1F910]  }
0x77d: {  	[tilespmem:s10+$0x102E0] =	vst v53;
	s19 =	sshra.s32 s18, $0x1;
	s15 =	smul.f32 $5.000000000e-01, s18;
	v19 =	vmul.f32 v19, v46;
	v40 =	vsub.f32 v63, v35;
	v41 =	vsub.f32 v51, v35  }
0x77e: {  	s28 =	ssub.s32 $0x5F3759DF, s19;
	s21 =	smul.f32 s3, s5;
	[tilespmem:s10+$0x102F0] =	vst v22;
	v18 =	vmul.f32 v18, v55;
	v63 =	vsub.f32 v45, v35;
	v22 =	vsub.f32 v58, v35  }
0x77f: {  	s29 =	spop (v2sf);
	[tilespmem:s22+$0x10280] =	vst v59;
	s8 =	smul.f32 s28, s15;
	v21 =	vmul.f32 v34, v57;
	v45 =	vld [tilespmem:$0x1FF60];
	v32 =	vsub.f32 v32, v35;
	v19 =	vadd.f32 v19, v44  }
0x780: {  	[tilespmem:s22+$0x102D0] =	vst v4;
	s2 =	smul.f32 $7.812500000e-03, s29;
	v18 =	vadd.f32 v18, v54;
	v23 =	vmul.f32 v23, v56;
	v56 =	vld [tilespmem:$0x1FFA0];
	v36 =	vmul.f32 s16, v36  }
0x781: {  	s0 =	smul.f32 s21, s3;
	[tilespmem:s22+$0x102E0] =	vst v3;
	v37 =	vmul.f32 s16, v37;
	v59 =	vmul.f32 s16, v41;
	v25 =	vsub.f32 v25, v52;
	v52 =	vld [tilespmem:$0x1F940]  }
0x782: {  	s30 =	spop (v2sf);
	v51 =	vld [tilespmem:$0x1FF80];
	s10 =	smul.f32 s2, s2;
	v4 =	vmul.f32 s16, v63;
	v3 =	vmul.f32 s16, v22;
	[tilespmem:s23+$0x10280] =	vst v19;
	v19 =	vmov s14  }
0x783: {  	v63 =	vmul.f32 s16, v32;
	v8 =	vsub.f32 v8, v19;
	v25 =	vmul.f32 s1, v25;
	s1 =	smul.f32 $7.812500000e-03, s30  }
0x784: {  	s11 =	smul.f32 s28, s8;
	s0 =	ssub.f32 $1.500000000e+00, s0;
	[tilespmem:s23+$0x102B0] =	vst v1;
	v34 =	vmul.f32 v36, v46;
	v1 =	vsub.f32 v10, v19;
	v10 =	vsub.f32 v16, v19  }
0x785: {  	[tilespmem:s22+$0x10290] =	vst v0;
	v16 =	vmov s2;
	v63 =	vmul.f32 v63, v57;
	v0 =	vadd.f32 v20, v56;
	v20 =	vld [tilespmem:$0x1FFB0];
	s1 =	ssub.f32 s1, s10  }
0x786: {  	[tilespmem:s22+$0x102B0] =	vst v2;
	v2 =	vadd.f32 v23, v45;
	v39 =	vsub.f32 v52, v35;
	v35 =	vmov s6;
	s6 =	ssub.f32 $1.500000000e+00, s11  }
0x787: {  	s0 =	smul.f32 s0, s3;
	v4 =	vmul.f32 v4, v47;
	v32 =	vadd.f32 v21, v51;
	v42 =	vadd.f32 v34, v44;
	s1 =	sadd.f32 $9.999999960e-13, s1  }
0x788: {  	v23 =	vmul.f32 v37, v55;
	v34 =	vadd.f32 v63, v51;
	v61 =	vsub.f32 v61, v35;
	s17 =	smul.f32 s28, s6  }
0x789: {  	[tilespmem:s22+$0x102C0] =	vst v5;
	v25 =	vmul.f32 v25, v47;
	v62 =	vsub.f32 v62, v35;
	v22 =	vsub.f32 v38, v35;
	s18 =	sshra.s32 s1, $0x1;
	s1 =	smul.f32 $5.000000000e-01, s1  }
0x78a: {  	[tilespmem:s22+$0x102F0] =	vst v6;
	v52 =	vld [tilespmem:$0x1FF70];
	v20 =	vmul.f32 v28, v20;
	v27 =	vsub.f32 v27, v35;
	v24 =	vsub.f32 v24, v35;
	s6 =	smul.f32 s17, s15;
	s5 =	ssub.s32 $0x5F3759DF, s18  }
0x78b: {  	[tilespmem:s23+$0x10290] =	vst v18;
	v36 =	vld [tilespmem:$0x1FEF0];
	v12 =	vsub.f32 v12, v35;
	v15 =	vsub.f32 v15, v35;
	v53 =	vmul.f32 s16, v39;
	s19 =	smul.f32 s5, s1  }
0x78c: {  	[tilespmem:s23+$0x102C0] =	vst v2;
	v17 =	vsub.f32 v17, v35;
	v35 =	vld [tilespmem:$0x1FF00];
	v28 =	vmul.f32 s0, v61;
	v21 =	vmul.f32 s0, v62;
	s6 =	smul.f32 s6, s17  }
0x78d: {  	[tilespmem:s23+$0x102F0] =	vst v32;
	v2 =	vsub.f32 v7, v19;
	v39 =	vld [tilespmem:$0x1FF10];
	v22 =	vmul.f32 s0, v22;
	v27 =	vmul.f32 s0, v27;
	s8 =	smul.f32 s5, s19  }
0x78e: {  	[tilespmem:s24+$0x10280] =	vst v42;
	v18 =	vadd.f32 v20, v60;
	v20 =	vld [tilespmem:$0x1FEF0];
	v24 =	vmul.f32 s0, v24;
	v12 =	vmul.f32 s0, v12;
	s6 =	ssub.f32 $1.500000000e+00, s6  }
0x78f: {  	[tilespmem:s24+$0x102F0] =	vst v34;
	v62 =	vld [tilespmem:$0x1FFB0];
	v58 =	vadd.f32 v25, v52;
	v25 =	vmul.f32 s16, v40;
	v32 =	vmul.f32 v21, v55;
	s8 =	ssub.f32 $1.500000000e+00, s8  }
0x790: {  	[tilespmem:s23+$0x102A0] =	vst v0;
	v4 =	vadd.f32 v4, v52;
	v37 =	vmul.f32 v22, v36;
	v12 =	vmul.f32 v12, v47;
	s21 =	smul.f32 s6, s17  }
0x791: {  	[tilespmem:s23+$0x102E0] =	vst v18;
	v18 =	vmul.f32 v25, v35;
	v25 =	vsub.f32 v29, v19;
	v29 =	vsub.f32 v49, v19;
	s22 =	smul.f32 s5, s8  }
0x792: {  	[tilespmem:s23+$0x102D0] =	vst v58;
	v59 =	vmul.f32 v59, v39;
	v40 =	vadd.f32 v32, v54;
	v42 =	vadd.f32 v37, v56;
	s28 =	smul.f32 s21, s15  }
0x793: {  	[tilespmem:s24+$0x102D0] =	vst v4;
	v49 =	vmul.f32 v24, v39;
	v20 =	vmul.f32 v53, v20;
	v53 =	vadd.f32 v23, v54;
	s29 =	smul.f32 s22, s1  }
0x794: {  	v22 =	vld [tilespmem:$0x1FFB0];
	v23 =	vsub.f32 v31, v19;
	v3 =	vmul.f32 v3, v62;
	v62 =	vadd.f32 v12, v52;
	[tilespmem:s7+$0x10290] =	vst v40;
	s5 =	smul.f32 s28, s21  }
0x795: {  	v15 =	vmul.f32 s0, v15;
	v61 =	vadd.f32 v18, v50;
	v0 =	vadd.f32 v59, v45;
	[tilespmem:s7+$0x102A0] =	vst v42;
	s2 =	smul.f32 s29, s22  }
0x796: {  	v17 =	vmul.f32 s0, v17;
	v59 =	vadd.f32 v49, v45;
	v42 =	vsub.f32 v30, v16;
	[tilespmem:s24+$0x10290] =	vst v53;
	s5 =	ssub.f32 $1.500000000e+00, s5  }
0x797: {  	v41 =	vmul.f32 v27, v35;
	v49 =	vsub.f32 v48, v16;
	v58 =	vadd.f32 v20, v56;
	[tilespmem:s7+$0x102D0] =	vst v62;
	s2 =	ssub.f32 $1.500000000e+00, s2  }
0x798: {  	v31 =	vmul.f32 v28, v46;
	v30 =	vsub.f32 v11, v16;
	v20 =	vsub.f32 v33, v19;
	[tilespmem:s24+$0x102B0] =	vst v61;
	s0 =	smul.f32 s5, s21  }
0x799: {  	v33 =	vadd.f32 v3, v60;
	[tilespmem:s24+$0x102A0] =	vst v58;
	v58 =	vmul.f32 v15, v22;
	v15 =	vmul.f32 v17, v57;
	s2 =	smul.f32 s2, s22  }
0x79a: {  	v38 =	vadd.f32 v31, v44;
	[tilespmem:s24+$0x102C0] =	vst v0;
	v61 =	vmul.f32 s0, v20;
	v17 =	vmul.f32 s0, v23  }
0x79b: {  	v53 =	vadd.f32 v41, v50;
	[tilespmem:s7+$0x102C0] =	vst v59;
	v63 =	vmul.f32 s0, v25;
	v8 =	vmul.f32 s0, v8;
	s1 =	smul.f32 s2, s1  }
0x79c: {  	v62 =	vsub.f32 v26, v16;
	[tilespmem:s24+$0x102E0] =	vst v33;
	v37 =	vmul.f32 s0, v29;
	v1 =	vmul.f32 s0, v1  }
0x79d: {  	[tilespmem:s7+$0x10280] =	vst v38;
	v28 =	vadd.f32 v58, v60;
	v41 =	vmul.f32 s0, v10;
	v5 =	vmul.f32 v61, v46;
	s1 =	smul.f32 s1, s2  }
0x79e: {  	[tilespmem:s7+$0x102B0] =	vst v53;
	v32 =	vadd.f32 v15, v51;
	v2 =	vmul.f32 s0, v2;
	v31 =	vmul.f32 v17, v55  }
0x79f: {  	[tilespmem:s7+$0x102E0] =	vst v28;
	v12 =	vmul.f32 v63, v36;
	v8 =	vmul.f32 v8, v35;
	v33 =	vadd.f32 v5, v44;
	s1 =	ssub.f32 $1.500000000e+00, s1  }
0x7a0: {  	[tilespmem:s7+$0x102F0] =	vst v32;
	v40 =	vmul.f32 v37, v39;
	v1 =	vmul.f32 v1, v47;
	v34 =	vadd.f32 v31, v54  }
0x7a1: {  	v53 =	vmul.f32 v41, v22;
	v61 =	vsub.f32 v43, v16;
	v38 =	vadd.f32 v12, v56;
	[tilespmem:s25+$0x10280] =	vst v33;
	s1 =	smul.f32 s1, s2  }
0x7a2: {  	v2 =	vmul.f32 v2, v57;
	v8 =	vadd.f32 v8, v50;
	v0 =	vadd.f32 v40, v45;
	[tilespmem:s25+$0x10290] =	vst v34  }
0x7a3: {  	v1 =	vadd.f32 v1, v52;
	v4 =	vadd.f32 v53, v60;
	[tilespmem:s25+$0x102A0] =	vst v38;
	v58 =	vmul.f32 s1, v42  }
0x7a4: {  	v2 =	vadd.f32 v2, v51;
	v12 =	vsub.f32 v9, v16;
	[tilespmem:s25+$0x102B0] =	vst v8;
	v3 =	vmul.f32 s1, v49  }
0x7a5: {  	[tilespmem:s25+$0x102C0] =	vst v0;
	v33 =	vsub.f32 v13, v16;
	v10 =	vmul.f32 s1, v61;
	v59 =	vmul.f32 v58, v46  }
0x7a6: {  	[tilespmem:s25+$0x102D0] =	vst v1;
	v38 =	vsub.f32 v14, v16;
	v29 =	vmul.f32 s1, v62;
	v3 =	vmul.f32 v3, v55  }
0x7a7: {  	[tilespmem:s25+$0x102E0] =	vst v4;
	v32 =	vmul.f32 s1, v12;
	v31 =	vmul.f32 v10, v36;
	v63 =	vadd.f32 v59, v44  }
0x7a8: {  	[tilespmem:s25+$0x102F0] =	vst v2;
	v37 =	vmul.f32 s1, v30;
	v34 =	vmul.f32 v29, v35;
	v28 =	vadd.f32 v3, v54  }
0x7a9: {  	v21 =	vld [tilespmem:$0x1FF30];
	v42 =	vmul.f32 s1, v33;
	v41 =	vmul.f32 v32, v39;
	v40 =	vadd.f32 v31, v56;
	[tilespmem:s26+$0x10280] =	vst v63  }
0x7aa: {  	v18 =	vld [tilespmem:$0x1FED0];
	v49 =	vmul.f32 s1, v38;
	v48 =	vmul.f32 v37, v47;
	v43 =	vadd.f32 v34, v50;
	[tilespmem:s26+$0x10290] =	vst v28  }
0x7ab: {  	p0 =	slt.u32 s13, $0x78;
	v19 =	vld [tilespmem:$0x1FF90];
	v58 =	vmul.f32 v42, v22;
	v53 =	vadd.f32 v41, v45;
	[tilespmem:s26+$0x102A0] =	vst v40  }
.Ltmp8:
0x7ac: {  	v26 =	vld [tilespmem:$0x1FE90];
	v61 =	vmul.f32 v49, v57;
	v59 =	vadd.f32 v48, v52;
	[tilespmem:s26+$0x102B0] =	vst v43;
	(pc) =	sbr.rel @p0 .LBB2_17-.Ltmp8, $4  }
0x7ad: {  	v20 =	vld [tilespmem:$0x1FEC0];
	v62 =	vadd.f32 v58, v60;
	[tilespmem:s26+$0x102C0] =	vst v53  }
0x7ae: {  	v23 =	vld [tilespmem:$0x1FEA0];
	[tilespmem:s26+$0x102D0] =	vst v59;
	v63 =	vadd.f32 v61, v51  }
0x7af: {  	s30 =	sadd.s32 $0x8, s13;
	v25 =	vld [tilespmem:$0x1FEB0];
	[tilespmem:s26+$0x102E0] =	vst v62  }
0x7b0: {  	s13 =	smov.u32 s30;
	v17 =	vld [tilespmem:$0x1FFD0];
	[tilespmem:s26+$0x102F0] =	vst v63  }
0x7b1: {  	s20 =	sadd.s32 $0x1, s20  }
0x7b2: {  	p0 =	sne.s32 s20, $0xA  }
.Ltmp9:
0x7b3: {  	_ = 	snop;
	(pc) =	sbr.rel @p0 .LBB2_4-.Ltmp9, $4  }
0x7b4: {  	_ = 	snop  }
0x7b5: {  	s0 =	sshll.u32 s4, $0x4;
	s1 =	rddreg [dreg:$0x7]  }
0x7b6: {  	s11 =	simm.s32 $0x100;
	s0 =	sadd.s32 s1, s0  }
0x7b7: {  	v24 =	vmov v44;
	v29 =	vld [tilespmem:$0x1FFC0];
	v31 =	vmov v56;
	[hbm4b:s0+s9] =	stream.linear.scatter [tilespmem:s31], [sflag:$0xA], $0x4000, $0x38  }
0x7b8: {  	s0 =	simm.s32 $0x6  }
0x7b9: {  	_ =	swait.ge [sflag:s0], $0x4000  }
0x7ba: {  	[sflag:s0] =	ssyncset.done $0x0  }
0x7bb: {  	s28 =	simm.s32 $0x7;
	[sflag:s0] =	ssyncadd.s32 $0xFFFFC000  }
0x7bc: {  	_ =	swait.ge [sflag:s28], $0x4000  }
0x7bd: {  	[sflag:s28] =	ssyncset.done $0x0  }
0x7be: {  	s29 =	simm.s32 $0x8;
	[sflag:s28] =	ssyncadd.s32 $0xFFFFC000  }
0x7bf: {  	_ =	swait.ge [sflag:s29], $0x4000  }
0x7c0: {  	[sflag:s29] =	ssyncset.done $0x0  }
0x7c1: {  	s30 =	simm.s32 $0x9;
	[sflag:s29] =	ssyncadd.s32 $0xFFFFC000  }
0x7c2: {  	_ =	swait.ge [sflag:s30], $0x4000  }
0x7c3: {  	[sflag:s30] =	ssyncset.done $0x0  }
0x7c4: {  	s1 =	simm.s32 $0xA;
	[sflag:s30] =	ssyncadd.s32 $0xFFFFC000  }
0x7c5: {  	_ =	swait.ge [sflag:s1], $0x4000  }
0x7c6: {  	s2 =	rddreg [dreg:$0x16]  }
0x7c7: {  	s31 =	rddreg [dreg:$0x15];
	s2 =	sadd.s32 $0x1, s2  }
0x7c8: {  	p0 =	sne.s32 s2, s31  }
.Ltmp10:
0x7c9: {  	_ = 	snop;
	(pc) =	sbr.rel @p0 .LBB2_1-.Ltmp10, $3  }
0x7ca: {  	_ =	sdelay $0x1  }
0x7cb: {  	[sflag:s1] =	ssyncset.done $0x0  }
0x7cc: {  	[sflag:s1] =	ssyncadd.s32 $0xFFFFC000  }
0x7cd: {  	_ =	sfence.sel $0x180000  }
0x7ce: {  	[bflag:$0x0] =	sbarrier.arrive $0xFFFF  }
0x7cf: {  	_ =	strace $0x90000047  }
0x7d0: {  	s0 =	stileid.u32;
	[bflag:$0x2] =	sbarrier.arrive $0xFFFF  }
0x7d1: {  	p0 =	sne.s32 s0, $0x0;
	s0 =	rddreg [dreg:$0x8]  }
0x7d2: {  	s0 =	sadd.s32 @!p0 $0x100000, s0  }
0x7d3: {  	[sflag:s0] =	ssyncadd.tile.s32 @!p0 $0x1;
	_ =	shalt  }
.Lfunc_end2:
_tile_overlayer_lowered:
.L_overlay_start_2:
0x7d4: {  	(tag) =	ssettag $0x2  }
0x7d5: {  	s0 =	rddreg [dreg:$0x0];
	s2 =	stileid.u32  }
0x7d6: {  	s1 =	rddreg [dreg:$0x1];
	p0 =	sne.s32 s2, $0x0  }
0x7d7: {  	s3 =	rddreg [dreg:$0x2];
	[bflag:$0x3] =	sbarrier.arrive $0xFFFF;
	s2 =	simm.s32 @!p0 $0x1C15  }
0x7d8: {  	[timem:s3], [sflag:s2] =	dma.local @!p0 [hbm:s0], s1  }
0x7d9: {  	s0 =	simm.s32 @!p0 $0x15  }
0x7da: {  	_ =	swait.ge @!p0 [sflag:s0], s1  }
0x7db: {  	s1 =	ssub.s32 @!p0 $0x0, s1;
	[sflag:s0] =	ssyncset.done @!p0 $0x0  }
0x7dc: {  	[sflag:s0] =	ssyncadd.s32 @!p0 s1  }
0x7dd: {  	[bflag:$0x3] =	sbarrier.arrive $0xFFFF  }
0x7de: {  	_ =	shalt  }

</sc_bundles>
